<compile_context>
chip_gen: v7x
topology: tpu7x:2x2x1
jax: 0.10.2.dev20260603
libtpu: 0.0.44.dev20260713+nightly
codegen_flags: <defaults>
</compile_context>

<pallas_src>
import functools

import jax
import jax.numpy as jnp
from jax import lax
from jax.experimental import pallas as pl
from jax.experimental.pallas import tpu as pltpu
from jax.experimental.pallas import tpu_sc as plsc

_N = 10000
_D = 256
_H = 256
_G = 32
_L = 50
_E = 160000

_CHUNK = 128
_EPAD = 163840
_NCHUNK = 80
_TILE_E = _NCHUNK * _CHUNK
_ACC_ROWS = 10016
_DEG_TILE_E = _EPAD // 32
_WT = 10
_WROWS = _N // _WT
_WCH = 200

_sc_mesh = plsc.VectorSubcoreMesh(core_axis_name="c", subcore_axis_name="s",
                                  num_cores=2, num_subcores=16)



def _deg_body(dst_hbm, z8_hbm, ones_hbm, p0_hbm, p1_hbm,
                dst_v, ones_v, stage_v, acc):
    cid = lax.axis_index("c")
    sid = lax.axis_index("s")
    wid = cid * 16 + sid
    pltpu.sync_copy(ones_hbm, ones_v)
    pltpu.sync_copy(z8_hbm, acc.at[pl.ds(sid * 640, 640)])
    plsc.subcore_barrier()

    base = wid * _DEG_TILE_E

    def chunk(j, _):
        pltpu.sync_copy(dst_hbm.at[pl.ds(base + j * _CHUNK, _CHUNK)], dst_v)
        pltpu.sync_copy(ones_v, acc.at[dst_v], add=True)
        return 0

    lax.fori_loop(0, _DEG_TILE_E // _CHUNK, chunk, 0)
    plsc.subcore_barrier()

    @pl.when(sid < _WT)
    def _():
        def wout(j, _):
            r = sid * _WROWS + j * _WCH
            pltpu.sync_copy(acc.at[pl.ds(r, _WCH)], stage_v)

            @pl.when(cid == 0)
            def _():
                pltpu.sync_copy(stage_v, p0_hbm.at[pl.ds(r, _WCH)])

            @pl.when(cid == 1)
            def _():
                pltpu.sync_copy(stage_v, p1_hbm.at[pl.ds(r, _WCH)])

            return 0

        lax.fori_loop(0, _WROWS // _WCH, wout, 0)


def _edge_sum_body(src_hbm, dst_hbm, hw0_hbm, hw1_hbm, z_hbm,
                   s0_hbm, s1_hbm,
                   si0, si1, di0, di1, r0, r1, acc,
                   is0, is1, g0, g1):
    cid = lax.axis_index("c")
    sid = lax.axis_index("s")
    si = [si0, si1]
    di = [di0, di1]
    rows = [r0, r1]
    isem = [is0, is1]
    gsem = [g0, g1]

    @pl.when(sid < 15)
    def _():
        pltpu.sync_copy(z_hbm, acc.at[pl.ds(sid * 640, 640)])

    @pl.when(sid == 15)
    def _():
        pltpu.sync_copy(z_hbm.at[pl.ds(0, _ACC_ROWS - 15 * 640)],
                        acc.at[pl.ds(15 * 640, _ACC_ROWS - 15 * 640)])

    plsc.subcore_barrier()

    base = sid * _TILE_E

    def fetch_idx(j, b):
        pltpu.async_copy(src_hbm.at[pl.ds(base + j * _CHUNK, _CHUNK)],
                         si[b], isem[b])
        pltpu.async_copy(dst_hbm.at[pl.ds(base + j * _CHUNK, _CHUNK)],
                         di[b], isem[b])

    def wait_idx(b):
        pltpu.make_async_copy(src_hbm.at[pl.ds(0, _CHUNK)],
                              si[b], isem[b]).wait()
        pltpu.make_async_copy(src_hbm.at[pl.ds(0, _CHUNK)],
                              di[b], isem[b]).wait()

    def gather(b):
        @pl.when(cid == 0)
        def _():
            pltpu.async_copy(hw0_hbm.at[si[b]], rows[b], gsem[b])

        @pl.when(cid == 1)
        def _():
            pltpu.async_copy(hw1_hbm.at[si[b]], rows[b], gsem[b])

    def wait_gather(b):
        @pl.when(cid == 0)
        def _():
            pltpu.make_async_copy(hw0_hbm.at[si[b]], rows[b], gsem[b]).wait()

        @pl.when(cid == 1)
        def _():
            pltpu.make_async_copy(hw1_hbm.at[si[b]], rows[b], gsem[b]).wait()

    fetch_idx(0, 0)
    fetch_idx(1, 1)
    wait_idx(0)
    gather(0)

    def step(i, _):
        for b in range(2):
            j = i * 2 + b
            b1 = (b + 1) % 2

            @pl.when(j + 1 < _NCHUNK)
            def _():
                wait_idx(b1)
                gather(b1)

            wait_gather(b)
            pltpu.sync_copy(rows[b], acc.at[di[b]], add=True)

            @pl.when(j + 2 < _NCHUNK)
            def _():
                fetch_idx(j + 2, b)
        return 0

    lax.fori_loop(0, _NCHUNK // 2, step, 0)
    plsc.subcore_barrier()

    @pl.when(sid < _WT)
    def _():
        for k in range(8):
            nr = 128 if k < 7 else _WROWS - 7 * 128
            r = sid * _WROWS + k * 128
            pltpu.sync_copy(acc.at[pl.ds(r, nr)], r0.at[pl.ds(0, nr)])

            @pl.when(cid == 0)
            def _():
                pltpu.sync_copy(r0.at[pl.ds(0, nr)], s0_hbm.at[pl.ds(r, nr)])

            @pl.when(cid == 1)
            def _():
                pltpu.sync_copy(r0.at[pl.ds(0, nr)], s1_hbm.at[pl.ds(r, nr)])


def _make_deg_kernel(interpret=False):
    return pl.kernel(
        _deg_body,
        out_type=[jax.ShapeDtypeStruct((_N, 16), jnp.float32),
                  jax.ShapeDtypeStruct((_N, 16), jnp.float32)],
        mesh=_sc_mesh,
        scratch_types=[
            pltpu.VMEM((_CHUNK,), jnp.int32),
            pltpu.VMEM((_CHUNK, 16), jnp.float32),
            pltpu.VMEM((_WCH, 16), jnp.float32),
            pltpu.VMEM_SHARED((_ACC_ROWS, 16), jnp.float32),
        ],
        interpret=interpret,
    )


def _make_edge_sum_kernel(interpret=False):
    return pl.kernel(
        _edge_sum_body,
        out_type=[jax.ShapeDtypeStruct((_N, 128), jnp.float32),
                  jax.ShapeDtypeStruct((_N, 128), jnp.float32)],
        mesh=_sc_mesh,
        scratch_types=[
            pltpu.VMEM((_CHUNK,), jnp.int32),
            pltpu.VMEM((_CHUNK,), jnp.int32),
            pltpu.VMEM((_CHUNK,), jnp.int32),
            pltpu.VMEM((_CHUNK,), jnp.int32),
            pltpu.VMEM((_CHUNK, 128), jnp.float32),
            pltpu.VMEM((_CHUNK, 128), jnp.float32),
            pltpu.VMEM_SHARED((_ACC_ROWS, 128), jnp.float32),
            pltpu.SemaphoreType.DMA,
            pltpu.SemaphoreType.DMA,
            pltpu.SemaphoreType.DMA,
            pltpu.SemaphoreType.DMA,
        ],
        interpret=interpret,
    )


_deg_kernel = _make_deg_kernel()
_edge_sum_kernel = _make_edge_sum_kernel()



_BN = 1000


def _k1_body(x_ref, w_ref, p0_ref, p1_ref, hw0_ref, hw1_ref, dis_ref):
    deg = p0_ref[:, :1] + p1_ref[:, :1] + 1.0
    dis = lax.rsqrt(deg)
    hw = jnp.dot(x_ref[...], w_ref[...],
                 preferred_element_type=jnp.float32) * dis
    hw0_ref[...] = hw[:, :128]
    hw1_ref[...] = hw[:, 128:]
    dis_ref[...] = dis


_k1 = pl.pallas_call(
    _k1_body,
    grid=(_N // _BN,),
    in_specs=[
        pl.BlockSpec((_BN, _D), lambda i: (i, 0)),
        pl.BlockSpec((_D, _H), lambda i: (0, 0)),
        pl.BlockSpec((_BN, 16), lambda i: (i, 0)),
        pl.BlockSpec((_BN, 16), lambda i: (i, 0)),
    ],
    out_specs=[
        pl.BlockSpec((_BN, 128), lambda i: (i, 0)),
        pl.BlockSpec((_BN, 128), lambda i: (i, 0)),
        pl.BlockSpec((_BN, 1), lambda i: (i, 0)),
    ],
    out_shape=[jax.ShapeDtypeStruct((_N, 128), jnp.float32),
               jax.ShapeDtypeStruct((_N, 128), jnp.float32),
               jax.ShapeDtypeStruct((_N, 1), jnp.float32)],
)


def _k23_body(s0_ref, s1_ref, hw0_ref, hw1_ref, dis_ref, b_ref, w_ref,
              o0_ref, o1_ref):
    dis = dis_ref[...]
    b = b_ref[...]
    h0 = jnp.maximum(dis * (s0_ref[...] + hw0_ref[...]) + b[:, :128], 0.0)
    h1 = jnp.maximum(dis * (s1_ref[...] + hw1_ref[...]) + b[:, 128:], 0.0)
    h = jnp.concatenate([h0, h1], axis=1)
    hw = jnp.dot(h, w_ref[...], preferred_element_type=jnp.float32) * dis
    o0_ref[...] = hw[:, :128]
    o1_ref[...] = hw[:, 128:]


_k23 = pl.pallas_call(
    _k23_body,
    grid=(_N // _BN,),
    in_specs=[
        pl.BlockSpec((_BN, 128), lambda i: (i, 0)),
        pl.BlockSpec((_BN, 128), lambda i: (i, 0)),
        pl.BlockSpec((_BN, 128), lambda i: (i, 0)),
        pl.BlockSpec((_BN, 128), lambda i: (i, 0)),
        pl.BlockSpec((_BN, 1), lambda i: (i, 0)),
        pl.BlockSpec((1, _H), lambda i: (0, 0)),
        pl.BlockSpec((_H, _H), lambda i: (0, 0)),
    ],
    out_specs=[
        pl.BlockSpec((_BN, 128), lambda i: (i, 0)),
        pl.BlockSpec((_BN, 128), lambda i: (i, 0)),
    ],
    out_shape=[jax.ShapeDtypeStruct((_N, 128), jnp.float32),
               jax.ShapeDtypeStruct((_N, 128), jnp.float32)],
)


def _kobs_body(obs2_ref, lw1_ref, lb1_ref, lw2_ref, lb2_ref, lw3_ref, lb3_ref,
               out_ref):
    obs2 = obs2_ref[...]
    o = jnp.maximum(jnp.dot(obs2, lw1_ref[...],
                            preferred_element_type=jnp.float32)
                    + lb1_ref[...], 0.0)
    o = jnp.maximum(jnp.dot(o, lw2_ref[...],
                            preferred_element_type=jnp.float32)
                    + lb2_ref[...], 0.0)
    o = jnp.dot(o, lw3_ref[...], preferred_element_type=jnp.float32) \
        + lb3_ref[...]
    m = (obs2[:, :1] >= 0.0).astype(jnp.float32)
    gid = lax.broadcasted_iota(jnp.int32, (_G * _L, _G), 0) // _L
    onehot = (gid == lax.broadcasted_iota(jnp.int32, (_G * _L, _G), 1)
              ).astype(jnp.float32)
    rs = lax.dot_general(onehot, m, (((0,), (0,)), ((), ())),
                         preferred_element_type=jnp.float32)
    pooled = lax.dot_general(onehot, o * m, (((0,), (0,)), ((), ())),
                             preferred_element_type=jnp.float32)
    out_ref[...] = pooled / (rs + 1e-9)


_kobs = pl.pallas_call(
    _kobs_body,
    in_specs=[
        pl.BlockSpec((_G * _L, 2), lambda: (0, 0)),
        pl.BlockSpec((2, _H), lambda: (0, 0)),
        pl.BlockSpec((1, _H), lambda: (0, 0)),
        pl.BlockSpec((_H, _H), lambda: (0, 0)),
        pl.BlockSpec((1, _H), lambda: (0, 0)),
        pl.BlockSpec((_H, _H), lambda: (0, 0)),
        pl.BlockSpec((1, _H), lambda: (0, 0)),
    ],
    out_specs=pl.BlockSpec((_G, _H), lambda: (0, 0)),
    out_shape=jax.ShapeDtypeStruct((_G, _H), jnp.float32),
)


def _k4_body(s0_ref, s1_ref, hw0_ref, hw1_ref, dis_ref, b_ref, batch_ref,
             obsp_ref, bw1_ref, bb1_ref, bw2_ref, bb2_ref,
             out_ref, pooled_acc):
    i = pl.program_id(0)
    dis = dis_ref[...]
    b = b_ref[...]
    h0 = dis * (s0_ref[...] + hw0_ref[...]) + b[:, :128]
    h1 = dis * (s1_ref[...] + hw1_ref[...]) + b[:, 128:]
    h = jnp.concatenate([h0, h1], axis=1)
    onehot = (batch_ref[...] ==
              lax.broadcasted_iota(jnp.int32, (_BN, _G), 1)
              ).astype(jnp.float32)
    part = lax.dot_general(onehot, h, (((0,), (0,)), ((), ())),
                           preferred_element_type=jnp.float32)

    @pl.when(i == 0)
    def _():
        pooled_acc[...] = part

    @pl.when(i > 0)
    def _():
        pooled_acc[...] = pooled_acc[...] + part

    @pl.when(i == _N // _BN - 1)
    def _():
        feat = pooled_acc[...] + obsp_ref[...]
        z = jnp.maximum(jnp.dot(feat, bw1_ref[...],
                                preferred_element_type=jnp.float32)
                        + bb1_ref[...], 0.0)
        logits = jnp.dot(z, bw2_ref[...],
                         preferred_element_type=jnp.float32)
        out_ref[...] = 1.0 / (1.0 + jnp.exp(-(logits[:, :1] + bb2_ref[...])))


_k4 = pl.pallas_call(
    _k4_body,
    grid=(_N // _BN,),
    in_specs=[
        pl.BlockSpec((_BN, 128), lambda i: (i, 0)),
        pl.BlockSpec((_BN, 128), lambda i: (i, 0)),
        pl.BlockSpec((_BN, 128), lambda i: (i, 0)),
        pl.BlockSpec((_BN, 128), lambda i: (i, 0)),
        pl.BlockSpec((_BN, 1), lambda i: (i, 0)),
        pl.BlockSpec((1, _H), lambda i: (0, 0)),
        pl.BlockSpec((_BN, 1), lambda i: (i, 0)),
        pl.BlockSpec((_G, _H), lambda i: (0, 0)),
        pl.BlockSpec((_H, _H), lambda i: (0, 0)),
        pl.BlockSpec((1, _H), lambda i: (0, 0)),
        pl.BlockSpec((_H, 128), lambda i: (0, 0)),
        pl.BlockSpec((1, 1), lambda i: (0, 0)),
    ],
    out_specs=pl.BlockSpec((_G, 1), lambda i: (0, 0)),
    out_shape=jax.ShapeDtypeStruct((_G, 1), jnp.float32),
    scratch_shapes=[pltpu.VMEM((_G, _H), jnp.float32)],
)


def kernel(x, edge_index, batch, obs, W1, b1, W2, b2, W3, b3,
           LW1, Lb1, LW2, Lb2, LW3, Lb3, BW1, Bb1, BW2, Bb2):
    pad = _EPAD - _E
    srcp = jnp.concatenate([edge_index[0],
                            jnp.zeros((pad,), edge_index.dtype)])
    dstp = jnp.concatenate([edge_index[1],
                            jnp.full((pad,), _N, edge_index.dtype)])
    z128 = jnp.zeros((640, 128), jnp.float32)
    z8 = jnp.zeros((640, 16), jnp.float32)
    ones8 = jnp.ones((_CHUNK, 16), jnp.float32)

    p0, p1 = _deg_kernel(dstp, z8, ones8)
    hw0, hw1, dis = _k1(x, W1, p0, p1)
    s0, s1 = _edge_sum_kernel(srcp, dstp, hw0, hw1, z128)
    hw0, hw1 = _k23(s0, s1, hw0, hw1, dis, b1.reshape(1, _H), W2)
    s0, s1 = _edge_sum_kernel(srcp, dstp, hw0, hw1, z128)
    hw0, hw1 = _k23(s0, s1, hw0, hw1, dis, b2.reshape(1, _H), W3)
    s0, s1 = _edge_sum_kernel(srcp, dstp, hw0, hw1, z128)

    obsp = _kobs(obs.reshape(_G * _L, 2), LW1, Lb1.reshape(1, _H),
                 LW2, Lb2.reshape(1, _H), LW3, Lb3.reshape(1, _H))

    bw2p = jnp.pad(BW2, ((0, 0), (0, 127)))
    out = _k4(s0, s1, hw0, hw1, dis, b3.reshape(1, _H),
              batch.reshape(_N, 1), obsp, BW1, Bb1.reshape(1, _H),
              bw2p, Bb2.reshape(1, 1))
    return out

# --- scband reference (transcript-rebuilt; emitter-appended) ---
"""Pipeline reference for scband-gcn-23897198035725 (READ-ONLY COPY).

The authoritative reference and input builder live on the scoring server;
editing this copy changes nothing except your own understanding.
"""

import jax, jax.numpy as jnp
import numpy as np

N = 10000   # nodes
E = 160000  # edges
D = 256     # num_node_features
H = 256     # nhid
G = 32      # num graphs in batch
L = 50      # obs length


def setup_inputs(seed: int = 0) -> dict:
    key = jax.random.key(seed)
    ks = jax.random.split(key, 24)
    x = jax.random.normal(ks[0], (N, D), dtype=jnp.float32)
    edge_index = jax.random.randint(ks[1], (2, E), 0, N, dtype=jnp.int32)
    batch = jnp.sort(jax.random.randint(ks[2], (N,), 0, G, dtype=jnp.int32))
    obs = jax.random.normal(ks[3], (G, L, 2), dtype=jnp.float32)
    def lin(k, fan_in, fan_out):
        return jax.random.normal(k, (fan_in, fan_out), dtype=jnp.float32) / np.sqrt(fan_in)
    params = {
        # 3 GCNConv layers (n_layers=2 -> 2 hidden convs + 1 output conv)
        'W1': lin(ks[4], D, H), 'b1': jnp.zeros((H,), jnp.float32),
        'W2': lin(ks[5], H, H), 'b2': jnp.zeros((H,), jnp.float32),
        'W3': lin(ks[6], H, H), 'b3': jnp.zeros((H,), jnp.float32),
        # leaf_network_obs: Linear(2,H), Linear(H,H), Linear(H,H)
        'LW1': lin(ks[7], 2, H), 'Lb1': jnp.zeros((H,), jnp.float32),
        'LW2': lin(ks[8], H, H), 'Lb2': jnp.zeros((H,), jnp.float32),
        'LW3': lin(ks[9], H, H), 'Lb3': jnp.zeros((H,), jnp.float32),
        # backbone_fc: Linear(H,H), Linear(H,1)
        'BW1': lin(ks[10], H, H), 'Bb1': jnp.zeros((H,), jnp.float32),
        'BW2': lin(ks[11], H, 1), 'Bb2': jnp.zeros((1,), jnp.float32),
    }
    return {'x': x, 'edge_index': edge_index, 'batch': batch, 'obs': obs, **params}


def reference(x, edge_index, batch, obs, W1, b1, W2, b2, W3, b3,
              LW1, Lb1, LW2, Lb2, LW3, Lb3, BW1, Bb1, BW2, Bb2):
    n = x.shape[0]
    # GCN normalization with self loops (PyG GCNConv default)
    loops = jnp.arange(n, dtype=edge_index.dtype)
    src = jnp.concatenate([edge_index[0], loops])
    dst = jnp.concatenate([edge_index[1], loops])
    deg = jax.ops.segment_sum(jnp.ones_like(dst, dtype=x.dtype), dst, num_segments=n)
    dis = jax.lax.rsqrt(jnp.maximum(deg, 1.0))
    norm = dis[src] * dis[dst]

    def conv(h, W, b):
        hw = h @ W
        msg = hw[src] * norm[:, None]
        return jax.ops.segment_sum(msg, dst, num_segments=n) + b

    # dropout layers are identity in eval mode
    h = jax.nn.relu(conv(x, W1, b1))
    h = jax.nn.relu(conv(h, W2, b2))
    h = conv(h, W3, b3)
    pooled = jax.ops.segment_sum(h, batch, num_segments=G)  # global_add_pool

    mask = (obs[:, :, 0] >= 0).astype(x.dtype)
    row_sum = jnp.sum(mask, axis=1, keepdims=True) + 1e-9
    maskn = jax.lax.stop_gradient((mask / row_sum)[:, :, None])  # .detach()

    o = jax.nn.relu(obs @ LW1 + Lb1)
    o = jax.nn.relu(o @ LW2 + Lb2)
    o = o @ LW3 + Lb3
    obs_pooled = jnp.sum(o * maskn, axis=1)

    feat = pooled + obs_pooled
    z = jax.nn.relu(feat @ BW1 + Bb1)
    logits = z @ BW2 + Bb2
    return jax.nn.sigmoid(logits)

if __name__ == "__main__":
    import jax
    _d = setup_inputs()
    print(jax.jit(kernel)(*tuple(_d.values())))

</pallas_src>

<mosaic_0001>
#map = affine_map<(d0, d1) -> (0)>
#map1 = affine_map<(d0, d1) -> (0, 0)>
module attributes {stable_mosaic.version = 14 : i64} {
  func.func @_deg_body(%arg0: i32, %arg1: i32, %arg2: memref<163840xi32, #tpu.memory_space<hbm>>, %arg3: memref<640x16xf32, #tpu.memory_space<hbm>>, %arg4: memref<128x16xf32, #tpu.memory_space<hbm>>, %arg5: memref<10000x16xf32, #tpu.memory_space<hbm>>, %arg6: memref<10000x16xf32, #tpu.memory_space<hbm>>, %arg7: memref<128xi32, #tpu.memory_space<vmem>>, %arg8: memref<128x16xf32, #tpu.memory_space<vmem>>, %arg9: memref<200x16xf32, #tpu.memory_space<vmem>>, %arg10: memref<10016x16xf32, #tpu.memory_space<vmem_shared>>) attributes {dimension_semantics = [#tpu.dimension_semantics<core_parallel>, #tpu.dimension_semantics<subcore_parallel>], iteration_bounds = array<i64: 2, 16>, scalar_prefetch = 0 : i64, scratch_operands = 4 : i64, tpu.core_type = #tpu.core_type<sc_vector_subcore>, window_params = [{transform_indices = #map}, {transform_indices = #map1}, {transform_indices = #map1}, {transform_indices = #map1}, {transform_indices = #map1}]} {
    %mul3A = arith.constant 16 : i32
    %mul3A_0 = arith.muli %arg0, %mul3A : i32
    %add3A = arith.addi %mul3A_0, %arg1 : i32
    "tpu.region"() ({
      %run_scoped3A = tpu.sem_alloc : memref<!tpu.dma_semaphore, #tpu.memory_space<semaphore_mem>>
      tpu.enqueue_dma source(%arg4 : memref<128x16xf32, #tpu.memory_space<hbm>>) target(%arg8 : memref<128x16xf32, #tpu.memory_space<vmem>>) target_semaphore(%run_scoped3A : memref<!tpu.dma_semaphore, #tpu.memory_space<semaphore_mem>>)
      tpu.wait_dma2 semaphore(%run_scoped3A : memref<!tpu.dma_semaphore, #tpu.memory_space<semaphore_mem>>) src(%arg4 : memref<128x16xf32, #tpu.memory_space<hbm>>) dst(%arg8 : memref<128x16xf32, #tpu.memory_space<vmem>>)
      tpu.yield
    }) : () -> ()
    %mul3A_1 = arith.constant 640 : i32
    %mul3A_2 = arith.muli %arg1, %mul3A_1 : i32
    "tpu.region"() ({
      %run_scoped3A = tpu.sem_alloc : memref<!tpu.dma_semaphore, #tpu.memory_space<semaphore_mem>>
      %dma_start3A = arith.constant 0 : i32
      %dma_start3A_14 = tpu.memref_slice %arg10[%mul3A_2, %dma_start3A] : memref<10016x16xf32, #tpu.memory_space<vmem_shared>> -> memref<640x16xf32, #tpu.memory_space<vmem_shared>>
      tpu.enqueue_dma source(%arg3 : memref<640x16xf32, #tpu.memory_space<hbm>>) target(%dma_start3A_14 : memref<640x16xf32, #tpu.memory_space<vmem_shared>>) target_semaphore(%run_scoped3A : memref<!tpu.dma_semaphore, #tpu.memory_space<semaphore_mem>>)
      %dma_wait3A = arith.constant 0 : i32
      %dma_wait3A_15 = tpu.memref_slice %arg10[%mul3A_2, %dma_wait3A] : memref<10016x16xf32, #tpu.memory_space<vmem_shared>> -> memref<640x16xf32, #tpu.memory_space<vmem_shared>>
      tpu.wait_dma2 semaphore(%run_scoped3A : memref<!tpu.dma_semaphore, #tpu.memory_space<semaphore_mem>>) src(%arg3 : memref<640x16xf32, #tpu.memory_space<hbm>>) dst(%dma_wait3A_15 : memref<640x16xf32, #tpu.memory_space<vmem_shared>>)
      tpu.yield
    }) : () -> ()
    %barrier3A = arith.constant 0 : index
    tpu.barrier barrier_id(%barrier3A)
    %mul3A_3 = arith.constant 5120 : i32
    %mul3A_4 = arith.muli %add3A, %mul3A_3 : i32
    %scan3A = arith.constant 0 : i32
    %scan3A_5 = arith.constant 0 : i32
    %scan3A_6 = arith.constant 40 : i32
    %scan3A_7 = arith.addi %scan3A_5, %scan3A_6 : i32
    %scan3A_8 = arith.constant 1 : i32
    %scan3A_9 = scf.for %scan3A_14 = %scan3A_5 to %scan3A_7 step %scan3A_8 iter_args(%scan3A_15 = %scan3A) -> (i32)  : i32 {
      %mul3A_16 = arith.constant 128 : i32
      %mul3A_17 = arith.muli %scan3A_14, %mul3A_16 : i32
      %add3A_18 = arith.addi %mul3A_4, %mul3A_17 : i32
      "tpu.region"() ({
        %run_scoped3A = tpu.sem_alloc : memref<!tpu.dma_semaphore, #tpu.memory_space<semaphore_mem>>
        %dma_start3A = tpu.memref_slice %arg2[%add3A_18] : memref<163840xi32, #tpu.memory_space<hbm>> -> memref<128xi32, #tpu.memory_space<hbm>>
        %dma_start3A_20 = tpu.memref_slice %arg2[%add3A_18] : memref<163840xi32, #tpu.memory_space<hbm>> -> memref<128xi32, #tpu.memory_space<hbm>>
        tpu.enqueue_dma source(%dma_start3A_20 : memref<128xi32, #tpu.memory_space<hbm>>) target(%arg7 : memref<128xi32, #tpu.memory_space<vmem>>) target_semaphore(%run_scoped3A : memref<!tpu.dma_semaphore, #tpu.memory_space<semaphore_mem>>)
        %dma_wait3A = tpu.memref_slice %arg2[%add3A_18] : memref<163840xi32, #tpu.memory_space<hbm>> -> memref<128xi32, #tpu.memory_space<hbm>>
        %dma_wait3A_21 = tpu.memref_slice %arg2[%add3A_18] : memref<163840xi32, #tpu.memory_space<hbm>> -> memref<128xi32, #tpu.memory_space<hbm>>
        tpu.wait_dma2 semaphore(%run_scoped3A : memref<!tpu.dma_semaphore, #tpu.memory_space<semaphore_mem>>) src(%dma_wait3A_21 : memref<128xi32, #tpu.memory_space<hbm>>) dst(%arg7 : memref<128xi32, #tpu.memory_space<vmem>>)
        tpu.yield
      }) : () -> ()
      "tpu.region"() ({
        %run_scoped3A = tpu.sem_alloc : memref<!tpu.dma_semaphore, #tpu.memory_space<semaphore_mem>>
        %dma_start3A = arith.constant 0 : i32
        %dma_start3A_20 = arith.constant 0 : i32
        %dma_start3A_21 = tpu.memref_slice %arg10[%dma_start3A, %dma_start3A_20] : memref<10016x16xf32, #tpu.memory_space<vmem_shared>> -> memref<10016x16xf32, #tpu.memory_space<vmem_shared>>
        tpu.enqueue_indirect_dma source(%arg8 : memref<128x16xf32, #tpu.memory_space<vmem>>) target(%dma_start3A_21 : memref<10016x16xf32, #tpu.memory_space<vmem_shared>>) offsets(%arg7 : memref<128xi32, #tpu.memory_space<vmem>>) semaphore(%run_scoped3A : memref<!tpu.dma_semaphore, #tpu.memory_space<semaphore_mem>>) {add = true}
        %dma_wait3A = arith.constant 0 : i32
        %dma_wait3A_22 = arith.constant 0 : i32
        %dma_wait3A_23 = tpu.memref_slice %arg10[%dma_wait3A, %dma_wait3A_22] : memref<10016x16xf32, #tpu.memory_space<vmem_shared>> -> memref<10016x16xf32, #tpu.memory_space<vmem_shared>>
        tpu.wait_indirect_dma semaphore(%run_scoped3A : memref<!tpu.dma_semaphore, #tpu.memory_space<semaphore_mem>>) src(%arg8 : memref<128x16xf32, #tpu.memory_space<vmem>>) dst(%dma_wait3A_23 : memref<10016x16xf32, #tpu.memory_space<vmem_shared>>)
        tpu.yield
      }) : () -> ()
      %scan3A_19 = arith.constant 0 : i32
      scf.yield %scan3A_19 : i32
    }
    %scan3A_10 = arith.constant 40 : i32
    %barrier3A_11 = arith.constant 0 : index
    tpu.barrier barrier_id(%barrier3A_11)
    %lt3A = arith.constant 10 : i32
    %lt3A_12 = arith.cmpi slt, %arg1, %lt3A : i32
    %convert_element_type3A = arith.extui %lt3A_12 : i1 to i32
    %cond3A = arith.constant 0 : i32
    %cond3A_13 = arith.cmpi ne, %convert_element_type3A, %cond3A : i32
    scf.if %cond3A_13 {
      %scan3A_14 = arith.constant 0 : i32
      %scan3A_15 = arith.constant 0 : i32
      %scan3A_16 = arith.constant 5 : i32
      %scan3A_17 = arith.addi %scan3A_15, %scan3A_16 : i32
      %scan3A_18 = arith.constant 1 : i32
      %scan3A_19 = scf.for %scan3A_21 = %scan3A_15 to %scan3A_17 step %scan3A_18 iter_args(%scan3A_22 = %scan3A_14) -> (i32)  : i32 {
        %mul3A_23 = arith.constant 1000 : i32
        %mul3A_24 = arith.muli %arg1, %mul3A_23 : i32
        %mul3A_25 = arith.constant 200 : i32
        %mul3A_26 = arith.muli %scan3A_21, %mul3A_25 : i32
        %add3A_27 = arith.addi %mul3A_24, %mul3A_26 : i32
        "tpu.region"() ({
          %run_scoped3A = tpu.sem_alloc : memref<!tpu.dma_semaphore, #tpu.memory_space<semaphore_mem>>
          %dma_start3A = arith.constant 0 : i32
          %dma_start3A_38 = tpu.memref_slice %arg10[%add3A_27, %dma_start3A] : memref<10016x16xf32, #tpu.memory_space<vmem_shared>> -> memref<200x16xf32, #tpu.memory_space<vmem_shared>>
          %dma_start3A_39 = arith.constant 0 : i32
          %dma_start3A_40 = tpu.memref_slice %arg10[%add3A_27, %dma_start3A_39] : memref<10016x16xf32, #tpu.memory_space<vmem_shared>> -> memref<200x16xf32, #tpu.memory_space<vmem_shared>>
          tpu.enqueue_dma source(%dma_start3A_40 : memref<200x16xf32, #tpu.memory_space<vmem_shared>>) target(%arg9 : memref<200x16xf32, #tpu.memory_space<vmem>>) target_semaphore(%run_scoped3A : memref<!tpu.dma_semaphore, #tpu.memory_space<semaphore_mem>>)
          %dma_wait3A = arith.constant 0 : i32
          %dma_wait3A_41 = tpu.memref_slice %arg10[%add3A_27, %dma_wait3A] : memref<10016x16xf32, #tpu.memory_space<vmem_shared>> -> memref<200x16xf32, #tpu.memory_space<vmem_shared>>
          %dma_wait3A_42 = arith.constant 0 : i32
          %dma_wait3A_43 = tpu.memref_slice %arg10[%add3A_27, %dma_wait3A_42] : memref<10016x16xf32, #tpu.memory_space<vmem_shared>> -> memref<200x16xf32, #tpu.memory_space<vmem_shared>>
          tpu.wait_dma2 semaphore(%run_scoped3A : memref<!tpu.dma_semaphore, #tpu.memory_space<semaphore_mem>>) src(%dma_wait3A_43 : memref<200x16xf32, #tpu.memory_space<vmem_shared>>) dst(%arg9 : memref<200x16xf32, #tpu.memory_space<vmem>>)
          tpu.yield
        }) : () -> ()
        %eq3A = arith.constant 0 : i32
        %eq3A_28 = arith.cmpi eq, %arg0, %eq3A : i32
        %convert_element_type3A_29 = arith.extui %eq3A_28 : i1 to i32
        %cond3A_30 = arith.constant 0 : i32
        %cond3A_31 = arith.cmpi ne, %convert_element_type3A_29, %cond3A_30 : i32
        scf.if %cond3A_31 {
          "tpu.region"() ({
            %run_scoped3A = tpu.sem_alloc : memref<!tpu.dma_semaphore, #tpu.memory_space<semaphore_mem>>
            %dma_start3A = arith.constant 0 : i32
            %dma_start3A_38 = tpu.memref_slice %arg5[%add3A_27, %dma_start3A] : memref<10000x16xf32, #tpu.memory_space<hbm>> -> memref<200x16xf32, #tpu.memory_space<hbm>>
            %dma_start3A_39 = arith.constant 0 : i32
            %dma_start3A_40 = tpu.memref_slice %arg5[%add3A_27, %dma_start3A_39] : memref<10000x16xf32, #tpu.memory_space<hbm>> -> memref<200x16xf32, #tpu.memory_space<hbm>>
            tpu.enqueue_dma source(%arg9 : memref<200x16xf32, #tpu.memory_space<vmem>>) target(%dma_start3A_40 : memref<200x16xf32, #tpu.memory_space<hbm>>) target_semaphore(%run_scoped3A : memref<!tpu.dma_semaphore, #tpu.memory_space<semaphore_mem>>)
            %dma_wait3A = arith.constant 0 : i32
            %dma_wait3A_41 = tpu.memref_slice %arg5[%add3A_27, %dma_wait3A] : memref<10000x16xf32, #tpu.memory_space<hbm>> -> memref<200x16xf32, #tpu.memory_space<hbm>>
            %dma_wait3A_42 = arith.constant 0 : i32
            %dma_wait3A_43 = tpu.memref_slice %arg5[%add3A_27, %dma_wait3A_42] : memref<10000x16xf32, #tpu.memory_space<hbm>> -> memref<200x16xf32, #tpu.memory_space<hbm>>
            tpu.wait_dma2 semaphore(%run_scoped3A : memref<!tpu.dma_semaphore, #tpu.memory_space<semaphore_mem>>) src(%arg9 : memref<200x16xf32, #tpu.memory_space<vmem>>) dst(%dma_wait3A_43 : memref<200x16xf32, #tpu.memory_space<hbm>>)
            tpu.yield
          }) : () -> ()
        } else {
        }
        %eq3A_32 = arith.constant 1 : i32
        %eq3A_33 = arith.cmpi eq, %arg0, %eq3A_32 : i32
        %convert_element_type3A_34 = arith.extui %eq3A_33 : i1 to i32
        %cond3A_35 = arith.constant 0 : i32
        %cond3A_36 = arith.cmpi ne, %convert_element_type3A_34, %cond3A_35 : i32
        scf.if %cond3A_36 {
          "tpu.region"() ({
            %run_scoped3A = tpu.sem_alloc : memref<!tpu.dma_semaphore, #tpu.memory_space<semaphore_mem>>
            %dma_start3A = arith.constant 0 : i32
            %dma_start3A_38 = tpu.memref_slice %arg6[%add3A_27, %dma_start3A] : memref<10000x16xf32, #tpu.memory_space<hbm>> -> memref<200x16xf32, #tpu.memory_space<hbm>>
            %dma_start3A_39 = arith.constant 0 : i32
            %dma_start3A_40 = tpu.memref_slice %arg6[%add3A_27, %dma_start3A_39] : memref<10000x16xf32, #tpu.memory_space<hbm>> -> memref<200x16xf32, #tpu.memory_space<hbm>>
            tpu.enqueue_dma source(%arg9 : memref<200x16xf32, #tpu.memory_space<vmem>>) target(%dma_start3A_40 : memref<200x16xf32, #tpu.memory_space<hbm>>) target_semaphore(%run_scoped3A : memref<!tpu.dma_semaphore, #tpu.memory_space<semaphore_mem>>)
            %dma_wait3A = arith.constant 0 : i32
            %dma_wait3A_41 = tpu.memref_slice %arg6[%add3A_27, %dma_wait3A] : memref<10000x16xf32, #tpu.memory_space<hbm>> -> memref<200x16xf32, #tpu.memory_space<hbm>>
            %dma_wait3A_42 = arith.constant 0 : i32
            %dma_wait3A_43 = tpu.memref_slice %arg6[%add3A_27, %dma_wait3A_42] : memref<10000x16xf32, #tpu.memory_space<hbm>> -> memref<200x16xf32, #tpu.memory_space<hbm>>
            tpu.wait_dma2 semaphore(%run_scoped3A : memref<!tpu.dma_semaphore, #tpu.memory_space<semaphore_mem>>) src(%arg9 : memref<200x16xf32, #tpu.memory_space<vmem>>) dst(%dma_wait3A_43 : memref<200x16xf32, #tpu.memory_space<hbm>>)
            tpu.yield
          }) : () -> ()
        } else {
        }
        %scan3A_37 = arith.constant 0 : i32
        scf.yield %scan3A_37 : i32
      }
      %scan3A_20 = arith.constant 5 : i32
    } else {
    }
    return
  }
}

#map = affine_map<(d0, d1) -> (0)>
#map1 = affine_map<(d0, d1) -> (0, 0)>
module attributes {stable_mosaic.version = 14 : i64} {
  func.func @_edge_sum_body(%arg0: i32, %arg1: i32, %arg2: memref<163840xi32, #tpu.memory_space<hbm>>, %arg3: memref<163840xi32, #tpu.memory_space<hbm>>, %arg4: memref<10000x128xf32, #tpu.memory_space<hbm>>, %arg5: memref<10000x128xf32, #tpu.memory_space<hbm>>, %arg6: memref<640x128xf32, #tpu.memory_space<hbm>>, %arg7: memref<10000x128xf32, #tpu.memory_space<hbm>>, %arg8: memref<10000x128xf32, #tpu.memory_space<hbm>>, %arg9: memref<128xi32, #tpu.memory_space<vmem>>, %arg10: memref<128xi32, #tpu.memory_space<vmem>>, %arg11: memref<128xi32, #tpu.memory_space<vmem>>, %arg12: memref<128xi32, #tpu.memory_space<vmem>>, %arg13: memref<128x128xf32, #tpu.memory_space<vmem>>, %arg14: memref<128x128xf32, #tpu.memory_space<vmem>>, %arg15: memref<10016x128xf32, #tpu.memory_space<vmem_shared>>, %arg16: memref<!tpu.dma_semaphore, #tpu.memory_space<semaphore_mem>>, %arg17: memref<!tpu.dma_semaphore, #tpu.memory_space<semaphore_mem>>, %arg18: memref<!tpu.dma_semaphore, #tpu.memory_space<semaphore_mem>>, %arg19: memref<!tpu.dma_semaphore, #tpu.memory_space<semaphore_mem>>) attributes {dimension_semantics = [#tpu.dimension_semantics<core_parallel>, #tpu.dimension_semantics<subcore_parallel>], iteration_bounds = array<i64: 2, 16>, scalar_prefetch = 0 : i64, scratch_operands = 11 : i64, tpu.core_type = #tpu.core_type<sc_vector_subcore>, window_params = [{transform_indices = #map}, {transform_indices = #map}, {transform_indices = #map1}, {transform_indices = #map1}, {transform_indices = #map1}, {transform_indices = #map1}, {transform_indices = #map1}]} {
    %lt3A = arith.constant 15 : i32
    %lt3A_0 = arith.cmpi slt, %arg1, %lt3A : i32
    %convert_element_type3A = arith.extui %lt3A_0 : i1 to i32
    %cond3A = arith.constant 0 : i32
    %cond3A_1 = arith.cmpi ne, %convert_element_type3A, %cond3A : i32
    scf.if %cond3A_1 {
      %mul3A_50 = arith.constant 640 : i32
      %mul3A_51 = arith.muli %arg1, %mul3A_50 : i32
      "tpu.region"() ({
        %run_scoped3A = tpu.sem_alloc : memref<!tpu.dma_semaphore, #tpu.memory_space<semaphore_mem>>
        %dma_start3A_52 = arith.constant 0 : i32
        %dma_start3A_53 = tpu.memref_slice %arg15[%mul3A_51, %dma_start3A_52] : memref<10016x128xf32, #tpu.memory_space<vmem_shared>> -> memref<640x128xf32, #tpu.memory_space<vmem_shared>>
        tpu.enqueue_dma source(%arg6 : memref<640x128xf32, #tpu.memory_space<hbm>>) target(%dma_start3A_53 : memref<640x128xf32, #tpu.memory_space<vmem_shared>>) target_semaphore(%run_scoped3A : memref<!tpu.dma_semaphore, #tpu.memory_space<semaphore_mem>>)
        %dma_wait3A_54 = arith.constant 0 : i32
        %dma_wait3A_55 = tpu.memref_slice %arg15[%mul3A_51, %dma_wait3A_54] : memref<10016x128xf32, #tpu.memory_space<vmem_shared>> -> memref<640x128xf32, #tpu.memory_space<vmem_shared>>
        tpu.wait_dma2 semaphore(%run_scoped3A : memref<!tpu.dma_semaphore, #tpu.memory_space<semaphore_mem>>) src(%arg6 : memref<640x128xf32, #tpu.memory_space<hbm>>) dst(%dma_wait3A_55 : memref<640x128xf32, #tpu.memory_space<vmem_shared>>)
        tpu.yield
      }) : () -> ()
    } else {
    }
    %eq3A = arith.constant 15 : i32
    %eq3A_2 = arith.cmpi eq, %arg1, %eq3A : i32
    %convert_element_type3A_3 = arith.extui %eq3A_2 : i1 to i32
    %cond3A_4 = arith.constant 0 : i32
    %cond3A_5 = arith.cmpi ne, %convert_element_type3A_3, %cond3A_4 : i32
    scf.if %cond3A_5 {
      "tpu.region"() ({
        %run_scoped3A = tpu.sem_alloc : memref<!tpu.dma_semaphore, #tpu.memory_space<semaphore_mem>>
        %dma_start3A_50 = arith.constant 9600 : i32
        %dma_start3A_51 = arith.constant 0 : i32
        %dma_start3A_52 = tpu.memref_slice %arg15[%dma_start3A_50, %dma_start3A_51] : memref<10016x128xf32, #tpu.memory_space<vmem_shared>> -> memref<416x128xf32, #tpu.memory_space<vmem_shared>>
        %dma_start3A_53 = arith.constant 0 : i32
        %dma_start3A_54 = arith.constant 0 : i32
        %dma_start3A_55 = tpu.memref_slice %arg6[%dma_start3A_53, %dma_start3A_54] : memref<640x128xf32, #tpu.memory_space<hbm>> -> memref<416x128xf32, #tpu.memory_space<hbm>>
        tpu.enqueue_dma source(%dma_start3A_55 : memref<416x128xf32, #tpu.memory_space<hbm>>) target(%dma_start3A_52 : memref<416x128xf32, #tpu.memory_space<vmem_shared>>) target_semaphore(%run_scoped3A : memref<!tpu.dma_semaphore, #tpu.memory_space<semaphore_mem>>)
        %dma_wait3A_56 = arith.constant 9600 : i32
        %dma_wait3A_57 = arith.constant 0 : i32
        %dma_wait3A_58 = tpu.memref_slice %arg15[%dma_wait3A_56, %dma_wait3A_57] : memref<10016x128xf32, #tpu.memory_space<vmem_shared>> -> memref<416x128xf32, #tpu.memory_space<vmem_shared>>
        %dma_wait3A_59 = arith.constant 0 : i32
        %dma_wait3A_60 = arith.constant 0 : i32
        %dma_wait3A_61 = tpu.memref_slice %arg6[%dma_wait3A_59, %dma_wait3A_60] : memref<640x128xf32, #tpu.memory_space<hbm>> -> memref<416x128xf32, #tpu.memory_space<hbm>>
        tpu.wait_dma2 semaphore(%run_scoped3A : memref<!tpu.dma_semaphore, #tpu.memory_space<semaphore_mem>>) src(%dma_wait3A_61 : memref<416x128xf32, #tpu.memory_space<hbm>>) dst(%dma_wait3A_58 : memref<416x128xf32, #tpu.memory_space<vmem_shared>>)
        tpu.yield
      }) : () -> ()
    } else {
    }
    %barrier3A = arith.constant 0 : index
    tpu.barrier barrier_id(%barrier3A)
    %mul3A = arith.constant 10240 : i32
    %mul3A_6 = arith.muli %arg1, %mul3A : i32
    %add3A = arith.constant 0 : i32
    %add3A_7 = arith.addi %mul3A_6, %add3A : i32
    %dma_start3A = tpu.memref_slice %arg2[%add3A_7] : memref<163840xi32, #tpu.memory_space<hbm>> -> memref<128xi32, #tpu.memory_space<hbm>>
    %dma_start3A_8 = tpu.memref_slice %arg2[%add3A_7] : memref<163840xi32, #tpu.memory_space<hbm>> -> memref<128xi32, #tpu.memory_space<hbm>>
    tpu.enqueue_dma source(%dma_start3A_8 : memref<128xi32, #tpu.memory_space<hbm>>) target(%arg9 : memref<128xi32, #tpu.memory_space<vmem>>) target_semaphore(%arg16 : memref<!tpu.dma_semaphore, #tpu.memory_space<semaphore_mem>>)
    %add3A_9 = arith.constant 0 : i32
    %add3A_10 = arith.addi %mul3A_6, %add3A_9 : i32
    %dma_start3A_11 = tpu.memref_slice %arg3[%add3A_10] : memref<163840xi32, #tpu.memory_space<hbm>> -> memref<128xi32, #tpu.memory_space<hbm>>
    %dma_start3A_12 = tpu.memref_slice %arg3[%add3A_10] : memref<163840xi32, #tpu.memory_space<hbm>> -> memref<128xi32, #tpu.memory_space<hbm>>
    tpu.enqueue_dma source(%dma_start3A_12 : memref<128xi32, #tpu.memory_space<hbm>>) target(%arg11 : memref<128xi32, #tpu.memory_space<vmem>>) target_semaphore(%arg16 : memref<!tpu.dma_semaphore, #tpu.memory_space<semaphore_mem>>)
    %add3A_13 = arith.constant 128 : i32
    %add3A_14 = arith.addi %mul3A_6, %add3A_13 : i32
    %dma_start3A_15 = tpu.memref_slice %arg2[%add3A_14] : memref<163840xi32, #tpu.memory_space<hbm>> -> memref<128xi32, #tpu.memory_space<hbm>>
    %dma_start3A_16 = tpu.memref_slice %arg2[%add3A_14] : memref<163840xi32, #tpu.memory_space<hbm>> -> memref<128xi32, #tpu.memory_space<hbm>>
    tpu.enqueue_dma source(%dma_start3A_16 : memref<128xi32, #tpu.memory_space<hbm>>) target(%arg10 : memref<128xi32, #tpu.memory_space<vmem>>) target_semaphore(%arg17 : memref<!tpu.dma_semaphore, #tpu.memory_space<semaphore_mem>>)
    %add3A_17 = arith.constant 128 : i32
    %add3A_18 = arith.addi %mul3A_6, %add3A_17 : i32
    %dma_start3A_19 = tpu.memref_slice %arg3[%add3A_18] : memref<163840xi32, #tpu.memory_space<hbm>> -> memref<128xi32, #tpu.memory_space<hbm>>
    %dma_start3A_20 = tpu.memref_slice %arg3[%add3A_18] : memref<163840xi32, #tpu.memory_space<hbm>> -> memref<128xi32, #tpu.memory_space<hbm>>
    tpu.enqueue_dma source(%dma_start3A_20 : memref<128xi32, #tpu.memory_space<hbm>>) target(%arg12 : memref<128xi32, #tpu.memory_space<vmem>>) target_semaphore(%arg17 : memref<!tpu.dma_semaphore, #tpu.memory_space<semaphore_mem>>)
    %dma_wait3A = arith.constant 0 : i32
    %dma_wait3A_21 = tpu.memref_slice %arg2[%dma_wait3A] : memref<163840xi32, #tpu.memory_space<hbm>> -> memref<128xi32, #tpu.memory_space<hbm>>
    %dma_wait3A_22 = arith.constant 0 : i32
    %dma_wait3A_23 = tpu.memref_slice %arg2[%dma_wait3A_22] : memref<163840xi32, #tpu.memory_space<hbm>> -> memref<128xi32, #tpu.memory_space<hbm>>
    tpu.wait_dma2 semaphore(%arg16 : memref<!tpu.dma_semaphore, #tpu.memory_space<semaphore_mem>>) src(%dma_wait3A_23 : memref<128xi32, #tpu.memory_space<hbm>>) dst(%arg9 : memref<128xi32, #tpu.memory_space<vmem>>)
    %dma_wait3A_24 = arith.constant 0 : i32
    %dma_wait3A_25 = tpu.memref_slice %arg2[%dma_wait3A_24] : memref<163840xi32, #tpu.memory_space<hbm>> -> memref<128xi32, #tpu.memory_space<hbm>>
    %dma_wait3A_26 = arith.constant 0 : i32
    %dma_wait3A_27 = tpu.memref_slice %arg2[%dma_wait3A_26] : memref<163840xi32, #tpu.memory_space<hbm>> -> memref<128xi32, #tpu.memory_space<hbm>>
    tpu.wait_dma2 semaphore(%arg16 : memref<!tpu.dma_semaphore, #tpu.memory_space<semaphore_mem>>) src(%dma_wait3A_27 : memref<128xi32, #tpu.memory_space<hbm>>) dst(%arg11 : memref<128xi32, #tpu.memory_space<vmem>>)
    %eq3A_28 = arith.constant 0 : i32
    %eq3A_29 = arith.cmpi eq, %arg0, %eq3A_28 : i32
    %convert_element_type3A_30 = arith.extui %eq3A_29 : i1 to i32
    %cond3A_31 = arith.constant 0 : i32
    %cond3A_32 = arith.cmpi ne, %convert_element_type3A_30, %cond3A_31 : i32
    scf.if %cond3A_32 {
      %dma_start3A_50 = arith.constant 0 : i32
      %dma_start3A_51 = arith.constant 0 : i32
      %dma_start3A_52 = tpu.memref_slice %arg4[%dma_start3A_50, %dma_start3A_51] : memref<10000x128xf32, #tpu.memory_space<hbm>> -> memref<10000x128xf32, #tpu.memory_space<hbm>>
      tpu.enqueue_indirect_dma source(%dma_start3A_52 : memref<10000x128xf32, #tpu.memory_space<hbm>>) target(%arg13 : memref<128x128xf32, #tpu.memory_space<vmem>>) offsets(%arg9 : memref<128xi32, #tpu.memory_space<vmem>>) semaphore(%arg18 : memref<!tpu.dma_semaphore, #tpu.memory_space<semaphore_mem>>)
    } else {
    }
    %eq3A_33 = arith.constant 1 : i32
    %eq3A_34 = arith.cmpi eq, %arg0, %eq3A_33 : i32
    %convert_element_type3A_35 = arith.extui %eq3A_34 : i1 to i32
    %cond3A_36 = arith.constant 0 : i32
    %cond3A_37 = arith.cmpi ne, %convert_element_type3A_35, %cond3A_36 : i32
    scf.if %cond3A_37 {
      %dma_start3A_50 = arith.constant 0 : i32
      %dma_start3A_51 = arith.constant 0 : i32
      %dma_start3A_52 = tpu.memref_slice %arg5[%dma_start3A_50, %dma_start3A_51] : memref<10000x128xf32, #tpu.memory_space<hbm>> -> memref<10000x128xf32, #tpu.memory_space<hbm>>
      tpu.enqueue_indirect_dma source(%dma_start3A_52 : memref<10000x128xf32, #tpu.memory_space<hbm>>) target(%arg13 : memref<128x128xf32, #tpu.memory_space<vmem>>) offsets(%arg9 : memref<128xi32, #tpu.memory_space<vmem>>) semaphore(%arg18 : memref<!tpu.dma_semaphore, #tpu.memory_space<semaphore_mem>>)
    } else {
    }
    %scan3A = arith.constant 0 : i32
    %scan3A_38 = arith.constant 0 : i32
    %scan3A_39 = arith.constant 40 : i32
    %scan3A_40 = arith.addi %scan3A_38, %scan3A_39 : i32
    %scan3A_41 = arith.constant 1 : i32
    %scan3A_42 = scf.for %scan3A_50 = %scan3A_38 to %scan3A_40 step %scan3A_41 iter_args(%scan3A_51 = %scan3A) -> (i32)  : i32 {
      %mul3A_52 = arith.constant 2 : i32
      %mul3A_53 = arith.muli %scan3A_50, %mul3A_52 : i32
      %add3A_54 = arith.constant 0 : i32
      %add3A_55 = arith.addi %mul3A_53, %add3A_54 : i32
      %add3A_56 = arith.constant 1 : i32
      %add3A_57 = arith.addi %add3A_55, %add3A_56 : i32
      %lt3A_58 = arith.constant 80 : i32
      %lt3A_59 = arith.cmpi slt, %add3A_57, %lt3A_58 : i32
      %convert_element_type3A_60 = arith.extui %lt3A_59 : i1 to i32
      %cond3A_61 = arith.constant 0 : i32
      %cond3A_62 = arith.cmpi ne, %convert_element_type3A_60, %cond3A_61 : i32
      scf.if %cond3A_62 {
        %dma_wait3A_109 = arith.constant 0 : i32
        %dma_wait3A_110 = tpu.memref_slice %arg2[%dma_wait3A_109] : memref<163840xi32, #tpu.memory_space<hbm>> -> memref<128xi32, #tpu.memory_space<hbm>>
        %dma_wait3A_111 = arith.constant 0 : i32
        %dma_wait3A_112 = tpu.memref_slice %arg2[%dma_wait3A_111] : memref<163840xi32, #tpu.memory_space<hbm>> -> memref<128xi32, #tpu.memory_space<hbm>>
        tpu.wait_dma2 semaphore(%arg17 : memref<!tpu.dma_semaphore, #tpu.memory_space<semaphore_mem>>) src(%dma_wait3A_112 : memref<128xi32, #tpu.memory_space<hbm>>) dst(%arg10 : memref<128xi32, #tpu.memory_space<vmem>>)
        %dma_wait3A_113 = arith.constant 0 : i32
        %dma_wait3A_114 = tpu.memref_slice %arg2[%dma_wait3A_113] : memref<163840xi32, #tpu.memory_space<hbm>> -> memref<128xi32, #tpu.memory_space<hbm>>
        %dma_wait3A_115 = arith.constant 0 : i32
        %dma_wait3A_116 = tpu.memref_slice %arg2[%dma_wait3A_115] : memref<163840xi32, #tpu.memory_space<hbm>> -> memref<128xi32, #tpu.memory_space<hbm>>
        tpu.wait_dma2 semaphore(%arg17 : memref<!tpu.dma_semaphore, #tpu.memory_space<semaphore_mem>>) src(%dma_wait3A_116 : memref<128xi32, #tpu.memory_space<hbm>>) dst(%arg12 : memref<128xi32, #tpu.memory_space<vmem>>)
        %eq3A_117 = arith.constant 0 : i32
        %eq3A_118 = arith.cmpi eq, %arg0, %eq3A_117 : i32
        %convert_element_type3A_119 = arith.extui %eq3A_118 : i1 to i32
        %cond3A_120 = arith.constant 0 : i32
        %cond3A_121 = arith.cmpi ne, %convert_element_type3A_119, %cond3A_120 : i32
        scf.if %cond3A_121 {
          %dma_start3A_127 = arith.constant 0 : i32
          %dma_start3A_128 = arith.constant 0 : i32
          %dma_start3A_129 = tpu.memref_slice %arg4[%dma_start3A_127, %dma_start3A_128] : memref<10000x128xf32, #tpu.memory_space<hbm>> -> memref<10000x128xf32, #tpu.memory_space<hbm>>
          tpu.enqueue_indirect_dma source(%dma_start3A_129 : memref<10000x128xf32, #tpu.memory_space<hbm>>) target(%arg14 : memref<128x128xf32, #tpu.memory_space<vmem>>) offsets(%arg10 : memref<128xi32, #tpu.memory_space<vmem>>) semaphore(%arg19 : memref<!tpu.dma_semaphore, #tpu.memory_space<semaphore_mem>>)
        } else {
        }
        %eq3A_122 = arith.constant 1 : i32
        %eq3A_123 = arith.cmpi eq, %arg0, %eq3A_122 : i32
        %convert_element_type3A_124 = arith.extui %eq3A_123 : i1 to i32
        %cond3A_125 = arith.constant 0 : i32
        %cond3A_126 = arith.cmpi ne, %convert_element_type3A_124, %cond3A_125 : i32
        scf.if %cond3A_126 {
          %dma_start3A_127 = arith.constant 0 : i32
          %dma_start3A_128 = arith.constant 0 : i32
          %dma_start3A_129 = tpu.memref_slice %arg5[%dma_start3A_127, %dma_start3A_128] : memref<10000x128xf32, #tpu.memory_space<hbm>> -> memref<10000x128xf32, #tpu.memory_space<hbm>>
          tpu.enqueue_indirect_dma source(%dma_start3A_129 : memref<10000x128xf32, #tpu.memory_space<hbm>>) target(%arg14 : memref<128x128xf32, #tpu.memory_space<vmem>>) offsets(%arg10 : memref<128xi32, #tpu.memory_space<vmem>>) semaphore(%arg19 : memref<!tpu.dma_semaphore, #tpu.memory_space<semaphore_mem>>)
        } else {
        }
      } else {
      }
      %eq3A_63 = arith.constant 0 : i32
      %eq3A_64 = arith.cmpi eq, %arg0, %eq3A_63 : i32
      %convert_element_type3A_65 = arith.extui %eq3A_64 : i1 to i32
      %cond3A_66 = arith.constant 0 : i32
      %cond3A_67 = arith.cmpi ne, %convert_element_type3A_65, %cond3A_66 : i32
      scf.if %cond3A_67 {
        %dma_wait3A_109 = arith.constant 0 : i32
        %dma_wait3A_110 = arith.constant 0 : i32
        %dma_wait3A_111 = tpu.memref_slice %arg4[%dma_wait3A_109, %dma_wait3A_110] : memref<10000x128xf32, #tpu.memory_space<hbm>> -> memref<10000x128xf32, #tpu.memory_space<hbm>>
        tpu.wait_indirect_dma semaphore(%arg18 : memref<!tpu.dma_semaphore, #tpu.memory_space<semaphore_mem>>) src(%dma_wait3A_111 : memref<10000x128xf32, #tpu.memory_space<hbm>>) dst(%arg13 : memref<128x128xf32, #tpu.memory_space<vmem>>)
      } else {
      }
      %eq3A_68 = arith.constant 1 : i32
      %eq3A_69 = arith.cmpi eq, %arg0, %eq3A_68 : i32
      %convert_element_type3A_70 = arith.extui %eq3A_69 : i1 to i32
      %cond3A_71 = arith.constant 0 : i32
      %cond3A_72 = arith.cmpi ne, %convert_element_type3A_70, %cond3A_71 : i32
      scf.if %cond3A_72 {
        %dma_wait3A_109 = arith.constant 0 : i32
        %dma_wait3A_110 = arith.constant 0 : i32
        %dma_wait3A_111 = tpu.memref_slice %arg5[%dma_wait3A_109, %dma_wait3A_110] : memref<10000x128xf32, #tpu.memory_space<hbm>> -> memref<10000x128xf32, #tpu.memory_space<hbm>>
        tpu.wait_indirect_dma semaphore(%arg18 : memref<!tpu.dma_semaphore, #tpu.memory_space<semaphore_mem>>) src(%dma_wait3A_111 : memref<10000x128xf32, #tpu.memory_space<hbm>>) dst(%arg13 : memref<128x128xf32, #tpu.memory_space<vmem>>)
      } else {
      }
      "tpu.region"() ({
        %run_scoped3A = tpu.sem_alloc : memref<!tpu.dma_semaphore, #tpu.memory_space<semaphore_mem>>
        %dma_start3A_109 = arith.constant 0 : i32
        %dma_start3A_110 = arith.constant 0 : i32
        %dma_start3A_111 = tpu.memref_slice %arg15[%dma_start3A_109, %dma_start3A_110] : memref<10016x128xf32, #tpu.memory_space<vmem_shared>> -> memref<10016x128xf32, #tpu.memory_space<vmem_shared>>
        tpu.enqueue_indirect_dma source(%arg13 : memref<128x128xf32, #tpu.memory_space<vmem>>) target(%dma_start3A_111 : memref<10016x128xf32, #tpu.memory_space<vmem_shared>>) offsets(%arg11 : memref<128xi32, #tpu.memory_space<vmem>>) semaphore(%run_scoped3A : memref<!tpu.dma_semaphore, #tpu.memory_space<semaphore_mem>>) {add = true}
        %dma_wait3A_112 = arith.constant 0 : i32
        %dma_wait3A_113 = arith.constant 0 : i32
        %dma_wait3A_114 = tpu.memref_slice %arg15[%dma_wait3A_112, %dma_wait3A_113] : memref<10016x128xf32, #tpu.memory_space<vmem_shared>> -> memref<10016x128xf32, #tpu.memory_space<vmem_shared>>
        tpu.wait_indirect_dma semaphore(%run_scoped3A : memref<!tpu.dma_semaphore, #tpu.memory_space<semaphore_mem>>) src(%arg13 : memref<128x128xf32, #tpu.memory_space<vmem>>) dst(%dma_wait3A_114 : memref<10016x128xf32, #tpu.memory_space<vmem_shared>>)
        tpu.yield
      }) : () -> ()
      %add3A_73 = arith.constant 2 : i32
      %add3A_74 = arith.addi %add3A_55, %add3A_73 : i32
      %lt3A_75 = arith.constant 80 : i32
      %lt3A_76 = arith.cmpi slt, %add3A_74, %lt3A_75 : i32
      %convert_element_type3A_77 = arith.extui %lt3A_76 : i1 to i32
      %cond3A_78 = arith.constant 0 : i32
      %cond3A_79 = arith.cmpi ne, %convert_element_type3A_77, %cond3A_78 : i32
      scf.if %cond3A_79 {
        %add3A_109 = arith.constant 2 : i32
        %add3A_110 = arith.addi %add3A_55, %add3A_109 : i32
        %mul3A_111 = arith.constant 128 : i32
        %mul3A_112 = arith.muli %add3A_110, %mul3A_111 : i32
        %add3A_113 = arith.addi %mul3A_6, %mul3A_112 : i32
        %dma_start3A_114 = tpu.memref_slice %arg2[%add3A_113] : memref<163840xi32, #tpu.memory_space<hbm>> -> memref<128xi32, #tpu.memory_space<hbm>>
        %dma_start3A_115 = tpu.memref_slice %arg2[%add3A_113] : memref<163840xi32, #tpu.memory_space<hbm>> -> memref<128xi32, #tpu.memory_space<hbm>>
        tpu.enqueue_dma source(%dma_start3A_115 : memref<128xi32, #tpu.memory_space<hbm>>) target(%arg9 : memref<128xi32, #tpu.memory_space<vmem>>) target_semaphore(%arg16 : memref<!tpu.dma_semaphore, #tpu.memory_space<semaphore_mem>>)
        %mul3A_116 = arith.constant 128 : i32
        %mul3A_117 = arith.muli %add3A_110, %mul3A_116 : i32
        %add3A_118 = arith.addi %mul3A_6, %mul3A_117 : i32
        %dma_start3A_119 = tpu.memref_slice %arg3[%add3A_118] : memref<163840xi32, #tpu.memory_space<hbm>> -> memref<128xi32, #tpu.memory_space<hbm>>
        %dma_start3A_120 = tpu.memref_slice %arg3[%add3A_118] : memref<163840xi32, #tpu.memory_space<hbm>> -> memref<128xi32, #tpu.memory_space<hbm>>
        tpu.enqueue_dma source(%dma_start3A_120 : memref<128xi32, #tpu.memory_space<hbm>>) target(%arg11 : memref<128xi32, #tpu.memory_space<vmem>>) target_semaphore(%arg16 : memref<!tpu.dma_semaphore, #tpu.memory_space<semaphore_mem>>)
      } else {
      }
      %mul3A_80 = arith.constant 2 : i32
      %mul3A_81 = arith.muli %scan3A_50, %mul3A_80 : i32
      %add3A_82 = arith.constant 1 : i32
      %add3A_83 = arith.addi %mul3A_81, %add3A_82 : i32
      %add3A_84 = arith.constant 1 : i32
      %add3A_85 = arith.addi %add3A_83, %add3A_84 : i32
      %lt3A_86 = arith.constant 80 : i32
      %lt3A_87 = arith.cmpi slt, %add3A_85, %lt3A_86 : i32
      %convert_element_type3A_88 = arith.extui %lt3A_87 : i1 to i32
      %cond3A_89 = arith.constant 0 : i32
      %cond3A_90 = arith.cmpi ne, %convert_element_type3A_88, %cond3A_89 : i32
      scf.if %cond3A_90 {
        %dma_wait3A_109 = arith.constant 0 : i32
        %dma_wait3A_110 = tpu.memref_slice %arg2[%dma_wait3A_109] : memref<163840xi32, #tpu.memory_space<hbm>> -> memref<128xi32, #tpu.memory_space<hbm>>
        %dma_wait3A_111 = arith.constant 0 : i32
        %dma_wait3A_112 = tpu.memref_slice %arg2[%dma_wait3A_111] : memref<163840xi32, #tpu.memory_space<hbm>> -> memref<128xi32, #tpu.memory_space<hbm>>
        tpu.wait_dma2 semaphore(%arg16 : memref<!tpu.dma_semaphore, #tpu.memory_space<semaphore_mem>>) src(%dma_wait3A_112 : memref<128xi32, #tpu.memory_space<hbm>>) dst(%arg9 : memref<128xi32, #tpu.memory_space<vmem>>)
        %dma_wait3A_113 = arith.constant 0 : i32
        %dma_wait3A_114 = tpu.memref_slice %arg2[%dma_wait3A_113] : memref<163840xi32, #tpu.memory_space<hbm>> -> memref<128xi32, #tpu.memory_space<hbm>>
        %dma_wait3A_115 = arith.constant 0 : i32
        %dma_wait3A_116 = tpu.memref_slice %arg2[%dma_wait3A_115] : memref<163840xi32, #tpu.memory_space<hbm>> -> memref<128xi32, #tpu.memory_space<hbm>>
        tpu.wait_dma2 semaphore(%arg16 : memref<!tpu.dma_semaphore, #tpu.memory_space<semaphore_mem>>) src(%dma_wait3A_116 : memref<128xi32, #tpu.memory_space<hbm>>) dst(%arg11 : memref<128xi32, #tpu.memory_space<vmem>>)
        %eq3A_117 = arith.constant 0 : i32
        %eq3A_118 = arith.cmpi eq, %arg0, %eq3A_117 : i32
        %convert_element_type3A_119 = arith.extui %eq3A_118 : i1 to i32
        %cond3A_120 = arith.constant 0 : i32
        %cond3A_121 = arith.cmpi ne, %convert_element_type3A_119, %cond3A_120 : i32
        scf.if %cond3A_121 {
          %dma_start3A_127 = arith.constant 0 : i32
          %dma_start3A_128 = arith.constant 0 : i32
          %dma_start3A_129 = tpu.memref_slice %arg4[%dma_start3A_127, %dma_start3A_128] : memref<10000x128xf32, #tpu.memory_space<hbm>> -> memref<10000x128xf32, #tpu.memory_space<hbm>>
          tpu.enqueue_indirect_dma source(%dma_start3A_129 : memref<10000x128xf32, #tpu.memory_space<hbm>>) target(%arg13 : memref<128x128xf32, #tpu.memory_space<vmem>>) offsets(%arg9 : memref<128xi32, #tpu.memory_space<vmem>>) semaphore(%arg18 : memref<!tpu.dma_semaphore, #tpu.memory_space<semaphore_mem>>)
        } else {
        }
        %eq3A_122 = arith.constant 1 : i32
        %eq3A_123 = arith.cmpi eq, %arg0, %eq3A_122 : i32
        %convert_element_type3A_124 = arith.extui %eq3A_123 : i1 to i32
        %cond3A_125 = arith.constant 0 : i32
        %cond3A_126 = arith.cmpi ne, %convert_element_type3A_124, %cond3A_125 : i32
        scf.if %cond3A_126 {
          %dma_start3A_127 = arith.constant 0 : i32
          %dma_start3A_128 = arith.constant 0 : i32
          %dma_start3A_129 = tpu.memref_slice %arg5[%dma_start3A_127, %dma_start3A_128] : memref<10000x128xf32, #tpu.memory_space<hbm>> -> memref<10000x128xf32, #tpu.memory_space<hbm>>
          tpu.enqueue_indirect_dma source(%dma_start3A_129 : memref<10000x128xf32, #tpu.memory_space<hbm>>) target(%arg13 : memref<128x128xf32, #tpu.memory_space<vmem>>) offsets(%arg9 : memref<128xi32, #tpu.memory_space<vmem>>) semaphore(%arg18 : memref<!tpu.dma_semaphore, #tpu.memory_space<semaphore_mem>>)
        } else {
        }
      } else {
      }
      %eq3A_91 = arith.constant 0 : i32
      %eq3A_92 = arith.cmpi eq, %arg0, %eq3A_91 : i32
      %convert_element_type3A_93 = arith.extui %eq3A_92 : i1 to i32
      %cond3A_94 = arith.constant 0 : i32
      %cond3A_95 = arith.cmpi ne, %convert_element_type3A_93, %cond3A_94 : i32
      scf.if %cond3A_95 {
        %dma_wait3A_109 = arith.constant 0 : i32
        %dma_wait3A_110 = arith.constant 0 : i32
        %dma_wait3A_111 = tpu.memref_slice %arg4[%dma_wait3A_109, %dma_wait3A_110] : memref<10000x128xf32, #tpu.memory_space<hbm>> -> memref<10000x128xf32, #tpu.memory_space<hbm>>
        tpu.wait_indirect_dma semaphore(%arg19 : memref<!tpu.dma_semaphore, #tpu.memory_space<semaphore_mem>>) src(%dma_wait3A_111 : memref<10000x128xf32, #tpu.memory_space<hbm>>) dst(%arg14 : memref<128x128xf32, #tpu.memory_space<vmem>>)
      } else {
      }
      %eq3A_96 = arith.constant 1 : i32
      %eq3A_97 = arith.cmpi eq, %arg0, %eq3A_96 : i32
      %convert_element_type3A_98 = arith.extui %eq3A_97 : i1 to i32
      %cond3A_99 = arith.constant 0 : i32
      %cond3A_100 = arith.cmpi ne, %convert_element_type3A_98, %cond3A_99 : i32
      scf.if %cond3A_100 {
        %dma_wait3A_109 = arith.constant 0 : i32
        %dma_wait3A_110 = arith.constant 0 : i32
        %dma_wait3A_111 = tpu.memref_slice %arg5[%dma_wait3A_109, %dma_wait3A_110] : memref<10000x128xf32, #tpu.memory_space<hbm>> -> memref<10000x128xf32, #tpu.memory_space<hbm>>
        tpu.wait_indirect_dma semaphore(%arg19 : memref<!tpu.dma_semaphore, #tpu.memory_space<semaphore_mem>>) src(%dma_wait3A_111 : memref<10000x128xf32, #tpu.memory_space<hbm>>) dst(%arg14 : memref<128x128xf32, #tpu.memory_space<vmem>>)
      } else {
      }
      "tpu.region"() ({
        %run_scoped3A = tpu.sem_alloc : memref<!tpu.dma_semaphore, #tpu.memory_space<semaphore_mem>>
        %dma_start3A_109 = arith.constant 0 : i32
        %dma_start3A_110 = arith.constant 0 : i32
        %dma_start3A_111 = tpu.memref_slice %arg15[%dma_start3A_109, %dma_start3A_110] : memref<10016x128xf32, #tpu.memory_space<vmem_shared>> -> memref<10016x128xf32, #tpu.memory_space<vmem_shared>>
        tpu.enqueue_indirect_dma source(%arg14 : memref<128x128xf32, #tpu.memory_space<vmem>>) target(%dma_start3A_111 : memref<10016x128xf32, #tpu.memory_space<vmem_shared>>) offsets(%arg12 : memref<128xi32, #tpu.memory_space<vmem>>) semaphore(%run_scoped3A : memref<!tpu.dma_semaphore, #tpu.memory_space<semaphore_mem>>) {add = true}
        %dma_wait3A_112 = arith.constant 0 : i32
        %dma_wait3A_113 = arith.constant 0 : i32
        %dma_wait3A_114 = tpu.memref_slice %arg15[%dma_wait3A_112, %dma_wait3A_113] : memref<10016x128xf32, #tpu.memory_space<vmem_shared>> -> memref<10016x128xf32, #tpu.memory_space<vmem_shared>>
        tpu.wait_indirect_dma semaphore(%run_scoped3A : memref<!tpu.dma_semaphore, #tpu.memory_space<semaphore_mem>>) src(%arg14 : memref<128x128xf32, #tpu.memory_space<vmem>>) dst(%dma_wait3A_114 : memref<10016x128xf32, #tpu.memory_space<vmem_shared>>)
        tpu.yield
      }) : () -> ()
      %add3A_101 = arith.constant 2 : i32
      %add3A_102 = arith.addi %add3A_83, %add3A_101 : i32
      %lt3A_103 = arith.constant 80 : i32
      %lt3A_104 = arith.cmpi slt, %add3A_102, %lt3A_103 : i32
      %convert_element_type3A_105 = arith.extui %lt3A_104 : i1 to i32
      %cond3A_106 = arith.constant 0 : i32
      %cond3A_107 = arith.cmpi ne, %convert_element_type3A_105, %cond3A_106 : i32
      scf.if %cond3A_107 {
        %add3A_109 = arith.constant 2 : i32
        %add3A_110 = arith.addi %add3A_83, %add3A_109 : i32
        %mul3A_111 = arith.constant 128 : i32
        %mul3A_112 = arith.muli %add3A_110, %mul3A_111 : i32
        %add3A_113 = arith.addi %mul3A_6, %mul3A_112 : i32
        %dma_start3A_114 = tpu.memref_slice %arg2[%add3A_113] : memref<163840xi32, #tpu.memory_space<hbm>> -> memref<128xi32, #tpu.memory_space<hbm>>
        %dma_start3A_115 = tpu.memref_slice %arg2[%add3A_113] : memref<163840xi32, #tpu.memory_space<hbm>> -> memref<128xi32, #tpu.memory_space<hbm>>
        tpu.enqueue_dma source(%dma_start3A_115 : memref<128xi32, #tpu.memory_space<hbm>>) target(%arg10 : memref<128xi32, #tpu.memory_space<vmem>>) target_semaphore(%arg17 : memref<!tpu.dma_semaphore, #tpu.memory_space<semaphore_mem>>)
        %mul3A_116 = arith.constant 128 : i32
        %mul3A_117 = arith.muli %add3A_110, %mul3A_116 : i32
        %add3A_118 = arith.addi %mul3A_6, %mul3A_117 : i32
        %dma_start3A_119 = tpu.memref_slice %arg3[%add3A_118] : memref<163840xi32, #tpu.memory_space<hbm>> -> memref<128xi32, #tpu.memory_space<hbm>>
        %dma_start3A_120 = tpu.memref_slice %arg3[%add3A_118] : memref<163840xi32, #tpu.memory_space<hbm>> -> memref<128xi32, #tpu.memory_space<hbm>>
        tpu.enqueue_dma source(%dma_start3A_120 : memref<128xi32, #tpu.memory_space<hbm>>) target(%arg12 : memref<128xi32, #tpu.memory_space<vmem>>) target_semaphore(%arg17 : memref<!tpu.dma_semaphore, #tpu.memory_space<semaphore_mem>>)
      } else {
      }
      %scan3A_108 = arith.constant 0 : i32
      scf.yield %scan3A_108 : i32
    }
    %scan3A_43 = arith.constant 40 : i32
    %barrier3A_44 = arith.constant 0 : index
    tpu.barrier barrier_id(%barrier3A_44)
    %lt3A_45 = arith.constant 10 : i32
    %lt3A_46 = arith.cmpi slt, %arg1, %lt3A_45 : i32
    %convert_element_type3A_47 = arith.extui %lt3A_46 : i1 to i32
    %cond3A_48 = arith.constant 0 : i32
    %cond3A_49 = arith.cmpi ne, %convert_element_type3A_47, %cond3A_48 : i32
    scf.if %cond3A_49 {
      %mul3A_50 = arith.constant 1000 : i32
      %mul3A_51 = arith.muli %arg1, %mul3A_50 : i32
      %add3A_52 = arith.constant 0 : i32
      %add3A_53 = arith.addi %mul3A_51, %add3A_52 : i32
      "tpu.region"() ({
        %run_scoped3A = tpu.sem_alloc : memref<!tpu.dma_semaphore, #tpu.memory_space<semaphore_mem>>
        %dma_start3A_162 = arith.constant 0 : i32
        %dma_start3A_163 = arith.constant 0 : i32
        %dma_start3A_164 = tpu.memref_slice %arg13[%dma_start3A_162, %dma_start3A_163] : memref<128x128xf32, #tpu.memory_space<vmem>> -> memref<128x128xf32, #tpu.memory_space<vmem>>
        %dma_start3A_165 = arith.constant 0 : i32
        %dma_start3A_166 = tpu.memref_slice %arg15[%add3A_53, %dma_start3A_165] : memref<10016x128xf32, #tpu.memory_space<vmem_shared>> -> memref<128x128xf32, #tpu.memory_space<vmem_shared>>
        %dma_start3A_167 = arith.constant 0 : i32
        %dma_start3A_168 = arith.constant 0 : i32
        %dma_start3A_169 = tpu.memref_slice %arg13[%dma_start3A_167, %dma_start3A_168] : memref<128x128xf32, #tpu.memory_space<vmem>> -> memref<128x128xf32, #tpu.memory_space<vmem>>
        %dma_start3A_170 = arith.constant 0 : i32
        %dma_start3A_171 = tpu.memref_slice %arg15[%add3A_53, %dma_start3A_170] : memref<10016x128xf32, #tpu.memory_space<vmem_shared>> -> memref<128x128xf32, #tpu.memory_space<vmem_shared>>
        tpu.enqueue_dma source(%dma_start3A_171 : memref<128x128xf32, #tpu.memory_space<vmem_shared>>) target(%dma_start3A_169 : memref<128x128xf32, #tpu.memory_space<vmem>>) target_semaphore(%run_scoped3A : memref<!tpu.dma_semaphore, #tpu.memory_space<semaphore_mem>>)
        %dma_wait3A_172 = arith.constant 0 : i32
        %dma_wait3A_173 = arith.constant 0 : i32
        %dma_wait3A_174 = tpu.memref_slice %arg13[%dma_wait3A_172, %dma_wait3A_173] : memref<128x128xf32, #tpu.memory_space<vmem>> -> memref<128x128xf32, #tpu.memory_space<vmem>>
        %dma_wait3A_175 = arith.constant 0 : i32
        %dma_wait3A_176 = tpu.memref_slice %arg15[%add3A_53, %dma_wait3A_175] : memref<10016x128xf32, #tpu.memory_space<vmem_shared>> -> memref<128x128xf32, #tpu.memory_space<vmem_shared>>
        %dma_wait3A_177 = arith.constant 0 : i32
        %dma_wait3A_178 = arith.constant 0 : i32
        %dma_wait3A_179 = tpu.memref_slice %arg13[%dma_wait3A_177, %dma_wait3A_178] : memref<128x128xf32, #tpu.memory_space<vmem>> -> memref<128x128xf32, #tpu.memory_space<vmem>>
        %dma_wait3A_180 = arith.constant 0 : i32
        %dma_wait3A_181 = tpu.memref_slice %arg15[%add3A_53, %dma_wait3A_180] : memref<10016x128xf32, #tpu.memory_space<vmem_shared>> -> memref<128x128xf32, #tpu.memory_space<vmem_shared>>
        tpu.wait_dma2 semaphore(%run_scoped3A : memref<!tpu.dma_semaphore, #tpu.memory_space<semaphore_mem>>) src(%dma_wait3A_181 : memref<128x128xf32, #tpu.memory_space<vmem_shared>>) dst(%dma_wait3A_179 : memref<128x128xf32, #tpu.memory_space<vmem>>)
        tpu.yield
      }) : () -> ()
      %eq3A_54 = arith.constant 0 : i32
      %eq3A_55 = arith.cmpi eq, %arg0, %eq3A_54 : i32
      %convert_element_type3A_56 = arith.extui %eq3A_55 : i1 to i32
      %cond3A_57 = arith.constant 0 : i32
      %cond3A_58 = arith.cmpi ne, %convert_element_type3A_56, %cond3A_57 : i32
      scf.if %cond3A_58 {
        "tpu.region"() ({
          %run_scoped3A = tpu.sem_alloc : memref<!tpu.dma_semaphore, #tpu.memory_space<semaphore_mem>>
          %dma_start3A_162 = arith.constant 0 : i32
          %dma_start3A_163 = arith.constant 0 : i32
          %dma_start3A_164 = tpu.memref_slice %arg13[%dma_start3A_162, %dma_start3A_163] : memref<128x128xf32, #tpu.memory_space<vmem>> -> memref<128x128xf32, #tpu.memory_space<vmem>>
          %dma_start3A_165 = arith.constant 0 : i32
          %dma_start3A_166 = tpu.memref_slice %arg7[%add3A_53, %dma_start3A_165] : memref<10000x128xf32, #tpu.memory_space<hbm>> -> memref<128x128xf32, #tpu.memory_space<hbm>>
          %dma_start3A_167 = arith.constant 0 : i32
          %dma_start3A_168 = tpu.memref_slice %arg7[%add3A_53, %dma_start3A_167] : memref<10000x128xf32, #tpu.memory_space<hbm>> -> memref<128x128xf32, #tpu.memory_space<hbm>>
          %dma_start3A_169 = arith.constant 0 : i32
          %dma_start3A_170 = arith.constant 0 : i32
          %dma_start3A_171 = tpu.memref_slice %arg13[%dma_start3A_169, %dma_start3A_170] : memref<128x128xf32, #tpu.memory_space<vmem>> -> memref<128x128xf32, #tpu.memory_space<vmem>>
          tpu.enqueue_dma source(%dma_start3A_171 : memref<128x128xf32, #tpu.memory_space<vmem>>) target(%dma_start3A_168 : memref<128x128xf32, #tpu.memory_space<hbm>>) target_semaphore(%run_scoped3A : memref<!tpu.dma_semaphore, #tpu.memory_space<semaphore_mem>>)
          %dma_wait3A_172 = arith.constant 0 : i32
          %dma_wait3A_173 = arith.constant 0 : i32
          %dma_wait3A_174 = tpu.memref_slice %arg13[%dma_wait3A_172, %dma_wait3A_173] : memref<128x128xf32, #tpu.memory_space<vmem>> -> memref<128x128xf32, #tpu.memory_space<vmem>>
          %dma_wait3A_175 = arith.constant 0 : i32
          %dma_wait3A_176 = tpu.memref_slice %arg7[%add3A_53, %dma_wait3A_175] : memref<10000x128xf32, #tpu.memory_space<hbm>> -> memref<128x128xf32, #tpu.memory_space<hbm>>
          %dma_wait3A_177 = arith.constant 0 : i32
          %dma_wait3A_178 = tpu.memref_slice %arg7[%add3A_53, %dma_wait3A_177] : memref<10000x128xf32, #tpu.memory_space<hbm>> -> memref<128x128xf32, #tpu.memory_space<hbm>>
          %dma_wait3A_179 = arith.constant 0 : i32
          %dma_wait3A_180 = arith.constant 0 : i32
          %dma_wait3A_181 = tpu.memref_slice %arg13[%dma_wait3A_179, %dma_wait3A_180] : memref<128x128xf32, #tpu.memory_space<vmem>> -> memref<128x128xf32, #tpu.memory_space<vmem>>
          tpu.wait_dma2 semaphore(%run_scoped3A : memref<!tpu.dma_semaphore, #tpu.memory_space<semaphore_mem>>) src(%dma_wait3A_181 : memref<128x128xf32, #tpu.memory_space<vmem>>) dst(%dma_wait3A_178 : memref<128x128xf32, #tpu.memory_space<hbm>>)
          tpu.yield
        }) : () -> ()
      } else {
      }
      %eq3A_59 = arith.constant 1 : i32
      %eq3A_60 = arith.cmpi eq, %arg0, %eq3A_59 : i32
      %convert_element_type3A_61 = arith.extui %eq3A_60 : i1 to i32
      %cond3A_62 = arith.constant 0 : i32
      %cond3A_63 = arith.cmpi ne, %convert_element_type3A_61, %cond3A_62 : i32
      scf.if %cond3A_63 {
        "tpu.region"() ({
          %run_scoped3A = tpu.sem_alloc : memref<!tpu.dma_semaphore, #tpu.memory_space<semaphore_mem>>
          %dma_start3A_162 = arith.constant 0 : i32
          %dma_start3A_163 = arith.constant 0 : i32
          %dma_start3A_164 = tpu.memref_slice %arg13[%dma_start3A_162, %dma_start3A_163] : memref<128x128xf32, #tpu.memory_space<vmem>> -> memref<128x128xf32, #tpu.memory_space<vmem>>
          %dma_start3A_165 = arith.constant 0 : i32
          %dma_start3A_166 = tpu.memref_slice %arg8[%add3A_53, %dma_start3A_165] : memref<10000x128xf32, #tpu.memory_space<hbm>> -> memref<128x128xf32, #tpu.memory_space<hbm>>
          %dma_start3A_167 = arith.constant 0 : i32
          %dma_start3A_168 = tpu.memref_slice %arg8[%add3A_53, %dma_start3A_167] : memref<10000x128xf32, #tpu.memory_space<hbm>> -> memref<128x128xf32, #tpu.memory_space<hbm>>
          %dma_start3A_169 = arith.constant 0 : i32
          %dma_start3A_170 = arith.constant 0 : i32
          %dma_start3A_171 = tpu.memref_slice %arg13[%dma_start3A_169, %dma_start3A_170] : memref<128x128xf32, #tpu.memory_space<vmem>> -> memref<128x128xf32, #tpu.memory_space<vmem>>
          tpu.enqueue_dma source(%dma_start3A_171 : memref<128x128xf32, #tpu.memory_space<vmem>>) target(%dma_start3A_168 : memref<128x128xf32, #tpu.memory_space<hbm>>) target_semaphore(%run_scoped3A : memref<!tpu.dma_semaphore, #tpu.memory_space<semaphore_mem>>)
          %dma_wait3A_172 = arith.constant 0 : i32
          %dma_wait3A_173 = arith.constant 0 : i32
          %dma_wait3A_174 = tpu.memref_slice %arg13[%dma_wait3A_172, %dma_wait3A_173] : memref<128x128xf32, #tpu.memory_space<vmem>> -> memref<128x128xf32, #tpu.memory_space<vmem>>
          %dma_wait3A_175 = arith.constant 0 : i32
          %dma_wait3A_176 = tpu.memref_slice %arg8[%add3A_53, %dma_wait3A_175] : memref<10000x128xf32, #tpu.memory_space<hbm>> -> memref<128x128xf32, #tpu.memory_space<hbm>>
          %dma_wait3A_177 = arith.constant 0 : i32
          %dma_wait3A_178 = tpu.memref_slice %arg8[%add3A_53, %dma_wait3A_177] : memref<10000x128xf32, #tpu.memory_space<hbm>> -> memref<128x128xf32, #tpu.memory_space<hbm>>
          %dma_wait3A_179 = arith.constant 0 : i32
          %dma_wait3A_180 = arith.constant 0 : i32
          %dma_wait3A_181 = tpu.memref_slice %arg13[%dma_wait3A_179, %dma_wait3A_180] : memref<128x128xf32, #tpu.memory_space<vmem>> -> memref<128x128xf32, #tpu.memory_space<vmem>>
          tpu.wait_dma2 semaphore(%run_scoped3A : memref<!tpu.dma_semaphore, #tpu.memory_space<semaphore_mem>>) src(%dma_wait3A_181 : memref<128x128xf32, #tpu.memory_space<vmem>>) dst(%dma_wait3A_178 : memref<128x128xf32, #tpu.memory_space<hbm>>)
          tpu.yield
        }) : () -> ()
      } else {
      }
      %mul3A_64 = arith.constant 1000 : i32
      %mul3A_65 = arith.muli %arg1, %mul3A_64 : i32
      %add3A_66 = arith.constant 128 : i32
      %add3A_67 = arith.addi %mul3A_65, %add3A_66 : i32
      "tpu.region"() ({
        %run_scoped3A = tpu.sem_alloc : memref<!tpu.dma_semaphore, #tpu.memory_space<semaphore_mem>>
        %dma_start3A_162 = arith.constant 0 : i32
        %dma_start3A_163 = arith.constant 0 : i32
        %dma_start3A_164 = tpu.memref_slice %arg13[%dma_start3A_162, %dma_start3A_163] : memref<128x128xf32, #tpu.memory_space<vmem>> -> memref<128x128xf32, #tpu.memory_space<vmem>>
        %dma_start3A_165 = arith.constant 0 : i32
        %dma_start3A_166 = tpu.memref_slice %arg15[%add3A_67, %dma_start3A_165] : memref<10016x128xf32, #tpu.memory_space<vmem_shared>> -> memref<128x128xf32, #tpu.memory_space<vmem_shared>>
        %dma_start3A_167 = arith.constant 0 : i32
        %dma_start3A_168 = arith.constant 0 : i32
        %dma_start3A_169 = tpu.memref_slice %arg13[%dma_start3A_167, %dma_start3A_168] : memref<128x128xf32, #tpu.memory_space<vmem>> -> memref<128x128xf32, #tpu.memory_space<vmem>>
        %dma_start3A_170 = arith.constant 0 : i32
        %dma_start3A_171 = tpu.memref_slice %arg15[%add3A_67, %dma_start3A_170] : memref<10016x128xf32, #tpu.memory_space<vmem_shared>> -> memref<128x128xf32, #tpu.memory_space<vmem_shared>>
        tpu.enqueue_dma source(%dma_start3A_171 : memref<128x128xf32, #tpu.memory_space<vmem_shared>>) target(%dma_start3A_169 : memref<128x128xf32, #tpu.memory_space<vmem>>) target_semaphore(%run_scoped3A : memref<!tpu.dma_semaphore, #tpu.memory_space<semaphore_mem>>)
        %dma_wait3A_172 = arith.constant 0 : i32
        %dma_wait3A_173 = arith.constant 0 : i32
        %dma_wait3A_174 = tpu.memref_slice %arg13[%dma_wait3A_172, %dma_wait3A_173] : memref<128x128xf32, #tpu.memory_space<vmem>> -> memref<128x128xf32, #tpu.memory_space<vmem>>
        %dma_wait3A_175 = arith.constant 0 : i32
        %dma_wait3A_176 = tpu.memref_slice %arg15[%add3A_67, %dma_wait3A_175] : memref<10016x128xf32, #tpu.memory_space<vmem_shared>> -> memref<128x128xf32, #tpu.memory_space<vmem_shared>>
        %dma_wait3A_177 = arith.constant 0 : i32
        %dma_wait3A_178 = arith.constant 0 : i32
        %dma_wait3A_179 = tpu.memref_slice %arg13[%dma_wait3A_177, %dma_wait3A_178] : memref<128x128xf32, #tpu.memory_space<vmem>> -> memref<128x128xf32, #tpu.memory_space<vmem>>
        %dma_wait3A_180 = arith.constant 0 : i32
        %dma_wait3A_181 = tpu.memref_slice %arg15[%add3A_67, %dma_wait3A_180] : memref<10016x128xf32, #tpu.memory_space<vmem_shared>> -> memref<128x128xf32, #tpu.memory_space<vmem_shared>>
        tpu.wait_dma2 semaphore(%run_scoped3A : memref<!tpu.dma_semaphore, #tpu.memory_space<semaphore_mem>>) src(%dma_wait3A_181 : memref<128x128xf32, #tpu.memory_space<vmem_shared>>) dst(%dma_wait3A_179 : memref<128x128xf32, #tpu.memory_space<vmem>>)
        tpu.yield
      }) : () -> ()
      %eq3A_68 = arith.constant 0 : i32
      %eq3A_69 = arith.cmpi eq, %arg0, %eq3A_68 : i32
      %convert_element_type3A_70 = arith.extui %eq3A_69 : i1 to i32
      %cond3A_71 = arith.constant 0 : i32
      %cond3A_72 = arith.cmpi ne, %convert_element_type3A_70, %cond3A_71 : i32
      scf.if %cond3A_72 {
        "tpu.region"() ({
          %run_scoped3A = tpu.sem_alloc : memref<!tpu.dma_semaphore, #tpu.memory_space<semaphore_mem>>
          %dma_start3A_162 = arith.constant 0 : i32
          %dma_start3A_163 = arith.constant 0 : i32
          %dma_start3A_164 = tpu.memref_slice %arg13[%dma_start3A_162, %dma_start3A_163] : memref<128x128xf32, #tpu.memory_space<vmem>> -> memref<128x128xf32, #tpu.memory_space<vmem>>
          %dma_start3A_165 = arith.constant 0 : i32
          %dma_start3A_166 = tpu.memref_slice %arg7[%add3A_67, %dma_start3A_165] : memref<10000x128xf32, #tpu.memory_space<hbm>> -> memref<128x128xf32, #tpu.memory_space<hbm>>
          %dma_start3A_167 = arith.constant 0 : i32
          %dma_start3A_168 = tpu.memref_slice %arg7[%add3A_67, %dma_start3A_167] : memref<10000x128xf32, #tpu.memory_space<hbm>> -> memref<128x128xf32, #tpu.memory_space<hbm>>
          %dma_start3A_169 = arith.constant 0 : i32
          %dma_start3A_170 = arith.constant 0 : i32
          %dma_start3A_171 = tpu.memref_slice %arg13[%dma_start3A_169, %dma_start3A_170] : memref<128x128xf32, #tpu.memory_space<vmem>> -> memref<128x128xf32, #tpu.memory_space<vmem>>
          tpu.enqueue_dma source(%dma_start3A_171 : memref<128x128xf32, #tpu.memory_space<vmem>>) target(%dma_start3A_168 : memref<128x128xf32, #tpu.memory_space<hbm>>) target_semaphore(%run_scoped3A : memref<!tpu.dma_semaphore, #tpu.memory_space<semaphore_mem>>)
          %dma_wait3A_172 = arith.constant 0 : i32
          %dma_wait3A_173 = arith.constant 0 : i32
          %dma_wait3A_174 = tpu.memref_slice %arg13[%dma_wait3A_172, %dma_wait3A_173] : memref<128x128xf32, #tpu.memory_space<vmem>> -> memref<128x128xf32, #tpu.memory_space<vmem>>
          %dma_wait3A_175 = arith.constant 0 : i32
          %dma_wait3A_176 = tpu.memref_slice %arg7[%add3A_67, %dma_wait3A_175] : memref<10000x128xf32, #tpu.memory_space<hbm>> -> memref<128x128xf32, #tpu.memory_space<hbm>>
          %dma_wait3A_177 = arith.constant 0 : i32
          %dma_wait3A_178 = tpu.memref_slice %arg7[%add3A_67, %dma_wait3A_177] : memref<10000x128xf32, #tpu.memory_space<hbm>> -> memref<128x128xf32, #tpu.memory_space<hbm>>
          %dma_wait3A_179 = arith.constant 0 : i32
          %dma_wait3A_180 = arith.constant 0 : i32
          %dma_wait3A_181 = tpu.memref_slice %arg13[%dma_wait3A_179, %dma_wait3A_180] : memref<128x128xf32, #tpu.memory_space<vmem>> -> memref<128x128xf32, #tpu.memory_space<vmem>>
          tpu.wait_dma2 semaphore(%run_scoped3A : memref<!tpu.dma_semaphore, #tpu.memory_space<semaphore_mem>>) src(%dma_wait3A_181 : memref<128x128xf32, #tpu.memory_space<vmem>>) dst(%dma_wait3A_178 : memref<128x128xf32, #tpu.memory_space<hbm>>)
          tpu.yield
        }) : () -> ()
      } else {
      }
      %eq3A_73 = arith.constant 1 : i32
      %eq3A_74 = arith.cmpi eq, %arg0, %eq3A_73 : i32
      %convert_element_type3A_75 = arith.extui %eq3A_74 : i1 to i32
      %cond3A_76 = arith.constant 0 : i32
      %cond3A_77 = arith.cmpi ne, %convert_element_type3A_75, %cond3A_76 : i32
      scf.if %cond3A_77 {
        "tpu.region"() ({
          %run_scoped3A = tpu.sem_alloc : memref<!tpu.dma_semaphore, #tpu.memory_space<semaphore_mem>>
          %dma_start3A_162 = arith.constant 0 : i32
          %dma_start3A_163 = arith.constant 0 : i32
          %dma_start3A_164 = tpu.memref_slice %arg13[%dma_start3A_162, %dma_start3A_163] : memref<128x128xf32, #tpu.memory_space<vmem>> -> memref<128x128xf32, #tpu.memory_space<vmem>>
          %dma_start3A_165 = arith.constant 0 : i32
          %dma_start3A_166 = tpu.memref_slice %arg8[%add3A_67, %dma_start3A_165] : memref<10000x128xf32, #tpu.memory_space<hbm>> -> memref<128x128xf32, #tpu.memory_space<hbm>>
          %dma_start3A_167 = arith.constant 0 : i32
          %dma_start3A_168 = tpu.memref_slice %arg8[%add3A_67, %dma_start3A_167] : memref<10000x128xf32, #tpu.memory_space<hbm>> -> memref<128x128xf32, #tpu.memory_space<hbm>>
          %dma_start3A_169 = arith.constant 0 : i32
          %dma_start3A_170 = arith.constant 0 : i32
          %dma_start3A_171 = tpu.memref_slice %arg13[%dma_start3A_169, %dma_start3A_170] : memref<128x128xf32, #tpu.memory_space<vmem>> -> memref<128x128xf32, #tpu.memory_space<vmem>>
          tpu.enqueue_dma source(%dma_start3A_171 : memref<128x128xf32, #tpu.memory_space<vmem>>) target(%dma_start3A_168 : memref<128x128xf32, #tpu.memory_space<hbm>>) target_semaphore(%run_scoped3A : memref<!tpu.dma_semaphore, #tpu.memory_space<semaphore_mem>>)
          %dma_wait3A_172 = arith.constant 0 : i32
          %dma_wait3A_173 = arith.constant 0 : i32
          %dma_wait3A_174 = tpu.memref_slice %arg13[%dma_wait3A_172, %dma_wait3A_173] : memref<128x128xf32, #tpu.memory_space<vmem>> -> memref<128x128xf32, #tpu.memory_space<vmem>>
          %dma_wait3A_175 = arith.constant 0 : i32
          %dma_wait3A_176 = tpu.memref_slice %arg8[%add3A_67, %dma_wait3A_175] : memref<10000x128xf32, #tpu.memory_space<hbm>> -> memref<128x128xf32, #tpu.memory_space<hbm>>
          %dma_wait3A_177 = arith.constant 0 : i32
          %dma_wait3A_178 = tpu.memref_slice %arg8[%add3A_67, %dma_wait3A_177] : memref<10000x128xf32, #tpu.memory_space<hbm>> -> memref<128x128xf32, #tpu.memory_space<hbm>>
          %dma_wait3A_179 = arith.constant 0 : i32
          %dma_wait3A_180 = arith.constant 0 : i32
          %dma_wait3A_181 = tpu.memref_slice %arg13[%dma_wait3A_179, %dma_wait3A_180] : memref<128x128xf32, #tpu.memory_space<vmem>> -> memref<128x128xf32, #tpu.memory_space<vmem>>
          tpu.wait_dma2 semaphore(%run_scoped3A : memref<!tpu.dma_semaphore, #tpu.memory_space<semaphore_mem>>) src(%dma_wait3A_181 : memref<128x128xf32, #tpu.memory_space<vmem>>) dst(%dma_wait3A_178 : memref<128x128xf32, #tpu.memory_space<hbm>>)
          tpu.yield
        }) : () -> ()
      } else {
      }
      %mul3A_78 = arith.constant 1000 : i32
      %mul3A_79 = arith.muli %arg1, %mul3A_78 : i32
      %add3A_80 = arith.constant 256 : i32
      %add3A_81 = arith.addi %mul3A_79, %add3A_80 : i32
      "tpu.region"() ({
        %run_scoped3A = tpu.sem_alloc : memref<!tpu.dma_semaphore, #tpu.memory_space<semaphore_mem>>
        %dma_start3A_162 = arith.constant 0 : i32
        %dma_start3A_163 = arith.constant 0 : i32
        %dma_start3A_164 = tpu.memref_slice %arg13[%dma_start3A_162, %dma_start3A_163] : memref<128x128xf32, #tpu.memory_space<vmem>> -> memref<128x128xf32, #tpu.memory_space<vmem>>
        %dma_start3A_165 = arith.constant 0 : i32
        %dma_start3A_166 = tpu.memref_slice %arg15[%add3A_81, %dma_start3A_165] : memref<10016x128xf32, #tpu.memory_space<vmem_shared>> -> memref<128x128xf32, #tpu.memory_space<vmem_shared>>
        %dma_start3A_167 = arith.constant 0 : i32
        %dma_start3A_168 = arith.constant 0 : i32
        %dma_start3A_169 = tpu.memref_slice %arg13[%dma_start3A_167, %dma_start3A_168] : memref<128x128xf32, #tpu.memory_space<vmem>> -> memref<128x128xf32, #tpu.memory_space<vmem>>
        %dma_start3A_170 = arith.constant 0 : i32
        %dma_start3A_171 = tpu.memref_slice %arg15[%add3A_81, %dma_start3A_170] : memref<10016x128xf32, #tpu.memory_space<vmem_shared>> -> memref<128x128xf32, #tpu.memory_space<vmem_shared>>
        tpu.enqueue_dma source(%dma_start3A_171 : memref<128x128xf32, #tpu.memory_space<vmem_shared>>) target(%dma_start3A_169 : memref<128x128xf32, #tpu.memory_space<vmem>>) target_semaphore(%run_scoped3A : memref<!tpu.dma_semaphore, #tpu.memory_space<semaphore_mem>>)
        %dma_wait3A_172 = arith.constant 0 : i32
        %dma_wait3A_173 = arith.constant 0 : i32
        %dma_wait3A_174 = tpu.memref_slice %arg13[%dma_wait3A_172, %dma_wait3A_173] : memref<128x128xf32, #tpu.memory_space<vmem>> -> memref<128x128xf32, #tpu.memory_space<vmem>>
        %dma_wait3A_175 = arith.constant 0 : i32
        %dma_wait3A_176 = tpu.memref_slice %arg15[%add3A_81, %dma_wait3A_175] : memref<10016x128xf32, #tpu.memory_space<vmem_shared>> -> memref<128x128xf32, #tpu.memory_space<vmem_shared>>
        %dma_wait3A_177 = arith.constant 0 : i32
        %dma_wait3A_178 = arith.constant 0 : i32
        %dma_wait3A_179 = tpu.memref_slice %arg13[%dma_wait3A_177, %dma_wait3A_178] : memref<128x128xf32, #tpu.memory_space<vmem>> -> memref<128x128xf32, #tpu.memory_space<vmem>>
        %dma_wait3A_180 = arith.constant 0 : i32
        %dma_wait3A_181 = tpu.memref_slice %arg15[%add3A_81, %dma_wait3A_180] : memref<10016x128xf32, #tpu.memory_space<vmem_shared>> -> memref<128x128xf32, #tpu.memory_space<vmem_shared>>
        tpu.wait_dma2 semaphore(%run_scoped3A : memref<!tpu.dma_semaphore, #tpu.memory_space<semaphore_mem>>) src(%dma_wait3A_181 : memref<128x128xf32, #tpu.memory_space<vmem_shared>>) dst(%dma_wait3A_179 : memref<128x128xf32, #tpu.memory_space<vmem>>)
        tpu.yield
      }) : () -> ()
      %eq3A_82 = arith.constant 0 : i32
      %eq3A_83 = arith.cmpi eq, %arg0, %eq3A_82 : i32
      %convert_element_type3A_84 = arith.extui %eq3A_83 : i1 to i32
      %cond3A_85 = arith.constant 0 : i32
      %cond3A_86 = arith.cmpi ne, %convert_element_type3A_84, %cond3A_85 : i32
      scf.if %cond3A_86 {
        "tpu.region"() ({
          %run_scoped3A = tpu.sem_alloc : memref<!tpu.dma_semaphore, #tpu.memory_space<semaphore_mem>>
          %dma_start3A_162 = arith.constant 0 : i32
          %dma_start3A_163 = arith.constant 0 : i32
          %dma_start3A_164 = tpu.memref_slice %arg13[%dma_start3A_162, %dma_start3A_163] : memref<128x128xf32, #tpu.memory_space<vmem>> -> memref<128x128xf32, #tpu.memory_space<vmem>>
          %dma_start3A_165 = arith.constant 0 : i32
          %dma_start3A_166 = tpu.memref_slice %arg7[%add3A_81, %dma_start3A_165] : memref<10000x128xf32, #tpu.memory_space<hbm>> -> memref<128x128xf32, #tpu.memory_space<hbm>>
          %dma_start3A_167 = arith.constant 0 : i32
          %dma_start3A_168 = tpu.memref_slice %arg7[%add3A_81, %dma_start3A_167] : memref<10000x128xf32, #tpu.memory_space<hbm>> -> memref<128x128xf32, #tpu.memory_space<hbm>>
          %dma_start3A_169 = arith.constant 0 : i32
          %dma_start3A_170 = arith.constant 0 : i32
          %dma_start3A_171 = tpu.memref_slice %arg13[%dma_start3A_169, %dma_start3A_170] : memref<128x128xf32, #tpu.memory_space<vmem>> -> memref<128x128xf32, #tpu.memory_space<vmem>>
          tpu.enqueue_dma source(%dma_start3A_171 : memref<128x128xf32, #tpu.memory_space<vmem>>) target(%dma_start3A_168 : memref<128x128xf32, #tpu.memory_space<hbm>>) target_semaphore(%run_scoped3A : memref<!tpu.dma_semaphore, #tpu.memory_space<semaphore_mem>>)
          %dma_wait3A_172 = arith.constant 0 : i32
          %dma_wait3A_173 = arith.constant 0 : i32
          %dma_wait3A_174 = tpu.memref_slice %arg13[%dma_wait3A_172, %dma_wait3A_173] : memref<128x128xf32, #tpu.memory_space<vmem>> -> memref<128x128xf32, #tpu.memory_space<vmem>>
          %dma_wait3A_175 = arith.constant 0 : i32
          %dma_wait3A_176 = tpu.memref_slice %arg7[%add3A_81, %dma_wait3A_175] : memref<10000x128xf32, #tpu.memory_space<hbm>> -> memref<128x128xf32, #tpu.memory_space<hbm>>
          %dma_wait3A_177 = arith.constant 0 : i32
          %dma_wait3A_178 = tpu.memref_slice %arg7[%add3A_81, %dma_wait3A_177] : memref<10000x128xf32, #tpu.memory_space<hbm>> -> memref<128x128xf32, #tpu.memory_space<hbm>>
          %dma_wait3A_179 = arith.constant 0 : i32
          %dma_wait3A_180 = arith.constant 0 : i32
          %dma_wait3A_181 = tpu.memref_slice %arg13[%dma_wait3A_179, %dma_wait3A_180] : memref<128x128xf32, #tpu.memory_space<vmem>> -> memref<128x128xf32, #tpu.memory_space<vmem>>
          tpu.wait_dma2 semaphore(%run_scoped3A : memref<!tpu.dma_semaphore, #tpu.memory_space<semaphore_mem>>) src(%dma_wait3A_181 : memref<128x128xf32, #tpu.memory_space<vmem>>) dst(%dma_wait3A_178 : memref<128x128xf32, #tpu.memory_space<hbm>>)
          tpu.yield
        }) : () -> ()
      } else {
      }
      %eq3A_87 = arith.constant 1 : i32
      %eq3A_88 = arith.cmpi eq, %arg0, %eq3A_87 : i32
      %convert_element_type3A_89 = arith.extui %eq3A_88 : i1 to i32
      %cond3A_90 = arith.constant 0 : i32
      %cond3A_91 = arith.cmpi ne, %convert_element_type3A_89, %cond3A_90 : i32
      scf.if %cond3A_91 {
        "tpu.region"() ({
          %run_scoped3A = tpu.sem_alloc : memref<!tpu.dma_semaphore, #tpu.memory_space<semaphore_mem>>
          %dma_start3A_162 = arith.constant 0 : i32
          %dma_start3A_163 = arith.constant 0 : i32
          %dma_start3A_164 = tpu.memref_slice %arg13[%dma_start3A_162, %dma_start3A_163] : memref<128x128xf32, #tpu.memory_space<vmem>> -> memref<128x128xf32, #tpu.memory_space<vmem>>
          %dma_start3A_165 = arith.constant 0 : i32
          %dma_start3A_166 = tpu.memref_slice %arg8[%add3A_81, %dma_start3A_165] : memref<10000x128xf32, #tpu.memory_space<hbm>> -> memref<128x128xf32, #tpu.memory_space<hbm>>
          %dma_start3A_167 = arith.constant 0 : i32
          %dma_start3A_168 = tpu.memref_slice %arg8[%add3A_81, %dma_start3A_167] : memref<10000x128xf32, #tpu.memory_space<hbm>> -> memref<128x128xf32, #tpu.memory_space<hbm>>
          %dma_start3A_169 = arith.constant 0 : i32
          %dma_start3A_170 = arith.constant 0 : i32
          %dma_start3A_171 = tpu.memref_slice %arg13[%dma_start3A_169, %dma_start3A_170] : memref<128x128xf32, #tpu.memory_space<vmem>> -> memref<128x128xf32, #tpu.memory_space<vmem>>
          tpu.enqueue_dma source(%dma_start3A_171 : memref<128x128xf32, #tpu.memory_space<vmem>>) target(%dma_start3A_168 : memref<128x128xf32, #tpu.memory_space<hbm>>) target_semaphore(%run_scoped3A : memref<!tpu.dma_semaphore, #tpu.memory_space<semaphore_mem>>)
          %dma_wait3A_172 = arith.constant 0 : i32
          %dma_wait3A_173 = arith.constant 0 : i32
          %dma_wait3A_174 = tpu.memref_slice %arg13[%dma_wait3A_172, %dma_wait3A_173] : memref<128x128xf32, #tpu.memory_space<vmem>> -> memref<128x128xf32, #tpu.memory_space<vmem>>
          %dma_wait3A_175 = arith.constant 0 : i32
          %dma_wait3A_176 = tpu.memref_slice %arg8[%add3A_81, %dma_wait3A_175] : memref<10000x128xf32, #tpu.memory_space<hbm>> -> memref<128x128xf32, #tpu.memory_space<hbm>>
          %dma_wait3A_177 = arith.constant 0 : i32
          %dma_wait3A_178 = tpu.memref_slice %arg8[%add3A_81, %dma_wait3A_177] : memref<10000x128xf32, #tpu.memory_space<hbm>> -> memref<128x128xf32, #tpu.memory_space<hbm>>
          %dma_wait3A_179 = arith.constant 0 : i32
          %dma_wait3A_180 = arith.constant 0 : i32
          %dma_wait3A_181 = tpu.memref_slice %arg13[%dma_wait3A_179, %dma_wait3A_180] : memref<128x128xf32, #tpu.memory_space<vmem>> -> memref<128x128xf32, #tpu.memory_space<vmem>>
          tpu.wait_dma2 semaphore(%run_scoped3A : memref<!tpu.dma_semaphore, #tpu.memory_space<semaphore_mem>>) src(%dma_wait3A_181 : memref<128x128xf32, #tpu.memory_space<vmem>>) dst(%dma_wait3A_178 : memref<128x128xf32, #tpu.memory_space<hbm>>)
          tpu.yield
        }) : () -> ()
      } else {
      }
      %mul3A_92 = arith.constant 1000 : i32
      %mul3A_93 = arith.muli %arg1, %mul3A_92 : i32
      %add3A_94 = arith.constant 384 : i32
      %add3A_95 = arith.addi %mul3A_93, %add3A_94 : i32
      "tpu.region"() ({
        %run_scoped3A = tpu.sem_alloc : memref<!tpu.dma_semaphore, #tpu.memory_space<semaphore_mem>>
        %dma_start3A_162 = arith.constant 0 : i32
        %dma_start3A_163 = arith.constant 0 : i32
        %dma_start3A_164 = tpu.memref_slice %arg13[%dma_start3A_162, %dma_start3A_163] : memref<128x128xf32, #tpu.memory_space<vmem>> -> memref<128x128xf32, #tpu.memory_space<vmem>>
        %dma_start3A_165 = arith.constant 0 : i32
        %dma_start3A_166 = tpu.memref_slice %arg15[%add3A_95, %dma_start3A_165] : memref<10016x128xf32, #tpu.memory_space<vmem_shared>> -> memref<128x128xf32, #tpu.memory_space<vmem_shared>>
        %dma_start3A_167 = arith.constant 0 : i32
        %dma_start3A_168 = arith.constant 0 : i32
        %dma_start3A_169 = tpu.memref_slice %arg13[%dma_start3A_167, %dma_start3A_168] : memref<128x128xf32, #tpu.memory_space<vmem>> -> memref<128x128xf32, #tpu.memory_space<vmem>>
        %dma_start3A_170 = arith.constant 0 : i32
        %dma_start3A_171 = tpu.memref_slice %arg15[%add3A_95, %dma_start3A_170] : memref<10016x128xf32, #tpu.memory_space<vmem_shared>> -> memref<128x128xf32, #tpu.memory_space<vmem_shared>>
        tpu.enqueue_dma source(%dma_start3A_171 : memref<128x128xf32, #tpu.memory_space<vmem_shared>>) target(%dma_start3A_169 : memref<128x128xf32, #tpu.memory_space<vmem>>) target_semaphore(%run_scoped3A : memref<!tpu.dma_semaphore, #tpu.memory_space<semaphore_mem>>)
        %dma_wait3A_172 = arith.constant 0 : i32
        %dma_wait3A_173 = arith.constant 0 : i32
        %dma_wait3A_174 = tpu.memref_slice %arg13[%dma_wait3A_172, %dma_wait3A_173] : memref<128x128xf32, #tpu.memory_space<vmem>> -> memref<128x128xf32, #tpu.memory_space<vmem>>
        %dma_wait3A_175 = arith.constant 0 : i32
        %dma_wait3A_176 = tpu.memref_slice %arg15[%add3A_95, %dma_wait3A_175] : memref<10016x128xf32, #tpu.memory_space<vmem_shared>> -> memref<128x128xf32, #tpu.memory_space<vmem_shared>>
        %dma_wait3A_177 = arith.constant 0 : i32
        %dma_wait3A_178 = arith.constant 0 : i32
        %dma_wait3A_179 = tpu.memref_slice %arg13[%dma_wait3A_177, %dma_wait3A_178] : memref<128x128xf32, #tpu.memory_space<vmem>> -> memref<128x128xf32, #tpu.memory_space<vmem>>
        %dma_wait3A_180 = arith.constant 0 : i32
        %dma_wait3A_181 = tpu.memref_slice %arg15[%add3A_95, %dma_wait3A_180] : memref<10016x128xf32, #tpu.memory_space<vmem_shared>> -> memref<128x128xf32, #tpu.memory_space<vmem_shared>>
        tpu.wait_dma2 semaphore(%run_scoped3A : memref<!tpu.dma_semaphore, #tpu.memory_space<semaphore_mem>>) src(%dma_wait3A_181 : memref<128x128xf32, #tpu.memory_space<vmem_shared>>) dst(%dma_wait3A_179 : memref<128x128xf32, #tpu.memory_space<vmem>>)
        tpu.yield
      }) : () -> ()
      %eq3A_96 = arith.constant 0 : i32
      %eq3A_97 = arith.cmpi eq, %arg0, %eq3A_96 : i32
      %convert_element_type3A_98 = arith.extui %eq3A_97 : i1 to i32
      %cond3A_99 = arith.constant 0 : i32
      %cond3A_100 = arith.cmpi ne, %convert_element_type3A_98, %cond3A_99 : i32
      scf.if %cond3A_100 {
        "tpu.region"() ({
          %run_scoped3A = tpu.sem_alloc : memref<!tpu.dma_semaphore, #tpu.memory_space<semaphore_mem>>
          %dma_start3A_162 = arith.constant 0 : i32
          %dma_start3A_163 = arith.constant 0 : i32
          %dma_start3A_164 = tpu.memref_slice %arg13[%dma_start3A_162, %dma_start3A_163] : memref<128x128xf32, #tpu.memory_space<vmem>> -> memref<128x128xf32, #tpu.memory_space<vmem>>
          %dma_start3A_165 = arith.constant 0 : i32
          %dma_start3A_166 = tpu.memref_slice %arg7[%add3A_95, %dma_start3A_165] : memref<10000x128xf32, #tpu.memory_space<hbm>> -> memref<128x128xf32, #tpu.memory_space<hbm>>
          %dma_start3A_167 = arith.constant 0 : i32
          %dma_start3A_168 = tpu.memref_slice %arg7[%add3A_95, %dma_start3A_167] : memref<10000x128xf32, #tpu.memory_space<hbm>> -> memref<128x128xf32, #tpu.memory_space<hbm>>
          %dma_start3A_169 = arith.constant 0 : i32
          %dma_start3A_170 = arith.constant 0 : i32
          %dma_start3A_171 = tpu.memref_slice %arg13[%dma_start3A_169, %dma_start3A_170] : memref<128x128xf32, #tpu.memory_space<vmem>> -> memref<128x128xf32, #tpu.memory_space<vmem>>
          tpu.enqueue_dma source(%dma_start3A_171 : memref<128x128xf32, #tpu.memory_space<vmem>>) target(%dma_start3A_168 : memref<128x128xf32, #tpu.memory_space<hbm>>) target_semaphore(%run_scoped3A : memref<!tpu.dma_semaphore, #tpu.memory_space<semaphore_mem>>)
          %dma_wait3A_172 = arith.constant 0 : i32
          %dma_wait3A_173 = arith.constant 0 : i32
          %dma_wait3A_174 = tpu.memref_slice %arg13[%dma_wait3A_172, %dma_wait3A_173] : memref<128x128xf32, #tpu.memory_space<vmem>> -> memref<128x128xf32, #tpu.memory_space<vmem>>
          %dma_wait3A_175 = arith.constant 0 : i32
          %dma_wait3A_176 = tpu.memref_slice %arg7[%add3A_95, %dma_wait3A_175] : memref<10000x128xf32, #tpu.memory_space<hbm>> -> memref<128x128xf32, #tpu.memory_space<hbm>>
          %dma_wait3A_177 = arith.constant 0 : i32
          %dma_wait3A_178 = tpu.memref_slice %arg7[%add3A_95, %dma_wait3A_177] : memref<10000x128xf32, #tpu.memory_space<hbm>> -> memref<128x128xf32, #tpu.memory_space<hbm>>
          %dma_wait3A_179 = arith.constant 0 : i32
          %dma_wait3A_180 = arith.constant 0 : i32
          %dma_wait3A_181 = tpu.memref_slice %arg13[%dma_wait3A_179, %dma_wait3A_180] : memref<128x128xf32, #tpu.memory_space<vmem>> -> memref<128x128xf32, #tpu.memory_space<vmem>>
          tpu.wait_dma2 semaphore(%run_scoped3A : memref<!tpu.dma_semaphore, #tpu.memory_space<semaphore_mem>>) src(%dma_wait3A_181 : memref<128x128xf32, #tpu.memory_space<vmem>>) dst(%dma_wait3A_178 : memref<128x128xf32, #tpu.memory_space<hbm>>)
          tpu.yield
        }) : () -> ()
      } else {
      }
      %eq3A_101 = arith.constant 1 : i32
      %eq3A_102 = arith.cmpi eq, %arg0, %eq3A_101 : i32
      %convert_element_type3A_103 = arith.extui %eq3A_102 : i1 to i32
      %cond3A_104 = arith.constant 0 : i32
      %cond3A_105 = arith.cmpi ne, %convert_element_type3A_103, %cond3A_104 : i32
      scf.if %cond3A_105 {
        "tpu.region"() ({
          %run_scoped3A = tpu.sem_alloc : memref<!tpu.dma_semaphore, #tpu.memory_space<semaphore_mem>>
          %dma_start3A_162 = arith.constant 0 : i32
          %dma_start3A_163 = arith.constant 0 : i32
          %dma_start3A_164 = tpu.memref_slice %arg13[%dma_start3A_162, %dma_start3A_163] : memref<128x128xf32, #tpu.memory_space<vmem>> -> memref<128x128xf32, #tpu.memory_space<vmem>>
          %dma_start3A_165 = arith.constant 0 : i32
          %dma_start3A_166 = tpu.memref_slice %arg8[%add3A_95, %dma_start3A_165] : memref<10000x128xf32, #tpu.memory_space<hbm>> -> memref<128x128xf32, #tpu.memory_space<hbm>>
          %dma_start3A_167 = arith.constant 0 : i32
          %dma_start3A_168 = tpu.memref_slice %arg8[%add3A_95, %dma_start3A_167] : memref<10000x128xf32, #tpu.memory_space<hbm>> -> memref<128x128xf32, #tpu.memory_space<hbm>>
          %dma_start3A_169 = arith.constant 0 : i32
          %dma_start3A_170 = arith.constant 0 : i32
          %dma_start3A_171 = tpu.memref_slice %arg13[%dma_start3A_169, %dma_start3A_170] : memref<128x128xf32, #tpu.memory_space<vmem>> -> memref<128x128xf32, #tpu.memory_space<vmem>>
          tpu.enqueue_dma source(%dma_start3A_171 : memref<128x128xf32, #tpu.memory_space<vmem>>) target(%dma_start3A_168 : memref<128x128xf32, #tpu.memory_space<hbm>>) target_semaphore(%run_scoped3A : memref<!tpu.dma_semaphore, #tpu.memory_space<semaphore_mem>>)
          %dma_wait3A_172 = arith.constant 0 : i32
          %dma_wait3A_173 = arith.constant 0 : i32
          %dma_wait3A_174 = tpu.memref_slice %arg13[%dma_wait3A_172, %dma_wait3A_173] : memref<128x128xf32, #tpu.memory_space<vmem>> -> memref<128x128xf32, #tpu.memory_space<vmem>>
          %dma_wait3A_175 = arith.constant 0 : i32
          %dma_wait3A_176 = tpu.memref_slice %arg8[%add3A_95, %dma_wait3A_175] : memref<10000x128xf32, #tpu.memory_space<hbm>> -> memref<128x128xf32, #tpu.memory_space<hbm>>
          %dma_wait3A_177 = arith.constant 0 : i32
          %dma_wait3A_178 = tpu.memref_slice %arg8[%add3A_95, %dma_wait3A_177] : memref<10000x128xf32, #tpu.memory_space<hbm>> -> memref<128x128xf32, #tpu.memory_space<hbm>>
          %dma_wait3A_179 = arith.constant 0 : i32
          %dma_wait3A_180 = arith.constant 0 : i32
          %dma_wait3A_181 = tpu.memref_slice %arg13[%dma_wait3A_179, %dma_wait3A_180] : memref<128x128xf32, #tpu.memory_space<vmem>> -> memref<128x128xf32, #tpu.memory_space<vmem>>
          tpu.wait_dma2 semaphore(%run_scoped3A : memref<!tpu.dma_semaphore, #tpu.memory_space<semaphore_mem>>) src(%dma_wait3A_181 : memref<128x128xf32, #tpu.memory_space<vmem>>) dst(%dma_wait3A_178 : memref<128x128xf32, #tpu.memory_space<hbm>>)
          tpu.yield
        }) : () -> ()
      } else {
      }
      %mul3A_106 = arith.constant 1000 : i32
      %mul3A_107 = arith.muli %arg1, %mul3A_106 : i32
      %add3A_108 = arith.constant 512 : i32
      %add3A_109 = arith.addi %mul3A_107, %add3A_108 : i32
      "tpu.region"() ({
        %run_scoped3A = tpu.sem_alloc : memref<!tpu.dma_semaphore, #tpu.memory_space<semaphore_mem>>
        %dma_start3A_162 = arith.constant 0 : i32
        %dma_start3A_163 = arith.constant 0 : i32
        %dma_start3A_164 = tpu.memref_slice %arg13[%dma_start3A_162, %dma_start3A_163] : memref<128x128xf32, #tpu.memory_space<vmem>> -> memref<128x128xf32, #tpu.memory_space<vmem>>
        %dma_start3A_165 = arith.constant 0 : i32
        %dma_start3A_166 = tpu.memref_slice %arg15[%add3A_109, %dma_start3A_165] : memref<10016x128xf32, #tpu.memory_space<vmem_shared>> -> memref<128x128xf32, #tpu.memory_space<vmem_shared>>
        %dma_start3A_167 = arith.constant 0 : i32
        %dma_start3A_168 = arith.constant 0 : i32
        %dma_start3A_169 = tpu.memref_slice %arg13[%dma_start3A_167, %dma_start3A_168] : memref<128x128xf32, #tpu.memory_space<vmem>> -> memref<128x128xf32, #tpu.memory_space<vmem>>
        %dma_start3A_170 = arith.constant 0 : i32
        %dma_start3A_171 = tpu.memref_slice %arg15[%add3A_109, %dma_start3A_170] : memref<10016x128xf32, #tpu.memory_space<vmem_shared>> -> memref<128x128xf32, #tpu.memory_space<vmem_shared>>
        tpu.enqueue_dma source(%dma_start3A_171 : memref<128x128xf32, #tpu.memory_space<vmem_shared>>) target(%dma_start3A_169 : memref<128x128xf32, #tpu.memory_space<vmem>>) target_semaphore(%run_scoped3A : memref<!tpu.dma_semaphore, #tpu.memory_space<semaphore_mem>>)
        %dma_wait3A_172 = arith.constant 0 : i32
        %dma_wait3A_173 = arith.constant 0 : i32
        %dma_wait3A_174 = tpu.memref_slice %arg13[%dma_wait3A_172, %dma_wait3A_173] : memref<128x128xf32, #tpu.memory_space<vmem>> -> memref<128x128xf32, #tpu.memory_space<vmem>>
        %dma_wait3A_175 = arith.constant 0 : i32
        %dma_wait3A_176 = tpu.memref_slice %arg15[%add3A_109, %dma_wait3A_175] : memref<10016x128xf32, #tpu.memory_space<vmem_shared>> -> memref<128x128xf32, #tpu.memory_space<vmem_shared>>
        %dma_wait3A_177 = arith.constant 0 : i32
        %dma_wait3A_178 = arith.constant 0 : i32
        %dma_wait3A_179 = tpu.memref_slice %arg13[%dma_wait3A_177, %dma_wait3A_178] : memref<128x128xf32, #tpu.memory_space<vmem>> -> memref<128x128xf32, #tpu.memory_space<vmem>>
        %dma_wait3A_180 = arith.constant 0 : i32
        %dma_wait3A_181 = tpu.memref_slice %arg15[%add3A_109, %dma_wait3A_180] : memref<10016x128xf32, #tpu.memory_space<vmem_shared>> -> memref<128x128xf32, #tpu.memory_space<vmem_shared>>
        tpu.wait_dma2 semaphore(%run_scoped3A : memref<!tpu.dma_semaphore, #tpu.memory_space<semaphore_mem>>) src(%dma_wait3A_181 : memref<128x128xf32, #tpu.memory_space<vmem_shared>>) dst(%dma_wait3A_179 : memref<128x128xf32, #tpu.memory_space<vmem>>)
        tpu.yield
      }) : () -> ()
      %eq3A_110 = arith.constant 0 : i32
      %eq3A_111 = arith.cmpi eq, %arg0, %eq3A_110 : i32
      %convert_element_type3A_112 = arith.extui %eq3A_111 : i1 to i32
      %cond3A_113 = arith.constant 0 : i32
      %cond3A_114 = arith.cmpi ne, %convert_element_type3A_112, %cond3A_113 : i32
      scf.if %cond3A_114 {
        "tpu.region"() ({
          %run_scoped3A = tpu.sem_alloc : memref<!tpu.dma_semaphore, #tpu.memory_space<semaphore_mem>>
          %dma_start3A_162 = arith.constant 0 : i32
          %dma_start3A_163 = arith.constant 0 : i32
          %dma_start3A_164 = tpu.memref_slice %arg13[%dma_start3A_162, %dma_start3A_163] : memref<128x128xf32, #tpu.memory_space<vmem>> -> memref<128x128xf32, #tpu.memory_space<vmem>>
          %dma_start3A_165 = arith.constant 0 : i32
          %dma_start3A_166 = tpu.memref_slice %arg7[%add3A_109, %dma_start3A_165] : memref<10000x128xf32, #tpu.memory_space<hbm>> -> memref<128x128xf32, #tpu.memory_space<hbm>>
          %dma_start3A_167 = arith.constant 0 : i32
          %dma_start3A_168 = tpu.memref_slice %arg7[%add3A_109, %dma_start3A_167] : memref<10000x128xf32, #tpu.memory_space<hbm>> -> memref<128x128xf32, #tpu.memory_space<hbm>>
          %dma_start3A_169 = arith.constant 0 : i32
          %dma_start3A_170 = arith.constant 0 : i32
          %dma_start3A_171 = tpu.memref_slice %arg13[%dma_start3A_169, %dma_start3A_170] : memref<128x128xf32, #tpu.memory_space<vmem>> -> memref<128x128xf32, #tpu.memory_space<vmem>>
          tpu.enqueue_dma source(%dma_start3A_171 : memref<128x128xf32, #tpu.memory_space<vmem>>) target(%dma_start3A_168 : memref<128x128xf32, #tpu.memory_space<hbm>>) target_semaphore(%run_scoped3A : memref<!tpu.dma_semaphore, #tpu.memory_space<semaphore_mem>>)
          %dma_wait3A_172 = arith.constant 0 : i32
          %dma_wait3A_173 = arith.constant 0 : i32
          %dma_wait3A_174 = tpu.memref_slice %arg13[%dma_wait3A_172, %dma_wait3A_173] : memref<128x128xf32, #tpu.memory_space<vmem>> -> memref<128x128xf32, #tpu.memory_space<vmem>>
          %dma_wait3A_175 = arith.constant 0 : i32
          %dma_wait3A_176 = tpu.memref_slice %arg7[%add3A_109, %dma_wait3A_175] : memref<10000x128xf32, #tpu.memory_space<hbm>> -> memref<128x128xf32, #tpu.memory_space<hbm>>
          %dma_wait3A_177 = arith.constant 0 : i32
          %dma_wait3A_178 = tpu.memref_slice %arg7[%add3A_109, %dma_wait3A_177] : memref<10000x128xf32, #tpu.memory_space<hbm>> -> memref<128x128xf32, #tpu.memory_space<hbm>>
          %dma_wait3A_179 = arith.constant 0 : i32
          %dma_wait3A_180 = arith.constant 0 : i32
          %dma_wait3A_181 = tpu.memref_slice %arg13[%dma_wait3A_179, %dma_wait3A_180] : memref<128x128xf32, #tpu.memory_space<vmem>> -> memref<128x128xf32, #tpu.memory_space<vmem>>
          tpu.wait_dma2 semaphore(%run_scoped3A : memref<!tpu.dma_semaphore, #tpu.memory_space<semaphore_mem>>) src(%dma_wait3A_181 : memref<128x128xf32, #tpu.memory_space<vmem>>) dst(%dma_wait3A_178 : memref<128x128xf32, #tpu.memory_space<hbm>>)
          tpu.yield
        }) : () -> ()
      } else {
      }
      %eq3A_115 = arith.constant 1 : i32
      %eq3A_116 = arith.cmpi eq, %arg0, %eq3A_115 : i32
      %convert_element_type3A_117 = arith.extui %eq3A_116 : i1 to i32
      %cond3A_118 = arith.constant 0 : i32
      %cond3A_119 = arith.cmpi ne, %convert_element_type3A_117, %cond3A_118 : i32
      scf.if %cond3A_119 {
        "tpu.region"() ({
          %run_scoped3A = tpu.sem_alloc : memref<!tpu.dma_semaphore, #tpu.memory_space<semaphore_mem>>
          %dma_start3A_162 = arith.constant 0 : i32
          %dma_start3A_163 = arith.constant 0 : i32
          %dma_start3A_164 = tpu.memref_slice %arg13[%dma_start3A_162, %dma_start3A_163] : memref<128x128xf32, #tpu.memory_space<vmem>> -> memref<128x128xf32, #tpu.memory_space<vmem>>
          %dma_start3A_165 = arith.constant 0 : i32
          %dma_start3A_166 = tpu.memref_slice %arg8[%add3A_109, %dma_start3A_165] : memref<10000x128xf32, #tpu.memory_space<hbm>> -> memref<128x128xf32, #tpu.memory_space<hbm>>
          %dma_start3A_167 = arith.constant 0 : i32
          %dma_start3A_168 = tpu.memref_slice %arg8[%add3A_109, %dma_start3A_167] : memref<10000x128xf32, #tpu.memory_space<hbm>> -> memref<128x128xf32, #tpu.memory_space<hbm>>
          %dma_start3A_169 = arith.constant 0 : i32
          %dma_start3A_170 = arith.constant 0 : i32
          %dma_start3A_171 = tpu.memref_slice %arg13[%dma_start3A_169, %dma_start3A_170] : memref<128x128xf32, #tpu.memory_space<vmem>> -> memref<128x128xf32, #tpu.memory_space<vmem>>
          tpu.enqueue_dma source(%dma_start3A_171 : memref<128x128xf32, #tpu.memory_space<vmem>>) target(%dma_start3A_168 : memref<128x128xf32, #tpu.memory_space<hbm>>) target_semaphore(%run_scoped3A : memref<!tpu.dma_semaphore, #tpu.memory_space<semaphore_mem>>)
          %dma_wait3A_172 = arith.constant 0 : i32
          %dma_wait3A_173 = arith.constant 0 : i32
          %dma_wait3A_174 = tpu.memref_slice %arg13[%dma_wait3A_172, %dma_wait3A_173] : memref<128x128xf32, #tpu.memory_space<vmem>> -> memref<128x128xf32, #tpu.memory_space<vmem>>
          %dma_wait3A_175 = arith.constant 0 : i32
          %dma_wait3A_176 = tpu.memref_slice %arg8[%add3A_109, %dma_wait3A_175] : memref<10000x128xf32, #tpu.memory_space<hbm>> -> memref<128x128xf32, #tpu.memory_space<hbm>>
          %dma_wait3A_177 = arith.constant 0 : i32
          %dma_wait3A_178 = tpu.memref_slice %arg8[%add3A_109, %dma_wait3A_177] : memref<10000x128xf32, #tpu.memory_space<hbm>> -> memref<128x128xf32, #tpu.memory_space<hbm>>
          %dma_wait3A_179 = arith.constant 0 : i32
          %dma_wait3A_180 = arith.constant 0 : i32
          %dma_wait3A_181 = tpu.memref_slice %arg13[%dma_wait3A_179, %dma_wait3A_180] : memref<128x128xf32, #tpu.memory_space<vmem>> -> memref<128x128xf32, #tpu.memory_space<vmem>>
          tpu.wait_dma2 semaphore(%run_scoped3A : memref<!tpu.dma_semaphore, #tpu.memory_space<semaphore_mem>>) src(%dma_wait3A_181 : memref<128x128xf32, #tpu.memory_space<vmem>>) dst(%dma_wait3A_178 : memref<128x128xf32, #tpu.memory_space<hbm>>)
          tpu.yield
        }) : () -> ()
      } else {
      }
      %mul3A_120 = arith.constant 1000 : i32
      %mul3A_121 = arith.muli %arg1, %mul3A_120 : i32
      %add3A_122 = arith.constant 640 : i32
      %add3A_123 = arith.addi %mul3A_121, %add3A_122 : i32
      "tpu.region"() ({
        %run_scoped3A = tpu.sem_alloc : memref<!tpu.dma_semaphore, #tpu.memory_space<semaphore_mem>>
        %dma_start3A_162 = arith.constant 0 : i32
        %dma_start3A_163 = arith.constant 0 : i32
        %dma_start3A_164 = tpu.memref_slice %arg13[%dma_start3A_162, %dma_start3A_163] : memref<128x128xf32, #tpu.memory_space<vmem>> -> memref<128x128xf32, #tpu.memory_space<vmem>>
        %dma_start3A_165 = arith.constant 0 : i32
        %dma_start3A_166 = tpu.memref_slice %arg15[%add3A_123, %dma_start3A_165] : memref<10016x128xf32, #tpu.memory_space<vmem_shared>> -> memref<128x128xf32, #tpu.memory_space<vmem_shared>>
        %dma_start3A_167 = arith.constant 0 : i32
        %dma_start3A_168 = arith.constant 0 : i32
        %dma_start3A_169 = tpu.memref_slice %arg13[%dma_start3A_167, %dma_start3A_168] : memref<128x128xf32, #tpu.memory_space<vmem>> -> memref<128x128xf32, #tpu.memory_space<vmem>>
        %dma_start3A_170 = arith.constant 0 : i32
        %dma_start3A_171 = tpu.memref_slice %arg15[%add3A_123, %dma_start3A_170] : memref<10016x128xf32, #tpu.memory_space<vmem_shared>> -> memref<128x128xf32, #tpu.memory_space<vmem_shared>>
        tpu.enqueue_dma source(%dma_start3A_171 : memref<128x128xf32, #tpu.memory_space<vmem_shared>>) target(%dma_start3A_169 : memref<128x128xf32, #tpu.memory_space<vmem>>) target_semaphore(%run_scoped3A : memref<!tpu.dma_semaphore, #tpu.memory_space<semaphore_mem>>)
        %dma_wait3A_172 = arith.constant 0 : i32
        %dma_wait3A_173 = arith.constant 0 : i32
        %dma_wait3A_174 = tpu.memref_slice %arg13[%dma_wait3A_172, %dma_wait3A_173] : memref<128x128xf32, #tpu.memory_space<vmem>> -> memref<128x128xf32, #tpu.memory_space<vmem>>
        %dma_wait3A_175 = arith.constant 0 : i32
        %dma_wait3A_176 = tpu.memref_slice %arg15[%add3A_123, %dma_wait3A_175] : memref<10016x128xf32, #tpu.memory_space<vmem_shared>> -> memref<128x128xf32, #tpu.memory_space<vmem_shared>>
        %dma_wait3A_177 = arith.constant 0 : i32
        %dma_wait3A_178 = arith.constant 0 : i32
        %dma_wait3A_179 = tpu.memref_slice %arg13[%dma_wait3A_177, %dma_wait3A_178] : memref<128x128xf32, #tpu.memory_space<vmem>> -> memref<128x128xf32, #tpu.memory_space<vmem>>
        %dma_wait3A_180 = arith.constant 0 : i32
        %dma_wait3A_181 = tpu.memref_slice %arg15[%add3A_123, %dma_wait3A_180] : memref<10016x128xf32, #tpu.memory_space<vmem_shared>> -> memref<128x128xf32, #tpu.memory_space<vmem_shared>>
        tpu.wait_dma2 semaphore(%run_scoped3A : memref<!tpu.dma_semaphore, #tpu.memory_space<semaphore_mem>>) src(%dma_wait3A_181 : memref<128x128xf32, #tpu.memory_space<vmem_shared>>) dst(%dma_wait3A_179 : memref<128x128xf32, #tpu.memory_space<vmem>>)
        tpu.yield
      }) : () -> ()
      %eq3A_124 = arith.constant 0 : i32
      %eq3A_125 = arith.cmpi eq, %arg0, %eq3A_124 : i32
      %convert_element_type3A_126 = arith.extui %eq3A_125 : i1 to i32
      %cond3A_127 = arith.constant 0 : i32
      %cond3A_128 = arith.cmpi ne, %convert_element_type3A_126, %cond3A_127 : i32
      scf.if %cond3A_128 {
        "tpu.region"() ({
          %run_scoped3A = tpu.sem_alloc : memref<!tpu.dma_semaphore, #tpu.memory_space<semaphore_mem>>
          %dma_start3A_162 = arith.constant 0 : i32
          %dma_start3A_163 = arith.constant 0 : i32
          %dma_start3A_164 = tpu.memref_slice %arg13[%dma_start3A_162, %dma_start3A_163] : memref<128x128xf32, #tpu.memory_space<vmem>> -> memref<128x128xf32, #tpu.memory_space<vmem>>
          %dma_start3A_165 = arith.constant 0 : i32
          %dma_start3A_166 = tpu.memref_slice %arg7[%add3A_123, %dma_start3A_165] : memref<10000x128xf32, #tpu.memory_space<hbm>> -> memref<128x128xf32, #tpu.memory_space<hbm>>
          %dma_start3A_167 = arith.constant 0 : i32
          %dma_start3A_168 = tpu.memref_slice %arg7[%add3A_123, %dma_start3A_167] : memref<10000x128xf32, #tpu.memory_space<hbm>> -> memref<128x128xf32, #tpu.memory_space<hbm>>
          %dma_start3A_169 = arith.constant 0 : i32
          %dma_start3A_170 = arith.constant 0 : i32
          %dma_start3A_171 = tpu.memref_slice %arg13[%dma_start3A_169, %dma_start3A_170] : memref<128x128xf32, #tpu.memory_space<vmem>> -> memref<128x128xf32, #tpu.memory_space<vmem>>
          tpu.enqueue_dma source(%dma_start3A_171 : memref<128x128xf32, #tpu.memory_space<vmem>>) target(%dma_start3A_168 : memref<128x128xf32, #tpu.memory_space<hbm>>) target_semaphore(%run_scoped3A : memref<!tpu.dma_semaphore, #tpu.memory_space<semaphore_mem>>)
          %dma_wait3A_172 = arith.constant 0 : i32
          %dma_wait3A_173 = arith.constant 0 : i32
          %dma_wait3A_174 = tpu.memref_slice %arg13[%dma_wait3A_172, %dma_wait3A_173] : memref<128x128xf32, #tpu.memory_space<vmem>> -> memref<128x128xf32, #tpu.memory_space<vmem>>
          %dma_wait3A_175 = arith.constant 0 : i32
          %dma_wait3A_176 = tpu.memref_slice %arg7[%add3A_123, %dma_wait3A_175] : memref<10000x128xf32, #tpu.memory_space<hbm>> -> memref<128x128xf32, #tpu.memory_space<hbm>>
          %dma_wait3A_177 = arith.constant 0 : i32
          %dma_wait3A_178 = tpu.memref_slice %arg7[%add3A_123, %dma_wait3A_177] : memref<10000x128xf32, #tpu.memory_space<hbm>> -> memref<128x128xf32, #tpu.memory_space<hbm>>
          %dma_wait3A_179 = arith.constant 0 : i32
          %dma_wait3A_180 = arith.constant 0 : i32
          %dma_wait3A_181 = tpu.memref_slice %arg13[%dma_wait3A_179, %dma_wait3A_180] : memref<128x128xf32, #tpu.memory_space<vmem>> -> memref<128x128xf32, #tpu.memory_space<vmem>>
          tpu.wait_dma2 semaphore(%run_scoped3A : memref<!tpu.dma_semaphore, #tpu.memory_space<semaphore_mem>>) src(%dma_wait3A_181 : memref<128x128xf32, #tpu.memory_space<vmem>>) dst(%dma_wait3A_178 : memref<128x128xf32, #tpu.memory_space<hbm>>)
          tpu.yield
        }) : () -> ()
      } else {
      }
      %eq3A_129 = arith.constant 1 : i32
      %eq3A_130 = arith.cmpi eq, %arg0, %eq3A_129 : i32
      %convert_element_type3A_131 = arith.extui %eq3A_130 : i1 to i32
      %cond3A_132 = arith.constant 0 : i32
      %cond3A_133 = arith.cmpi ne, %convert_element_type3A_131, %cond3A_132 : i32
      scf.if %cond3A_133 {
        "tpu.region"() ({
          %run_scoped3A = tpu.sem_alloc : memref<!tpu.dma_semaphore, #tpu.memory_space<semaphore_mem>>
          %dma_start3A_162 = arith.constant 0 : i32
          %dma_start3A_163 = arith.constant 0 : i32
          %dma_start3A_164 = tpu.memref_slice %arg13[%dma_start3A_162, %dma_start3A_163] : memref<128x128xf32, #tpu.memory_space<vmem>> -> memref<128x128xf32, #tpu.memory_space<vmem>>
          %dma_start3A_165 = arith.constant 0 : i32
          %dma_start3A_166 = tpu.memref_slice %arg8[%add3A_123, %dma_start3A_165] : memref<10000x128xf32, #tpu.memory_space<hbm>> -> memref<128x128xf32, #tpu.memory_space<hbm>>
          %dma_start3A_167 = arith.constant 0 : i32
          %dma_start3A_168 = tpu.memref_slice %arg8[%add3A_123, %dma_start3A_167] : memref<10000x128xf32, #tpu.memory_space<hbm>> -> memref<128x128xf32, #tpu.memory_space<hbm>>
          %dma_start3A_169 = arith.constant 0 : i32
          %dma_start3A_170 = arith.constant 0 : i32
          %dma_start3A_171 = tpu.memref_slice %arg13[%dma_start3A_169, %dma_start3A_170] : memref<128x128xf32, #tpu.memory_space<vmem>> -> memref<128x128xf32, #tpu.memory_space<vmem>>
          tpu.enqueue_dma source(%dma_start3A_171 : memref<128x128xf32, #tpu.memory_space<vmem>>) target(%dma_start3A_168 : memref<128x128xf32, #tpu.memory_space<hbm>>) target_semaphore(%run_scoped3A : memref<!tpu.dma_semaphore, #tpu.memory_space<semaphore_mem>>)
          %dma_wait3A_172 = arith.constant 0 : i32
          %dma_wait3A_173 = arith.constant 0 : i32
          %dma_wait3A_174 = tpu.memref_slice %arg13[%dma_wait3A_172, %dma_wait3A_173] : memref<128x128xf32, #tpu.memory_space<vmem>> -> memref<128x128xf32, #tpu.memory_space<vmem>>
          %dma_wait3A_175 = arith.constant 0 : i32
          %dma_wait3A_176 = tpu.memref_slice %arg8[%add3A_123, %dma_wait3A_175] : memref<10000x128xf32, #tpu.memory_space<hbm>> -> memref<128x128xf32, #tpu.memory_space<hbm>>
          %dma_wait3A_177 = arith.constant 0 : i32
          %dma_wait3A_178 = tpu.memref_slice %arg8[%add3A_123, %dma_wait3A_177] : memref<10000x128xf32, #tpu.memory_space<hbm>> -> memref<128x128xf32, #tpu.memory_space<hbm>>
          %dma_wait3A_179 = arith.constant 0 : i32
          %dma_wait3A_180 = arith.constant 0 : i32
          %dma_wait3A_181 = tpu.memref_slice %arg13[%dma_wait3A_179, %dma_wait3A_180] : memref<128x128xf32, #tpu.memory_space<vmem>> -> memref<128x128xf32, #tpu.memory_space<vmem>>
          tpu.wait_dma2 semaphore(%run_scoped3A : memref<!tpu.dma_semaphore, #tpu.memory_space<semaphore_mem>>) src(%dma_wait3A_181 : memref<128x128xf32, #tpu.memory_space<vmem>>) dst(%dma_wait3A_178 : memref<128x128xf32, #tpu.memory_space<hbm>>)
          tpu.yield
        }) : () -> ()
      } else {
      }
      %mul3A_134 = arith.constant 1000 : i32
      %mul3A_135 = arith.muli %arg1, %mul3A_134 : i32
      %add3A_136 = arith.constant 768 : i32
      %add3A_137 = arith.addi %mul3A_135, %add3A_136 : i32
      "tpu.region"() ({
        %run_scoped3A = tpu.sem_alloc : memref<!tpu.dma_semaphore, #tpu.memory_space<semaphore_mem>>
        %dma_start3A_162 = arith.constant 0 : i32
        %dma_start3A_163 = arith.constant 0 : i32
        %dma_start3A_164 = tpu.memref_slice %arg13[%dma_start3A_162, %dma_start3A_163] : memref<128x128xf32, #tpu.memory_space<vmem>> -> memref<128x128xf32, #tpu.memory_space<vmem>>
        %dma_start3A_165 = arith.constant 0 : i32
        %dma_start3A_166 = tpu.memref_slice %arg15[%add3A_137, %dma_start3A_165] : memref<10016x128xf32, #tpu.memory_space<vmem_shared>> -> memref<128x128xf32, #tpu.memory_space<vmem_shared>>
        %dma_start3A_167 = arith.constant 0 : i32
        %dma_start3A_168 = arith.constant 0 : i32
        %dma_start3A_169 = tpu.memref_slice %arg13[%dma_start3A_167, %dma_start3A_168] : memref<128x128xf32, #tpu.memory_space<vmem>> -> memref<128x128xf32, #tpu.memory_space<vmem>>
        %dma_start3A_170 = arith.constant 0 : i32
        %dma_start3A_171 = tpu.memref_slice %arg15[%add3A_137, %dma_start3A_170] : memref<10016x128xf32, #tpu.memory_space<vmem_shared>> -> memref<128x128xf32, #tpu.memory_space<vmem_shared>>
        tpu.enqueue_dma source(%dma_start3A_171 : memref<128x128xf32, #tpu.memory_space<vmem_shared>>) target(%dma_start3A_169 : memref<128x128xf32, #tpu.memory_space<vmem>>) target_semaphore(%run_scoped3A : memref<!tpu.dma_semaphore, #tpu.memory_space<semaphore_mem>>)
        %dma_wait3A_172 = arith.constant 0 : i32
        %dma_wait3A_173 = arith.constant 0 : i32
        %dma_wait3A_174 = tpu.memref_slice %arg13[%dma_wait3A_172, %dma_wait3A_173] : memref<128x128xf32, #tpu.memory_space<vmem>> -> memref<128x128xf32, #tpu.memory_space<vmem>>
        %dma_wait3A_175 = arith.constant 0 : i32
        %dma_wait3A_176 = tpu.memref_slice %arg15[%add3A_137, %dma_wait3A_175] : memref<10016x128xf32, #tpu.memory_space<vmem_shared>> -> memref<128x128xf32, #tpu.memory_space<vmem_shared>>
        %dma_wait3A_177 = arith.constant 0 : i32
        %dma_wait3A_178 = arith.constant 0 : i32
        %dma_wait3A_179 = tpu.memref_slice %arg13[%dma_wait3A_177, %dma_wait3A_178] : memref<128x128xf32, #tpu.memory_space<vmem>> -> memref<128x128xf32, #tpu.memory_space<vmem>>
        %dma_wait3A_180 = arith.constant 0 : i32
        %dma_wait3A_181 = tpu.memref_slice %arg15[%add3A_137, %dma_wait3A_180] : memref<10016x128xf32, #tpu.memory_space<vmem_shared>> -> memref<128x128xf32, #tpu.memory_space<vmem_shared>>
        tpu.wait_dma2 semaphore(%run_scoped3A : memref<!tpu.dma_semaphore, #tpu.memory_space<semaphore_mem>>) src(%dma_wait3A_181 : memref<128x128xf32, #tpu.memory_space<vmem_shared>>) dst(%dma_wait3A_179 : memref<128x128xf32, #tpu.memory_space<vmem>>)
        tpu.yield
      }) : () -> ()
      %eq3A_138 = arith.constant 0 : i32
      %eq3A_139 = arith.cmpi eq, %arg0, %eq3A_138 : i32
      %convert_element_type3A_140 = arith.extui %eq3A_139 : i1 to i32
      %cond3A_141 = arith.constant 0 : i32
      %cond3A_142 = arith.cmpi ne, %convert_element_type3A_140, %cond3A_141 : i32
      scf.if %cond3A_142 {
        "tpu.region"() ({
          %run_scoped3A = tpu.sem_alloc : memref<!tpu.dma_semaphore, #tpu.memory_space<semaphore_mem>>
          %dma_start3A_162 = arith.constant 0 : i32
          %dma_start3A_163 = arith.constant 0 : i32
          %dma_start3A_164 = tpu.memref_slice %arg13[%dma_start3A_162, %dma_start3A_163] : memref<128x128xf32, #tpu.memory_space<vmem>> -> memref<128x128xf32, #tpu.memory_space<vmem>>
          %dma_start3A_165 = arith.constant 0 : i32
          %dma_start3A_166 = tpu.memref_slice %arg7[%add3A_137, %dma_start3A_165] : memref<10000x128xf32, #tpu.memory_space<hbm>> -> memref<128x128xf32, #tpu.memory_space<hbm>>
          %dma_start3A_167 = arith.constant 0 : i32
          %dma_start3A_168 = tpu.memref_slice %arg7[%add3A_137, %dma_start3A_167] : memref<10000x128xf32, #tpu.memory_space<hbm>> -> memref<128x128xf32, #tpu.memory_space<hbm>>
          %dma_start3A_169 = arith.constant 0 : i32
          %dma_start3A_170 = arith.constant 0 : i32
          %dma_start3A_171 = tpu.memref_slice %arg13[%dma_start3A_169, %dma_start3A_170] : memref<128x128xf32, #tpu.memory_space<vmem>> -> memref<128x128xf32, #tpu.memory_space<vmem>>
          tpu.enqueue_dma source(%dma_start3A_171 : memref<128x128xf32, #tpu.memory_space<vmem>>) target(%dma_start3A_168 : memref<128x128xf32, #tpu.memory_space<hbm>>) target_semaphore(%run_scoped3A : memref<!tpu.dma_semaphore, #tpu.memory_space<semaphore_mem>>)
          %dma_wait3A_172 = arith.constant 0 : i32
          %dma_wait3A_173 = arith.constant 0 : i32
          %dma_wait3A_174 = tpu.memref_slice %arg13[%dma_wait3A_172, %dma_wait3A_173] : memref<128x128xf32, #tpu.memory_space<vmem>> -> memref<128x128xf32, #tpu.memory_space<vmem>>
          %dma_wait3A_175 = arith.constant 0 : i32
          %dma_wait3A_176 = tpu.memref_slice %arg7[%add3A_137, %dma_wait3A_175] : memref<10000x128xf32, #tpu.memory_space<hbm>> -> memref<128x128xf32, #tpu.memory_space<hbm>>
          %dma_wait3A_177 = arith.constant 0 : i32
          %dma_wait3A_178 = tpu.memref_slice %arg7[%add3A_137, %dma_wait3A_177] : memref<10000x128xf32, #tpu.memory_space<hbm>> -> memref<128x128xf32, #tpu.memory_space<hbm>>
          %dma_wait3A_179 = arith.constant 0 : i32
          %dma_wait3A_180 = arith.constant 0 : i32
          %dma_wait3A_181 = tpu.memref_slice %arg13[%dma_wait3A_179, %dma_wait3A_180] : memref<128x128xf32, #tpu.memory_space<vmem>> -> memref<128x128xf32, #tpu.memory_space<vmem>>
          tpu.wait_dma2 semaphore(%run_scoped3A : memref<!tpu.dma_semaphore, #tpu.memory_space<semaphore_mem>>) src(%dma_wait3A_181 : memref<128x128xf32, #tpu.memory_space<vmem>>) dst(%dma_wait3A_178 : memref<128x128xf32, #tpu.memory_space<hbm>>)
          tpu.yield
        }) : () -> ()
      } else {
      }
      %eq3A_143 = arith.constant 1 : i32
      %eq3A_144 = arith.cmpi eq, %arg0, %eq3A_143 : i32
      %convert_element_type3A_145 = arith.extui %eq3A_144 : i1 to i32
      %cond3A_146 = arith.constant 0 : i32
      %cond3A_147 = arith.cmpi ne, %convert_element_type3A_145, %cond3A_146 : i32
      scf.if %cond3A_147 {
        "tpu.region"() ({
          %run_scoped3A = tpu.sem_alloc : memref<!tpu.dma_semaphore, #tpu.memory_space<semaphore_mem>>
          %dma_start3A_162 = arith.constant 0 : i32
          %dma_start3A_163 = arith.constant 0 : i32
          %dma_start3A_164 = tpu.memref_slice %arg13[%dma_start3A_162, %dma_start3A_163] : memref<128x128xf32, #tpu.memory_space<vmem>> -> memref<128x128xf32, #tpu.memory_space<vmem>>
          %dma_start3A_165 = arith.constant 0 : i32
          %dma_start3A_166 = tpu.memref_slice %arg8[%add3A_137, %dma_start3A_165] : memref<10000x128xf32, #tpu.memory_space<hbm>> -> memref<128x128xf32, #tpu.memory_space<hbm>>
          %dma_start3A_167 = arith.constant 0 : i32
          %dma_start3A_168 = tpu.memref_slice %arg8[%add3A_137, %dma_start3A_167] : memref<10000x128xf32, #tpu.memory_space<hbm>> -> memref<128x128xf32, #tpu.memory_space<hbm>>
          %dma_start3A_169 = arith.constant 0 : i32
          %dma_start3A_170 = arith.constant 0 : i32
          %dma_start3A_171 = tpu.memref_slice %arg13[%dma_start3A_169, %dma_start3A_170] : memref<128x128xf32, #tpu.memory_space<vmem>> -> memref<128x128xf32, #tpu.memory_space<vmem>>
          tpu.enqueue_dma source(%dma_start3A_171 : memref<128x128xf32, #tpu.memory_space<vmem>>) target(%dma_start3A_168 : memref<128x128xf32, #tpu.memory_space<hbm>>) target_semaphore(%run_scoped3A : memref<!tpu.dma_semaphore, #tpu.memory_space<semaphore_mem>>)
          %dma_wait3A_172 = arith.constant 0 : i32
          %dma_wait3A_173 = arith.constant 0 : i32
          %dma_wait3A_174 = tpu.memref_slice %arg13[%dma_wait3A_172, %dma_wait3A_173] : memref<128x128xf32, #tpu.memory_space<vmem>> -> memref<128x128xf32, #tpu.memory_space<vmem>>
          %dma_wait3A_175 = arith.constant 0 : i32
          %dma_wait3A_176 = tpu.memref_slice %arg8[%add3A_137, %dma_wait3A_175] : memref<10000x128xf32, #tpu.memory_space<hbm>> -> memref<128x128xf32, #tpu.memory_space<hbm>>
          %dma_wait3A_177 = arith.constant 0 : i32
          %dma_wait3A_178 = tpu.memref_slice %arg8[%add3A_137, %dma_wait3A_177] : memref<10000x128xf32, #tpu.memory_space<hbm>> -> memref<128x128xf32, #tpu.memory_space<hbm>>
          %dma_wait3A_179 = arith.constant 0 : i32
          %dma_wait3A_180 = arith.constant 0 : i32
          %dma_wait3A_181 = tpu.memref_slice %arg13[%dma_wait3A_179, %dma_wait3A_180] : memref<128x128xf32, #tpu.memory_space<vmem>> -> memref<128x128xf32, #tpu.memory_space<vmem>>
          tpu.wait_dma2 semaphore(%run_scoped3A : memref<!tpu.dma_semaphore, #tpu.memory_space<semaphore_mem>>) src(%dma_wait3A_181 : memref<128x128xf32, #tpu.memory_space<vmem>>) dst(%dma_wait3A_178 : memref<128x128xf32, #tpu.memory_space<hbm>>)
          tpu.yield
        }) : () -> ()
      } else {
      }
      %mul3A_148 = arith.constant 1000 : i32
      %mul3A_149 = arith.muli %arg1, %mul3A_148 : i32
      %add3A_150 = arith.constant 896 : i32
      %add3A_151 = arith.addi %mul3A_149, %add3A_150 : i32
      "tpu.region"() ({
        %run_scoped3A = tpu.sem_alloc : memref<!tpu.dma_semaphore, #tpu.memory_space<semaphore_mem>>
        %dma_start3A_162 = arith.constant 0 : i32
        %dma_start3A_163 = arith.constant 0 : i32
        %dma_start3A_164 = tpu.memref_slice %arg13[%dma_start3A_162, %dma_start3A_163] : memref<128x128xf32, #tpu.memory_space<vmem>> -> memref<104x128xf32, #tpu.memory_space<vmem>>
        %dma_start3A_165 = arith.constant 0 : i32
        %dma_start3A_166 = tpu.memref_slice %arg15[%add3A_151, %dma_start3A_165] : memref<10016x128xf32, #tpu.memory_space<vmem_shared>> -> memref<104x128xf32, #tpu.memory_space<vmem_shared>>
        %dma_start3A_167 = arith.constant 0 : i32
        %dma_start3A_168 = arith.constant 0 : i32
        %dma_start3A_169 = tpu.memref_slice %arg13[%dma_start3A_167, %dma_start3A_168] : memref<128x128xf32, #tpu.memory_space<vmem>> -> memref<104x128xf32, #tpu.memory_space<vmem>>
        %dma_start3A_170 = arith.constant 0 : i32
        %dma_start3A_171 = tpu.memref_slice %arg15[%add3A_151, %dma_start3A_170] : memref<10016x128xf32, #tpu.memory_space<vmem_shared>> -> memref<104x128xf32, #tpu.memory_space<vmem_shared>>
        tpu.enqueue_dma source(%dma_start3A_171 : memref<104x128xf32, #tpu.memory_space<vmem_shared>>) target(%dma_start3A_169 : memref<104x128xf32, #tpu.memory_space<vmem>>) target_semaphore(%run_scoped3A : memref<!tpu.dma_semaphore, #tpu.memory_space<semaphore_mem>>)
        %dma_wait3A_172 = arith.constant 0 : i32
        %dma_wait3A_173 = arith.constant 0 : i32
        %dma_wait3A_174 = tpu.memref_slice %arg13[%dma_wait3A_172, %dma_wait3A_173] : memref<128x128xf32, #tpu.memory_space<vmem>> -> memref<104x128xf32, #tpu.memory_space<vmem>>
        %dma_wait3A_175 = arith.constant 0 : i32
        %dma_wait3A_176 = tpu.memref_slice %arg15[%add3A_151, %dma_wait3A_175] : memref<10016x128xf32, #tpu.memory_space<vmem_shared>> -> memref<104x128xf32, #tpu.memory_space<vmem_shared>>
        %dma_wait3A_177 = arith.constant 0 : i32
        %dma_wait3A_178 = arith.constant 0 : i32
        %dma_wait3A_179 = tpu.memref_slice %arg13[%dma_wait3A_177, %dma_wait3A_178] : memref<128x128xf32, #tpu.memory_space<vmem>> -> memref<104x128xf32, #tpu.memory_space<vmem>>
        %dma_wait3A_180 = arith.constant 0 : i32
        %dma_wait3A_181 = tpu.memref_slice %arg15[%add3A_151, %dma_wait3A_180] : memref<10016x128xf32, #tpu.memory_space<vmem_shared>> -> memref<104x128xf32, #tpu.memory_space<vmem_shared>>
        tpu.wait_dma2 semaphore(%run_scoped3A : memref<!tpu.dma_semaphore, #tpu.memory_space<semaphore_mem>>) src(%dma_wait3A_181 : memref<104x128xf32, #tpu.memory_space<vmem_shared>>) dst(%dma_wait3A_179 : memref<104x128xf32, #tpu.memory_space<vmem>>)
        tpu.yield
      }) : () -> ()
      %eq3A_152 = arith.constant 0 : i32
      %eq3A_153 = arith.cmpi eq, %arg0, %eq3A_152 : i32
      %convert_element_type3A_154 = arith.extui %eq3A_153 : i1 to i32
      %cond3A_155 = arith.constant 0 : i32
      %cond3A_156 = arith.cmpi ne, %convert_element_type3A_154, %cond3A_155 : i32
      scf.if %cond3A_156 {
        "tpu.region"() ({
          %run_scoped3A = tpu.sem_alloc : memref<!tpu.dma_semaphore, #tpu.memory_space<semaphore_mem>>
          %dma_start3A_162 = arith.constant 0 : i32
          %dma_start3A_163 = arith.constant 0 : i32
          %dma_start3A_164 = tpu.memref_slice %arg13[%dma_start3A_162, %dma_start3A_163] : memref<128x128xf32, #tpu.memory_space<vmem>> -> memref<104x128xf32, #tpu.memory_space<vmem>>
          %dma_start3A_165 = arith.constant 0 : i32
          %dma_start3A_166 = tpu.memref_slice %arg7[%add3A_151, %dma_start3A_165] : memref<10000x128xf32, #tpu.memory_space<hbm>> -> memref<104x128xf32, #tpu.memory_space<hbm>>
          %dma_start3A_167 = arith.constant 0 : i32
          %dma_start3A_168 = tpu.memref_slice %arg7[%add3A_151, %dma_start3A_167] : memref<10000x128xf32, #tpu.memory_space<hbm>> -> memref<104x128xf32, #tpu.memory_space<hbm>>
          %dma_start3A_169 = arith.constant 0 : i32
          %dma_start3A_170 = arith.constant 0 : i32
          %dma_start3A_171 = tpu.memref_slice %arg13[%dma_start3A_169, %dma_start3A_170] : memref<128x128xf32, #tpu.memory_space<vmem>> -> memref<104x128xf32, #tpu.memory_space<vmem>>
          tpu.enqueue_dma source(%dma_start3A_171 : memref<104x128xf32, #tpu.memory_space<vmem>>) target(%dma_start3A_168 : memref<104x128xf32, #tpu.memory_space<hbm>>) target_semaphore(%run_scoped3A : memref<!tpu.dma_semaphore, #tpu.memory_space<semaphore_mem>>)
          %dma_wait3A_172 = arith.constant 0 : i32
          %dma_wait3A_173 = arith.constant 0 : i32
          %dma_wait3A_174 = tpu.memref_slice %arg13[%dma_wait3A_172, %dma_wait3A_173] : memref<128x128xf32, #tpu.memory_space<vmem>> -> memref<104x128xf32, #tpu.memory_space<vmem>>
          %dma_wait3A_175 = arith.constant 0 : i32
          %dma_wait3A_176 = tpu.memref_slice %arg7[%add3A_151, %dma_wait3A_175] : memref<10000x128xf32, #tpu.memory_space<hbm>> -> memref<104x128xf32, #tpu.memory_space<hbm>>
          %dma_wait3A_177 = arith.constant 0 : i32
          %dma_wait3A_178 = tpu.memref_slice %arg7[%add3A_151, %dma_wait3A_177] : memref<10000x128xf32, #tpu.memory_space<hbm>> -> memref<104x128xf32, #tpu.memory_space<hbm>>
          %dma_wait3A_179 = arith.constant 0 : i32
          %dma_wait3A_180 = arith.constant 0 : i32
          %dma_wait3A_181 = tpu.memref_slice %arg13[%dma_wait3A_179, %dma_wait3A_180] : memref<128x128xf32, #tpu.memory_space<vmem>> -> memref<104x128xf32, #tpu.memory_space<vmem>>
          tpu.wait_dma2 semaphore(%run_scoped3A : memref<!tpu.dma_semaphore, #tpu.memory_space<semaphore_mem>>) src(%dma_wait3A_181 : memref<104x128xf32, #tpu.memory_space<vmem>>) dst(%dma_wait3A_178 : memref<104x128xf32, #tpu.memory_space<hbm>>)
          tpu.yield
        }) : () -> ()
      } else {
      }
      %eq3A_157 = arith.constant 1 : i32
      %eq3A_158 = arith.cmpi eq, %arg0, %eq3A_157 : i32
      %convert_element_type3A_159 = arith.extui %eq3A_158 : i1 to i32
      %cond3A_160 = arith.constant 0 : i32
      %cond3A_161 = arith.cmpi ne, %convert_element_type3A_159, %cond3A_160 : i32
      scf.if %cond3A_161 {
        "tpu.region"() ({
          %run_scoped3A = tpu.sem_alloc : memref<!tpu.dma_semaphore, #tpu.memory_space<semaphore_mem>>
          %dma_start3A_162 = arith.constant 0 : i32
          %dma_start3A_163 = arith.constant 0 : i32
          %dma_start3A_164 = tpu.memref_slice %arg13[%dma_start3A_162, %dma_start3A_163] : memref<128x128xf32, #tpu.memory_space<vmem>> -> memref<104x128xf32, #tpu.memory_space<vmem>>
          %dma_start3A_165 = arith.constant 0 : i32
          %dma_start3A_166 = tpu.memref_slice %arg8[%add3A_151, %dma_start3A_165] : memref<10000x128xf32, #tpu.memory_space<hbm>> -> memref<104x128xf32, #tpu.memory_space<hbm>>
          %dma_start3A_167 = arith.constant 0 : i32
          %dma_start3A_168 = tpu.memref_slice %arg8[%add3A_151, %dma_start3A_167] : memref<10000x128xf32, #tpu.memory_space<hbm>> -> memref<104x128xf32, #tpu.memory_space<hbm>>
          %dma_start3A_169 = arith.constant 0 : i32
          %dma_start3A_170 = arith.constant 0 : i32
          %dma_start3A_171 = tpu.memref_slice %arg13[%dma_start3A_169, %dma_start3A_170] : memref<128x128xf32, #tpu.memory_space<vmem>> -> memref<104x128xf32, #tpu.memory_space<vmem>>
          tpu.enqueue_dma source(%dma_start3A_171 : memref<104x128xf32, #tpu.memory_space<vmem>>) target(%dma_start3A_168 : memref<104x128xf32, #tpu.memory_space<hbm>>) target_semaphore(%run_scoped3A : memref<!tpu.dma_semaphore, #tpu.memory_space<semaphore_mem>>)
          %dma_wait3A_172 = arith.constant 0 : i32
          %dma_wait3A_173 = arith.constant 0 : i32
          %dma_wait3A_174 = tpu.memref_slice %arg13[%dma_wait3A_172, %dma_wait3A_173] : memref<128x128xf32, #tpu.memory_space<vmem>> -> memref<104x128xf32, #tpu.memory_space<vmem>>
          %dma_wait3A_175 = arith.constant 0 : i32
          %dma_wait3A_176 = tpu.memref_slice %arg8[%add3A_151, %dma_wait3A_175] : memref<10000x128xf32, #tpu.memory_space<hbm>> -> memref<104x128xf32, #tpu.memory_space<hbm>>
          %dma_wait3A_177 = arith.constant 0 : i32
          %dma_wait3A_178 = tpu.memref_slice %arg8[%add3A_151, %dma_wait3A_177] : memref<10000x128xf32, #tpu.memory_space<hbm>> -> memref<104x128xf32, #tpu.memory_space<hbm>>
          %dma_wait3A_179 = arith.constant 0 : i32
          %dma_wait3A_180 = arith.constant 0 : i32
          %dma_wait3A_181 = tpu.memref_slice %arg13[%dma_wait3A_179, %dma_wait3A_180] : memref<128x128xf32, #tpu.memory_space<vmem>> -> memref<104x128xf32, #tpu.memory_space<vmem>>
          tpu.wait_dma2 semaphore(%run_scoped3A : memref<!tpu.dma_semaphore, #tpu.memory_space<semaphore_mem>>) src(%dma_wait3A_181 : memref<104x128xf32, #tpu.memory_space<vmem>>) dst(%dma_wait3A_178 : memref<104x128xf32, #tpu.memory_space<hbm>>)
          tpu.yield
        }) : () -> ()
      } else {
      }
    } else {
    }
    return
  }
}

#map = affine_map<(d0, d1) -> (0)>
#map1 = affine_map<(d0, d1) -> (0, 0)>
module attributes {stable_mosaic.version = 14 : i64} {
  func.func @_edge_sum_body(%arg0: i32, %arg1: i32, %arg2: memref<163840xi32, #tpu.memory_space<hbm>>, %arg3: memref<163840xi32, #tpu.memory_space<hbm>>, %arg4: memref<10000x128xf32, #tpu.memory_space<hbm>>, %arg5: memref<10000x128xf32, #tpu.memory_space<hbm>>, %arg6: memref<640x128xf32, #tpu.memory_space<hbm>>, %arg7: memref<10000x128xf32, #tpu.memory_space<hbm>>, %arg8: memref<10000x128xf32, #tpu.memory_space<hbm>>, %arg9: memref<128xi32, #tpu.memory_space<vmem>>, %arg10: memref<128xi32, #tpu.memory_space<vmem>>, %arg11: memref<128xi32, #tpu.memory_space<vmem>>, %arg12: memref<128xi32, #tpu.memory_space<vmem>>, %arg13: memref<128x128xf32, #tpu.memory_space<vmem>>, %arg14: memref<128x128xf32, #tpu.memory_space<vmem>>, %arg15: memref<10016x128xf32, #tpu.memory_space<vmem_shared>>, %arg16: memref<!tpu.dma_semaphore, #tpu.memory_space<semaphore_mem>>, %arg17: memref<!tpu.dma_semaphore, #tpu.memory_space<semaphore_mem>>, %arg18: memref<!tpu.dma_semaphore, #tpu.memory_space<semaphore_mem>>, %arg19: memref<!tpu.dma_semaphore, #tpu.memory_space<semaphore_mem>>) attributes {dimension_semantics = [#tpu.dimension_semantics<core_parallel>, #tpu.dimension_semantics<subcore_parallel>], iteration_bounds = array<i64: 2, 16>, scalar_prefetch = 0 : i64, scratch_operands = 11 : i64, tpu.core_type = #tpu.core_type<sc_vector_subcore>, window_params = [{transform_indices = #map}, {transform_indices = #map}, {transform_indices = #map1}, {transform_indices = #map1}, {transform_indices = #map1}, {transform_indices = #map1}, {transform_indices = #map1}]} {
    %lt3A = arith.constant 15 : i32
    %lt3A_0 = arith.cmpi slt, %arg1, %lt3A : i32
    %convert_element_type3A = arith.extui %lt3A_0 : i1 to i32
    %cond3A = arith.constant 0 : i32
    %cond3A_1 = arith.cmpi ne, %convert_element_type3A, %cond3A : i32
    scf.if %cond3A_1 {
      %mul3A_50 = arith.constant 640 : i32
      %mul3A_51 = arith.muli %arg1, %mul3A_50 : i32
      "tpu.region"() ({
        %run_scoped3A = tpu.sem_alloc : memref<!tpu.dma_semaphore, #tpu.memory_space<semaphore_mem>>
        %dma_start3A_52 = arith.constant 0 : i32
        %dma_start3A_53 = tpu.memref_slice %arg15[%mul3A_51, %dma_start3A_52] : memref<10016x128xf32, #tpu.memory_space<vmem_shared>> -> memref<640x128xf32, #tpu.memory_space<vmem_shared>>
        tpu.enqueue_dma source(%arg6 : memref<640x128xf32, #tpu.memory_space<hbm>>) target(%dma_start3A_53 : memref<640x128xf32, #tpu.memory_space<vmem_shared>>) target_semaphore(%run_scoped3A : memref<!tpu.dma_semaphore, #tpu.memory_space<semaphore_mem>>)
        %dma_wait3A_54 = arith.constant 0 : i32
        %dma_wait3A_55 = tpu.memref_slice %arg15[%mul3A_51, %dma_wait3A_54] : memref<10016x128xf32, #tpu.memory_space<vmem_shared>> -> memref<640x128xf32, #tpu.memory_space<vmem_shared>>
        tpu.wait_dma2 semaphore(%run_scoped3A : memref<!tpu.dma_semaphore, #tpu.memory_space<semaphore_mem>>) src(%arg6 : memref<640x128xf32, #tpu.memory_space<hbm>>) dst(%dma_wait3A_55 : memref<640x128xf32, #tpu.memory_space<vmem_shared>>)
        tpu.yield
      }) : () -> ()
    } else {
    }
    %eq3A = arith.constant 15 : i32
    %eq3A_2 = arith.cmpi eq, %arg1, %eq3A : i32
    %convert_element_type3A_3 = arith.extui %eq3A_2 : i1 to i32
    %cond3A_4 = arith.constant 0 : i32
    %cond3A_5 = arith.cmpi ne, %convert_element_type3A_3, %cond3A_4 : i32
    scf.if %cond3A_5 {
      "tpu.region"() ({
        %run_scoped3A = tpu.sem_alloc : memref<!tpu.dma_semaphore, #tpu.memory_space<semaphore_mem>>
        %dma_start3A_50 = arith.constant 9600 : i32
        %dma_start3A_51 = arith.constant 0 : i32
        %dma_start3A_52 = tpu.memref_slice %arg15[%dma_start3A_50, %dma_start3A_51] : memref<10016x128xf32, #tpu.memory_space<vmem_shared>> -> memref<416x128xf32, #tpu.memory_space<vmem_shared>>
        %dma_start3A_53 = arith.constant 0 : i32
        %dma_start3A_54 = arith.constant 0 : i32
        %dma_start3A_55 = tpu.memref_slice %arg6[%dma_start3A_53, %dma_start3A_54] : memref<640x128xf32, #tpu.memory_space<hbm>> -> memref<416x128xf32, #tpu.memory_space<hbm>>
        tpu.enqueue_dma source(%dma_start3A_55 : memref<416x128xf32, #tpu.memory_space<hbm>>) target(%dma_start3A_52 : memref<416x128xf32, #tpu.memory_space<vmem_shared>>) target_semaphore(%run_scoped3A : memref<!tpu.dma_semaphore, #tpu.memory_space<semaphore_mem>>)
        %dma_wait3A_56 = arith.constant 9600 : i32
        %dma_wait3A_57 = arith.constant 0 : i32
        %dma_wait3A_58 = tpu.memref_slice %arg15[%dma_wait3A_56, %dma_wait3A_57] : memref<10016x128xf32, #tpu.memory_space<vmem_shared>> -> memref<416x128xf32, #tpu.memory_space<vmem_shared>>
        %dma_wait3A_59 = arith.constant 0 : i32
        %dma_wait3A_60 = arith.constant 0 : i32
        %dma_wait3A_61 = tpu.memref_slice %arg6[%dma_wait3A_59, %dma_wait3A_60] : memref<640x128xf32, #tpu.memory_space<hbm>> -> memref<416x128xf32, #tpu.memory_space<hbm>>
        tpu.wait_dma2 semaphore(%run_scoped3A : memref<!tpu.dma_semaphore, #tpu.memory_space<semaphore_mem>>) src(%dma_wait3A_61 : memref<416x128xf32, #tpu.memory_space<hbm>>) dst(%dma_wait3A_58 : memref<416x128xf32, #tpu.memory_space<vmem_shared>>)
        tpu.yield
      }) : () -> ()
    } else {
    }
    %barrier3A = arith.constant 0 : index
    tpu.barrier barrier_id(%barrier3A)
    %mul3A = arith.constant 10240 : i32
    %mul3A_6 = arith.muli %arg1, %mul3A : i32
    %add3A = arith.constant 0 : i32
    %add3A_7 = arith.addi %mul3A_6, %add3A : i32
    %dma_start3A = tpu.memref_slice %arg2[%add3A_7] : memref<163840xi32, #tpu.memory_space<hbm>> -> memref<128xi32, #tpu.memory_space<hbm>>
    %dma_start3A_8 = tpu.memref_slice %arg2[%add3A_7] : memref<163840xi32, #tpu.memory_space<hbm>> -> memref<128xi32, #tpu.memory_space<hbm>>
    tpu.enqueue_dma source(%dma_start3A_8 : memref<128xi32, #tpu.memory_space<hbm>>) target(%arg9 : memref<128xi32, #tpu.memory_space<vmem>>) target_semaphore(%arg16 : memref<!tpu.dma_semaphore, #tpu.memory_space<semaphore_mem>>)
    %add3A_9 = arith.constant 0 : i32
    %add3A_10 = arith.addi %mul3A_6, %add3A_9 : i32
    %dma_start3A_11 = tpu.memref_slice %arg3[%add3A_10] : memref<163840xi32, #tpu.memory_space<hbm>> -> memref<128xi32, #tpu.memory_space<hbm>>
    %dma_start3A_12 = tpu.memref_slice %arg3[%add3A_10] : memref<163840xi32, #tpu.memory_space<hbm>> -> memref<128xi32, #tpu.memory_space<hbm>>
    tpu.enqueue_dma source(%dma_start3A_12 : memref<128xi32, #tpu.memory_space<hbm>>) target(%arg11 : memref<128xi32, #tpu.memory_space<vmem>>) target_semaphore(%arg16 : memref<!tpu.dma_semaphore, #tpu.memory_space<semaphore_mem>>)
    %add3A_13 = arith.constant 128 : i32
    %add3A_14 = arith.addi %mul3A_6, %add3A_13 : i32
    %dma_start3A_15 = tpu.memref_slice %arg2[%add3A_14] : memref<163840xi32, #tpu.memory_space<hbm>> -> memref<128xi32, #tpu.memory_space<hbm>>
    %dma_start3A_16 = tpu.memref_slice %arg2[%add3A_14] : memref<163840xi32, #tpu.memory_space<hbm>> -> memref<128xi32, #tpu.memory_space<hbm>>
    tpu.enqueue_dma source(%dma_start3A_16 : memref<128xi32, #tpu.memory_space<hbm>>) target(%arg10 : memref<128xi32, #tpu.memory_space<vmem>>) target_semaphore(%arg17 : memref<!tpu.dma_semaphore, #tpu.memory_space<semaphore_mem>>)
    %add3A_17 = arith.constant 128 : i32
    %add3A_18 = arith.addi %mul3A_6, %add3A_17 : i32
    %dma_start3A_19 = tpu.memref_slice %arg3[%add3A_18] : memref<163840xi32, #tpu.memory_space<hbm>> -> memref<128xi32, #tpu.memory_space<hbm>>
    %dma_start3A_20 = tpu.memref_slice %arg3[%add3A_18] : memref<163840xi32, #tpu.memory_space<hbm>> -> memref<128xi32, #tpu.memory_space<hbm>>
    tpu.enqueue_dma source(%dma_start3A_20 : memref<128xi32, #tpu.memory_space<hbm>>) target(%arg12 : memref<128xi32, #tpu.memory_space<vmem>>) target_semaphore(%arg17 : memref<!tpu.dma_semaphore, #tpu.memory_space<semaphore_mem>>)
    %dma_wait3A = arith.constant 0 : i32
    %dma_wait3A_21 = tpu.memref_slice %arg2[%dma_wait3A] : memref<163840xi32, #tpu.memory_space<hbm>> -> memref<128xi32, #tpu.memory_space<hbm>>
    %dma_wait3A_22 = arith.constant 0 : i32
    %dma_wait3A_23 = tpu.memref_slice %arg2[%dma_wait3A_22] : memref<163840xi32, #tpu.memory_space<hbm>> -> memref<128xi32, #tpu.memory_space<hbm>>
    tpu.wait_dma2 semaphore(%arg16 : memref<!tpu.dma_semaphore, #tpu.memory_space<semaphore_mem>>) src(%dma_wait3A_23 : memref<128xi32, #tpu.memory_space<hbm>>) dst(%arg9 : memref<128xi32, #tpu.memory_space<vmem>>)
    %dma_wait3A_24 = arith.constant 0 : i32
    %dma_wait3A_25 = tpu.memref_slice %arg2[%dma_wait3A_24] : memref<163840xi32, #tpu.memory_space<hbm>> -> memref<128xi32, #tpu.memory_space<hbm>>
    %dma_wait3A_26 = arith.constant 0 : i32
    %dma_wait3A_27 = tpu.memref_slice %arg2[%dma_wait3A_26] : memref<163840xi32, #tpu.memory_space<hbm>> -> memref<128xi32, #tpu.memory_space<hbm>>
    tpu.wait_dma2 semaphore(%arg16 : memref<!tpu.dma_semaphore, #tpu.memory_space<semaphore_mem>>) src(%dma_wait3A_27 : memref<128xi32, #tpu.memory_space<hbm>>) dst(%arg11 : memref<128xi32, #tpu.memory_space<vmem>>)
    %eq3A_28 = arith.constant 0 : i32
    %eq3A_29 = arith.cmpi eq, %arg0, %eq3A_28 : i32
    %convert_element_type3A_30 = arith.extui %eq3A_29 : i1 to i32
    %cond3A_31 = arith.constant 0 : i32
    %cond3A_32 = arith.cmpi ne, %convert_element_type3A_30, %cond3A_31 : i32
    scf.if %cond3A_32 {
      %dma_start3A_50 = arith.constant 0 : i32
      %dma_start3A_51 = arith.constant 0 : i32
      %dma_start3A_52 = tpu.memref_slice %arg4[%dma_start3A_50, %dma_start3A_51] : memref<10000x128xf32, #tpu.memory_space<hbm>> -> memref<10000x128xf32, #tpu.memory_space<hbm>>
      tpu.enqueue_indirect_dma source(%dma_start3A_52 : memref<10000x128xf32, #tpu.memory_space<hbm>>) target(%arg13 : memref<128x128xf32, #tpu.memory_space<vmem>>) offsets(%arg9 : memref<128xi32, #tpu.memory_space<vmem>>) semaphore(%arg18 : memref<!tpu.dma_semaphore, #tpu.memory_space<semaphore_mem>>)
    } else {
    }
    %eq3A_33 = arith.constant 1 : i32
    %eq3A_34 = arith.cmpi eq, %arg0, %eq3A_33 : i32
    %convert_element_type3A_35 = arith.extui %eq3A_34 : i1 to i32
    %cond3A_36 = arith.constant 0 : i32
    %cond3A_37 = arith.cmpi ne, %convert_element_type3A_35, %cond3A_36 : i32
    scf.if %cond3A_37 {
      %dma_start3A_50 = arith.constant 0 : i32
      %dma_start3A_51 = arith.constant 0 : i32
      %dma_start3A_52 = tpu.memref_slice %arg5[%dma_start3A_50, %dma_start3A_51] : memref<10000x128xf32, #tpu.memory_space<hbm>> -> memref<10000x128xf32, #tpu.memory_space<hbm>>
      tpu.enqueue_indirect_dma source(%dma_start3A_52 : memref<10000x128xf32, #tpu.memory_space<hbm>>) target(%arg13 : memref<128x128xf32, #tpu.memory_space<vmem>>) offsets(%arg9 : memref<128xi32, #tpu.memory_space<vmem>>) semaphore(%arg18 : memref<!tpu.dma_semaphore, #tpu.memory_space<semaphore_mem>>)
    } else {
    }
    %scan3A = arith.constant 0 : i32
    %scan3A_38 = arith.constant 0 : i32
    %scan3A_39 = arith.constant 40 : i32
    %scan3A_40 = arith.addi %scan3A_38, %scan3A_39 : i32
    %scan3A_41 = arith.constant 1 : i32
    %scan3A_42 = scf.for %scan3A_50 = %scan3A_38 to %scan3A_40 step %scan3A_41 iter_args(%scan3A_51 = %scan3A) -> (i32)  : i32 {
      %mul3A_52 = arith.constant 2 : i32
      %mul3A_53 = arith.muli %scan3A_50, %mul3A_52 : i32
      %add3A_54 = arith.constant 0 : i32
      %add3A_55 = arith.addi %mul3A_53, %add3A_54 : i32
      %add3A_56 = arith.constant 1 : i32
      %add3A_57 = arith.addi %add3A_55, %add3A_56 : i32
      %lt3A_58 = arith.constant 80 : i32
      %lt3A_59 = arith.cmpi slt, %add3A_57, %lt3A_58 : i32
      %convert_element_type3A_60 = arith.extui %lt3A_59 : i1 to i32
      %cond3A_61 = arith.constant 0 : i32
      %cond3A_62 = arith.cmpi ne, %convert_element_type3A_60, %cond3A_61 : i32
      scf.if %cond3A_62 {
        %dma_wait3A_109 = arith.constant 0 : i32
        %dma_wait3A_110 = tpu.memref_slice %arg2[%dma_wait3A_109] : memref<163840xi32, #tpu.memory_space<hbm>> -> memref<128xi32, #tpu.memory_space<hbm>>
        %dma_wait3A_111 = arith.constant 0 : i32
        %dma_wait3A_112 = tpu.memref_slice %arg2[%dma_wait3A_111] : memref<163840xi32, #tpu.memory_space<hbm>> -> memref<128xi32, #tpu.memory_space<hbm>>
        tpu.wait_dma2 semaphore(%arg17 : memref<!tpu.dma_semaphore, #tpu.memory_space<semaphore_mem>>) src(%dma_wait3A_112 : memref<128xi32, #tpu.memory_space<hbm>>) dst(%arg10 : memref<128xi32, #tpu.memory_space<vmem>>)
        %dma_wait3A_113 = arith.constant 0 : i32
        %dma_wait3A_114 = tpu.memref_slice %arg2[%dma_wait3A_113] : memref<163840xi32, #tpu.memory_space<hbm>> -> memref<128xi32, #tpu.memory_space<hbm>>
        %dma_wait3A_115 = arith.constant 0 : i32
        %dma_wait3A_116 = tpu.memref_slice %arg2[%dma_wait3A_115] : memref<163840xi32, #tpu.memory_space<hbm>> -> memref<128xi32, #tpu.memory_space<hbm>>
        tpu.wait_dma2 semaphore(%arg17 : memref<!tpu.dma_semaphore, #tpu.memory_space<semaphore_mem>>) src(%dma_wait3A_116 : memref<128xi32, #tpu.memory_space<hbm>>) dst(%arg12 : memref<128xi32, #tpu.memory_space<vmem>>)
        %eq3A_117 = arith.constant 0 : i32
        %eq3A_118 = arith.cmpi eq, %arg0, %eq3A_117 : i32
        %convert_element_type3A_119 = arith.extui %eq3A_118 : i1 to i32
        %cond3A_120 = arith.constant 0 : i32
        %cond3A_121 = arith.cmpi ne, %convert_element_type3A_119, %cond3A_120 : i32
        scf.if %cond3A_121 {
          %dma_start3A_127 = arith.constant 0 : i32
          %dma_start3A_128 = arith.constant 0 : i32
          %dma_start3A_129 = tpu.memref_slice %arg4[%dma_start3A_127, %dma_start3A_128] : memref<10000x128xf32, #tpu.memory_space<hbm>> -> memref<10000x128xf32, #tpu.memory_space<hbm>>
          tpu.enqueue_indirect_dma source(%dma_start3A_129 : memref<10000x128xf32, #tpu.memory_space<hbm>>) target(%arg14 : memref<128x128xf32, #tpu.memory_space<vmem>>) offsets(%arg10 : memref<128xi32, #tpu.memory_space<vmem>>) semaphore(%arg19 : memref<!tpu.dma_semaphore, #tpu.memory_space<semaphore_mem>>)
        } else {
        }
        %eq3A_122 = arith.constant 1 : i32
        %eq3A_123 = arith.cmpi eq, %arg0, %eq3A_122 : i32
        %convert_element_type3A_124 = arith.extui %eq3A_123 : i1 to i32
        %cond3A_125 = arith.constant 0 : i32
        %cond3A_126 = arith.cmpi ne, %convert_element_type3A_124, %cond3A_125 : i32
        scf.if %cond3A_126 {
          %dma_start3A_127 = arith.constant 0 : i32
          %dma_start3A_128 = arith.constant 0 : i32
          %dma_start3A_129 = tpu.memref_slice %arg5[%dma_start3A_127, %dma_start3A_128] : memref<10000x128xf32, #tpu.memory_space<hbm>> -> memref<10000x128xf32, #tpu.memory_space<hbm>>
          tpu.enqueue_indirect_dma source(%dma_start3A_129 : memref<10000x128xf32, #tpu.memory_space<hbm>>) target(%arg14 : memref<128x128xf32, #tpu.memory_space<vmem>>) offsets(%arg10 : memref<128xi32, #tpu.memory_space<vmem>>) semaphore(%arg19 : memref<!tpu.dma_semaphore, #tpu.memory_space<semaphore_mem>>)
        } else {
        }
      } else {
      }
      %eq3A_63 = arith.constant 0 : i32
      %eq3A_64 = arith.cmpi eq, %arg0, %eq3A_63 : i32
      %convert_element_type3A_65 = arith.extui %eq3A_64 : i1 to i32
      %cond3A_66 = arith.constant 0 : i32
      %cond3A_67 = arith.cmpi ne, %convert_element_type3A_65, %cond3A_66 : i32
      scf.if %cond3A_67 {
        %dma_wait3A_109 = arith.constant 0 : i32
        %dma_wait3A_110 = arith.constant 0 : i32
        %dma_wait3A_111 = tpu.memref_slice %arg4[%dma_wait3A_109, %dma_wait3A_110] : memref<10000x128xf32, #tpu.memory_space<hbm>> -> memref<10000x128xf32, #tpu.memory_space<hbm>>
        tpu.wait_indirect_dma semaphore(%arg18 : memref<!tpu.dma_semaphore, #tpu.memory_space<semaphore_mem>>) src(%dma_wait3A_111 : memref<10000x128xf32, #tpu.memory_space<hbm>>) dst(%arg13 : memref<128x128xf32, #tpu.memory_space<vmem>>)
      } else {
      }
      %eq3A_68 = arith.constant 1 : i32
      %eq3A_69 = arith.cmpi eq, %arg0, %eq3A_68 : i32
      %convert_element_type3A_70 = arith.extui %eq3A_69 : i1 to i32
      %cond3A_71 = arith.constant 0 : i32
      %cond3A_72 = arith.cmpi ne, %convert_element_type3A_70, %cond3A_71 : i32
      scf.if %cond3A_72 {
        %dma_wait3A_109 = arith.constant 0 : i32
        %dma_wait3A_110 = arith.constant 0 : i32
        %dma_wait3A_111 = tpu.memref_slice %arg5[%dma_wait3A_109, %dma_wait3A_110] : memref<10000x128xf32, #tpu.memory_space<hbm>> -> memref<10000x128xf32, #tpu.memory_space<hbm>>
        tpu.wait_indirect_dma semaphore(%arg18 : memref<!tpu.dma_semaphore, #tpu.memory_space<semaphore_mem>>) src(%dma_wait3A_111 : memref<10000x128xf32, #tpu.memory_space<hbm>>) dst(%arg13 : memref<128x128xf32, #tpu.memory_space<vmem>>)
      } else {
      }
      "tpu.region"() ({
        %run_scoped3A = tpu.sem_alloc : memref<!tpu.dma_semaphore, #tpu.memory_space<semaphore_mem>>
        %dma_start3A_109 = arith.constant 0 : i32
        %dma_start3A_110 = arith.constant 0 : i32
        %dma_start3A_111 = tpu.memref_slice %arg15[%dma_start3A_109, %dma_start3A_110] : memref<10016x128xf32, #tpu.memory_space<vmem_shared>> -> memref<10016x128xf32, #tpu.memory_space<vmem_shared>>
        tpu.enqueue_indirect_dma source(%arg13 : memref<128x128xf32, #tpu.memory_space<vmem>>) target(%dma_start3A_111 : memref<10016x128xf32, #tpu.memory_space<vmem_shared>>) offsets(%arg11 : memref<128xi32, #tpu.memory_space<vmem>>) semaphore(%run_scoped3A : memref<!tpu.dma_semaphore, #tpu.memory_space<semaphore_mem>>) {add = true}
        %dma_wait3A_112 = arith.constant 0 : i32
        %dma_wait3A_113 = arith.constant 0 : i32
        %dma_wait3A_114 = tpu.memref_slice %arg15[%dma_wait3A_112, %dma_wait3A_113] : memref<10016x128xf32, #tpu.memory_space<vmem_shared>> -> memref<10016x128xf32, #tpu.memory_space<vmem_shared>>
        tpu.wait_indirect_dma semaphore(%run_scoped3A : memref<!tpu.dma_semaphore, #tpu.memory_space<semaphore_mem>>) src(%arg13 : memref<128x128xf32, #tpu.memory_space<vmem>>) dst(%dma_wait3A_114 : memref<10016x128xf32, #tpu.memory_space<vmem_shared>>)
        tpu.yield
      }) : () -> ()
      %add3A_73 = arith.constant 2 : i32
      %add3A_74 = arith.addi %add3A_55, %add3A_73 : i32
      %lt3A_75 = arith.constant 80 : i32
      %lt3A_76 = arith.cmpi slt, %add3A_74, %lt3A_75 : i32
      %convert_element_type3A_77 = arith.extui %lt3A_76 : i1 to i32
      %cond3A_78 = arith.constant 0 : i32
      %cond3A_79 = arith.cmpi ne, %convert_element_type3A_77, %cond3A_78 : i32
      scf.if %cond3A_79 {
        %add3A_109 = arith.constant 2 : i32
        %add3A_110 = arith.addi %add3A_55, %add3A_109 : i32
        %mul3A_111 = arith.constant 128 : i32
        %mul3A_112 = arith.muli %add3A_110, %mul3A_111 : i32
        %add3A_113 = arith.addi %mul3A_6, %mul3A_112 : i32
        %dma_start3A_114 = tpu.memref_slice %arg2[%add3A_113] : memref<163840xi32, #tpu.memory_space<hbm>> -> memref<128xi32, #tpu.memory_space<hbm>>
        %dma_start3A_115 = tpu.memref_slice %arg2[%add3A_113] : memref<163840xi32, #tpu.memory_space<hbm>> -> memref<128xi32, #tpu.memory_space<hbm>>
        tpu.enqueue_dma source(%dma_start3A_115 : memref<128xi32, #tpu.memory_space<hbm>>) target(%arg9 : memref<128xi32, #tpu.memory_space<vmem>>) target_semaphore(%arg16 : memref<!tpu.dma_semaphore, #tpu.memory_space<semaphore_mem>>)
        %mul3A_116 = arith.constant 128 : i32
        %mul3A_117 = arith.muli %add3A_110, %mul3A_116 : i32
        %add3A_118 = arith.addi %mul3A_6, %mul3A_117 : i32
        %dma_start3A_119 = tpu.memref_slice %arg3[%add3A_118] : memref<163840xi32, #tpu.memory_space<hbm>> -> memref<128xi32, #tpu.memory_space<hbm>>
        %dma_start3A_120 = tpu.memref_slice %arg3[%add3A_118] : memref<163840xi32, #tpu.memory_space<hbm>> -> memref<128xi32, #tpu.memory_space<hbm>>
        tpu.enqueue_dma source(%dma_start3A_120 : memref<128xi32, #tpu.memory_space<hbm>>) target(%arg11 : memref<128xi32, #tpu.memory_space<vmem>>) target_semaphore(%arg16 : memref<!tpu.dma_semaphore, #tpu.memory_space<semaphore_mem>>)
      } else {
      }
      %mul3A_80 = arith.constant 2 : i32
      %mul3A_81 = arith.muli %scan3A_50, %mul3A_80 : i32
      %add3A_82 = arith.constant 1 : i32
      %add3A_83 = arith.addi %mul3A_81, %add3A_82 : i32
      %add3A_84 = arith.constant 1 : i32
      %add3A_85 = arith.addi %add3A_83, %add3A_84 : i32
      %lt3A_86 = arith.constant 80 : i32
      %lt3A_87 = arith.cmpi slt, %add3A_85, %lt3A_86 : i32
      %convert_element_type3A_88 = arith.extui %lt3A_87 : i1 to i32
      %cond3A_89 = arith.constant 0 : i32
      %cond3A_90 = arith.cmpi ne, %convert_element_type3A_88, %cond3A_89 : i32
      scf.if %cond3A_90 {
        %dma_wait3A_109 = arith.constant 0 : i32
        %dma_wait3A_110 = tpu.memref_slice %arg2[%dma_wait3A_109] : memref<163840xi32, #tpu.memory_space<hbm>> -> memref<128xi32, #tpu.memory_space<hbm>>
        %dma_wait3A_111 = arith.constant 0 : i32
        %dma_wait3A_112 = tpu.memref_slice %arg2[%dma_wait3A_111] : memref<163840xi32, #tpu.memory_space<hbm>> -> memref<128xi32, #tpu.memory_space<hbm>>
        tpu.wait_dma2 semaphore(%arg16 : memref<!tpu.dma_semaphore, #tpu.memory_space<semaphore_mem>>) src(%dma_wait3A_112 : memref<128xi32, #tpu.memory_space<hbm>>) dst(%arg9 : memref<128xi32, #tpu.memory_space<vmem>>)
        %dma_wait3A_113 = arith.constant 0 : i32
        %dma_wait3A_114 = tpu.memref_slice %arg2[%dma_wait3A_113] : memref<163840xi32, #tpu.memory_space<hbm>> -> memref<128xi32, #tpu.memory_space<hbm>>
        %dma_wait3A_115 = arith.constant 0 : i32
        %dma_wait3A_116 = tpu.memref_slice %arg2[%dma_wait3A_115] : memref<163840xi32, #tpu.memory_space<hbm>> -> memref<128xi32, #tpu.memory_space<hbm>>
        tpu.wait_dma2 semaphore(%arg16 : memref<!tpu.dma_semaphore, #tpu.memory_space<semaphore_mem>>) src(%dma_wait3A_116 : memref<128xi32, #tpu.memory_space<hbm>>) dst(%arg11 : memref<128xi32, #tpu.memory_space<vmem>>)
        %eq3A_117 = arith.constant 0 : i32
        %eq3A_118 = arith.cmpi eq, %arg0, %eq3A_117 : i32
        %convert_element_type3A_119 = arith.extui %eq3A_118 : i1 to i32
        %cond3A_120 = arith.constant 0 : i32
        %cond3A_121 = arith.cmpi ne, %convert_element_type3A_119, %cond3A_120 : i32
        scf.if %cond3A_121 {
          %dma_start3A_127 = arith.constant 0 : i32
          %dma_start3A_128 = arith.constant 0 : i32
          %dma_start3A_129 = tpu.memref_slice %arg4[%dma_start3A_127, %dma_start3A_128] : memref<10000x128xf32, #tpu.memory_space<hbm>> -> memref<10000x128xf32, #tpu.memory_space<hbm>>
          tpu.enqueue_indirect_dma source(%dma_start3A_129 : memref<10000x128xf32, #tpu.memory_space<hbm>>) target(%arg13 : memref<128x128xf32, #tpu.memory_space<vmem>>) offsets(%arg9 : memref<128xi32, #tpu.memory_space<vmem>>) semaphore(%arg18 : memref<!tpu.dma_semaphore, #tpu.memory_space<semaphore_mem>>)
        } else {
        }
        %eq3A_122 = arith.constant 1 : i32
        %eq3A_123 = arith.cmpi eq, %arg0, %eq3A_122 : i32
        %convert_element_type3A_124 = arith.extui %eq3A_123 : i1 to i32
        %cond3A_125 = arith.constant 0 : i32
        %cond3A_126 = arith.cmpi ne, %convert_element_type3A_124, %cond3A_125 : i32
        scf.if %cond3A_126 {
          %dma_start3A_127 = arith.constant 0 : i32
          %dma_start3A_128 = arith.constant 0 : i32
          %dma_start3A_129 = tpu.memref_slice %arg5[%dma_start3A_127, %dma_start3A_128] : memref<10000x128xf32, #tpu.memory_space<hbm>> -> memref<10000x128xf32, #tpu.memory_space<hbm>>
          tpu.enqueue_indirect_dma source(%dma_start3A_129 : memref<10000x128xf32, #tpu.memory_space<hbm>>) target(%arg13 : memref<128x128xf32, #tpu.memory_space<vmem>>) offsets(%arg9 : memref<128xi32, #tpu.memory_space<vmem>>) semaphore(%arg18 : memref<!tpu.dma_semaphore, #tpu.memory_space<semaphore_mem>>)
        } else {
        }
      } else {
      }
      %eq3A_91 = arith.constant 0 : i32
      %eq3A_92 = arith.cmpi eq, %arg0, %eq3A_91 : i32
      %convert_element_type3A_93 = arith.extui %eq3A_92 : i1 to i32
      %cond3A_94 = arith.constant 0 : i32
      %cond3A_95 = arith.cmpi ne, %convert_element_type3A_93, %cond3A_94 : i32
      scf.if %cond3A_95 {
        %dma_wait3A_109 = arith.constant 0 : i32
        %dma_wait3A_110 = arith.constant 0 : i32
        %dma_wait3A_111 = tpu.memref_slice %arg4[%dma_wait3A_109, %dma_wait3A_110] : memref<10000x128xf32, #tpu.memory_space<hbm>> -> memref<10000x128xf32, #tpu.memory_space<hbm>>
        tpu.wait_indirect_dma semaphore(%arg19 : memref<!tpu.dma_semaphore, #tpu.memory_space<semaphore_mem>>) src(%dma_wait3A_111 : memref<10000x128xf32, #tpu.memory_space<hbm>>) dst(%arg14 : memref<128x128xf32, #tpu.memory_space<vmem>>)
      } else {
      }
      %eq3A_96 = arith.constant 1 : i32
      %eq3A_97 = arith.cmpi eq, %arg0, %eq3A_96 : i32
      %convert_element_type3A_98 = arith.extui %eq3A_97 : i1 to i32
      %cond3A_99 = arith.constant 0 : i32
      %cond3A_100 = arith.cmpi ne, %convert_element_type3A_98, %cond3A_99 : i32
      scf.if %cond3A_100 {
        %dma_wait3A_109 = arith.constant 0 : i32
        %dma_wait3A_110 = arith.constant 0 : i32
        %dma_wait3A_111 = tpu.memref_slice %arg5[%dma_wait3A_109, %dma_wait3A_110] : memref<10000x128xf32, #tpu.memory_space<hbm>> -> memref<10000x128xf32, #tpu.memory_space<hbm>>
        tpu.wait_indirect_dma semaphore(%arg19 : memref<!tpu.dma_semaphore, #tpu.memory_space<semaphore_mem>>) src(%dma_wait3A_111 : memref<10000x128xf32, #tpu.memory_space<hbm>>) dst(%arg14 : memref<128x128xf32, #tpu.memory_space<vmem>>)
      } else {
      }
      "tpu.region"() ({
        %run_scoped3A = tpu.sem_alloc : memref<!tpu.dma_semaphore, #tpu.memory_space<semaphore_mem>>
        %dma_start3A_109 = arith.constant 0 : i32
        %dma_start3A_110 = arith.constant 0 : i32
        %dma_start3A_111 = tpu.memref_slice %arg15[%dma_start3A_109, %dma_start3A_110] : memref<10016x128xf32, #tpu.memory_space<vmem_shared>> -> memref<10016x128xf32, #tpu.memory_space<vmem_shared>>
        tpu.enqueue_indirect_dma source(%arg14 : memref<128x128xf32, #tpu.memory_space<vmem>>) target(%dma_start3A_111 : memref<10016x128xf32, #tpu.memory_space<vmem_shared>>) offsets(%arg12 : memref<128xi32, #tpu.memory_space<vmem>>) semaphore(%run_scoped3A : memref<!tpu.dma_semaphore, #tpu.memory_space<semaphore_mem>>) {add = true}
        %dma_wait3A_112 = arith.constant 0 : i32
        %dma_wait3A_113 = arith.constant 0 : i32
        %dma_wait3A_114 = tpu.memref_slice %arg15[%dma_wait3A_112, %dma_wait3A_113] : memref<10016x128xf32, #tpu.memory_space<vmem_shared>> -> memref<10016x128xf32, #tpu.memory_space<vmem_shared>>
        tpu.wait_indirect_dma semaphore(%run_scoped3A : memref<!tpu.dma_semaphore, #tpu.memory_space<semaphore_mem>>) src(%arg14 : memref<128x128xf32, #tpu.memory_space<vmem>>) dst(%dma_wait3A_114 : memref<10016x128xf32, #tpu.memory_space<vmem_shared>>)
        tpu.yield
      }) : () -> ()
      %add3A_101 = arith.constant 2 : i32
      %add3A_102 = arith.addi %add3A_83, %add3A_101 : i32
      %lt3A_103 = arith.constant 80 : i32
      %lt3A_104 = arith.cmpi slt, %add3A_102, %lt3A_103 : i32
      %convert_element_type3A_105 = arith.extui %lt3A_104 : i1 to i32
      %cond3A_106 = arith.constant 0 : i32
      %cond3A_107 = arith.cmpi ne, %convert_element_type3A_105, %cond3A_106 : i32
      scf.if %cond3A_107 {
        %add3A_109 = arith.constant 2 : i32
        %add3A_110 = arith.addi %add3A_83, %add3A_109 : i32
        %mul3A_111 = arith.constant 128 : i32
        %mul3A_112 = arith.muli %add3A_110, %mul3A_111 : i32
        %add3A_113 = arith.addi %mul3A_6, %mul3A_112 : i32
        %dma_start3A_114 = tpu.memref_slice %arg2[%add3A_113] : memref<163840xi32, #tpu.memory_space<hbm>> -> memref<128xi32, #tpu.memory_space<hbm>>
        %dma_start3A_115 = tpu.memref_slice %arg2[%add3A_113] : memref<163840xi32, #tpu.memory_space<hbm>> -> memref<128xi32, #tpu.memory_space<hbm>>
        tpu.enqueue_dma source(%dma_start3A_115 : memref<128xi32, #tpu.memory_space<hbm>>) target(%arg10 : memref<128xi32, #tpu.memory_space<vmem>>) target_semaphore(%arg17 : memref<!tpu.dma_semaphore, #tpu.memory_space<semaphore_mem>>)
        %mul3A_116 = arith.constant 128 : i32
        %mul3A_117 = arith.muli %add3A_110, %mul3A_116 : i32
        %add3A_118 = arith.addi %mul3A_6, %mul3A_117 : i32
        %dma_start3A_119 = tpu.memref_slice %arg3[%add3A_118] : memref<163840xi32, #tpu.memory_space<hbm>> -> memref<128xi32, #tpu.memory_space<hbm>>
        %dma_start3A_120 = tpu.memref_slice %arg3[%add3A_118] : memref<163840xi32, #tpu.memory_space<hbm>> -> memref<128xi32, #tpu.memory_space<hbm>>
        tpu.enqueue_dma source(%dma_start3A_120 : memref<128xi32, #tpu.memory_space<hbm>>) target(%arg12 : memref<128xi32, #tpu.memory_space<vmem>>) target_semaphore(%arg17 : memref<!tpu.dma_semaphore, #tpu.memory_space<semaphore_mem>>)
      } else {
      }
      %scan3A_108 = arith.constant 0 : i32
      scf.yield %scan3A_108 : i32
    }
    %scan3A_43 = arith.constant 40 : i32
    %barrier3A_44 = arith.constant 0 : index
    tpu.barrier barrier_id(%barrier3A_44)
    %lt3A_45 = arith.constant 10 : i32
    %lt3A_46 = arith.cmpi slt, %arg1, %lt3A_45 : i32
    %convert_element_type3A_47 = arith.extui %lt3A_46 : i1 to i32
    %cond3A_48 = arith.constant 0 : i32
    %cond3A_49 = arith.cmpi ne, %convert_element_type3A_47, %cond3A_48 : i32
    scf.if %cond3A_49 {
      %mul3A_50 = arith.constant 1000 : i32
      %mul3A_51 = arith.muli %arg1, %mul3A_50 : i32
      %add3A_52 = arith.constant 0 : i32
      %add3A_53 = arith.addi %mul3A_51, %add3A_52 : i32
      "tpu.region"() ({
        %run_scoped3A = tpu.sem_alloc : memref<!tpu.dma_semaphore, #tpu.memory_space<semaphore_mem>>
        %dma_start3A_162 = arith.constant 0 : i32
        %dma_start3A_163 = arith.constant 0 : i32
        %dma_start3A_164 = tpu.memref_slice %arg13[%dma_start3A_162, %dma_start3A_163] : memref<128x128xf32, #tpu.memory_space<vmem>> -> memref<128x128xf32, #tpu.memory_space<vmem>>
        %dma_start3A_165 = arith.constant 0 : i32
        %dma_start3A_166 = tpu.memref_slice %arg15[%add3A_53, %dma_start3A_165] : memref<10016x128xf32, #tpu.memory_space<vmem_shared>> -> memref<128x128xf32, #tpu.memory_space<vmem_shared>>
        %dma_start3A_167 = arith.constant 0 : i32
        %dma_start3A_168 = arith.constant 0 : i32
        %dma_start3A_169 = tpu.memref_slice %arg13[%dma_start3A_167, %dma_start3A_168] : memref<128x128xf32, #tpu.memory_space<vmem>> -> memref<128x128xf32, #tpu.memory_space<vmem>>
        %dma_start3A_170 = arith.constant 0 : i32
        %dma_start3A_171 = tpu.memref_slice %arg15[%add3A_53, %dma_start3A_170] : memref<10016x128xf32, #tpu.memory_space<vmem_shared>> -> memref<128x128xf32, #tpu.memory_space<vmem_shared>>
        tpu.enqueue_dma source(%dma_start3A_171 : memref<128x128xf32, #tpu.memory_space<vmem_shared>>) target(%dma_start3A_169 : memref<128x128xf32, #tpu.memory_space<vmem>>) target_semaphore(%run_scoped3A : memref<!tpu.dma_semaphore, #tpu.memory_space<semaphore_mem>>)
        %dma_wait3A_172 = arith.constant 0 : i32
        %dma_wait3A_173 = arith.constant 0 : i32
        %dma_wait3A_174 = tpu.memref_slice %arg13[%dma_wait3A_172, %dma_wait3A_173] : memref<128x128xf32, #tpu.memory_space<vmem>> -> memref<128x128xf32, #tpu.memory_space<vmem>>
        %dma_wait3A_175 = arith.constant 0 : i32
        %dma_wait3A_176 = tpu.memref_slice %arg15[%add3A_53, %dma_wait3A_175] : memref<10016x128xf32, #tpu.memory_space<vmem_shared>> -> memref<128x128xf32, #tpu.memory_space<vmem_shared>>
        %dma_wait3A_177 = arith.constant 0 : i32
        %dma_wait3A_178 = arith.constant 0 : i32
        %dma_wait3A_179 = tpu.memref_slice %arg13[%dma_wait3A_177, %dma_wait3A_178] : memref<128x128xf32, #tpu.memory_space<vmem>> -> memref<128x128xf32, #tpu.memory_space<vmem>>
        %dma_wait3A_180 = arith.constant 0 : i32
        %dma_wait3A_181 = tpu.memref_slice %arg15[%add3A_53, %dma_wait3A_180] : memref<10016x128xf32, #tpu.memory_space<vmem_shared>> -> memref<128x128xf32, #tpu.memory_space<vmem_shared>>
        tpu.wait_dma2 semaphore(%run_scoped3A : memref<!tpu.dma_semaphore, #tpu.memory_space<semaphore_mem>>) src(%dma_wait3A_181 : memref<128x128xf32, #tpu.memory_space<vmem_shared>>) dst(%dma_wait3A_179 : memref<128x128xf32, #tpu.memory_space<vmem>>)
        tpu.yield
      }) : () -> ()
      %eq3A_54 = arith.constant 0 : i32
      %eq3A_55 = arith.cmpi eq, %arg0, %eq3A_54 : i32
      %convert_element_type3A_56 = arith.extui %eq3A_55 : i1 to i32
      %cond3A_57 = arith.constant 0 : i32
      %cond3A_58 = arith.cmpi ne, %convert_element_type3A_56, %cond3A_57 : i32
      scf.if %cond3A_58 {
        "tpu.region"() ({
          %run_scoped3A = tpu.sem_alloc : memref<!tpu.dma_semaphore, #tpu.memory_space<semaphore_mem>>
          %dma_start3A_162 = arith.constant 0 : i32
          %dma_start3A_163 = arith.constant 0 : i32
          %dma_start3A_164 = tpu.memref_slice %arg13[%dma_start3A_162, %dma_start3A_163] : memref<128x128xf32, #tpu.memory_space<vmem>> -> memref<128x128xf32, #tpu.memory_space<vmem>>
          %dma_start3A_165 = arith.constant 0 : i32
          %dma_start3A_166 = tpu.memref_slice %arg7[%add3A_53, %dma_start3A_165] : memref<10000x128xf32, #tpu.memory_space<hbm>> -> memref<128x128xf32, #tpu.memory_space<hbm>>
          %dma_start3A_167 = arith.constant 0 : i32
          %dma_start3A_168 = tpu.memref_slice %arg7[%add3A_53, %dma_start3A_167] : memref<10000x128xf32, #tpu.memory_space<hbm>> -> memref<128x128xf32, #tpu.memory_space<hbm>>
          %dma_start3A_169 = arith.constant 0 : i32
          %dma_start3A_170 = arith.constant 0 : i32
          %dma_start3A_171 = tpu.memref_slice %arg13[%dma_start3A_169, %dma_start3A_170] : memref<128x128xf32, #tpu.memory_space<vmem>> -> memref<128x128xf32, #tpu.memory_space<vmem>>
          tpu.enqueue_dma source(%dma_start3A_171 : memref<128x128xf32, #tpu.memory_space<vmem>>) target(%dma_start3A_168 : memref<128x128xf32, #tpu.memory_space<hbm>>) target_semaphore(%run_scoped3A : memref<!tpu.dma_semaphore, #tpu.memory_space<semaphore_mem>>)
          %dma_wait3A_172 = arith.constant 0 : i32
          %dma_wait3A_173 = arith.constant 0 : i32
          %dma_wait3A_174 = tpu.memref_slice %arg13[%dma_wait3A_172, %dma_wait3A_173] : memref<128x128xf32, #tpu.memory_space<vmem>> -> memref<128x128xf32, #tpu.memory_space<vmem>>
          %dma_wait3A_175 = arith.constant 0 : i32
          %dma_wait3A_176 = tpu.memref_slice %arg7[%add3A_53, %dma_wait3A_175] : memref<10000x128xf32, #tpu.memory_space<hbm>> -> memref<128x128xf32, #tpu.memory_space<hbm>>
          %dma_wait3A_177 = arith.constant 0 : i32
          %dma_wait3A_178 = tpu.memref_slice %arg7[%add3A_53, %dma_wait3A_177] : memref<10000x128xf32, #tpu.memory_space<hbm>> -> memref<128x128xf32, #tpu.memory_space<hbm>>
          %dma_wait3A_179 = arith.constant 0 : i32
          %dma_wait3A_180 = arith.constant 0 : i32
          %dma_wait3A_181 = tpu.memref_slice %arg13[%dma_wait3A_179, %dma_wait3A_180] : memref<128x128xf32, #tpu.memory_space<vmem>> -> memref<128x128xf32, #tpu.memory_space<vmem>>
          tpu.wait_dma2 semaphore(%run_scoped3A : memref<!tpu.dma_semaphore, #tpu.memory_space<semaphore_mem>>) src(%dma_wait3A_181 : memref<128x128xf32, #tpu.memory_space<vmem>>) dst(%dma_wait3A_178 : memref<128x128xf32, #tpu.memory_space<hbm>>)
          tpu.yield
        }) : () -> ()
      } else {
      }
      %eq3A_59 = arith.constant 1 : i32
      %eq3A_60 = arith.cmpi eq, %arg0, %eq3A_59 : i32
      %convert_element_type3A_61 = arith.extui %eq3A_60 : i1 to i32
      %cond3A_62 = arith.constant 0 : i32
      %cond3A_63 = arith.cmpi ne, %convert_element_type3A_61, %cond3A_62 : i32
      scf.if %cond3A_63 {
        "tpu.region"() ({
          %run_scoped3A = tpu.sem_alloc : memref<!tpu.dma_semaphore, #tpu.memory_space<semaphore_mem>>
          %dma_start3A_162 = arith.constant 0 : i32
          %dma_start3A_163 = arith.constant 0 : i32
          %dma_start3A_164 = tpu.memref_slice %arg13[%dma_start3A_162, %dma_start3A_163] : memref<128x128xf32, #tpu.memory_space<vmem>> -> memref<128x128xf32, #tpu.memory_space<vmem>>
          %dma_start3A_165 = arith.constant 0 : i32
          %dma_start3A_166 = tpu.memref_slice %arg8[%add3A_53, %dma_start3A_165] : memref<10000x128xf32, #tpu.memory_space<hbm>> -> memref<128x128xf32, #tpu.memory_space<hbm>>
          %dma_start3A_167 = arith.constant 0 : i32
          %dma_start3A_168 = tpu.memref_slice %arg8[%add3A_53, %dma_start3A_167] : memref<10000x128xf32, #tpu.memory_space<hbm>> -> memref<128x128xf32, #tpu.memory_space<hbm>>
          %dma_start3A_169 = arith.constant 0 : i32
          %dma_start3A_170 = arith.constant 0 : i32
          %dma_start3A_171 = tpu.memref_slice %arg13[%dma_start3A_169, %dma_start3A_170] : memref<128x128xf32, #tpu.memory_space<vmem>> -> memref<128x128xf32, #tpu.memory_space<vmem>>
          tpu.enqueue_dma source(%dma_start3A_171 : memref<128x128xf32, #tpu.memory_space<vmem>>) target(%dma_start3A_168 : memref<128x128xf32, #tpu.memory_space<hbm>>) target_semaphore(%run_scoped3A : memref<!tpu.dma_semaphore, #tpu.memory_space<semaphore_mem>>)
          %dma_wait3A_172 = arith.constant 0 : i32
          %dma_wait3A_173 = arith.constant 0 : i32
          %dma_wait3A_174 = tpu.memref_slice %arg13[%dma_wait3A_172, %dma_wait3A_173] : memref<128x128xf32, #tpu.memory_space<vmem>> -> memref<128x128xf32, #tpu.memory_space<vmem>>
          %dma_wait3A_175 = arith.constant 0 : i32
          %dma_wait3A_176 = tpu.memref_slice %arg8[%add3A_53, %dma_wait3A_175] : memref<10000x128xf32, #tpu.memory_space<hbm>> -> memref<128x128xf32, #tpu.memory_space<hbm>>
          %dma_wait3A_177 = arith.constant 0 : i32
          %dma_wait3A_178 = tpu.memref_slice %arg8[%add3A_53, %dma_wait3A_177] : memref<10000x128xf32, #tpu.memory_space<hbm>> -> memref<128x128xf32, #tpu.memory_space<hbm>>
          %dma_wait3A_179 = arith.constant 0 : i32
          %dma_wait3A_180 = arith.constant 0 : i32
          %dma_wait3A_181 = tpu.memref_slice %arg13[%dma_wait3A_179, %dma_wait3A_180] : memref<128x128xf32, #tpu.memory_space<vmem>> -> memref<128x128xf32, #tpu.memory_space<vmem>>
          tpu.wait_dma2 semaphore(%run_scoped3A : memref<!tpu.dma_semaphore, #tpu.memory_space<semaphore_mem>>) src(%dma_wait3A_181 : memref<128x128xf32, #tpu.memory_space<vmem>>) dst(%dma_wait3A_178 : memref<128x128xf32, #tpu.memory_space<hbm>>)
          tpu.yield
        }) : () -> ()
      } else {
      }
      %mul3A_64 = arith.constant 1000 : i32
      %mul3A_65 = arith.muli %arg1, %mul3A_64 : i32
      %add3A_66 = arith.constant 128 : i32
      %add3A_67 = arith.addi %mul3A_65, %add3A_66 : i32
      "tpu.region"() ({
        %run_scoped3A = tpu.sem_alloc : memref<!tpu.dma_semaphore, #tpu.memory_space<semaphore_mem>>
        %dma_start3A_162 = arith.constant 0 : i32
        %dma_start3A_163 = arith.constant 0 : i32
        %dma_start3A_164 = tpu.memref_slice %arg13[%dma_start3A_162, %dma_start3A_163] : memref<128x128xf32, #tpu.memory_space<vmem>> -> memref<128x128xf32, #tpu.memory_space<vmem>>
        %dma_start3A_165 = arith.constant 0 : i32
        %dma_start3A_166 = tpu.memref_slice %arg15[%add3A_67, %dma_start3A_165] : memref<10016x128xf32, #tpu.memory_space<vmem_shared>> -> memref<128x128xf32, #tpu.memory_space<vmem_shared>>
        %dma_start3A_167 = arith.constant 0 : i32
        %dma_start3A_168 = arith.constant 0 : i32
        %dma_start3A_169 = tpu.memref_slice %arg13[%dma_start3A_167, %dma_start3A_168] : memref<128x128xf32, #tpu.memory_space<vmem>> -> memref<128x128xf32, #tpu.memory_space<vmem>>
        %dma_start3A_170 = arith.constant 0 : i32
        %dma_start3A_171 = tpu.memref_slice %arg15[%add3A_67, %dma_start3A_170] : memref<10016x128xf32, #tpu.memory_space<vmem_shared>> -> memref<128x128xf32, #tpu.memory_space<vmem_shared>>
        tpu.enqueue_dma source(%dma_start3A_171 : memref<128x128xf32, #tpu.memory_space<vmem_shared>>) target(%dma_start3A_169 : memref<128x128xf32, #tpu.memory_space<vmem>>) target_semaphore(%run_scoped3A : memref<!tpu.dma_semaphore, #tpu.memory_space<semaphore_mem>>)
        %dma_wait3A_172 = arith.constant 0 : i32
        %dma_wait3A_173 = arith.constant 0 : i32
        %dma_wait3A_174 = tpu.memref_slice %arg13[%dma_wait3A_172, %dma_wait3A_173] : memref<128x128xf32, #tpu.memory_space<vmem>> -> memref<128x128xf32, #tpu.memory_space<vmem>>
        %dma_wait3A_175 = arith.constant 0 : i32
        %dma_wait3A_176 = tpu.memref_slice %arg15[%add3A_67, %dma_wait3A_175] : memref<10016x128xf32, #tpu.memory_space<vmem_shared>> -> memref<128x128xf32, #tpu.memory_space<vmem_shared>>
        %dma_wait3A_177 = arith.constant 0 : i32
        %dma_wait3A_178 = arith.constant 0 : i32
        %dma_wait3A_179 = tpu.memref_slice %arg13[%dma_wait3A_177, %dma_wait3A_178] : memref<128x128xf32, #tpu.memory_space<vmem>> -> memref<128x128xf32, #tpu.memory_space<vmem>>
        %dma_wait3A_180 = arith.constant 0 : i32
        %dma_wait3A_181 = tpu.memref_slice %arg15[%add3A_67, %dma_wait3A_180] : memref<10016x128xf32, #tpu.memory_space<vmem_shared>> -> memref<128x128xf32, #tpu.memory_space<vmem_shared>>
        tpu.wait_dma2 semaphore(%run_scoped3A : memref<!tpu.dma_semaphore, #tpu.memory_space<semaphore_mem>>) src(%dma_wait3A_181 : memref<128x128xf32, #tpu.memory_space<vmem_shared>>) dst(%dma_wait3A_179 : memref<128x128xf32, #tpu.memory_space<vmem>>)
        tpu.yield
      }) : () -> ()
      %eq3A_68 = arith.constant 0 : i32
      %eq3A_69 = arith.cmpi eq, %arg0, %eq3A_68 : i32
      %convert_element_type3A_70 = arith.extui %eq3A_69 : i1 to i32
      %cond3A_71 = arith.constant 0 : i32
      %cond3A_72 = arith.cmpi ne, %convert_element_type3A_70, %cond3A_71 : i32
      scf.if %cond3A_72 {
        "tpu.region"() ({
          %run_scoped3A = tpu.sem_alloc : memref<!tpu.dma_semaphore, #tpu.memory_space<semaphore_mem>>
          %dma_start3A_162 = arith.constant 0 : i32
          %dma_start3A_163 = arith.constant 0 : i32
          %dma_start3A_164 = tpu.memref_slice %arg13[%dma_start3A_162, %dma_start3A_163] : memref<128x128xf32, #tpu.memory_space<vmem>> -> memref<128x128xf32, #tpu.memory_space<vmem>>
          %dma_start3A_165 = arith.constant 0 : i32
          %dma_start3A_166 = tpu.memref_slice %arg7[%add3A_67, %dma_start3A_165] : memref<10000x128xf32, #tpu.memory_space<hbm>> -> memref<128x128xf32, #tpu.memory_space<hbm>>
          %dma_start3A_167 = arith.constant 0 : i32
          %dma_start3A_168 = tpu.memref_slice %arg7[%add3A_67, %dma_start3A_167] : memref<10000x128xf32, #tpu.memory_space<hbm>> -> memref<128x128xf32, #tpu.memory_space<hbm>>
          %dma_start3A_169 = arith.constant 0 : i32
          %dma_start3A_170 = arith.constant 0 : i32
          %dma_start3A_171 = tpu.memref_slice %arg13[%dma_start3A_169, %dma_start3A_170] : memref<128x128xf32, #tpu.memory_space<vmem>> -> memref<128x128xf32, #tpu.memory_space<vmem>>
          tpu.enqueue_dma source(%dma_start3A_171 : memref<128x128xf32, #tpu.memory_space<vmem>>) target(%dma_start3A_168 : memref<128x128xf32, #tpu.memory_space<hbm>>) target_semaphore(%run_scoped3A : memref<!tpu.dma_semaphore, #tpu.memory_space<semaphore_mem>>)
          %dma_wait3A_172 = arith.constant 0 : i32
          %dma_wait3A_173 = arith.constant 0 : i32
          %dma_wait3A_174 = tpu.memref_slice %arg13[%dma_wait3A_172, %dma_wait3A_173] : memref<128x128xf32, #tpu.memory_space<vmem>> -> memref<128x128xf32, #tpu.memory_space<vmem>>
          %dma_wait3A_175 = arith.constant 0 : i32
          %dma_wait3A_176 = tpu.memref_slice %arg7[%add3A_67, %dma_wait3A_175] : memref<10000x128xf32, #tpu.memory_space<hbm>> -> memref<128x128xf32, #tpu.memory_space<hbm>>
          %dma_wait3A_177 = arith.constant 0 : i32
          %dma_wait3A_178 = tpu.memref_slice %arg7[%add3A_67, %dma_wait3A_177] : memref<10000x128xf32, #tpu.memory_space<hbm>> -> memref<128x128xf32, #tpu.memory_space<hbm>>
          %dma_wait3A_179 = arith.constant 0 : i32
          %dma_wait3A_180 = arith.constant 0 : i32
          %dma_wait3A_181 = tpu.memref_slice %arg13[%dma_wait3A_179, %dma_wait3A_180] : memref<128x128xf32, #tpu.memory_space<vmem>> -> memref<128x128xf32, #tpu.memory_space<vmem>>
          tpu.wait_dma2 semaphore(%run_scoped3A : memref<!tpu.dma_semaphore, #tpu.memory_space<semaphore_mem>>) src(%dma_wait3A_181 : memref<128x128xf32, #tpu.memory_space<vmem>>) dst(%dma_wait3A_178 : memref<128x128xf32, #tpu.memory_space<hbm>>)
          tpu.yield
        }) : () -> ()
      } else {
      }
      %eq3A_73 = arith.constant 1 : i32
      %eq3A_74 = arith.cmpi eq, %arg0, %eq3A_73 : i32
      %convert_element_type3A_75 = arith.extui %eq3A_74 : i1 to i32
      %cond3A_76 = arith.constant 0 : i32
      %cond3A_77 = arith.cmpi ne, %convert_element_type3A_75, %cond3A_76 : i32
      scf.if %cond3A_77 {
        "tpu.region"() ({
          %run_scoped3A = tpu.sem_alloc : memref<!tpu.dma_semaphore, #tpu.memory_space<semaphore_mem>>
          %dma_start3A_162 = arith.constant 0 : i32
          %dma_start3A_163 = arith.constant 0 : i32
          %dma_start3A_164 = tpu.memref_slice %arg13[%dma_start3A_162, %dma_start3A_163] : memref<128x128xf32, #tpu.memory_space<vmem>> -> memref<128x128xf32, #tpu.memory_space<vmem>>
          %dma_start3A_165 = arith.constant 0 : i32
          %dma_start3A_166 = tpu.memref_slice %arg8[%add3A_67, %dma_start3A_165] : memref<10000x128xf32, #tpu.memory_space<hbm>> -> memref<128x128xf32, #tpu.memory_space<hbm>>
          %dma_start3A_167 = arith.constant 0 : i32
          %dma_start3A_168 = tpu.memref_slice %arg8[%add3A_67, %dma_start3A_167] : memref<10000x128xf32, #tpu.memory_space<hbm>> -> memref<128x128xf32, #tpu.memory_space<hbm>>
          %dma_start3A_169 = arith.constant 0 : i32
          %dma_start3A_170 = arith.constant 0 : i32
          %dma_start3A_171 = tpu.memref_slice %arg13[%dma_start3A_169, %dma_start3A_170] : memref<128x128xf32, #tpu.memory_space<vmem>> -> memref<128x128xf32, #tpu.memory_space<vmem>>
          tpu.enqueue_dma source(%dma_start3A_171 : memref<128x128xf32, #tpu.memory_space<vmem>>) target(%dma_start3A_168 : memref<128x128xf32, #tpu.memory_space<hbm>>) target_semaphore(%run_scoped3A : memref<!tpu.dma_semaphore, #tpu.memory_space<semaphore_mem>>)
          %dma_wait3A_172 = arith.constant 0 : i32
          %dma_wait3A_173 = arith.constant 0 : i32
          %dma_wait3A_174 = tpu.memref_slice %arg13[%dma_wait3A_172, %dma_wait3A_173] : memref<128x128xf32, #tpu.memory_space<vmem>> -> memref<128x128xf32, #tpu.memory_space<vmem>>
          %dma_wait3A_175 = arith.constant 0 : i32
          %dma_wait3A_176 = tpu.memref_slice %arg8[%add3A_67, %dma_wait3A_175] : memref<10000x128xf32, #tpu.memory_space<hbm>> -> memref<128x128xf32, #tpu.memory_space<hbm>>
          %dma_wait3A_177 = arith.constant 0 : i32
          %dma_wait3A_178 = tpu.memref_slice %arg8[%add3A_67, %dma_wait3A_177] : memref<10000x128xf32, #tpu.memory_space<hbm>> -> memref<128x128xf32, #tpu.memory_space<hbm>>
          %dma_wait3A_179 = arith.constant 0 : i32
          %dma_wait3A_180 = arith.constant 0 : i32
          %dma_wait3A_181 = tpu.memref_slice %arg13[%dma_wait3A_179, %dma_wait3A_180] : memref<128x128xf32, #tpu.memory_space<vmem>> -> memref<128x128xf32, #tpu.memory_space<vmem>>
          tpu.wait_dma2 semaphore(%run_scoped3A : memref<!tpu.dma_semaphore, #tpu.memory_space<semaphore_mem>>) src(%dma_wait3A_181 : memref<128x128xf32, #tpu.memory_space<vmem>>) dst(%dma_wait3A_178 : memref<128x128xf32, #tpu.memory_space<hbm>>)
          tpu.yield
        }) : () -> ()
      } else {
      }
      %mul3A_78 = arith.constant 1000 : i32
      %mul3A_79 = arith.muli %arg1, %mul3A_78 : i32
      %add3A_80 = arith.constant 256 : i32
      %add3A_81 = arith.addi %mul3A_79, %add3A_80 : i32
      "tpu.region"() ({
        %run_scoped3A = tpu.sem_alloc : memref<!tpu.dma_semaphore, #tpu.memory_space<semaphore_mem>>
        %dma_start3A_162 = arith.constant 0 : i32
        %dma_start3A_163 = arith.constant 0 : i32
        %dma_start3A_164 = tpu.memref_slice %arg13[%dma_start3A_162, %dma_start3A_163] : memref<128x128xf32, #tpu.memory_space<vmem>> -> memref<128x128xf32, #tpu.memory_space<vmem>>
        %dma_start3A_165 = arith.constant 0 : i32
        %dma_start3A_166 = tpu.memref_slice %arg15[%add3A_81, %dma_start3A_165] : memref<10016x128xf32, #tpu.memory_space<vmem_shared>> -> memref<128x128xf32, #tpu.memory_space<vmem_shared>>
        %dma_start3A_167 = arith.constant 0 : i32
        %dma_start3A_168 = arith.constant 0 : i32
        %dma_start3A_169 = tpu.memref_slice %arg13[%dma_start3A_167, %dma_start3A_168] : memref<128x128xf32, #tpu.memory_space<vmem>> -> memref<128x128xf32, #tpu.memory_space<vmem>>
        %dma_start3A_170 = arith.constant 0 : i32
        %dma_start3A_171 = tpu.memref_slice %arg15[%add3A_81, %dma_start3A_170] : memref<10016x128xf32, #tpu.memory_space<vmem_shared>> -> memref<128x128xf32, #tpu.memory_space<vmem_shared>>
        tpu.enqueue_dma source(%dma_start3A_171 : memref<128x128xf32, #tpu.memory_space<vmem_shared>>) target(%dma_start3A_169 : memref<128x128xf32, #tpu.memory_space<vmem>>) target_semaphore(%run_scoped3A : memref<!tpu.dma_semaphore, #tpu.memory_space<semaphore_mem>>)
        %dma_wait3A_172 = arith.constant 0 : i32
        %dma_wait3A_173 = arith.constant 0 : i32
        %dma_wait3A_174 = tpu.memref_slice %arg13[%dma_wait3A_172, %dma_wait3A_173] : memref<128x128xf32, #tpu.memory_space<vmem>> -> memref<128x128xf32, #tpu.memory_space<vmem>>
        %dma_wait3A_175 = arith.constant 0 : i32
        %dma_wait3A_176 = tpu.memref_slice %arg15[%add3A_81, %dma_wait3A_175] : memref<10016x128xf32, #tpu.memory_space<vmem_shared>> -> memref<128x128xf32, #tpu.memory_space<vmem_shared>>
        %dma_wait3A_177 = arith.constant 0 : i32
        %dma_wait3A_178 = arith.constant 0 : i32
        %dma_wait3A_179 = tpu.memref_slice %arg13[%dma_wait3A_177, %dma_wait3A_178] : memref<128x128xf32, #tpu.memory_space<vmem>> -> memref<128x128xf32, #tpu.memory_space<vmem>>
        %dma_wait3A_180 = arith.constant 0 : i32
        %dma_wait3A_181 = tpu.memref_slice %arg15[%add3A_81, %dma_wait3A_180] : memref<10016x128xf32, #tpu.memory_space<vmem_shared>> -> memref<128x128xf32, #tpu.memory_space<vmem_shared>>
        tpu.wait_dma2 semaphore(%run_scoped3A : memref<!tpu.dma_semaphore, #tpu.memory_space<semaphore_mem>>) src(%dma_wait3A_181 : memref<128x128xf32, #tpu.memory_space<vmem_shared>>) dst(%dma_wait3A_179 : memref<128x128xf32, #tpu.memory_space<vmem>>)
        tpu.yield
      }) : () -> ()
      %eq3A_82 = arith.constant 0 : i32
      %eq3A_83 = arith.cmpi eq, %arg0, %eq3A_82 : i32
      %convert_element_type3A_84 = arith.extui %eq3A_83 : i1 to i32
      %cond3A_85 = arith.constant 0 : i32
      %cond3A_86 = arith.cmpi ne, %convert_element_type3A_84, %cond3A_85 : i32
      scf.if %cond3A_86 {
        "tpu.region"() ({
          %run_scoped3A = tpu.sem_alloc : memref<!tpu.dma_semaphore, #tpu.memory_space<semaphore_mem>>
          %dma_start3A_162 = arith.constant 0 : i32
          %dma_start3A_163 = arith.constant 0 : i32
          %dma_start3A_164 = tpu.memref_slice %arg13[%dma_start3A_162, %dma_start3A_163] : memref<128x128xf32, #tpu.memory_space<vmem>> -> memref<128x128xf32, #tpu.memory_space<vmem>>
          %dma_start3A_165 = arith.constant 0 : i32
          %dma_start3A_166 = tpu.memref_slice %arg7[%add3A_81, %dma_start3A_165] : memref<10000x128xf32, #tpu.memory_space<hbm>> -> memref<128x128xf32, #tpu.memory_space<hbm>>
          %dma_start3A_167 = arith.constant 0 : i32
          %dma_start3A_168 = tpu.memref_slice %arg7[%add3A_81, %dma_start3A_167] : memref<10000x128xf32, #tpu.memory_space<hbm>> -> memref<128x128xf32, #tpu.memory_space<hbm>>
          %dma_start3A_169 = arith.constant 0 : i32
          %dma_start3A_170 = arith.constant 0 : i32
          %dma_start3A_171 = tpu.memref_slice %arg13[%dma_start3A_169, %dma_start3A_170] : memref<128x128xf32, #tpu.memory_space<vmem>> -> memref<128x128xf32, #tpu.memory_space<vmem>>
          tpu.enqueue_dma source(%dma_start3A_171 : memref<128x128xf32, #tpu.memory_space<vmem>>) target(%dma_start3A_168 : memref<128x128xf32, #tpu.memory_space<hbm>>) target_semaphore(%run_scoped3A : memref<!tpu.dma_semaphore, #tpu.memory_space<semaphore_mem>>)
          %dma_wait3A_172 = arith.constant 0 : i32
          %dma_wait3A_173 = arith.constant 0 : i32
          %dma_wait3A_174 = tpu.memref_slice %arg13[%dma_wait3A_172, %dma_wait3A_173] : memref<128x128xf32, #tpu.memory_space<vmem>> -> memref<128x128xf32, #tpu.memory_space<vmem>>
          %dma_wait3A_175 = arith.constant 0 : i32
          %dma_wait3A_176 = tpu.memref_slice %arg7[%add3A_81, %dma_wait3A_175] : memref<10000x128xf32, #tpu.memory_space<hbm>> -> memref<128x128xf32, #tpu.memory_space<hbm>>
          %dma_wait3A_177 = arith.constant 0 : i32
          %dma_wait3A_178 = tpu.memref_slice %arg7[%add3A_81, %dma_wait3A_177] : memref<10000x128xf32, #tpu.memory_space<hbm>> -> memref<128x128xf32, #tpu.memory_space<hbm>>
          %dma_wait3A_179 = arith.constant 0 : i32
          %dma_wait3A_180 = arith.constant 0 : i32
          %dma_wait3A_181 = tpu.memref_slice %arg13[%dma_wait3A_179, %dma_wait3A_180] : memref<128x128xf32, #tpu.memory_space<vmem>> -> memref<128x128xf32, #tpu.memory_space<vmem>>
          tpu.wait_dma2 semaphore(%run_scoped3A : memref<!tpu.dma_semaphore, #tpu.memory_space<semaphore_mem>>) src(%dma_wait3A_181 : memref<128x128xf32, #tpu.memory_space<vmem>>) dst(%dma_wait3A_178 : memref<128x128xf32, #tpu.memory_space<hbm>>)
          tpu.yield
        }) : () -> ()
      } else {
      }
      %eq3A_87 = arith.constant 1 : i32
      %eq3A_88 = arith.cmpi eq, %arg0, %eq3A_87 : i32
      %convert_element_type3A_89 = arith.extui %eq3A_88 : i1 to i32
      %cond3A_90 = arith.constant 0 : i32
      %cond3A_91 = arith.cmpi ne, %convert_element_type3A_89, %cond3A_90 : i32
      scf.if %cond3A_91 {
        "tpu.region"() ({
          %run_scoped3A = tpu.sem_alloc : memref<!tpu.dma_semaphore, #tpu.memory_space<semaphore_mem>>
          %dma_start3A_162 = arith.constant 0 : i32
          %dma_start3A_163 = arith.constant 0 : i32
          %dma_start3A_164 = tpu.memref_slice %arg13[%dma_start3A_162, %dma_start3A_163] : memref<128x128xf32, #tpu.memory_space<vmem>> -> memref<128x128xf32, #tpu.memory_space<vmem>>
          %dma_start3A_165 = arith.constant 0 : i32
          %dma_start3A_166 = tpu.memref_slice %arg8[%add3A_81, %dma_start3A_165] : memref<10000x128xf32, #tpu.memory_space<hbm>> -> memref<128x128xf32, #tpu.memory_space<hbm>>
          %dma_start3A_167 = arith.constant 0 : i32
          %dma_start3A_168 = tpu.memref_slice %arg8[%add3A_81, %dma_start3A_167] : memref<10000x128xf32, #tpu.memory_space<hbm>> -> memref<128x128xf32, #tpu.memory_space<hbm>>
          %dma_start3A_169 = arith.constant 0 : i32
          %dma_start3A_170 = arith.constant 0 : i32
          %dma_start3A_171 = tpu.memref_slice %arg13[%dma_start3A_169, %dma_start3A_170] : memref<128x128xf32, #tpu.memory_space<vmem>> -> memref<128x128xf32, #tpu.memory_space<vmem>>
          tpu.enqueue_dma source(%dma_start3A_171 : memref<128x128xf32, #tpu.memory_space<vmem>>) target(%dma_start3A_168 : memref<128x128xf32, #tpu.memory_space<hbm>>) target_semaphore(%run_scoped3A : memref<!tpu.dma_semaphore, #tpu.memory_space<semaphore_mem>>)
          %dma_wait3A_172 = arith.constant 0 : i32
          %dma_wait3A_173 = arith.constant 0 : i32
          %dma_wait3A_174 = tpu.memref_slice %arg13[%dma_wait3A_172, %dma_wait3A_173] : memref<128x128xf32, #tpu.memory_space<vmem>> -> memref<128x128xf32, #tpu.memory_space<vmem>>
          %dma_wait3A_175 = arith.constant 0 : i32
          %dma_wait3A_176 = tpu.memref_slice %arg8[%add3A_81, %dma_wait3A_175] : memref<10000x128xf32, #tpu.memory_space<hbm>> -> memref<128x128xf32, #tpu.memory_space<hbm>>
          %dma_wait3A_177 = arith.constant 0 : i32
          %dma_wait3A_178 = tpu.memref_slice %arg8[%add3A_81, %dma_wait3A_177] : memref<10000x128xf32, #tpu.memory_space<hbm>> -> memref<128x128xf32, #tpu.memory_space<hbm>>
          %dma_wait3A_179 = arith.constant 0 : i32
          %dma_wait3A_180 = arith.constant 0 : i32
          %dma_wait3A_181 = tpu.memref_slice %arg13[%dma_wait3A_179, %dma_wait3A_180] : memref<128x128xf32, #tpu.memory_space<vmem>> -> memref<128x128xf32, #tpu.memory_space<vmem>>
          tpu.wait_dma2 semaphore(%run_scoped3A : memref<!tpu.dma_semaphore, #tpu.memory_space<semaphore_mem>>) src(%dma_wait3A_181 : memref<128x128xf32, #tpu.memory_space<vmem>>) dst(%dma_wait3A_178 : memref<128x128xf32, #tpu.memory_space<hbm>>)
          tpu.yield
        }) : () -> ()
      } else {
      }
      %mul3A_92 = arith.constant 1000 : i32
      %mul3A_93 = arith.muli %arg1, %mul3A_92 : i32
      %add3A_94 = arith.constant 384 : i32
      %add3A_95 = arith.addi %mul3A_93, %add3A_94 : i32
      "tpu.region"() ({
        %run_scoped3A = tpu.sem_alloc : memref<!tpu.dma_semaphore, #tpu.memory_space<semaphore_mem>>
        %dma_start3A_162 = arith.constant 0 : i32
        %dma_start3A_163 = arith.constant 0 : i32
        %dma_start3A_164 = tpu.memref_slice %arg13[%dma_start3A_162, %dma_start3A_163] : memref<128x128xf32, #tpu.memory_space<vmem>> -> memref<128x128xf32, #tpu.memory_space<vmem>>
        %dma_start3A_165 = arith.constant 0 : i32
        %dma_start3A_166 = tpu.memref_slice %arg15[%add3A_95, %dma_start3A_165] : memref<10016x128xf32, #tpu.memory_space<vmem_shared>> -> memref<128x128xf32, #tpu.memory_space<vmem_shared>>
        %dma_start3A_167 = arith.constant 0 : i32
        %dma_start3A_168 = arith.constant 0 : i32
        %dma_start3A_169 = tpu.memref_slice %arg13[%dma_start3A_167, %dma_start3A_168] : memref<128x128xf32, #tpu.memory_space<vmem>> -> memref<128x128xf32, #tpu.memory_space<vmem>>
        %dma_start3A_170 = arith.constant 0 : i32
        %dma_start3A_171 = tpu.memref_slice %arg15[%add3A_95, %dma_start3A_170] : memref<10016x128xf32, #tpu.memory_space<vmem_shared>> -> memref<128x128xf32, #tpu.memory_space<vmem_shared>>
        tpu.enqueue_dma source(%dma_start3A_171 : memref<128x128xf32, #tpu.memory_space<vmem_shared>>) target(%dma_start3A_169 : memref<128x128xf32, #tpu.memory_space<vmem>>) target_semaphore(%run_scoped3A : memref<!tpu.dma_semaphore, #tpu.memory_space<semaphore_mem>>)
        %dma_wait3A_172 = arith.constant 0 : i32
        %dma_wait3A_173 = arith.constant 0 : i32
        %dma_wait3A_174 = tpu.memref_slice %arg13[%dma_wait3A_172, %dma_wait3A_173] : memref<128x128xf32, #tpu.memory_space<vmem>> -> memref<128x128xf32, #tpu.memory_space<vmem>>
        %dma_wait3A_175 = arith.constant 0 : i32
        %dma_wait3A_176 = tpu.memref_slice %arg15[%add3A_95, %dma_wait3A_175] : memref<10016x128xf32, #tpu.memory_space<vmem_shared>> -> memref<128x128xf32, #tpu.memory_space<vmem_shared>>
        %dma_wait3A_177 = arith.constant 0 : i32
        %dma_wait3A_178 = arith.constant 0 : i32
        %dma_wait3A_179 = tpu.memref_slice %arg13[%dma_wait3A_177, %dma_wait3A_178] : memref<128x128xf32, #tpu.memory_space<vmem>> -> memref<128x128xf32, #tpu.memory_space<vmem>>
        %dma_wait3A_180 = arith.constant 0 : i32
        %dma_wait3A_181 = tpu.memref_slice %arg15[%add3A_95, %dma_wait3A_180] : memref<10016x128xf32, #tpu.memory_space<vmem_shared>> -> memref<128x128xf32, #tpu.memory_space<vmem_shared>>
        tpu.wait_dma2 semaphore(%run_scoped3A : memref<!tpu.dma_semaphore, #tpu.memory_space<semaphore_mem>>) src(%dma_wait3A_181 : memref<128x128xf32, #tpu.memory_space<vmem_shared>>) dst(%dma_wait3A_179 : memref<128x128xf32, #tpu.memory_space<vmem>>)
        tpu.yield
      }) : () -> ()
      %eq3A_96 = arith.constant 0 : i32
      %eq3A_97 = arith.cmpi eq, %arg0, %eq3A_96 : i32
      %convert_element_type3A_98 = arith.extui %eq3A_97 : i1 to i32
      %cond3A_99 = arith.constant 0 : i32
      %cond3A_100 = arith.cmpi ne, %convert_element_type3A_98, %cond3A_99 : i32
      scf.if %cond3A_100 {
        "tpu.region"() ({
          %run_scoped3A = tpu.sem_alloc : memref<!tpu.dma_semaphore, #tpu.memory_space<semaphore_mem>>
          %dma_start3A_162 = arith.constant 0 : i32
          %dma_start3A_163 = arith.constant 0 : i32
          %dma_start3A_164 = tpu.memref_slice %arg13[%dma_start3A_162, %dma_start3A_163] : memref<128x128xf32, #tpu.memory_space<vmem>> -> memref<128x128xf32, #tpu.memory_space<vmem>>
          %dma_start3A_165 = arith.constant 0 : i32
          %dma_start3A_166 = tpu.memref_slice %arg7[%add3A_95, %dma_start3A_165] : memref<10000x128xf32, #tpu.memory_space<hbm>> -> memref<128x128xf32, #tpu.memory_space<hbm>>
          %dma_start3A_167 = arith.constant 0 : i32
          %dma_start3A_168 = tpu.memref_slice %arg7[%add3A_95, %dma_start3A_167] : memref<10000x128xf32, #tpu.memory_space<hbm>> -> memref<128x128xf32, #tpu.memory_space<hbm>>
          %dma_start3A_169 = arith.constant 0 : i32
          %dma_start3A_170 = arith.constant 0 : i32
          %dma_start3A_171 = tpu.memref_slice %arg13[%dma_start3A_169, %dma_start3A_170] : memref<128x128xf32, #tpu.memory_space<vmem>> -> memref<128x128xf32, #tpu.memory_space<vmem>>
          tpu.enqueue_dma source(%dma_start3A_171 : memref<128x128xf32, #tpu.memory_space<vmem>>) target(%dma_start3A_168 : memref<128x128xf32, #tpu.memory_space<hbm>>) target_semaphore(%run_scoped3A : memref<!tpu.dma_semaphore, #tpu.memory_space<semaphore_mem>>)
          %dma_wait3A_172 = arith.constant 0 : i32
          %dma_wait3A_173 = arith.constant 0 : i32
          %dma_wait3A_174 = tpu.memref_slice %arg13[%dma_wait3A_172, %dma_wait3A_173] : memref<128x128xf32, #tpu.memory_space<vmem>> -> memref<128x128xf32, #tpu.memory_space<vmem>>
          %dma_wait3A_175 = arith.constant 0 : i32
          %dma_wait3A_176 = tpu.memref_slice %arg7[%add3A_95, %dma_wait3A_175] : memref<10000x128xf32, #tpu.memory_space<hbm>> -> memref<128x128xf32, #tpu.memory_space<hbm>>
          %dma_wait3A_177 = arith.constant 0 : i32
          %dma_wait3A_178 = tpu.memref_slice %arg7[%add3A_95, %dma_wait3A_177] : memref<10000x128xf32, #tpu.memory_space<hbm>> -> memref<128x128xf32, #tpu.memory_space<hbm>>
          %dma_wait3A_179 = arith.constant 0 : i32
          %dma_wait3A_180 = arith.constant 0 : i32
          %dma_wait3A_181 = tpu.memref_slice %arg13[%dma_wait3A_179, %dma_wait3A_180] : memref<128x128xf32, #tpu.memory_space<vmem>> -> memref<128x128xf32, #tpu.memory_space<vmem>>
          tpu.wait_dma2 semaphore(%run_scoped3A : memref<!tpu.dma_semaphore, #tpu.memory_space<semaphore_mem>>) src(%dma_wait3A_181 : memref<128x128xf32, #tpu.memory_space<vmem>>) dst(%dma_wait3A_178 : memref<128x128xf32, #tpu.memory_space<hbm>>)
          tpu.yield
        }) : () -> ()
      } else {
      }
      %eq3A_101 = arith.constant 1 : i32
      %eq3A_102 = arith.cmpi eq, %arg0, %eq3A_101 : i32
      %convert_element_type3A_103 = arith.extui %eq3A_102 : i1 to i32
      %cond3A_104 = arith.constant 0 : i32
      %cond3A_105 = arith.cmpi ne, %convert_element_type3A_103, %cond3A_104 : i32
      scf.if %cond3A_105 {
        "tpu.region"() ({
          %run_scoped3A = tpu.sem_alloc : memref<!tpu.dma_semaphore, #tpu.memory_space<semaphore_mem>>
          %dma_start3A_162 = arith.constant 0 : i32
          %dma_start3A_163 = arith.constant 0 : i32
          %dma_start3A_164 = tpu.memref_slice %arg13[%dma_start3A_162, %dma_start3A_163] : memref<128x128xf32, #tpu.memory_space<vmem>> -> memref<128x128xf32, #tpu.memory_space<vmem>>
          %dma_start3A_165 = arith.constant 0 : i32
          %dma_start3A_166 = tpu.memref_slice %arg8[%add3A_95, %dma_start3A_165] : memref<10000x128xf32, #tpu.memory_space<hbm>> -> memref<128x128xf32, #tpu.memory_space<hbm>>
          %dma_start3A_167 = arith.constant 0 : i32
          %dma_start3A_168 = tpu.memref_slice %arg8[%add3A_95, %dma_start3A_167] : memref<10000x128xf32, #tpu.memory_space<hbm>> -> memref<128x128xf32, #tpu.memory_space<hbm>>
          %dma_start3A_169 = arith.constant 0 : i32
          %dma_start3A_170 = arith.constant 0 : i32
          %dma_start3A_171 = tpu.memref_slice %arg13[%dma_start3A_169, %dma_start3A_170] : memref<128x128xf32, #tpu.memory_space<vmem>> -> memref<128x128xf32, #tpu.memory_space<vmem>>
          tpu.enqueue_dma source(%dma_start3A_171 : memref<128x128xf32, #tpu.memory_space<vmem>>) target(%dma_start3A_168 : memref<128x128xf32, #tpu.memory_space<hbm>>) target_semaphore(%run_scoped3A : memref<!tpu.dma_semaphore, #tpu.memory_space<semaphore_mem>>)
          %dma_wait3A_172 = arith.constant 0 : i32
          %dma_wait3A_173 = arith.constant 0 : i32
          %dma_wait3A_174 = tpu.memref_slice %arg13[%dma_wait3A_172, %dma_wait3A_173] : memref<128x128xf32, #tpu.memory_space<vmem>> -> memref<128x128xf32, #tpu.memory_space<vmem>>
          %dma_wait3A_175 = arith.constant 0 : i32
          %dma_wait3A_176 = tpu.memref_slice %arg8[%add3A_95, %dma_wait3A_175] : memref<10000x128xf32, #tpu.memory_space<hbm>> -> memref<128x128xf32, #tpu.memory_space<hbm>>
          %dma_wait3A_177 = arith.constant 0 : i32
          %dma_wait3A_178 = tpu.memref_slice %arg8[%add3A_95, %dma_wait3A_177] : memref<10000x128xf32, #tpu.memory_space<hbm>> -> memref<128x128xf32, #tpu.memory_space<hbm>>
          %dma_wait3A_179 = arith.constant 0 : i32
          %dma_wait3A_180 = arith.constant 0 : i32
          %dma_wait3A_181 = tpu.memref_slice %arg13[%dma_wait3A_179, %dma_wait3A_180] : memref<128x128xf32, #tpu.memory_space<vmem>> -> memref<128x128xf32, #tpu.memory_space<vmem>>
          tpu.wait_dma2 semaphore(%run_scoped3A : memref<!tpu.dma_semaphore, #tpu.memory_space<semaphore_mem>>) src(%dma_wait3A_181 : memref<128x128xf32, #tpu.memory_space<vmem>>) dst(%dma_wait3A_178 : memref<128x128xf32, #tpu.memory_space<hbm>>)
          tpu.yield
        }) : () -> ()
      } else {
      }
      %mul3A_106 = arith.constant 1000 : i32
      %mul3A_107 = arith.muli %arg1, %mul3A_106 : i32
      %add3A_108 = arith.constant 512 : i32
      %add3A_109 = arith.addi %mul3A_107, %add3A_108 : i32
      "tpu.region"() ({
        %run_scoped3A = tpu.sem_alloc : memref<!tpu.dma_semaphore, #tpu.memory_space<semaphore_mem>>
        %dma_start3A_162 = arith.constant 0 : i32
        %dma_start3A_163 = arith.constant 0 : i32
        %dma_start3A_164 = tpu.memref_slice %arg13[%dma_start3A_162, %dma_start3A_163] : memref<128x128xf32, #tpu.memory_space<vmem>> -> memref<128x128xf32, #tpu.memory_space<vmem>>
        %dma_start3A_165 = arith.constant 0 : i32
        %dma_start3A_166 = tpu.memref_slice %arg15[%add3A_109, %dma_start3A_165] : memref<10016x128xf32, #tpu.memory_space<vmem_shared>> -> memref<128x128xf32, #tpu.memory_space<vmem_shared>>
        %dma_start3A_167 = arith.constant 0 : i32
        %dma_start3A_168 = arith.constant 0 : i32
        %dma_start3A_169 = tpu.memref_slice %arg13[%dma_start3A_167, %dma_start3A_168] : memref<128x128xf32, #tpu.memory_space<vmem>> -> memref<128x128xf32, #tpu.memory_space<vmem>>
        %dma_start3A_170 = arith.constant 0 : i32
        %dma_start3A_171 = tpu.memref_slice %arg15[%add3A_109, %dma_start3A_170] : memref<10016x128xf32, #tpu.memory_space<vmem_shared>> -> memref<128x128xf32, #tpu.memory_space<vmem_shared>>
        tpu.enqueue_dma source(%dma_start3A_171 : memref<128x128xf32, #tpu.memory_space<vmem_shared>>) target(%dma_start3A_169 : memref<128x128xf32, #tpu.memory_space<vmem>>) target_semaphore(%run_scoped3A : memref<!tpu.dma_semaphore, #tpu.memory_space<semaphore_mem>>)
        %dma_wait3A_172 = arith.constant 0 : i32
        %dma_wait3A_173 = arith.constant 0 : i32
        %dma_wait3A_174 = tpu.memref_slice %arg13[%dma_wait3A_172, %dma_wait3A_173] : memref<128x128xf32, #tpu.memory_space<vmem>> -> memref<128x128xf32, #tpu.memory_space<vmem>>
        %dma_wait3A_175 = arith.constant 0 : i32
        %dma_wait3A_176 = tpu.memref_slice %arg15[%add3A_109, %dma_wait3A_175] : memref<10016x128xf32, #tpu.memory_space<vmem_shared>> -> memref<128x128xf32, #tpu.memory_space<vmem_shared>>
        %dma_wait3A_177 = arith.constant 0 : i32
        %dma_wait3A_178 = arith.constant 0 : i32
        %dma_wait3A_179 = tpu.memref_slice %arg13[%dma_wait3A_177, %dma_wait3A_178] : memref<128x128xf32, #tpu.memory_space<vmem>> -> memref<128x128xf32, #tpu.memory_space<vmem>>
        %dma_wait3A_180 = arith.constant 0 : i32
        %dma_wait3A_181 = tpu.memref_slice %arg15[%add3A_109, %dma_wait3A_180] : memref<10016x128xf32, #tpu.memory_space<vmem_shared>> -> memref<128x128xf32, #tpu.memory_space<vmem_shared>>
        tpu.wait_dma2 semaphore(%run_scoped3A : memref<!tpu.dma_semaphore, #tpu.memory_space<semaphore_mem>>) src(%dma_wait3A_181 : memref<128x128xf32, #tpu.memory_space<vmem_shared>>) dst(%dma_wait3A_179 : memref<128x128xf32, #tpu.memory_space<vmem>>)
        tpu.yield
      }) : () -> ()
      %eq3A_110 = arith.constant 0 : i32
      %eq3A_111 = arith.cmpi eq, %arg0, %eq3A_110 : i32
      %convert_element_type3A_112 = arith.extui %eq3A_111 : i1 to i32
      %cond3A_113 = arith.constant 0 : i32
      %cond3A_114 = arith.cmpi ne, %convert_element_type3A_112, %cond3A_113 : i32
      scf.if %cond3A_114 {
        "tpu.region"() ({
          %run_scoped3A = tpu.sem_alloc : memref<!tpu.dma_semaphore, #tpu.memory_space<semaphore_mem>>
          %dma_start3A_162 = arith.constant 0 : i32
          %dma_start3A_163 = arith.constant 0 : i32
          %dma_start3A_164 = tpu.memref_slice %arg13[%dma_start3A_162, %dma_start3A_163] : memref<128x128xf32, #tpu.memory_space<vmem>> -> memref<128x128xf32, #tpu.memory_space<vmem>>
          %dma_start3A_165 = arith.constant 0 : i32
          %dma_start3A_166 = tpu.memref_slice %arg7[%add3A_109, %dma_start3A_165] : memref<10000x128xf32, #tpu.memory_space<hbm>> -> memref<128x128xf32, #tpu.memory_space<hbm>>
          %dma_start3A_167 = arith.constant 0 : i32
          %dma_start3A_168 = tpu.memref_slice %arg7[%add3A_109, %dma_start3A_167] : memref<10000x128xf32, #tpu.memory_space<hbm>> -> memref<128x128xf32, #tpu.memory_space<hbm>>
          %dma_start3A_169 = arith.constant 0 : i32
          %dma_start3A_170 = arith.constant 0 : i32
          %dma_start3A_171 = tpu.memref_slice %arg13[%dma_start3A_169, %dma_start3A_170] : memref<128x128xf32, #tpu.memory_space<vmem>> -> memref<128x128xf32, #tpu.memory_space<vmem>>
          tpu.enqueue_dma source(%dma_start3A_171 : memref<128x128xf32, #tpu.memory_space<vmem>>) target(%dma_start3A_168 : memref<128x128xf32, #tpu.memory_space<hbm>>) target_semaphore(%run_scoped3A : memref<!tpu.dma_semaphore, #tpu.memory_space<semaphore_mem>>)
          %dma_wait3A_172 = arith.constant 0 : i32
          %dma_wait3A_173 = arith.constant 0 : i32
          %dma_wait3A_174 = tpu.memref_slice %arg13[%dma_wait3A_172, %dma_wait3A_173] : memref<128x128xf32, #tpu.memory_space<vmem>> -> memref<128x128xf32, #tpu.memory_space<vmem>>
          %dma_wait3A_175 = arith.constant 0 : i32
          %dma_wait3A_176 = tpu.memref_slice %arg7[%add3A_109, %dma_wait3A_175] : memref<10000x128xf32, #tpu.memory_space<hbm>> -> memref<128x128xf32, #tpu.memory_space<hbm>>
          %dma_wait3A_177 = arith.constant 0 : i32
          %dma_wait3A_178 = tpu.memref_slice %arg7[%add3A_109, %dma_wait3A_177] : memref<10000x128xf32, #tpu.memory_space<hbm>> -> memref<128x128xf32, #tpu.memory_space<hbm>>
          %dma_wait3A_179 = arith.constant 0 : i32
          %dma_wait3A_180 = arith.constant 0 : i32
          %dma_wait3A_181 = tpu.memref_slice %arg13[%dma_wait3A_179, %dma_wait3A_180] : memref<128x128xf32, #tpu.memory_space<vmem>> -> memref<128x128xf32, #tpu.memory_space<vmem>>
          tpu.wait_dma2 semaphore(%run_scoped3A : memref<!tpu.dma_semaphore, #tpu.memory_space<semaphore_mem>>) src(%dma_wait3A_181 : memref<128x128xf32, #tpu.memory_space<vmem>>) dst(%dma_wait3A_178 : memref<128x128xf32, #tpu.memory_space<hbm>>)
          tpu.yield
        }) : () -> ()
      } else {
      }
      %eq3A_115 = arith.constant 1 : i32
      %eq3A_116 = arith.cmpi eq, %arg0, %eq3A_115 : i32
      %convert_element_type3A_117 = arith.extui %eq3A_116 : i1 to i32
      %cond3A_118 = arith.constant 0 : i32
      %cond3A_119 = arith.cmpi ne, %convert_element_type3A_117, %cond3A_118 : i32
      scf.if %cond3A_119 {
        "tpu.region"() ({
          %run_scoped3A = tpu.sem_alloc : memref<!tpu.dma_semaphore, #tpu.memory_space<semaphore_mem>>
          %dma_start3A_162 = arith.constant 0 : i32
          %dma_start3A_163 = arith.constant 0 : i32
          %dma_start3A_164 = tpu.memref_slice %arg13[%dma_start3A_162, %dma_start3A_163] : memref<128x128xf32, #tpu.memory_space<vmem>> -> memref<128x128xf32, #tpu.memory_space<vmem>>
          %dma_start3A_165 = arith.constant 0 : i32
          %dma_start3A_166 = tpu.memref_slice %arg8[%add3A_109, %dma_start3A_165] : memref<10000x128xf32, #tpu.memory_space<hbm>> -> memref<128x128xf32, #tpu.memory_space<hbm>>
          %dma_start3A_167 = arith.constant 0 : i32
          %dma_start3A_168 = tpu.memref_slice %arg8[%add3A_109, %dma_start3A_167] : memref<10000x128xf32, #tpu.memory_space<hbm>> -> memref<128x128xf32, #tpu.memory_space<hbm>>
          %dma_start3A_169 = arith.constant 0 : i32
          %dma_start3A_170 = arith.constant 0 : i32
          %dma_start3A_171 = tpu.memref_slice %arg13[%dma_start3A_169, %dma_start3A_170] : memref<128x128xf32, #tpu.memory_space<vmem>> -> memref<128x128xf32, #tpu.memory_space<vmem>>
          tpu.enqueue_dma source(%dma_start3A_171 : memref<128x128xf32, #tpu.memory_space<vmem>>) target(%dma_start3A_168 : memref<128x128xf32, #tpu.memory_space<hbm>>) target_semaphore(%run_scoped3A : memref<!tpu.dma_semaphore, #tpu.memory_space<semaphore_mem>>)
          %dma_wait3A_172 = arith.constant 0 : i32
          %dma_wait3A_173 = arith.constant 0 : i32
          %dma_wait3A_174 = tpu.memref_slice %arg13[%dma_wait3A_172, %dma_wait3A_173] : memref<128x128xf32, #tpu.memory_space<vmem>> -> memref<128x128xf32, #tpu.memory_space<vmem>>
          %dma_wait3A_175 = arith.constant 0 : i32
          %dma_wait3A_176 = tpu.memref_slice %arg8[%add3A_109, %dma_wait3A_175] : memref<10000x128xf32, #tpu.memory_space<hbm>> -> memref<128x128xf32, #tpu.memory_space<hbm>>
          %dma_wait3A_177 = arith.constant 0 : i32
          %dma_wait3A_178 = tpu.memref_slice %arg8[%add3A_109, %dma_wait3A_177] : memref<10000x128xf32, #tpu.memory_space<hbm>> -> memref<128x128xf32, #tpu.memory_space<hbm>>
          %dma_wait3A_179 = arith.constant 0 : i32
          %dma_wait3A_180 = arith.constant 0 : i32
          %dma_wait3A_181 = tpu.memref_slice %arg13[%dma_wait3A_179, %dma_wait3A_180] : memref<128x128xf32, #tpu.memory_space<vmem>> -> memref<128x128xf32, #tpu.memory_space<vmem>>
          tpu.wait_dma2 semaphore(%run_scoped3A : memref<!tpu.dma_semaphore, #tpu.memory_space<semaphore_mem>>) src(%dma_wait3A_181 : memref<128x128xf32, #tpu.memory_space<vmem>>) dst(%dma_wait3A_178 : memref<128x128xf32, #tpu.memory_space<hbm>>)
          tpu.yield
        }) : () -> ()
      } else {
      }
      %mul3A_120 = arith.constant 1000 : i32
      %mul3A_121 = arith.muli %arg1, %mul3A_120 : i32
      %add3A_122 = arith.constant 640 : i32
      %add3A_123 = arith.addi %mul3A_121, %add3A_122 : i32
      "tpu.region"() ({
        %run_scoped3A = tpu.sem_alloc : memref<!tpu.dma_semaphore, #tpu.memory_space<semaphore_mem>>
        %dma_start3A_162 = arith.constant 0 : i32
        %dma_start3A_163 = arith.constant 0 : i32
        %dma_start3A_164 = tpu.memref_slice %arg13[%dma_start3A_162, %dma_start3A_163] : memref<128x128xf32, #tpu.memory_space<vmem>> -> memref<128x128xf32, #tpu.memory_space<vmem>>
        %dma_start3A_165 = arith.constant 0 : i32
        %dma_start3A_166 = tpu.memref_slice %arg15[%add3A_123, %dma_start3A_165] : memref<10016x128xf32, #tpu.memory_space<vmem_shared>> -> memref<128x128xf32, #tpu.memory_space<vmem_shared>>
        %dma_start3A_167 = arith.constant 0 : i32
        %dma_start3A_168 = arith.constant 0 : i32
        %dma_start3A_169 = tpu.memref_slice %arg13[%dma_start3A_167, %dma_start3A_168] : memref<128x128xf32, #tpu.memory_space<vmem>> -> memref<128x128xf32, #tpu.memory_space<vmem>>
        %dma_start3A_170 = arith.constant 0 : i32
        %dma_start3A_171 = tpu.memref_slice %arg15[%add3A_123, %dma_start3A_170] : memref<10016x128xf32, #tpu.memory_space<vmem_shared>> -> memref<128x128xf32, #tpu.memory_space<vmem_shared>>
        tpu.enqueue_dma source(%dma_start3A_171 : memref<128x128xf32, #tpu.memory_space<vmem_shared>>) target(%dma_start3A_169 : memref<128x128xf32, #tpu.memory_space<vmem>>) target_semaphore(%run_scoped3A : memref<!tpu.dma_semaphore, #tpu.memory_space<semaphore_mem>>)
        %dma_wait3A_172 = arith.constant 0 : i32
        %dma_wait3A_173 = arith.constant 0 : i32
        %dma_wait3A_174 = tpu.memref_slice %arg13[%dma_wait3A_172, %dma_wait3A_173] : memref<128x128xf32, #tpu.memory_space<vmem>> -> memref<128x128xf32, #tpu.memory_space<vmem>>
        %dma_wait3A_175 = arith.constant 0 : i32
        %dma_wait3A_176 = tpu.memref_slice %arg15[%add3A_123, %dma_wait3A_175] : memref<10016x128xf32, #tpu.memory_space<vmem_shared>> -> memref<128x128xf32, #tpu.memory_space<vmem_shared>>
        %dma_wait3A_177 = arith.constant 0 : i32
        %dma_wait3A_178 = arith.constant 0 : i32
        %dma_wait3A_179 = tpu.memref_slice %arg13[%dma_wait3A_177, %dma_wait3A_178] : memref<128x128xf32, #tpu.memory_space<vmem>> -> memref<128x128xf32, #tpu.memory_space<vmem>>
        %dma_wait3A_180 = arith.constant 0 : i32
        %dma_wait3A_181 = tpu.memref_slice %arg15[%add3A_123, %dma_wait3A_180] : memref<10016x128xf32, #tpu.memory_space<vmem_shared>> -> memref<128x128xf32, #tpu.memory_space<vmem_shared>>
        tpu.wait_dma2 semaphore(%run_scoped3A : memref<!tpu.dma_semaphore, #tpu.memory_space<semaphore_mem>>) src(%dma_wait3A_181 : memref<128x128xf32, #tpu.memory_space<vmem_shared>>) dst(%dma_wait3A_179 : memref<128x128xf32, #tpu.memory_space<vmem>>)
        tpu.yield
      }) : () -> ()
      %eq3A_124 = arith.constant 0 : i32
      %eq3A_125 = arith.cmpi eq, %arg0, %eq3A_124 : i32
      %convert_element_type3A_126 = arith.extui %eq3A_125 : i1 to i32
      %cond3A_127 = arith.constant 0 : i32
      %cond3A_128 = arith.cmpi ne, %convert_element_type3A_126, %cond3A_127 : i32
      scf.if %cond3A_128 {
        "tpu.region"() ({
          %run_scoped3A = tpu.sem_alloc : memref<!tpu.dma_semaphore, #tpu.memory_space<semaphore_mem>>
          %dma_start3A_162 = arith.constant 0 : i32
          %dma_start3A_163 = arith.constant 0 : i32
          %dma_start3A_164 = tpu.memref_slice %arg13[%dma_start3A_162, %dma_start3A_163] : memref<128x128xf32, #tpu.memory_space<vmem>> -> memref<128x128xf32, #tpu.memory_space<vmem>>
          %dma_start3A_165 = arith.constant 0 : i32
          %dma_start3A_166 = tpu.memref_slice %arg7[%add3A_123, %dma_start3A_165] : memref<10000x128xf32, #tpu.memory_space<hbm>> -> memref<128x128xf32, #tpu.memory_space<hbm>>
          %dma_start3A_167 = arith.constant 0 : i32
          %dma_start3A_168 = tpu.memref_slice %arg7[%add3A_123, %dma_start3A_167] : memref<10000x128xf32, #tpu.memory_space<hbm>> -> memref<128x128xf32, #tpu.memory_space<hbm>>
          %dma_start3A_169 = arith.constant 0 : i32
          %dma_start3A_170 = arith.constant 0 : i32
          %dma_start3A_171 = tpu.memref_slice %arg13[%dma_start3A_169, %dma_start3A_170] : memref<128x128xf32, #tpu.memory_space<vmem>> -> memref<128x128xf32, #tpu.memory_space<vmem>>
          tpu.enqueue_dma source(%dma_start3A_171 : memref<128x128xf32, #tpu.memory_space<vmem>>) target(%dma_start3A_168 : memref<128x128xf32, #tpu.memory_space<hbm>>) target_semaphore(%run_scoped3A : memref<!tpu.dma_semaphore, #tpu.memory_space<semaphore_mem>>)
          %dma_wait3A_172 = arith.constant 0 : i32
          %dma_wait3A_173 = arith.constant 0 : i32
          %dma_wait3A_174 = tpu.memref_slice %arg13[%dma_wait3A_172, %dma_wait3A_173] : memref<128x128xf32, #tpu.memory_space<vmem>> -> memref<128x128xf32, #tpu.memory_space<vmem>>
          %dma_wait3A_175 = arith.constant 0 : i32
          %dma_wait3A_176 = tpu.memref_slice %arg7[%add3A_123, %dma_wait3A_175] : memref<10000x128xf32, #tpu.memory_space<hbm>> -> memref<128x128xf32, #tpu.memory_space<hbm>>
          %dma_wait3A_177 = arith.constant 0 : i32
          %dma_wait3A_178 = tpu.memref_slice %arg7[%add3A_123, %dma_wait3A_177] : memref<10000x128xf32, #tpu.memory_space<hbm>> -> memref<128x128xf32, #tpu.memory_space<hbm>>
          %dma_wait3A_179 = arith.constant 0 : i32
          %dma_wait3A_180 = arith.constant 0 : i32
          %dma_wait3A_181 = tpu.memref_slice %arg13[%dma_wait3A_179, %dma_wait3A_180] : memref<128x128xf32, #tpu.memory_space<vmem>> -> memref<128x128xf32, #tpu.memory_space<vmem>>
          tpu.wait_dma2 semaphore(%run_scoped3A : memref<!tpu.dma_semaphore, #tpu.memory_space<semaphore_mem>>) src(%dma_wait3A_181 : memref<128x128xf32, #tpu.memory_space<vmem>>) dst(%dma_wait3A_178 : memref<128x128xf32, #tpu.memory_space<hbm>>)
          tpu.yield
        }) : () -> ()
      } else {
      }
      %eq3A_129 = arith.constant 1 : i32
      %eq3A_130 = arith.cmpi eq, %arg0, %eq3A_129 : i32
      %convert_element_type3A_131 = arith.extui %eq3A_130 : i1 to i32
      %cond3A_132 = arith.constant 0 : i32
      %cond3A_133 = arith.cmpi ne, %convert_element_type3A_131, %cond3A_132 : i32
      scf.if %cond3A_133 {
        "tpu.region"() ({
          %run_scoped3A = tpu.sem_alloc : memref<!tpu.dma_semaphore, #tpu.memory_space<semaphore_mem>>
          %dma_start3A_162 = arith.constant 0 : i32
          %dma_start3A_163 = arith.constant 0 : i32
          %dma_start3A_164 = tpu.memref_slice %arg13[%dma_start3A_162, %dma_start3A_163] : memref<128x128xf32, #tpu.memory_space<vmem>> -> memref<128x128xf32, #tpu.memory_space<vmem>>
          %dma_start3A_165 = arith.constant 0 : i32
          %dma_start3A_166 = tpu.memref_slice %arg8[%add3A_123, %dma_start3A_165] : memref<10000x128xf32, #tpu.memory_space<hbm>> -> memref<128x128xf32, #tpu.memory_space<hbm>>
          %dma_start3A_167 = arith.constant 0 : i32
          %dma_start3A_168 = tpu.memref_slice %arg8[%add3A_123, %dma_start3A_167] : memref<10000x128xf32, #tpu.memory_space<hbm>> -> memref<128x128xf32, #tpu.memory_space<hbm>>
          %dma_start3A_169 = arith.constant 0 : i32
          %dma_start3A_170 = arith.constant 0 : i32
          %dma_start3A_171 = tpu.memref_slice %arg13[%dma_start3A_169, %dma_start3A_170] : memref<128x128xf32, #tpu.memory_space<vmem>> -> memref<128x128xf32, #tpu.memory_space<vmem>>
          tpu.enqueue_dma source(%dma_start3A_171 : memref<128x128xf32, #tpu.memory_space<vmem>>) target(%dma_start3A_168 : memref<128x128xf32, #tpu.memory_space<hbm>>) target_semaphore(%run_scoped3A : memref<!tpu.dma_semaphore, #tpu.memory_space<semaphore_mem>>)
          %dma_wait3A_172 = arith.constant 0 : i32
          %dma_wait3A_173 = arith.constant 0 : i32
          %dma_wait3A_174 = tpu.memref_slice %arg13[%dma_wait3A_172, %dma_wait3A_173] : memref<128x128xf32, #tpu.memory_space<vmem>> -> memref<128x128xf32, #tpu.memory_space<vmem>>
          %dma_wait3A_175 = arith.constant 0 : i32
          %dma_wait3A_176 = tpu.memref_slice %arg8[%add3A_123, %dma_wait3A_175] : memref<10000x128xf32, #tpu.memory_space<hbm>> -> memref<128x128xf32, #tpu.memory_space<hbm>>
          %dma_wait3A_177 = arith.constant 0 : i32
          %dma_wait3A_178 = tpu.memref_slice %arg8[%add3A_123, %dma_wait3A_177] : memref<10000x128xf32, #tpu.memory_space<hbm>> -> memref<128x128xf32, #tpu.memory_space<hbm>>
          %dma_wait3A_179 = arith.constant 0 : i32
          %dma_wait3A_180 = arith.constant 0 : i32
          %dma_wait3A_181 = tpu.memref_slice %arg13[%dma_wait3A_179, %dma_wait3A_180] : memref<128x128xf32, #tpu.memory_space<vmem>> -> memref<128x128xf32, #tpu.memory_space<vmem>>
          tpu.wait_dma2 semaphore(%run_scoped3A : memref<!tpu.dma_semaphore, #tpu.memory_space<semaphore_mem>>) src(%dma_wait3A_181 : memref<128x128xf32, #tpu.memory_space<vmem>>) dst(%dma_wait3A_178 : memref<128x128xf32, #tpu.memory_space<hbm>>)
          tpu.yield
        }) : () -> ()
      } else {
      }
      %mul3A_134 = arith.constant 1000 : i32
      %mul3A_135 = arith.muli %arg1, %mul3A_134 : i32
      %add3A_136 = arith.constant 768 : i32
      %add3A_137 = arith.addi %mul3A_135, %add3A_136 : i32
      "tpu.region"() ({
        %run_scoped3A = tpu.sem_alloc : memref<!tpu.dma_semaphore, #tpu.memory_space<semaphore_mem>>
        %dma_start3A_162 = arith.constant 0 : i32
        %dma_start3A_163 = arith.constant 0 : i32
        %dma_start3A_164 = tpu.memref_slice %arg13[%dma_start3A_162, %dma_start3A_163] : memref<128x128xf32, #tpu.memory_space<vmem>> -> memref<128x128xf32, #tpu.memory_space<vmem>>
        %dma_start3A_165 = arith.constant 0 : i32
        %dma_start3A_166 = tpu.memref_slice %arg15[%add3A_137, %dma_start3A_165] : memref<10016x128xf32, #tpu.memory_space<vmem_shared>> -> memref<128x128xf32, #tpu.memory_space<vmem_shared>>
        %dma_start3A_167 = arith.constant 0 : i32
        %dma_start3A_168 = arith.constant 0 : i32
        %dma_start3A_169 = tpu.memref_slice %arg13[%dma_start3A_167, %dma_start3A_168] : memref<128x128xf32, #tpu.memory_space<vmem>> -> memref<128x128xf32, #tpu.memory_space<vmem>>
        %dma_start3A_170 = arith.constant 0 : i32
        %dma_start3A_171 = tpu.memref_slice %arg15[%add3A_137, %dma_start3A_170] : memref<10016x128xf32, #tpu.memory_space<vmem_shared>> -> memref<128x128xf32, #tpu.memory_space<vmem_shared>>
        tpu.enqueue_dma source(%dma_start3A_171 : memref<128x128xf32, #tpu.memory_space<vmem_shared>>) target(%dma_start3A_169 : memref<128x128xf32, #tpu.memory_space<vmem>>) target_semaphore(%run_scoped3A : memref<!tpu.dma_semaphore, #tpu.memory_space<semaphore_mem>>)
        %dma_wait3A_172 = arith.constant 0 : i32
        %dma_wait3A_173 = arith.constant 0 : i32
        %dma_wait3A_174 = tpu.memref_slice %arg13[%dma_wait3A_172, %dma_wait3A_173] : memref<128x128xf32, #tpu.memory_space<vmem>> -> memref<128x128xf32, #tpu.memory_space<vmem>>
        %dma_wait3A_175 = arith.constant 0 : i32
        %dma_wait3A_176 = tpu.memref_slice %arg15[%add3A_137, %dma_wait3A_175] : memref<10016x128xf32, #tpu.memory_space<vmem_shared>> -> memref<128x128xf32, #tpu.memory_space<vmem_shared>>
        %dma_wait3A_177 = arith.constant 0 : i32
        %dma_wait3A_178 = arith.constant 0 : i32
        %dma_wait3A_179 = tpu.memref_slice %arg13[%dma_wait3A_177, %dma_wait3A_178] : memref<128x128xf32, #tpu.memory_space<vmem>> -> memref<128x128xf32, #tpu.memory_space<vmem>>
        %dma_wait3A_180 = arith.constant 0 : i32
        %dma_wait3A_181 = tpu.memref_slice %arg15[%add3A_137, %dma_wait3A_180] : memref<10016x128xf32, #tpu.memory_space<vmem_shared>> -> memref<128x128xf32, #tpu.memory_space<vmem_shared>>
        tpu.wait_dma2 semaphore(%run_scoped3A : memref<!tpu.dma_semaphore, #tpu.memory_space<semaphore_mem>>) src(%dma_wait3A_181 : memref<128x128xf32, #tpu.memory_space<vmem_shared>>) dst(%dma_wait3A_179 : memref<128x128xf32, #tpu.memory_space<vmem>>)
        tpu.yield
      }) : () -> ()
      %eq3A_138 = arith.constant 0 : i32
      %eq3A_139 = arith.cmpi eq, %arg0, %eq3A_138 : i32
      %convert_element_type3A_140 = arith.extui %eq3A_139 : i1 to i32
      %cond3A_141 = arith.constant 0 : i32
      %cond3A_142 = arith.cmpi ne, %convert_element_type3A_140, %cond3A_141 : i32
      scf.if %cond3A_142 {
        "tpu.region"() ({
          %run_scoped3A = tpu.sem_alloc : memref<!tpu.dma_semaphore, #tpu.memory_space<semaphore_mem>>
          %dma_start3A_162 = arith.constant 0 : i32
          %dma_start3A_163 = arith.constant 0 : i32
          %dma_start3A_164 = tpu.memref_slice %arg13[%dma_start3A_162, %dma_start3A_163] : memref<128x128xf32, #tpu.memory_space<vmem>> -> memref<128x128xf32, #tpu.memory_space<vmem>>
          %dma_start3A_165 = arith.constant 0 : i32
          %dma_start3A_166 = tpu.memref_slice %arg7[%add3A_137, %dma_start3A_165] : memref<10000x128xf32, #tpu.memory_space<hbm>> -> memref<128x128xf32, #tpu.memory_space<hbm>>
          %dma_start3A_167 = arith.constant 0 : i32
          %dma_start3A_168 = tpu.memref_slice %arg7[%add3A_137, %dma_start3A_167] : memref<10000x128xf32, #tpu.memory_space<hbm>> -> memref<128x128xf32, #tpu.memory_space<hbm>>
          %dma_start3A_169 = arith.constant 0 : i32
          %dma_start3A_170 = arith.constant 0 : i32
          %dma_start3A_171 = tpu.memref_slice %arg13[%dma_start3A_169, %dma_start3A_170] : memref<128x128xf32, #tpu.memory_space<vmem>> -> memref<128x128xf32, #tpu.memory_space<vmem>>
          tpu.enqueue_dma source(%dma_start3A_171 : memref<128x128xf32, #tpu.memory_space<vmem>>) target(%dma_start3A_168 : memref<128x128xf32, #tpu.memory_space<hbm>>) target_semaphore(%run_scoped3A : memref<!tpu.dma_semaphore, #tpu.memory_space<semaphore_mem>>)
          %dma_wait3A_172 = arith.constant 0 : i32
          %dma_wait3A_173 = arith.constant 0 : i32
          %dma_wait3A_174 = tpu.memref_slice %arg13[%dma_wait3A_172, %dma_wait3A_173] : memref<128x128xf32, #tpu.memory_space<vmem>> -> memref<128x128xf32, #tpu.memory_space<vmem>>
          %dma_wait3A_175 = arith.constant 0 : i32
          %dma_wait3A_176 = tpu.memref_slice %arg7[%add3A_137, %dma_wait3A_175] : memref<10000x128xf32, #tpu.memory_space<hbm>> -> memref<128x128xf32, #tpu.memory_space<hbm>>
          %dma_wait3A_177 = arith.constant 0 : i32
          %dma_wait3A_178 = tpu.memref_slice %arg7[%add3A_137, %dma_wait3A_177] : memref<10000x128xf32, #tpu.memory_space<hbm>> -> memref<128x128xf32, #tpu.memory_space<hbm>>
          %dma_wait3A_179 = arith.constant 0 : i32
          %dma_wait3A_180 = arith.constant 0 : i32
          %dma_wait3A_181 = tpu.memref_slice %arg13[%dma_wait3A_179, %dma_wait3A_180] : memref<128x128xf32, #tpu.memory_space<vmem>> -> memref<128x128xf32, #tpu.memory_space<vmem>>
          tpu.wait_dma2 semaphore(%run_scoped3A : memref<!tpu.dma_semaphore, #tpu.memory_space<semaphore_mem>>) src(%dma_wait3A_181 : memref<128x128xf32, #tpu.memory_space<vmem>>) dst(%dma_wait3A_178 : memref<128x128xf32, #tpu.memory_space<hbm>>)
          tpu.yield
        }) : () -> ()
      } else {
      }
      %eq3A_143 = arith.constant 1 : i32
      %eq3A_144 = arith.cmpi eq, %arg0, %eq3A_143 : i32
      %convert_element_type3A_145 = arith.extui %eq3A_144 : i1 to i32
      %cond3A_146 = arith.constant 0 : i32
      %cond3A_147 = arith.cmpi ne, %convert_element_type3A_145, %cond3A_146 : i32
      scf.if %cond3A_147 {
        "tpu.region"() ({
          %run_scoped3A = tpu.sem_alloc : memref<!tpu.dma_semaphore, #tpu.memory_space<semaphore_mem>>
          %dma_start3A_162 = arith.constant 0 : i32
          %dma_start3A_163 = arith.constant 0 : i32
          %dma_start3A_164 = tpu.memref_slice %arg13[%dma_start3A_162, %dma_start3A_163] : memref<128x128xf32, #tpu.memory_space<vmem>> -> memref<128x128xf32, #tpu.memory_space<vmem>>
          %dma_start3A_165 = arith.constant 0 : i32
          %dma_start3A_166 = tpu.memref_slice %arg8[%add3A_137, %dma_start3A_165] : memref<10000x128xf32, #tpu.memory_space<hbm>> -> memref<128x128xf32, #tpu.memory_space<hbm>>
          %dma_start3A_167 = arith.constant 0 : i32
          %dma_start3A_168 = tpu.memref_slice %arg8[%add3A_137, %dma_start3A_167] : memref<10000x128xf32, #tpu.memory_space<hbm>> -> memref<128x128xf32, #tpu.memory_space<hbm>>
          %dma_start3A_169 = arith.constant 0 : i32
          %dma_start3A_170 = arith.constant 0 : i32
          %dma_start3A_171 = tpu.memref_slice %arg13[%dma_start3A_169, %dma_start3A_170] : memref<128x128xf32, #tpu.memory_space<vmem>> -> memref<128x128xf32, #tpu.memory_space<vmem>>
          tpu.enqueue_dma source(%dma_start3A_171 : memref<128x128xf32, #tpu.memory_space<vmem>>) target(%dma_start3A_168 : memref<128x128xf32, #tpu.memory_space<hbm>>) target_semaphore(%run_scoped3A : memref<!tpu.dma_semaphore, #tpu.memory_space<semaphore_mem>>)
          %dma_wait3A_172 = arith.constant 0 : i32
          %dma_wait3A_173 = arith.constant 0 : i32
          %dma_wait3A_174 = tpu.memref_slice %arg13[%dma_wait3A_172, %dma_wait3A_173] : memref<128x128xf32, #tpu.memory_space<vmem>> -> memref<128x128xf32, #tpu.memory_space<vmem>>
          %dma_wait3A_175 = arith.constant 0 : i32
          %dma_wait3A_176 = tpu.memref_slice %arg8[%add3A_137, %dma_wait3A_175] : memref<10000x128xf32, #tpu.memory_space<hbm>> -> memref<128x128xf32, #tpu.memory_space<hbm>>
          %dma_wait3A_177 = arith.constant 0 : i32
          %dma_wait3A_178 = tpu.memref_slice %arg8[%add3A_137, %dma_wait3A_177] : memref<10000x128xf32, #tpu.memory_space<hbm>> -> memref<128x128xf32, #tpu.memory_space<hbm>>
          %dma_wait3A_179 = arith.constant 0 : i32
          %dma_wait3A_180 = arith.constant 0 : i32
          %dma_wait3A_181 = tpu.memref_slice %arg13[%dma_wait3A_179, %dma_wait3A_180] : memref<128x128xf32, #tpu.memory_space<vmem>> -> memref<128x128xf32, #tpu.memory_space<vmem>>
          tpu.wait_dma2 semaphore(%run_scoped3A : memref<!tpu.dma_semaphore, #tpu.memory_space<semaphore_mem>>) src(%dma_wait3A_181 : memref<128x128xf32, #tpu.memory_space<vmem>>) dst(%dma_wait3A_178 : memref<128x128xf32, #tpu.memory_space<hbm>>)
          tpu.yield
        }) : () -> ()
      } else {
      }
      %mul3A_148 = arith.constant 1000 : i32
      %mul3A_149 = arith.muli %arg1, %mul3A_148 : i32
      %add3A_150 = arith.constant 896 : i32
      %add3A_151 = arith.addi %mul3A_149, %add3A_150 : i32
      "tpu.region"() ({
        %run_scoped3A = tpu.sem_alloc : memref<!tpu.dma_semaphore, #tpu.memory_space<semaphore_mem>>
        %dma_start3A_162 = arith.constant 0 : i32
        %dma_start3A_163 = arith.constant 0 : i32
        %dma_start3A_164 = tpu.memref_slice %arg13[%dma_start3A_162, %dma_start3A_163] : memref<128x128xf32, #tpu.memory_space<vmem>> -> memref<104x128xf32, #tpu.memory_space<vmem>>
        %dma_start3A_165 = arith.constant 0 : i32
        %dma_start3A_166 = tpu.memref_slice %arg15[%add3A_151, %dma_start3A_165] : memref<10016x128xf32, #tpu.memory_space<vmem_shared>> -> memref<104x128xf32, #tpu.memory_space<vmem_shared>>
        %dma_start3A_167 = arith.constant 0 : i32
        %dma_start3A_168 = arith.constant 0 : i32
        %dma_start3A_169 = tpu.memref_slice %arg13[%dma_start3A_167, %dma_start3A_168] : memref<128x128xf32, #tpu.memory_space<vmem>> -> memref<104x128xf32, #tpu.memory_space<vmem>>
        %dma_start3A_170 = arith.constant 0 : i32
        %dma_start3A_171 = tpu.memref_slice %arg15[%add3A_151, %dma_start3A_170] : memref<10016x128xf32, #tpu.memory_space<vmem_shared>> -> memref<104x128xf32, #tpu.memory_space<vmem_shared>>
        tpu.enqueue_dma source(%dma_start3A_171 : memref<104x128xf32, #tpu.memory_space<vmem_shared>>) target(%dma_start3A_169 : memref<104x128xf32, #tpu.memory_space<vmem>>) target_semaphore(%run_scoped3A : memref<!tpu.dma_semaphore, #tpu.memory_space<semaphore_mem>>)
        %dma_wait3A_172 = arith.constant 0 : i32
        %dma_wait3A_173 = arith.constant 0 : i32
        %dma_wait3A_174 = tpu.memref_slice %arg13[%dma_wait3A_172, %dma_wait3A_173] : memref<128x128xf32, #tpu.memory_space<vmem>> -> memref<104x128xf32, #tpu.memory_space<vmem>>
        %dma_wait3A_175 = arith.constant 0 : i32
        %dma_wait3A_176 = tpu.memref_slice %arg15[%add3A_151, %dma_wait3A_175] : memref<10016x128xf32, #tpu.memory_space<vmem_shared>> -> memref<104x128xf32, #tpu.memory_space<vmem_shared>>
        %dma_wait3A_177 = arith.constant 0 : i32
        %dma_wait3A_178 = arith.constant 0 : i32
        %dma_wait3A_179 = tpu.memref_slice %arg13[%dma_wait3A_177, %dma_wait3A_178] : memref<128x128xf32, #tpu.memory_space<vmem>> -> memref<104x128xf32, #tpu.memory_space<vmem>>
        %dma_wait3A_180 = arith.constant 0 : i32
        %dma_wait3A_181 = tpu.memref_slice %arg15[%add3A_151, %dma_wait3A_180] : memref<10016x128xf32, #tpu.memory_space<vmem_shared>> -> memref<104x128xf32, #tpu.memory_space<vmem_shared>>
        tpu.wait_dma2 semaphore(%run_scoped3A : memref<!tpu.dma_semaphore, #tpu.memory_space<semaphore_mem>>) src(%dma_wait3A_181 : memref<104x128xf32, #tpu.memory_space<vmem_shared>>) dst(%dma_wait3A_179 : memref<104x128xf32, #tpu.memory_space<vmem>>)
        tpu.yield
      }) : () -> ()
      %eq3A_152 = arith.constant 0 : i32
      %eq3A_153 = arith.cmpi eq, %arg0, %eq3A_152 : i32
      %convert_element_type3A_154 = arith.extui %eq3A_153 : i1 to i32
      %cond3A_155 = arith.constant 0 : i32
      %cond3A_156 = arith.cmpi ne, %convert_element_type3A_154, %cond3A_155 : i32
      scf.if %cond3A_156 {
        "tpu.region"() ({
          %run_scoped3A = tpu.sem_alloc : memref<!tpu.dma_semaphore, #tpu.memory_space<semaphore_mem>>
          %dma_start3A_162 = arith.constant 0 : i32
          %dma_start3A_163 = arith.constant 0 : i32
          %dma_start3A_164 = tpu.memref_slice %arg13[%dma_start3A_162, %dma_start3A_163] : memref<128x128xf32, #tpu.memory_space<vmem>> -> memref<104x128xf32, #tpu.memory_space<vmem>>
          %dma_start3A_165 = arith.constant 0 : i32
          %dma_start3A_166 = tpu.memref_slice %arg7[%add3A_151, %dma_start3A_165] : memref<10000x128xf32, #tpu.memory_space<hbm>> -> memref<104x128xf32, #tpu.memory_space<hbm>>
          %dma_start3A_167 = arith.constant 0 : i32
          %dma_start3A_168 = tpu.memref_slice %arg7[%add3A_151, %dma_start3A_167] : memref<10000x128xf32, #tpu.memory_space<hbm>> -> memref<104x128xf32, #tpu.memory_space<hbm>>
          %dma_start3A_169 = arith.constant 0 : i32
          %dma_start3A_170 = arith.constant 0 : i32
          %dma_start3A_171 = tpu.memref_slice %arg13[%dma_start3A_169, %dma_start3A_170] : memref<128x128xf32, #tpu.memory_space<vmem>> -> memref<104x128xf32, #tpu.memory_space<vmem>>
          tpu.enqueue_dma source(%dma_start3A_171 : memref<104x128xf32, #tpu.memory_space<vmem>>) target(%dma_start3A_168 : memref<104x128xf32, #tpu.memory_space<hbm>>) target_semaphore(%run_scoped3A : memref<!tpu.dma_semaphore, #tpu.memory_space<semaphore_mem>>)
          %dma_wait3A_172 = arith.constant 0 : i32
          %dma_wait3A_173 = arith.constant 0 : i32
          %dma_wait3A_174 = tpu.memref_slice %arg13[%dma_wait3A_172, %dma_wait3A_173] : memref<128x128xf32, #tpu.memory_space<vmem>> -> memref<104x128xf32, #tpu.memory_space<vmem>>
          %dma_wait3A_175 = arith.constant 0 : i32
          %dma_wait3A_176 = tpu.memref_slice %arg7[%add3A_151, %dma_wait3A_175] : memref<10000x128xf32, #tpu.memory_space<hbm>> -> memref<104x128xf32, #tpu.memory_space<hbm>>
          %dma_wait3A_177 = arith.constant 0 : i32
          %dma_wait3A_178 = tpu.memref_slice %arg7[%add3A_151, %dma_wait3A_177] : memref<10000x128xf32, #tpu.memory_space<hbm>> -> memref<104x128xf32, #tpu.memory_space<hbm>>
          %dma_wait3A_179 = arith.constant 0 : i32
          %dma_wait3A_180 = arith.constant 0 : i32
          %dma_wait3A_181 = tpu.memref_slice %arg13[%dma_wait3A_179, %dma_wait3A_180] : memref<128x128xf32, #tpu.memory_space<vmem>> -> memref<104x128xf32, #tpu.memory_space<vmem>>
          tpu.wait_dma2 semaphore(%run_scoped3A : memref<!tpu.dma_semaphore, #tpu.memory_space<semaphore_mem>>) src(%dma_wait3A_181 : memref<104x128xf32, #tpu.memory_space<vmem>>) dst(%dma_wait3A_178 : memref<104x128xf32, #tpu.memory_space<hbm>>)
          tpu.yield
        }) : () -> ()
      } else {
      }
      %eq3A_157 = arith.constant 1 : i32
      %eq3A_158 = arith.cmpi eq, %arg0, %eq3A_157 : i32
      %convert_element_type3A_159 = arith.extui %eq3A_158 : i1 to i32
      %cond3A_160 = arith.constant 0 : i32
      %cond3A_161 = arith.cmpi ne, %convert_element_type3A_159, %cond3A_160 : i32
      scf.if %cond3A_161 {
        "tpu.region"() ({
          %run_scoped3A = tpu.sem_alloc : memref<!tpu.dma_semaphore, #tpu.memory_space<semaphore_mem>>
          %dma_start3A_162 = arith.constant 0 : i32
          %dma_start3A_163 = arith.constant 0 : i32
          %dma_start3A_164 = tpu.memref_slice %arg13[%dma_start3A_162, %dma_start3A_163] : memref<128x128xf32, #tpu.memory_space<vmem>> -> memref<104x128xf32, #tpu.memory_space<vmem>>
          %dma_start3A_165 = arith.constant 0 : i32
          %dma_start3A_166 = tpu.memref_slice %arg8[%add3A_151, %dma_start3A_165] : memref<10000x128xf32, #tpu.memory_space<hbm>> -> memref<104x128xf32, #tpu.memory_space<hbm>>
          %dma_start3A_167 = arith.constant 0 : i32
          %dma_start3A_168 = tpu.memref_slice %arg8[%add3A_151, %dma_start3A_167] : memref<10000x128xf32, #tpu.memory_space<hbm>> -> memref<104x128xf32, #tpu.memory_space<hbm>>
          %dma_start3A_169 = arith.constant 0 : i32
          %dma_start3A_170 = arith.constant 0 : i32
          %dma_start3A_171 = tpu.memref_slice %arg13[%dma_start3A_169, %dma_start3A_170] : memref<128x128xf32, #tpu.memory_space<vmem>> -> memref<104x128xf32, #tpu.memory_space<vmem>>
          tpu.enqueue_dma source(%dma_start3A_171 : memref<104x128xf32, #tpu.memory_space<vmem>>) target(%dma_start3A_168 : memref<104x128xf32, #tpu.memory_space<hbm>>) target_semaphore(%run_scoped3A : memref<!tpu.dma_semaphore, #tpu.memory_space<semaphore_mem>>)
          %dma_wait3A_172 = arith.constant 0 : i32
          %dma_wait3A_173 = arith.constant 0 : i32
          %dma_wait3A_174 = tpu.memref_slice %arg13[%dma_wait3A_172, %dma_wait3A_173] : memref<128x128xf32, #tpu.memory_space<vmem>> -> memref<104x128xf32, #tpu.memory_space<vmem>>
          %dma_wait3A_175 = arith.constant 0 : i32
          %dma_wait3A_176 = tpu.memref_slice %arg8[%add3A_151, %dma_wait3A_175] : memref<10000x128xf32, #tpu.memory_space<hbm>> -> memref<104x128xf32, #tpu.memory_space<hbm>>
          %dma_wait3A_177 = arith.constant 0 : i32
          %dma_wait3A_178 = tpu.memref_slice %arg8[%add3A_151, %dma_wait3A_177] : memref<10000x128xf32, #tpu.memory_space<hbm>> -> memref<104x128xf32, #tpu.memory_space<hbm>>
          %dma_wait3A_179 = arith.constant 0 : i32
          %dma_wait3A_180 = arith.constant 0 : i32
          %dma_wait3A_181 = tpu.memref_slice %arg13[%dma_wait3A_179, %dma_wait3A_180] : memref<128x128xf32, #tpu.memory_space<vmem>> -> memref<104x128xf32, #tpu.memory_space<vmem>>
          tpu.wait_dma2 semaphore(%run_scoped3A : memref<!tpu.dma_semaphore, #tpu.memory_space<semaphore_mem>>) src(%dma_wait3A_181 : memref<104x128xf32, #tpu.memory_space<vmem>>) dst(%dma_wait3A_178 : memref<104x128xf32, #tpu.memory_space<hbm>>)
          tpu.yield
        }) : () -> ()
      } else {
      }
    } else {
    }
    return
  }
}

#map = affine_map<(d0, d1) -> (0)>
#map1 = affine_map<(d0, d1) -> (0, 0)>
module attributes {stable_mosaic.version = 14 : i64} {
  func.func @_edge_sum_body(%arg0: i32, %arg1: i32, %arg2: memref<163840xi32, #tpu.memory_space<hbm>>, %arg3: memref<163840xi32, #tpu.memory_space<hbm>>, %arg4: memref<10000x128xf32, #tpu.memory_space<hbm>>, %arg5: memref<10000x128xf32, #tpu.memory_space<hbm>>, %arg6: memref<640x128xf32, #tpu.memory_space<hbm>>, %arg7: memref<10000x128xf32, #tpu.memory_space<hbm>>, %arg8: memref<10000x128xf32, #tpu.memory_space<hbm>>, %arg9: memref<128xi32, #tpu.memory_space<vmem>>, %arg10: memref<128xi32, #tpu.memory_space<vmem>>, %arg11: memref<128xi32, #tpu.memory_space<vmem>>, %arg12: memref<128xi32, #tpu.memory_space<vmem>>, %arg13: memref<128x128xf32, #tpu.memory_space<vmem>>, %arg14: memref<128x128xf32, #tpu.memory_space<vmem>>, %arg15: memref<10016x128xf32, #tpu.memory_space<vmem_shared>>, %arg16: memref<!tpu.dma_semaphore, #tpu.memory_space<semaphore_mem>>, %arg17: memref<!tpu.dma_semaphore, #tpu.memory_space<semaphore_mem>>, %arg18: memref<!tpu.dma_semaphore, #tpu.memory_space<semaphore_mem>>, %arg19: memref<!tpu.dma_semaphore, #tpu.memory_space<semaphore_mem>>) attributes {dimension_semantics = [#tpu.dimension_semantics<core_parallel>, #tpu.dimension_semantics<subcore_parallel>], iteration_bounds = array<i64: 2, 16>, scalar_prefetch = 0 : i64, scratch_operands = 11 : i64, tpu.core_type = #tpu.core_type<sc_vector_subcore>, window_params = [{transform_indices = #map}, {transform_indices = #map}, {transform_indices = #map1}, {transform_indices = #map1}, {transform_indices = #map1}, {transform_indices = #map1}, {transform_indices = #map1}]} {
    %lt3A = arith.constant 15 : i32
    %lt3A_0 = arith.cmpi slt, %arg1, %lt3A : i32
    %convert_element_type3A = arith.extui %lt3A_0 : i1 to i32
    %cond3A = arith.constant 0 : i32
    %cond3A_1 = arith.cmpi ne, %convert_element_type3A, %cond3A : i32
    scf.if %cond3A_1 {
      %mul3A_50 = arith.constant 640 : i32
      %mul3A_51 = arith.muli %arg1, %mul3A_50 : i32
      "tpu.region"() ({
        %run_scoped3A = tpu.sem_alloc : memref<!tpu.dma_semaphore, #tpu.memory_space<semaphore_mem>>
        %dma_start3A_52 = arith.constant 0 : i32
        %dma_start3A_53 = tpu.memref_slice %arg15[%mul3A_51, %dma_start3A_52] : memref<10016x128xf32, #tpu.memory_space<vmem_shared>> -> memref<640x128xf32, #tpu.memory_space<vmem_shared>>
        tpu.enqueue_dma source(%arg6 : memref<640x128xf32, #tpu.memory_space<hbm>>) target(%dma_start3A_53 : memref<640x128xf32, #tpu.memory_space<vmem_shared>>) target_semaphore(%run_scoped3A : memref<!tpu.dma_semaphore, #tpu.memory_space<semaphore_mem>>)
        %dma_wait3A_54 = arith.constant 0 : i32
        %dma_wait3A_55 = tpu.memref_slice %arg15[%mul3A_51, %dma_wait3A_54] : memref<10016x128xf32, #tpu.memory_space<vmem_shared>> -> memref<640x128xf32, #tpu.memory_space<vmem_shared>>
        tpu.wait_dma2 semaphore(%run_scoped3A : memref<!tpu.dma_semaphore, #tpu.memory_space<semaphore_mem>>) src(%arg6 : memref<640x128xf32, #tpu.memory_space<hbm>>) dst(%dma_wait3A_55 : memref<640x128xf32, #tpu.memory_space<vmem_shared>>)
        tpu.yield
      }) : () -> ()
    } else {
    }
    %eq3A = arith.constant 15 : i32
    %eq3A_2 = arith.cmpi eq, %arg1, %eq3A : i32
    %convert_element_type3A_3 = arith.extui %eq3A_2 : i1 to i32
    %cond3A_4 = arith.constant 0 : i32
    %cond3A_5 = arith.cmpi ne, %convert_element_type3A_3, %cond3A_4 : i32
    scf.if %cond3A_5 {
      "tpu.region"() ({
        %run_scoped3A = tpu.sem_alloc : memref<!tpu.dma_semaphore, #tpu.memory_space<semaphore_mem>>
        %dma_start3A_50 = arith.constant 9600 : i32
        %dma_start3A_51 = arith.constant 0 : i32
        %dma_start3A_52 = tpu.memref_slice %arg15[%dma_start3A_50, %dma_start3A_51] : memref<10016x128xf32, #tpu.memory_space<vmem_shared>> -> memref<416x128xf32, #tpu.memory_space<vmem_shared>>
        %dma_start3A_53 = arith.constant 0 : i32
        %dma_start3A_54 = arith.constant 0 : i32
        %dma_start3A_55 = tpu.memref_slice %arg6[%dma_start3A_53, %dma_start3A_54] : memref<640x128xf32, #tpu.memory_space<hbm>> -> memref<416x128xf32, #tpu.memory_space<hbm>>
        tpu.enqueue_dma source(%dma_start3A_55 : memref<416x128xf32, #tpu.memory_space<hbm>>) target(%dma_start3A_52 : memref<416x128xf32, #tpu.memory_space<vmem_shared>>) target_semaphore(%run_scoped3A : memref<!tpu.dma_semaphore, #tpu.memory_space<semaphore_mem>>)
        %dma_wait3A_56 = arith.constant 9600 : i32
        %dma_wait3A_57 = arith.constant 0 : i32
        %dma_wait3A_58 = tpu.memref_slice %arg15[%dma_wait3A_56, %dma_wait3A_57] : memref<10016x128xf32, #tpu.memory_space<vmem_shared>> -> memref<416x128xf32, #tpu.memory_space<vmem_shared>>
        %dma_wait3A_59 = arith.constant 0 : i32
        %dma_wait3A_60 = arith.constant 0 : i32
        %dma_wait3A_61 = tpu.memref_slice %arg6[%dma_wait3A_59, %dma_wait3A_60] : memref<640x128xf32, #tpu.memory_space<hbm>> -> memref<416x128xf32, #tpu.memory_space<hbm>>
        tpu.wait_dma2 semaphore(%run_scoped3A : memref<!tpu.dma_semaphore, #tpu.memory_space<semaphore_mem>>) src(%dma_wait3A_61 : memref<416x128xf32, #tpu.memory_space<hbm>>) dst(%dma_wait3A_58 : memref<416x128xf32, #tpu.memory_space<vmem_shared>>)
        tpu.yield
      }) : () -> ()
    } else {
    }
    %barrier3A = arith.constant 0 : index
    tpu.barrier barrier_id(%barrier3A)
    %mul3A = arith.constant 10240 : i32
    %mul3A_6 = arith.muli %arg1, %mul3A : i32
    %add3A = arith.constant 0 : i32
    %add3A_7 = arith.addi %mul3A_6, %add3A : i32
    %dma_start3A = tpu.memref_slice %arg2[%add3A_7] : memref<163840xi32, #tpu.memory_space<hbm>> -> memref<128xi32, #tpu.memory_space<hbm>>
    %dma_start3A_8 = tpu.memref_slice %arg2[%add3A_7] : memref<163840xi32, #tpu.memory_space<hbm>> -> memref<128xi32, #tpu.memory_space<hbm>>
    tpu.enqueue_dma source(%dma_start3A_8 : memref<128xi32, #tpu.memory_space<hbm>>) target(%arg9 : memref<128xi32, #tpu.memory_space<vmem>>) target_semaphore(%arg16 : memref<!tpu.dma_semaphore, #tpu.memory_space<semaphore_mem>>)
    %add3A_9 = arith.constant 0 : i32
    %add3A_10 = arith.addi %mul3A_6, %add3A_9 : i32
    %dma_start3A_11 = tpu.memref_slice %arg3[%add3A_10] : memref<163840xi32, #tpu.memory_space<hbm>> -> memref<128xi32, #tpu.memory_space<hbm>>
    %dma_start3A_12 = tpu.memref_slice %arg3[%add3A_10] : memref<163840xi32, #tpu.memory_space<hbm>> -> memref<128xi32, #tpu.memory_space<hbm>>
    tpu.enqueue_dma source(%dma_start3A_12 : memref<128xi32, #tpu.memory_space<hbm>>) target(%arg11 : memref<128xi32, #tpu.memory_space<vmem>>) target_semaphore(%arg16 : memref<!tpu.dma_semaphore, #tpu.memory_space<semaphore_mem>>)
    %add3A_13 = arith.constant 128 : i32
    %add3A_14 = arith.addi %mul3A_6, %add3A_13 : i32
    %dma_start3A_15 = tpu.memref_slice %arg2[%add3A_14] : memref<163840xi32, #tpu.memory_space<hbm>> -> memref<128xi32, #tpu.memory_space<hbm>>
    %dma_start3A_16 = tpu.memref_slice %arg2[%add3A_14] : memref<163840xi32, #tpu.memory_space<hbm>> -> memref<128xi32, #tpu.memory_space<hbm>>
    tpu.enqueue_dma source(%dma_start3A_16 : memref<128xi32, #tpu.memory_space<hbm>>) target(%arg10 : memref<128xi32, #tpu.memory_space<vmem>>) target_semaphore(%arg17 : memref<!tpu.dma_semaphore, #tpu.memory_space<semaphore_mem>>)
    %add3A_17 = arith.constant 128 : i32
    %add3A_18 = arith.addi %mul3A_6, %add3A_17 : i32
    %dma_start3A_19 = tpu.memref_slice %arg3[%add3A_18] : memref<163840xi32, #tpu.memory_space<hbm>> -> memref<128xi32, #tpu.memory_space<hbm>>
    %dma_start3A_20 = tpu.memref_slice %arg3[%add3A_18] : memref<163840xi32, #tpu.memory_space<hbm>> -> memref<128xi32, #tpu.memory_space<hbm>>
    tpu.enqueue_dma source(%dma_start3A_20 : memref<128xi32, #tpu.memory_space<hbm>>) target(%arg12 : memref<128xi32, #tpu.memory_space<vmem>>) target_semaphore(%arg17 : memref<!tpu.dma_semaphore, #tpu.memory_space<semaphore_mem>>)
    %dma_wait3A = arith.constant 0 : i32
    %dma_wait3A_21 = tpu.memref_slice %arg2[%dma_wait3A] : memref<163840xi32, #tpu.memory_space<hbm>> -> memref<128xi32, #tpu.memory_space<hbm>>
    %dma_wait3A_22 = arith.constant 0 : i32
    %dma_wait3A_23 = tpu.memref_slice %arg2[%dma_wait3A_22] : memref<163840xi32, #tpu.memory_space<hbm>> -> memref<128xi32, #tpu.memory_space<hbm>>
    tpu.wait_dma2 semaphore(%arg16 : memref<!tpu.dma_semaphore, #tpu.memory_space<semaphore_mem>>) src(%dma_wait3A_23 : memref<128xi32, #tpu.memory_space<hbm>>) dst(%arg9 : memref<128xi32, #tpu.memory_space<vmem>>)
    %dma_wait3A_24 = arith.constant 0 : i32
    %dma_wait3A_25 = tpu.memref_slice %arg2[%dma_wait3A_24] : memref<163840xi32, #tpu.memory_space<hbm>> -> memref<128xi32, #tpu.memory_space<hbm>>
    %dma_wait3A_26 = arith.constant 0 : i32
    %dma_wait3A_27 = tpu.memref_slice %arg2[%dma_wait3A_26] : memref<163840xi32, #tpu.memory_space<hbm>> -> memref<128xi32, #tpu.memory_space<hbm>>
    tpu.wait_dma2 semaphore(%arg16 : memref<!tpu.dma_semaphore, #tpu.memory_space<semaphore_mem>>) src(%dma_wait3A_27 : memref<128xi32, #tpu.memory_space<hbm>>) dst(%arg11 : memref<128xi32, #tpu.memory_space<vmem>>)
    %eq3A_28 = arith.constant 0 : i32
    %eq3A_29 = arith.cmpi eq, %arg0, %eq3A_28 : i32
    %convert_element_type3A_30 = arith.extui %eq3A_29 : i1 to i32
    %cond3A_31 = arith.constant 0 : i32
    %cond3A_32 = arith.cmpi ne, %convert_element_type3A_30, %cond3A_31 : i32
    scf.if %cond3A_32 {
      %dma_start3A_50 = arith.constant 0 : i32
      %dma_start3A_51 = arith.constant 0 : i32
      %dma_start3A_52 = tpu.memref_slice %arg4[%dma_start3A_50, %dma_start3A_51] : memref<10000x128xf32, #tpu.memory_space<hbm>> -> memref<10000x128xf32, #tpu.memory_space<hbm>>
      tpu.enqueue_indirect_dma source(%dma_start3A_52 : memref<10000x128xf32, #tpu.memory_space<hbm>>) target(%arg13 : memref<128x128xf32, #tpu.memory_space<vmem>>) offsets(%arg9 : memref<128xi32, #tpu.memory_space<vmem>>) semaphore(%arg18 : memref<!tpu.dma_semaphore, #tpu.memory_space<semaphore_mem>>)
    } else {
    }
    %eq3A_33 = arith.constant 1 : i32
    %eq3A_34 = arith.cmpi eq, %arg0, %eq3A_33 : i32
    %convert_element_type3A_35 = arith.extui %eq3A_34 : i1 to i32
    %cond3A_36 = arith.constant 0 : i32
    %cond3A_37 = arith.cmpi ne, %convert_element_type3A_35, %cond3A_36 : i32
    scf.if %cond3A_37 {
      %dma_start3A_50 = arith.constant 0 : i32
      %dma_start3A_51 = arith.constant 0 : i32
      %dma_start3A_52 = tpu.memref_slice %arg5[%dma_start3A_50, %dma_start3A_51] : memref<10000x128xf32, #tpu.memory_space<hbm>> -> memref<10000x128xf32, #tpu.memory_space<hbm>>
      tpu.enqueue_indirect_dma source(%dma_start3A_52 : memref<10000x128xf32, #tpu.memory_space<hbm>>) target(%arg13 : memref<128x128xf32, #tpu.memory_space<vmem>>) offsets(%arg9 : memref<128xi32, #tpu.memory_space<vmem>>) semaphore(%arg18 : memref<!tpu.dma_semaphore, #tpu.memory_space<semaphore_mem>>)
    } else {
    }
    %scan3A = arith.constant 0 : i32
    %scan3A_38 = arith.constant 0 : i32
    %scan3A_39 = arith.constant 40 : i32
    %scan3A_40 = arith.addi %scan3A_38, %scan3A_39 : i32
    %scan3A_41 = arith.constant 1 : i32
    %scan3A_42 = scf.for %scan3A_50 = %scan3A_38 to %scan3A_40 step %scan3A_41 iter_args(%scan3A_51 = %scan3A) -> (i32)  : i32 {
      %mul3A_52 = arith.constant 2 : i32
      %mul3A_53 = arith.muli %scan3A_50, %mul3A_52 : i32
      %add3A_54 = arith.constant 0 : i32
      %add3A_55 = arith.addi %mul3A_53, %add3A_54 : i32
      %add3A_56 = arith.constant 1 : i32
      %add3A_57 = arith.addi %add3A_55, %add3A_56 : i32
      %lt3A_58 = arith.constant 80 : i32
      %lt3A_59 = arith.cmpi slt, %add3A_57, %lt3A_58 : i32
      %convert_element_type3A_60 = arith.extui %lt3A_59 : i1 to i32
      %cond3A_61 = arith.constant 0 : i32
      %cond3A_62 = arith.cmpi ne, %convert_element_type3A_60, %cond3A_61 : i32
      scf.if %cond3A_62 {
        %dma_wait3A_109 = arith.constant 0 : i32
        %dma_wait3A_110 = tpu.memref_slice %arg2[%dma_wait3A_109] : memref<163840xi32, #tpu.memory_space<hbm>> -> memref<128xi32, #tpu.memory_space<hbm>>
        %dma_wait3A_111 = arith.constant 0 : i32
        %dma_wait3A_112 = tpu.memref_slice %arg2[%dma_wait3A_111] : memref<163840xi32, #tpu.memory_space<hbm>> -> memref<128xi32, #tpu.memory_space<hbm>>
        tpu.wait_dma2 semaphore(%arg17 : memref<!tpu.dma_semaphore, #tpu.memory_space<semaphore_mem>>) src(%dma_wait3A_112 : memref<128xi32, #tpu.memory_space<hbm>>) dst(%arg10 : memref<128xi32, #tpu.memory_space<vmem>>)
        %dma_wait3A_113 = arith.constant 0 : i32
        %dma_wait3A_114 = tpu.memref_slice %arg2[%dma_wait3A_113] : memref<163840xi32, #tpu.memory_space<hbm>> -> memref<128xi32, #tpu.memory_space<hbm>>
        %dma_wait3A_115 = arith.constant 0 : i32
        %dma_wait3A_116 = tpu.memref_slice %arg2[%dma_wait3A_115] : memref<163840xi32, #tpu.memory_space<hbm>> -> memref<128xi32, #tpu.memory_space<hbm>>
        tpu.wait_dma2 semaphore(%arg17 : memref<!tpu.dma_semaphore, #tpu.memory_space<semaphore_mem>>) src(%dma_wait3A_116 : memref<128xi32, #tpu.memory_space<hbm>>) dst(%arg12 : memref<128xi32, #tpu.memory_space<vmem>>)
        %eq3A_117 = arith.constant 0 : i32
        %eq3A_118 = arith.cmpi eq, %arg0, %eq3A_117 : i32
        %convert_element_type3A_119 = arith.extui %eq3A_118 : i1 to i32
        %cond3A_120 = arith.constant 0 : i32
        %cond3A_121 = arith.cmpi ne, %convert_element_type3A_119, %cond3A_120 : i32
        scf.if %cond3A_121 {
          %dma_start3A_127 = arith.constant 0 : i32
          %dma_start3A_128 = arith.constant 0 : i32
          %dma_start3A_129 = tpu.memref_slice %arg4[%dma_start3A_127, %dma_start3A_128] : memref<10000x128xf32, #tpu.memory_space<hbm>> -> memref<10000x128xf32, #tpu.memory_space<hbm>>
          tpu.enqueue_indirect_dma source(%dma_start3A_129 : memref<10000x128xf32, #tpu.memory_space<hbm>>) target(%arg14 : memref<128x128xf32, #tpu.memory_space<vmem>>) offsets(%arg10 : memref<128xi32, #tpu.memory_space<vmem>>) semaphore(%arg19 : memref<!tpu.dma_semaphore, #tpu.memory_space<semaphore_mem>>)
        } else {
        }
        %eq3A_122 = arith.constant 1 : i32
        %eq3A_123 = arith.cmpi eq, %arg0, %eq3A_122 : i32
        %convert_element_type3A_124 = arith.extui %eq3A_123 : i1 to i32
        %cond3A_125 = arith.constant 0 : i32
        %cond3A_126 = arith.cmpi ne, %convert_element_type3A_124, %cond3A_125 : i32
        scf.if %cond3A_126 {
          %dma_start3A_127 = arith.constant 0 : i32
          %dma_start3A_128 = arith.constant 0 : i32
          %dma_start3A_129 = tpu.memref_slice %arg5[%dma_start3A_127, %dma_start3A_128] : memref<10000x128xf32, #tpu.memory_space<hbm>> -> memref<10000x128xf32, #tpu.memory_space<hbm>>
          tpu.enqueue_indirect_dma source(%dma_start3A_129 : memref<10000x128xf32, #tpu.memory_space<hbm>>) target(%arg14 : memref<128x128xf32, #tpu.memory_space<vmem>>) offsets(%arg10 : memref<128xi32, #tpu.memory_space<vmem>>) semaphore(%arg19 : memref<!tpu.dma_semaphore, #tpu.memory_space<semaphore_mem>>)
        } else {
        }
      } else {
      }
      %eq3A_63 = arith.constant 0 : i32
      %eq3A_64 = arith.cmpi eq, %arg0, %eq3A_63 : i32
      %convert_element_type3A_65 = arith.extui %eq3A_64 : i1 to i32
      %cond3A_66 = arith.constant 0 : i32
      %cond3A_67 = arith.cmpi ne, %convert_element_type3A_65, %cond3A_66 : i32
      scf.if %cond3A_67 {
        %dma_wait3A_109 = arith.constant 0 : i32
        %dma_wait3A_110 = arith.constant 0 : i32
        %dma_wait3A_111 = tpu.memref_slice %arg4[%dma_wait3A_109, %dma_wait3A_110] : memref<10000x128xf32, #tpu.memory_space<hbm>> -> memref<10000x128xf32, #tpu.memory_space<hbm>>
        tpu.wait_indirect_dma semaphore(%arg18 : memref<!tpu.dma_semaphore, #tpu.memory_space<semaphore_mem>>) src(%dma_wait3A_111 : memref<10000x128xf32, #tpu.memory_space<hbm>>) dst(%arg13 : memref<128x128xf32, #tpu.memory_space<vmem>>)
      } else {
      }
      %eq3A_68 = arith.constant 1 : i32
      %eq3A_69 = arith.cmpi eq, %arg0, %eq3A_68 : i32
      %convert_element_type3A_70 = arith.extui %eq3A_69 : i1 to i32
      %cond3A_71 = arith.constant 0 : i32
      %cond3A_72 = arith.cmpi ne, %convert_element_type3A_70, %cond3A_71 : i32
      scf.if %cond3A_72 {
        %dma_wait3A_109 = arith.constant 0 : i32
        %dma_wait3A_110 = arith.constant 0 : i32
        %dma_wait3A_111 = tpu.memref_slice %arg5[%dma_wait3A_109, %dma_wait3A_110] : memref<10000x128xf32, #tpu.memory_space<hbm>> -> memref<10000x128xf32, #tpu.memory_space<hbm>>
        tpu.wait_indirect_dma semaphore(%arg18 : memref<!tpu.dma_semaphore, #tpu.memory_space<semaphore_mem>>) src(%dma_wait3A_111 : memref<10000x128xf32, #tpu.memory_space<hbm>>) dst(%arg13 : memref<128x128xf32, #tpu.memory_space<vmem>>)
      } else {
      }
      "tpu.region"() ({
        %run_scoped3A = tpu.sem_alloc : memref<!tpu.dma_semaphore, #tpu.memory_space<semaphore_mem>>
        %dma_start3A_109 = arith.constant 0 : i32
        %dma_start3A_110 = arith.constant 0 : i32
        %dma_start3A_111 = tpu.memref_slice %arg15[%dma_start3A_109, %dma_start3A_110] : memref<10016x128xf32, #tpu.memory_space<vmem_shared>> -> memref<10016x128xf32, #tpu.memory_space<vmem_shared>>
        tpu.enqueue_indirect_dma source(%arg13 : memref<128x128xf32, #tpu.memory_space<vmem>>) target(%dma_start3A_111 : memref<10016x128xf32, #tpu.memory_space<vmem_shared>>) offsets(%arg11 : memref<128xi32, #tpu.memory_space<vmem>>) semaphore(%run_scoped3A : memref<!tpu.dma_semaphore, #tpu.memory_space<semaphore_mem>>) {add = true}
        %dma_wait3A_112 = arith.constant 0 : i32
        %dma_wait3A_113 = arith.constant 0 : i32
        %dma_wait3A_114 = tpu.memref_slice %arg15[%dma_wait3A_112, %dma_wait3A_113] : memref<10016x128xf32, #tpu.memory_space<vmem_shared>> -> memref<10016x128xf32, #tpu.memory_space<vmem_shared>>
        tpu.wait_indirect_dma semaphore(%run_scoped3A : memref<!tpu.dma_semaphore, #tpu.memory_space<semaphore_mem>>) src(%arg13 : memref<128x128xf32, #tpu.memory_space<vmem>>) dst(%dma_wait3A_114 : memref<10016x128xf32, #tpu.memory_space<vmem_shared>>)
        tpu.yield
      }) : () -> ()
      %add3A_73 = arith.constant 2 : i32
      %add3A_74 = arith.addi %add3A_55, %add3A_73 : i32
      %lt3A_75 = arith.constant 80 : i32
      %lt3A_76 = arith.cmpi slt, %add3A_74, %lt3A_75 : i32
      %convert_element_type3A_77 = arith.extui %lt3A_76 : i1 to i32
      %cond3A_78 = arith.constant 0 : i32
      %cond3A_79 = arith.cmpi ne, %convert_element_type3A_77, %cond3A_78 : i32
      scf.if %cond3A_79 {
        %add3A_109 = arith.constant 2 : i32
        %add3A_110 = arith.addi %add3A_55, %add3A_109 : i32
        %mul3A_111 = arith.constant 128 : i32
        %mul3A_112 = arith.muli %add3A_110, %mul3A_111 : i32
        %add3A_113 = arith.addi %mul3A_6, %mul3A_112 : i32
        %dma_start3A_114 = tpu.memref_slice %arg2[%add3A_113] : memref<163840xi32, #tpu.memory_space<hbm>> -> memref<128xi32, #tpu.memory_space<hbm>>
        %dma_start3A_115 = tpu.memref_slice %arg2[%add3A_113] : memref<163840xi32, #tpu.memory_space<hbm>> -> memref<128xi32, #tpu.memory_space<hbm>>
        tpu.enqueue_dma source(%dma_start3A_115 : memref<128xi32, #tpu.memory_space<hbm>>) target(%arg9 : memref<128xi32, #tpu.memory_space<vmem>>) target_semaphore(%arg16 : memref<!tpu.dma_semaphore, #tpu.memory_space<semaphore_mem>>)
        %mul3A_116 = arith.constant 128 : i32
        %mul3A_117 = arith.muli %add3A_110, %mul3A_116 : i32
        %add3A_118 = arith.addi %mul3A_6, %mul3A_117 : i32
        %dma_start3A_119 = tpu.memref_slice %arg3[%add3A_118] : memref<163840xi32, #tpu.memory_space<hbm>> -> memref<128xi32, #tpu.memory_space<hbm>>
        %dma_start3A_120 = tpu.memref_slice %arg3[%add3A_118] : memref<163840xi32, #tpu.memory_space<hbm>> -> memref<128xi32, #tpu.memory_space<hbm>>
        tpu.enqueue_dma source(%dma_start3A_120 : memref<128xi32, #tpu.memory_space<hbm>>) target(%arg11 : memref<128xi32, #tpu.memory_space<vmem>>) target_semaphore(%arg16 : memref<!tpu.dma_semaphore, #tpu.memory_space<semaphore_mem>>)
      } else {
      }
      %mul3A_80 = arith.constant 2 : i32
      %mul3A_81 = arith.muli %scan3A_50, %mul3A_80 : i32
      %add3A_82 = arith.constant 1 : i32
      %add3A_83 = arith.addi %mul3A_81, %add3A_82 : i32
      %add3A_84 = arith.constant 1 : i32
      %add3A_85 = arith.addi %add3A_83, %add3A_84 : i32
      %lt3A_86 = arith.constant 80 : i32
      %lt3A_87 = arith.cmpi slt, %add3A_85, %lt3A_86 : i32
      %convert_element_type3A_88 = arith.extui %lt3A_87 : i1 to i32
      %cond3A_89 = arith.constant 0 : i32
      %cond3A_90 = arith.cmpi ne, %convert_element_type3A_88, %cond3A_89 : i32
      scf.if %cond3A_90 {
        %dma_wait3A_109 = arith.constant 0 : i32
        %dma_wait3A_110 = tpu.memref_slice %arg2[%dma_wait3A_109] : memref<163840xi32, #tpu.memory_space<hbm>> -> memref<128xi32, #tpu.memory_space<hbm>>
        %dma_wait3A_111 = arith.constant 0 : i32
        %dma_wait3A_112 = tpu.memref_slice %arg2[%dma_wait3A_111] : memref<163840xi32, #tpu.memory_space<hbm>> -> memref<128xi32, #tpu.memory_space<hbm>>
        tpu.wait_dma2 semaphore(%arg16 : memref<!tpu.dma_semaphore, #tpu.memory_space<semaphore_mem>>) src(%dma_wait3A_112 : memref<128xi32, #tpu.memory_space<hbm>>) dst(%arg9 : memref<128xi32, #tpu.memory_space<vmem>>)
        %dma_wait3A_113 = arith.constant 0 : i32
        %dma_wait3A_114 = tpu.memref_slice %arg2[%dma_wait3A_113] : memref<163840xi32, #tpu.memory_space<hbm>> -> memref<128xi32, #tpu.memory_space<hbm>>
        %dma_wait3A_115 = arith.constant 0 : i32
        %dma_wait3A_116 = tpu.memref_slice %arg2[%dma_wait3A_115] : memref<163840xi32, #tpu.memory_space<hbm>> -> memref<128xi32, #tpu.memory_space<hbm>>
        tpu.wait_dma2 semaphore(%arg16 : memref<!tpu.dma_semaphore, #tpu.memory_space<semaphore_mem>>) src(%dma_wait3A_116 : memref<128xi32, #tpu.memory_space<hbm>>) dst(%arg11 : memref<128xi32, #tpu.memory_space<vmem>>)
        %eq3A_117 = arith.constant 0 : i32
        %eq3A_118 = arith.cmpi eq, %arg0, %eq3A_117 : i32
        %convert_element_type3A_119 = arith.extui %eq3A_118 : i1 to i32
        %cond3A_120 = arith.constant 0 : i32
        %cond3A_121 = arith.cmpi ne, %convert_element_type3A_119, %cond3A_120 : i32
        scf.if %cond3A_121 {
          %dma_start3A_127 = arith.constant 0 : i32
          %dma_start3A_128 = arith.constant 0 : i32
          %dma_start3A_129 = tpu.memref_slice %arg4[%dma_start3A_127, %dma_start3A_128] : memref<10000x128xf32, #tpu.memory_space<hbm>> -> memref<10000x128xf32, #tpu.memory_space<hbm>>
          tpu.enqueue_indirect_dma source(%dma_start3A_129 : memref<10000x128xf32, #tpu.memory_space<hbm>>) target(%arg13 : memref<128x128xf32, #tpu.memory_space<vmem>>) offsets(%arg9 : memref<128xi32, #tpu.memory_space<vmem>>) semaphore(%arg18 : memref<!tpu.dma_semaphore, #tpu.memory_space<semaphore_mem>>)
        } else {
        }
        %eq3A_122 = arith.constant 1 : i32
        %eq3A_123 = arith.cmpi eq, %arg0, %eq3A_122 : i32
        %convert_element_type3A_124 = arith.extui %eq3A_123 : i1 to i32
        %cond3A_125 = arith.constant 0 : i32
        %cond3A_126 = arith.cmpi ne, %convert_element_type3A_124, %cond3A_125 : i32
        scf.if %cond3A_126 {
          %dma_start3A_127 = arith.constant 0 : i32
          %dma_start3A_128 = arith.constant 0 : i32
          %dma_start3A_129 = tpu.memref_slice %arg5[%dma_start3A_127, %dma_start3A_128] : memref<10000x128xf32, #tpu.memory_space<hbm>> -> memref<10000x128xf32, #tpu.memory_space<hbm>>
          tpu.enqueue_indirect_dma source(%dma_start3A_129 : memref<10000x128xf32, #tpu.memory_space<hbm>>) target(%arg13 : memref<128x128xf32, #tpu.memory_space<vmem>>) offsets(%arg9 : memref<128xi32, #tpu.memory_space<vmem>>) semaphore(%arg18 : memref<!tpu.dma_semaphore, #tpu.memory_space<semaphore_mem>>)
        } else {
        }
      } else {
      }
      %eq3A_91 = arith.constant 0 : i32
      %eq3A_92 = arith.cmpi eq, %arg0, %eq3A_91 : i32
      %convert_element_type3A_93 = arith.extui %eq3A_92 : i1 to i32
      %cond3A_94 = arith.constant 0 : i32
      %cond3A_95 = arith.cmpi ne, %convert_element_type3A_93, %cond3A_94 : i32
      scf.if %cond3A_95 {
        %dma_wait3A_109 = arith.constant 0 : i32
        %dma_wait3A_110 = arith.constant 0 : i32
        %dma_wait3A_111 = tpu.memref_slice %arg4[%dma_wait3A_109, %dma_wait3A_110] : memref<10000x128xf32, #tpu.memory_space<hbm>> -> memref<10000x128xf32, #tpu.memory_space<hbm>>
        tpu.wait_indirect_dma semaphore(%arg19 : memref<!tpu.dma_semaphore, #tpu.memory_space<semaphore_mem>>) src(%dma_wait3A_111 : memref<10000x128xf32, #tpu.memory_space<hbm>>) dst(%arg14 : memref<128x128xf32, #tpu.memory_space<vmem>>)
      } else {
      }
      %eq3A_96 = arith.constant 1 : i32
      %eq3A_97 = arith.cmpi eq, %arg0, %eq3A_96 : i32
      %convert_element_type3A_98 = arith.extui %eq3A_97 : i1 to i32
      %cond3A_99 = arith.constant 0 : i32
      %cond3A_100 = arith.cmpi ne, %convert_element_type3A_98, %cond3A_99 : i32
      scf.if %cond3A_100 {
        %dma_wait3A_109 = arith.constant 0 : i32
        %dma_wait3A_110 = arith.constant 0 : i32
        %dma_wait3A_111 = tpu.memref_slice %arg5[%dma_wait3A_109, %dma_wait3A_110] : memref<10000x128xf32, #tpu.memory_space<hbm>> -> memref<10000x128xf32, #tpu.memory_space<hbm>>
        tpu.wait_indirect_dma semaphore(%arg19 : memref<!tpu.dma_semaphore, #tpu.memory_space<semaphore_mem>>) src(%dma_wait3A_111 : memref<10000x128xf32, #tpu.memory_space<hbm>>) dst(%arg14 : memref<128x128xf32, #tpu.memory_space<vmem>>)
      } else {
      }
      "tpu.region"() ({
        %run_scoped3A = tpu.sem_alloc : memref<!tpu.dma_semaphore, #tpu.memory_space<semaphore_mem>>
        %dma_start3A_109 = arith.constant 0 : i32
        %dma_start3A_110 = arith.constant 0 : i32
        %dma_start3A_111 = tpu.memref_slice %arg15[%dma_start3A_109, %dma_start3A_110] : memref<10016x128xf32, #tpu.memory_space<vmem_shared>> -> memref<10016x128xf32, #tpu.memory_space<vmem_shared>>
        tpu.enqueue_indirect_dma source(%arg14 : memref<128x128xf32, #tpu.memory_space<vmem>>) target(%dma_start3A_111 : memref<10016x128xf32, #tpu.memory_space<vmem_shared>>) offsets(%arg12 : memref<128xi32, #tpu.memory_space<vmem>>) semaphore(%run_scoped3A : memref<!tpu.dma_semaphore, #tpu.memory_space<semaphore_mem>>) {add = true}
        %dma_wait3A_112 = arith.constant 0 : i32
        %dma_wait3A_113 = arith.constant 0 : i32
        %dma_wait3A_114 = tpu.memref_slice %arg15[%dma_wait3A_112, %dma_wait3A_113] : memref<10016x128xf32, #tpu.memory_space<vmem_shared>> -> memref<10016x128xf32, #tpu.memory_space<vmem_shared>>
        tpu.wait_indirect_dma semaphore(%run_scoped3A : memref<!tpu.dma_semaphore, #tpu.memory_space<semaphore_mem>>) src(%arg14 : memref<128x128xf32, #tpu.memory_space<vmem>>) dst(%dma_wait3A_114 : memref<10016x128xf32, #tpu.memory_space<vmem_shared>>)
        tpu.yield
      }) : () -> ()
      %add3A_101 = arith.constant 2 : i32
      %add3A_102 = arith.addi %add3A_83, %add3A_101 : i32
      %lt3A_103 = arith.constant 80 : i32
      %lt3A_104 = arith.cmpi slt, %add3A_102, %lt3A_103 : i32
      %convert_element_type3A_105 = arith.extui %lt3A_104 : i1 to i32
      %cond3A_106 = arith.constant 0 : i32
      %cond3A_107 = arith.cmpi ne, %convert_element_type3A_105, %cond3A_106 : i32
      scf.if %cond3A_107 {
        %add3A_109 = arith.constant 2 : i32
        %add3A_110 = arith.addi %add3A_83, %add3A_109 : i32
        %mul3A_111 = arith.constant 128 : i32
        %mul3A_112 = arith.muli %add3A_110, %mul3A_111 : i32
        %add3A_113 = arith.addi %mul3A_6, %mul3A_112 : i32
        %dma_start3A_114 = tpu.memref_slice %arg2[%add3A_113] : memref<163840xi32, #tpu.memory_space<hbm>> -> memref<128xi32, #tpu.memory_space<hbm>>
        %dma_start3A_115 = tpu.memref_slice %arg2[%add3A_113] : memref<163840xi32, #tpu.memory_space<hbm>> -> memref<128xi32, #tpu.memory_space<hbm>>
        tpu.enqueue_dma source(%dma_start3A_115 : memref<128xi32, #tpu.memory_space<hbm>>) target(%arg10 : memref<128xi32, #tpu.memory_space<vmem>>) target_semaphore(%arg17 : memref<!tpu.dma_semaphore, #tpu.memory_space<semaphore_mem>>)
        %mul3A_116 = arith.constant 128 : i32
        %mul3A_117 = arith.muli %add3A_110, %mul3A_116 : i32
        %add3A_118 = arith.addi %mul3A_6, %mul3A_117 : i32
        %dma_start3A_119 = tpu.memref_slice %arg3[%add3A_118] : memref<163840xi32, #tpu.memory_space<hbm>> -> memref<128xi32, #tpu.memory_space<hbm>>
        %dma_start3A_120 = tpu.memref_slice %arg3[%add3A_118] : memref<163840xi32, #tpu.memory_space<hbm>> -> memref<128xi32, #tpu.memory_space<hbm>>
        tpu.enqueue_dma source(%dma_start3A_120 : memref<128xi32, #tpu.memory_space<hbm>>) target(%arg12 : memref<128xi32, #tpu.memory_space<vmem>>) target_semaphore(%arg17 : memref<!tpu.dma_semaphore, #tpu.memory_space<semaphore_mem>>)
      } else {
      }
      %scan3A_108 = arith.constant 0 : i32
      scf.yield %scan3A_108 : i32
    }
    %scan3A_43 = arith.constant 40 : i32
    %barrier3A_44 = arith.constant 0 : index
    tpu.barrier barrier_id(%barrier3A_44)
    %lt3A_45 = arith.constant 10 : i32
    %lt3A_46 = arith.cmpi slt, %arg1, %lt3A_45 : i32
    %convert_element_type3A_47 = arith.extui %lt3A_46 : i1 to i32
    %cond3A_48 = arith.constant 0 : i32
    %cond3A_49 = arith.cmpi ne, %convert_element_type3A_47, %cond3A_48 : i32
    scf.if %cond3A_49 {
      %mul3A_50 = arith.constant 1000 : i32
      %mul3A_51 = arith.muli %arg1, %mul3A_50 : i32
      %add3A_52 = arith.constant 0 : i32
      %add3A_53 = arith.addi %mul3A_51, %add3A_52 : i32
      "tpu.region"() ({
        %run_scoped3A = tpu.sem_alloc : memref<!tpu.dma_semaphore, #tpu.memory_space<semaphore_mem>>
        %dma_start3A_162 = arith.constant 0 : i32
        %dma_start3A_163 = arith.constant 0 : i32
        %dma_start3A_164 = tpu.memref_slice %arg13[%dma_start3A_162, %dma_start3A_163] : memref<128x128xf32, #tpu.memory_space<vmem>> -> memref<128x128xf32, #tpu.memory_space<vmem>>
        %dma_start3A_165 = arith.constant 0 : i32
        %dma_start3A_166 = tpu.memref_slice %arg15[%add3A_53, %dma_start3A_165] : memref<10016x128xf32, #tpu.memory_space<vmem_shared>> -> memref<128x128xf32, #tpu.memory_space<vmem_shared>>
        %dma_start3A_167 = arith.constant 0 : i32
        %dma_start3A_168 = arith.constant 0 : i32
        %dma_start3A_169 = tpu.memref_slice %arg13[%dma_start3A_167, %dma_start3A_168] : memref<128x128xf32, #tpu.memory_space<vmem>> -> memref<128x128xf32, #tpu.memory_space<vmem>>
        %dma_start3A_170 = arith.constant 0 : i32
        %dma_start3A_171 = tpu.memref_slice %arg15[%add3A_53, %dma_start3A_170] : memref<10016x128xf32, #tpu.memory_space<vmem_shared>> -> memref<128x128xf32, #tpu.memory_space<vmem_shared>>
        tpu.enqueue_dma source(%dma_start3A_171 : memref<128x128xf32, #tpu.memory_space<vmem_shared>>) target(%dma_start3A_169 : memref<128x128xf32, #tpu.memory_space<vmem>>) target_semaphore(%run_scoped3A : memref<!tpu.dma_semaphore, #tpu.memory_space<semaphore_mem>>)
        %dma_wait3A_172 = arith.constant 0 : i32
        %dma_wait3A_173 = arith.constant 0 : i32
        %dma_wait3A_174 = tpu.memref_slice %arg13[%dma_wait3A_172, %dma_wait3A_173] : memref<128x128xf32, #tpu.memory_space<vmem>> -> memref<128x128xf32, #tpu.memory_space<vmem>>
        %dma_wait3A_175 = arith.constant 0 : i32
        %dma_wait3A_176 = tpu.memref_slice %arg15[%add3A_53, %dma_wait3A_175] : memref<10016x128xf32, #tpu.memory_space<vmem_shared>> -> memref<128x128xf32, #tpu.memory_space<vmem_shared>>
        %dma_wait3A_177 = arith.constant 0 : i32
        %dma_wait3A_178 = arith.constant 0 : i32
        %dma_wait3A_179 = tpu.memref_slice %arg13[%dma_wait3A_177, %dma_wait3A_178] : memref<128x128xf32, #tpu.memory_space<vmem>> -> memref<128x128xf32, #tpu.memory_space<vmem>>
        %dma_wait3A_180 = arith.constant 0 : i32
        %dma_wait3A_181 = tpu.memref_slice %arg15[%add3A_53, %dma_wait3A_180] : memref<10016x128xf32, #tpu.memory_space<vmem_shared>> -> memref<128x128xf32, #tpu.memory_space<vmem_shared>>
        tpu.wait_dma2 semaphore(%run_scoped3A : memref<!tpu.dma_semaphore, #tpu.memory_space<semaphore_mem>>) src(%dma_wait3A_181 : memref<128x128xf32, #tpu.memory_space<vmem_shared>>) dst(%dma_wait3A_179 : memref<128x128xf32, #tpu.memory_space<vmem>>)
        tpu.yield
      }) : () -> ()
      %eq3A_54 = arith.constant 0 : i32
      %eq3A_55 = arith.cmpi eq, %arg0, %eq3A_54 : i32
      %convert_element_type3A_56 = arith.extui %eq3A_55 : i1 to i32
      %cond3A_57 = arith.constant 0 : i32
      %cond3A_58 = arith.cmpi ne, %convert_element_type3A_56, %cond3A_57 : i32
      scf.if %cond3A_58 {
        "tpu.region"() ({
          %run_scoped3A = tpu.sem_alloc : memref<!tpu.dma_semaphore, #tpu.memory_space<semaphore_mem>>
          %dma_start3A_162 = arith.constant 0 : i32
          %dma_start3A_163 = arith.constant 0 : i32
          %dma_start3A_164 = tpu.memref_slice %arg13[%dma_start3A_162, %dma_start3A_163] : memref<128x128xf32, #tpu.memory_space<vmem>> -> memref<128x128xf32, #tpu.memory_space<vmem>>
          %dma_start3A_165 = arith.constant 0 : i32
          %dma_start3A_166 = tpu.memref_slice %arg7[%add3A_53, %dma_start3A_165] : memref<10000x128xf32, #tpu.memory_space<hbm>> -> memref<128x128xf32, #tpu.memory_space<hbm>>
          %dma_start3A_167 = arith.constant 0 : i32
          %dma_start3A_168 = tpu.memref_slice %arg7[%add3A_53, %dma_start3A_167] : memref<10000x128xf32, #tpu.memory_space<hbm>> -> memref<128x128xf32, #tpu.memory_space<hbm>>
          %dma_start3A_169 = arith.constant 0 : i32
          %dma_start3A_170 = arith.constant 0 : i32
          %dma_start3A_171 = tpu.memref_slice %arg13[%dma_start3A_169, %dma_start3A_170] : memref<128x128xf32, #tpu.memory_space<vmem>> -> memref<128x128xf32, #tpu.memory_space<vmem>>
          tpu.enqueue_dma source(%dma_start3A_171 : memref<128x128xf32, #tpu.memory_space<vmem>>) target(%dma_start3A_168 : memref<128x128xf32, #tpu.memory_space<hbm>>) target_semaphore(%run_scoped3A : memref<!tpu.dma_semaphore, #tpu.memory_space<semaphore_mem>>)
          %dma_wait3A_172 = arith.constant 0 : i32
          %dma_wait3A_173 = arith.constant 0 : i32
          %dma_wait3A_174 = tpu.memref_slice %arg13[%dma_wait3A_172, %dma_wait3A_173] : memref<128x128xf32, #tpu.memory_space<vmem>> -> memref<128x128xf32, #tpu.memory_space<vmem>>
          %dma_wait3A_175 = arith.constant 0 : i32
          %dma_wait3A_176 = tpu.memref_slice %arg7[%add3A_53, %dma_wait3A_175] : memref<10000x128xf32, #tpu.memory_space<hbm>> -> memref<128x128xf32, #tpu.memory_space<hbm>>
          %dma_wait3A_177 = arith.constant 0 : i32
          %dma_wait3A_178 = tpu.memref_slice %arg7[%add3A_53, %dma_wait3A_177] : memref<10000x128xf32, #tpu.memory_space<hbm>> -> memref<128x128xf32, #tpu.memory_space<hbm>>
          %dma_wait3A_179 = arith.constant 0 : i32
          %dma_wait3A_180 = arith.constant 0 : i32
          %dma_wait3A_181 = tpu.memref_slice %arg13[%dma_wait3A_179, %dma_wait3A_180] : memref<128x128xf32, #tpu.memory_space<vmem>> -> memref<128x128xf32, #tpu.memory_space<vmem>>
          tpu.wait_dma2 semaphore(%run_scoped3A : memref<!tpu.dma_semaphore, #tpu.memory_space<semaphore_mem>>) src(%dma_wait3A_181 : memref<128x128xf32, #tpu.memory_space<vmem>>) dst(%dma_wait3A_178 : memref<128x128xf32, #tpu.memory_space<hbm>>)
          tpu.yield
        }) : () -> ()
      } else {
      }
      %eq3A_59 = arith.constant 1 : i32
      %eq3A_60 = arith.cmpi eq, %arg0, %eq3A_59 : i32
      %convert_element_type3A_61 = arith.extui %eq3A_60 : i1 to i32
      %cond3A_62 = arith.constant 0 : i32
      %cond3A_63 = arith.cmpi ne, %convert_element_type3A_61, %cond3A_62 : i32
      scf.if %cond3A_63 {
        "tpu.region"() ({
          %run_scoped3A = tpu.sem_alloc : memref<!tpu.dma_semaphore, #tpu.memory_space<semaphore_mem>>
          %dma_start3A_162 = arith.constant 0 : i32
          %dma_start3A_163 = arith.constant 0 : i32
          %dma_start3A_164 = tpu.memref_slice %arg13[%dma_start3A_162, %dma_start3A_163] : memref<128x128xf32, #tpu.memory_space<vmem>> -> memref<128x128xf32, #tpu.memory_space<vmem>>
          %dma_start3A_165 = arith.constant 0 : i32
          %dma_start3A_166 = tpu.memref_slice %arg8[%add3A_53, %dma_start3A_165] : memref<10000x128xf32, #tpu.memory_space<hbm>> -> memref<128x128xf32, #tpu.memory_space<hbm>>
          %dma_start3A_167 = arith.constant 0 : i32
          %dma_start3A_168 = tpu.memref_slice %arg8[%add3A_53, %dma_start3A_167] : memref<10000x128xf32, #tpu.memory_space<hbm>> -> memref<128x128xf32, #tpu.memory_space<hbm>>
          %dma_start3A_169 = arith.constant 0 : i32
          %dma_start3A_170 = arith.constant 0 : i32
          %dma_start3A_171 = tpu.memref_slice %arg13[%dma_start3A_169, %dma_start3A_170] : memref<128x128xf32, #tpu.memory_space<vmem>> -> memref<128x128xf32, #tpu.memory_space<vmem>>
          tpu.enqueue_dma source(%dma_start3A_171 : memref<128x128xf32, #tpu.memory_space<vmem>>) target(%dma_start3A_168 : memref<128x128xf32, #tpu.memory_space<hbm>>) target_semaphore(%run_scoped3A : memref<!tpu.dma_semaphore, #tpu.memory_space<semaphore_mem>>)
          %dma_wait3A_172 = arith.constant 0 : i32
          %dma_wait3A_173 = arith.constant 0 : i32
          %dma_wait3A_174 = tpu.memref_slice %arg13[%dma_wait3A_172, %dma_wait3A_173] : memref<128x128xf32, #tpu.memory_space<vmem>> -> memref<128x128xf32, #tpu.memory_space<vmem>>
          %dma_wait3A_175 = arith.constant 0 : i32
          %dma_wait3A_176 = tpu.memref_slice %arg8[%add3A_53, %dma_wait3A_175] : memref<10000x128xf32, #tpu.memory_space<hbm>> -> memref<128x128xf32, #tpu.memory_space<hbm>>
          %dma_wait3A_177 = arith.constant 0 : i32
          %dma_wait3A_178 = tpu.memref_slice %arg8[%add3A_53, %dma_wait3A_177] : memref<10000x128xf32, #tpu.memory_space<hbm>> -> memref<128x128xf32, #tpu.memory_space<hbm>>
          %dma_wait3A_179 = arith.constant 0 : i32
          %dma_wait3A_180 = arith.constant 0 : i32
          %dma_wait3A_181 = tpu.memref_slice %arg13[%dma_wait3A_179, %dma_wait3A_180] : memref<128x128xf32, #tpu.memory_space<vmem>> -> memref<128x128xf32, #tpu.memory_space<vmem>>
          tpu.wait_dma2 semaphore(%run_scoped3A : memref<!tpu.dma_semaphore, #tpu.memory_space<semaphore_mem>>) src(%dma_wait3A_181 : memref<128x128xf32, #tpu.memory_space<vmem>>) dst(%dma_wait3A_178 : memref<128x128xf32, #tpu.memory_space<hbm>>)
          tpu.yield
        }) : () -> ()
      } else {
      }
      %mul3A_64 = arith.constant 1000 : i32
      %mul3A_65 = arith.muli %arg1, %mul3A_64 : i32
      %add3A_66 = arith.constant 128 : i32
      %add3A_67 = arith.addi %mul3A_65, %add3A_66 : i32
      "tpu.region"() ({
        %run_scoped3A = tpu.sem_alloc : memref<!tpu.dma_semaphore, #tpu.memory_space<semaphore_mem>>
        %dma_start3A_162 = arith.constant 0 : i32
        %dma_start3A_163 = arith.constant 0 : i32
        %dma_start3A_164 = tpu.memref_slice %arg13[%dma_start3A_162, %dma_start3A_163] : memref<128x128xf32, #tpu.memory_space<vmem>> -> memref<128x128xf32, #tpu.memory_space<vmem>>
        %dma_start3A_165 = arith.constant 0 : i32
        %dma_start3A_166 = tpu.memref_slice %arg15[%add3A_67, %dma_start3A_165] : memref<10016x128xf32, #tpu.memory_space<vmem_shared>> -> memref<128x128xf32, #tpu.memory_space<vmem_shared>>
        %dma_start3A_167 = arith.constant 0 : i32
        %dma_start3A_168 = arith.constant 0 : i32
        %dma_start3A_169 = tpu.memref_slice %arg13[%dma_start3A_167, %dma_start3A_168] : memref<128x128xf32, #tpu.memory_space<vmem>> -> memref<128x128xf32, #tpu.memory_space<vmem>>
        %dma_start3A_170 = arith.constant 0 : i32
        %dma_start3A_171 = tpu.memref_slice %arg15[%add3A_67, %dma_start3A_170] : memref<10016x128xf32, #tpu.memory_space<vmem_shared>> -> memref<128x128xf32, #tpu.memory_space<vmem_shared>>
        tpu.enqueue_dma source(%dma_start3A_171 : memref<128x128xf32, #tpu.memory_space<vmem_shared>>) target(%dma_start3A_169 : memref<128x128xf32, #tpu.memory_space<vmem>>) target_semaphore(%run_scoped3A : memref<!tpu.dma_semaphore, #tpu.memory_space<semaphore_mem>>)
        %dma_wait3A_172 = arith.constant 0 : i32
        %dma_wait3A_173 = arith.constant 0 : i32
        %dma_wait3A_174 = tpu.memref_slice %arg13[%dma_wait3A_172, %dma_wait3A_173] : memref<128x128xf32, #tpu.memory_space<vmem>> -> memref<128x128xf32, #tpu.memory_space<vmem>>
        %dma_wait3A_175 = arith.constant 0 : i32
        %dma_wait3A_176 = tpu.memref_slice %arg15[%add3A_67, %dma_wait3A_175] : memref<10016x128xf32, #tpu.memory_space<vmem_shared>> -> memref<128x128xf32, #tpu.memory_space<vmem_shared>>
        %dma_wait3A_177 = arith.constant 0 : i32
        %dma_wait3A_178 = arith.constant 0 : i32
        %dma_wait3A_179 = tpu.memref_slice %arg13[%dma_wait3A_177, %dma_wait3A_178] : memref<128x128xf32, #tpu.memory_space<vmem>> -> memref<128x128xf32, #tpu.memory_space<vmem>>
        %dma_wait3A_180 = arith.constant 0 : i32
        %dma_wait3A_181 = tpu.memref_slice %arg15[%add3A_67, %dma_wait3A_180] : memref<10016x128xf32, #tpu.memory_space<vmem_shared>> -> memref<128x128xf32, #tpu.memory_space<vmem_shared>>
        tpu.wait_dma2 semaphore(%run_scoped3A : memref<!tpu.dma_semaphore, #tpu.memory_space<semaphore_mem>>) src(%dma_wait3A_181 : memref<128x128xf32, #tpu.memory_space<vmem_shared>>) dst(%dma_wait3A_179 : memref<128x128xf32, #tpu.memory_space<vmem>>)
        tpu.yield
      }) : () -> ()
      %eq3A_68 = arith.constant 0 : i32
      %eq3A_69 = arith.cmpi eq, %arg0, %eq3A_68 : i32
      %convert_element_type3A_70 = arith.extui %eq3A_69 : i1 to i32
      %cond3A_71 = arith.constant 0 : i32
      %cond3A_72 = arith.cmpi ne, %convert_element_type3A_70, %cond3A_71 : i32
      scf.if %cond3A_72 {
        "tpu.region"() ({
          %run_scoped3A = tpu.sem_alloc : memref<!tpu.dma_semaphore, #tpu.memory_space<semaphore_mem>>
          %dma_start3A_162 = arith.constant 0 : i32
          %dma_start3A_163 = arith.constant 0 : i32
          %dma_start3A_164 = tpu.memref_slice %arg13[%dma_start3A_162, %dma_start3A_163] : memref<128x128xf32, #tpu.memory_space<vmem>> -> memref<128x128xf32, #tpu.memory_space<vmem>>
          %dma_start3A_165 = arith.constant 0 : i32
          %dma_start3A_166 = tpu.memref_slice %arg7[%add3A_67, %dma_start3A_165] : memref<10000x128xf32, #tpu.memory_space<hbm>> -> memref<128x128xf32, #tpu.memory_space<hbm>>
          %dma_start3A_167 = arith.constant 0 : i32
          %dma_start3A_168 = tpu.memref_slice %arg7[%add3A_67, %dma_start3A_167] : memref<10000x128xf32, #tpu.memory_space<hbm>> -> memref<128x128xf32, #tpu.memory_space<hbm>>
          %dma_start3A_169 = arith.constant 0 : i32
          %dma_start3A_170 = arith.constant 0 : i32
          %dma_start3A_171 = tpu.memref_slice %arg13[%dma_start3A_169, %dma_start3A_170] : memref<128x128xf32, #tpu.memory_space<vmem>> -> memref<128x128xf32, #tpu.memory_space<vmem>>
          tpu.enqueue_dma source(%dma_start3A_171 : memref<128x128xf32, #tpu.memory_space<vmem>>) target(%dma_start3A_168 : memref<128x128xf32, #tpu.memory_space<hbm>>) target_semaphore(%run_scoped3A : memref<!tpu.dma_semaphore, #tpu.memory_space<semaphore_mem>>)
          %dma_wait3A_172 = arith.constant 0 : i32
          %dma_wait3A_173 = arith.constant 0 : i32
          %dma_wait3A_174 = tpu.memref_slice %arg13[%dma_wait3A_172, %dma_wait3A_173] : memref<128x128xf32, #tpu.memory_space<vmem>> -> memref<128x128xf32, #tpu.memory_space<vmem>>
          %dma_wait3A_175 = arith.constant 0 : i32
          %dma_wait3A_176 = tpu.memref_slice %arg7[%add3A_67, %dma_wait3A_175] : memref<10000x128xf32, #tpu.memory_space<hbm>> -> memref<128x128xf32, #tpu.memory_space<hbm>>
          %dma_wait3A_177 = arith.constant 0 : i32
          %dma_wait3A_178 = tpu.memref_slice %arg7[%add3A_67, %dma_wait3A_177] : memref<10000x128xf32, #tpu.memory_space<hbm>> -> memref<128x128xf32, #tpu.memory_space<hbm>>
          %dma_wait3A_179 = arith.constant 0 : i32
          %dma_wait3A_180 = arith.constant 0 : i32
          %dma_wait3A_181 = tpu.memref_slice %arg13[%dma_wait3A_179, %dma_wait3A_180] : memref<128x128xf32, #tpu.memory_space<vmem>> -> memref<128x128xf32, #tpu.memory_space<vmem>>
          tpu.wait_dma2 semaphore(%run_scoped3A : memref<!tpu.dma_semaphore, #tpu.memory_space<semaphore_mem>>) src(%dma_wait3A_181 : memref<128x128xf32, #tpu.memory_space<vmem>>) dst(%dma_wait3A_178 : memref<128x128xf32, #tpu.memory_space<hbm>>)
          tpu.yield
        }) : () -> ()
      } else {
      }
      %eq3A_73 = arith.constant 1 : i32
      %eq3A_74 = arith.cmpi eq, %arg0, %eq3A_73 : i32
      %convert_element_type3A_75 = arith.extui %eq3A_74 : i1 to i32
      %cond3A_76 = arith.constant 0 : i32
      %cond3A_77 = arith.cmpi ne, %convert_element_type3A_75, %cond3A_76 : i32
      scf.if %cond3A_77 {
        "tpu.region"() ({
          %run_scoped3A = tpu.sem_alloc : memref<!tpu.dma_semaphore, #tpu.memory_space<semaphore_mem>>
          %dma_start3A_162 = arith.constant 0 : i32
          %dma_start3A_163 = arith.constant 0 : i32
          %dma_start3A_164 = tpu.memref_slice %arg13[%dma_start3A_162, %dma_start3A_163] : memref<128x128xf32, #tpu.memory_space<vmem>> -> memref<128x128xf32, #tpu.memory_space<vmem>>
          %dma_start3A_165 = arith.constant 0 : i32
          %dma_start3A_166 = tpu.memref_slice %arg8[%add3A_67, %dma_start3A_165] : memref<10000x128xf32, #tpu.memory_space<hbm>> -> memref<128x128xf32, #tpu.memory_space<hbm>>
          %dma_start3A_167 = arith.constant 0 : i32
          %dma_start3A_168 = tpu.memref_slice %arg8[%add3A_67, %dma_start3A_167] : memref<10000x128xf32, #tpu.memory_space<hbm>> -> memref<128x128xf32, #tpu.memory_space<hbm>>
          %dma_start3A_169 = arith.constant 0 : i32
          %dma_start3A_170 = arith.constant 0 : i32
          %dma_start3A_171 = tpu.memref_slice %arg13[%dma_start3A_169, %dma_start3A_170] : memref<128x128xf32, #tpu.memory_space<vmem>> -> memref<128x128xf32, #tpu.memory_space<vmem>>
          tpu.enqueue_dma source(%dma_start3A_171 : memref<128x128xf32, #tpu.memory_space<vmem>>) target(%dma_start3A_168 : memref<128x128xf32, #tpu.memory_space<hbm>>) target_semaphore(%run_scoped3A : memref<!tpu.dma_semaphore, #tpu.memory_space<semaphore_mem>>)
          %dma_wait3A_172 = arith.constant 0 : i32
          %dma_wait3A_173 = arith.constant 0 : i32
          %dma_wait3A_174 = tpu.memref_slice %arg13[%dma_wait3A_172, %dma_wait3A_173] : memref<128x128xf32, #tpu.memory_space<vmem>> -> memref<128x128xf32, #tpu.memory_space<vmem>>
          %dma_wait3A_175 = arith.constant 0 : i32
          %dma_wait3A_176 = tpu.memref_slice %arg8[%add3A_67, %dma_wait3A_175] : memref<10000x128xf32, #tpu.memory_space<hbm>> -> memref<128x128xf32, #tpu.memory_space<hbm>>
          %dma_wait3A_177 = arith.constant 0 : i32
          %dma_wait3A_178 = tpu.memref_slice %arg8[%add3A_67, %dma_wait3A_177] : memref<10000x128xf32, #tpu.memory_space<hbm>> -> memref<128x128xf32, #tpu.memory_space<hbm>>
          %dma_wait3A_179 = arith.constant 0 : i32
          %dma_wait3A_180 = arith.constant 0 : i32
          %dma_wait3A_181 = tpu.memref_slice %arg13[%dma_wait3A_179, %dma_wait3A_180] : memref<128x128xf32, #tpu.memory_space<vmem>> -> memref<128x128xf32, #tpu.memory_space<vmem>>
          tpu.wait_dma2 semaphore(%run_scoped3A : memref<!tpu.dma_semaphore, #tpu.memory_space<semaphore_mem>>) src(%dma_wait3A_181 : memref<128x128xf32, #tpu.memory_space<vmem>>) dst(%dma_wait3A_178 : memref<128x128xf32, #tpu.memory_space<hbm>>)
          tpu.yield
        }) : () -> ()
      } else {
      }
      %mul3A_78 = arith.constant 1000 : i32
      %mul3A_79 = arith.muli %arg1, %mul3A_78 : i32
      %add3A_80 = arith.constant 256 : i32
      %add3A_81 = arith.addi %mul3A_79, %add3A_80 : i32
      "tpu.region"() ({
        %run_scoped3A = tpu.sem_alloc : memref<!tpu.dma_semaphore, #tpu.memory_space<semaphore_mem>>
        %dma_start3A_162 = arith.constant 0 : i32
        %dma_start3A_163 = arith.constant 0 : i32
        %dma_start3A_164 = tpu.memref_slice %arg13[%dma_start3A_162, %dma_start3A_163] : memref<128x128xf32, #tpu.memory_space<vmem>> -> memref<128x128xf32, #tpu.memory_space<vmem>>
        %dma_start3A_165 = arith.constant 0 : i32
        %dma_start3A_166 = tpu.memref_slice %arg15[%add3A_81, %dma_start3A_165] : memref<10016x128xf32, #tpu.memory_space<vmem_shared>> -> memref<128x128xf32, #tpu.memory_space<vmem_shared>>
        %dma_start3A_167 = arith.constant 0 : i32
        %dma_start3A_168 = arith.constant 0 : i32
        %dma_start3A_169 = tpu.memref_slice %arg13[%dma_start3A_167, %dma_start3A_168] : memref<128x128xf32, #tpu.memory_space<vmem>> -> memref<128x128xf32, #tpu.memory_space<vmem>>
        %dma_start3A_170 = arith.constant 0 : i32
        %dma_start3A_171 = tpu.memref_slice %arg15[%add3A_81, %dma_start3A_170] : memref<10016x128xf32, #tpu.memory_space<vmem_shared>> -> memref<128x128xf32, #tpu.memory_space<vmem_shared>>
        tpu.enqueue_dma source(%dma_start3A_171 : memref<128x128xf32, #tpu.memory_space<vmem_shared>>) target(%dma_start3A_169 : memref<128x128xf32, #tpu.memory_space<vmem>>) target_semaphore(%run_scoped3A : memref<!tpu.dma_semaphore, #tpu.memory_space<semaphore_mem>>)
        %dma_wait3A_172 = arith.constant 0 : i32
        %dma_wait3A_173 = arith.constant 0 : i32
        %dma_wait3A_174 = tpu.memref_slice %arg13[%dma_wait3A_172, %dma_wait3A_173] : memref<128x128xf32, #tpu.memory_space<vmem>> -> memref<128x128xf32, #tpu.memory_space<vmem>>
        %dma_wait3A_175 = arith.constant 0 : i32
        %dma_wait3A_176 = tpu.memref_slice %arg15[%add3A_81, %dma_wait3A_175] : memref<10016x128xf32, #tpu.memory_space<vmem_shared>> -> memref<128x128xf32, #tpu.memory_space<vmem_shared>>
        %dma_wait3A_177 = arith.constant 0 : i32
        %dma_wait3A_178 = arith.constant 0 : i32
        %dma_wait3A_179 = tpu.memref_slice %arg13[%dma_wait3A_177, %dma_wait3A_178] : memref<128x128xf32, #tpu.memory_space<vmem>> -> memref<128x128xf32, #tpu.memory_space<vmem>>
        %dma_wait3A_180 = arith.constant 0 : i32
        %dma_wait3A_181 = tpu.memref_slice %arg15[%add3A_81, %dma_wait3A_180] : memref<10016x128xf32, #tpu.memory_space<vmem_shared>> -> memref<128x128xf32, #tpu.memory_space<vmem_shared>>
        tpu.wait_dma2 semaphore(%run_scoped3A : memref<!tpu.dma_semaphore, #tpu.memory_space<semaphore_mem>>) src(%dma_wait3A_181 : memref<128x128xf32, #tpu.memory_space<vmem_shared>>) dst(%dma_wait3A_179 : memref<128x128xf32, #tpu.memory_space<vmem>>)
        tpu.yield
      }) : () -> ()
      %eq3A_82 = arith.constant 0 : i32
      %eq3A_83 = arith.cmpi eq, %arg0, %eq3A_82 : i32
      %convert_element_type3A_84 = arith.extui %eq3A_83 : i1 to i32
      %cond3A_85 = arith.constant 0 : i32
      %cond3A_86 = arith.cmpi ne, %convert_element_type3A_84, %cond3A_85 : i32
      scf.if %cond3A_86 {
        "tpu.region"() ({
          %run_scoped3A = tpu.sem_alloc : memref<!tpu.dma_semaphore, #tpu.memory_space<semaphore_mem>>
          %dma_start3A_162 = arith.constant 0 : i32
          %dma_start3A_163 = arith.constant 0 : i32
          %dma_start3A_164 = tpu.memref_slice %arg13[%dma_start3A_162, %dma_start3A_163] : memref<128x128xf32, #tpu.memory_space<vmem>> -> memref<128x128xf32, #tpu.memory_space<vmem>>
          %dma_start3A_165 = arith.constant 0 : i32
          %dma_start3A_166 = tpu.memref_slice %arg7[%add3A_81, %dma_start3A_165] : memref<10000x128xf32, #tpu.memory_space<hbm>> -> memref<128x128xf32, #tpu.memory_space<hbm>>
          %dma_start3A_167 = arith.constant 0 : i32
          %dma_start3A_168 = tpu.memref_slice %arg7[%add3A_81, %dma_start3A_167] : memref<10000x128xf32, #tpu.memory_space<hbm>> -> memref<128x128xf32, #tpu.memory_space<hbm>>
          %dma_start3A_169 = arith.constant 0 : i32
          %dma_start3A_170 = arith.constant 0 : i32
          %dma_start3A_171 = tpu.memref_slice %arg13[%dma_start3A_169, %dma_start3A_170] : memref<128x128xf32, #tpu.memory_space<vmem>> -> memref<128x128xf32, #tpu.memory_space<vmem>>
          tpu.enqueue_dma source(%dma_start3A_171 : memref<128x128xf32, #tpu.memory_space<vmem>>) target(%dma_start3A_168 : memref<128x128xf32, #tpu.memory_space<hbm>>) target_semaphore(%run_scoped3A : memref<!tpu.dma_semaphore, #tpu.memory_space<semaphore_mem>>)
          %dma_wait3A_172 = arith.constant 0 : i32
          %dma_wait3A_173 = arith.constant 0 : i32
          %dma_wait3A_174 = tpu.memref_slice %arg13[%dma_wait3A_172, %dma_wait3A_173] : memref<128x128xf32, #tpu.memory_space<vmem>> -> memref<128x128xf32, #tpu.memory_space<vmem>>
          %dma_wait3A_175 = arith.constant 0 : i32
          %dma_wait3A_176 = tpu.memref_slice %arg7[%add3A_81, %dma_wait3A_175] : memref<10000x128xf32, #tpu.memory_space<hbm>> -> memref<128x128xf32, #tpu.memory_space<hbm>>
          %dma_wait3A_177 = arith.constant 0 : i32
          %dma_wait3A_178 = tpu.memref_slice %arg7[%add3A_81, %dma_wait3A_177] : memref<10000x128xf32, #tpu.memory_space<hbm>> -> memref<128x128xf32, #tpu.memory_space<hbm>>
          %dma_wait3A_179 = arith.constant 0 : i32
          %dma_wait3A_180 = arith.constant 0 : i32
          %dma_wait3A_181 = tpu.memref_slice %arg13[%dma_wait3A_179, %dma_wait3A_180] : memref<128x128xf32, #tpu.memory_space<vmem>> -> memref<128x128xf32, #tpu.memory_space<vmem>>
          tpu.wait_dma2 semaphore(%run_scoped3A : memref<!tpu.dma_semaphore, #tpu.memory_space<semaphore_mem>>) src(%dma_wait3A_181 : memref<128x128xf32, #tpu.memory_space<vmem>>) dst(%dma_wait3A_178 : memref<128x128xf32, #tpu.memory_space<hbm>>)
          tpu.yield
        }) : () -> ()
      } else {
      }
      %eq3A_87 = arith.constant 1 : i32
      %eq3A_88 = arith.cmpi eq, %arg0, %eq3A_87 : i32
      %convert_element_type3A_89 = arith.extui %eq3A_88 : i1 to i32
      %cond3A_90 = arith.constant 0 : i32
      %cond3A_91 = arith.cmpi ne, %convert_element_type3A_89, %cond3A_90 : i32
      scf.if %cond3A_91 {
        "tpu.region"() ({
          %run_scoped3A = tpu.sem_alloc : memref<!tpu.dma_semaphore, #tpu.memory_space<semaphore_mem>>
          %dma_start3A_162 = arith.constant 0 : i32
          %dma_start3A_163 = arith.constant 0 : i32
          %dma_start3A_164 = tpu.memref_slice %arg13[%dma_start3A_162, %dma_start3A_163] : memref<128x128xf32, #tpu.memory_space<vmem>> -> memref<128x128xf32, #tpu.memory_space<vmem>>
          %dma_start3A_165 = arith.constant 0 : i32
          %dma_start3A_166 = tpu.memref_slice %arg8[%add3A_81, %dma_start3A_165] : memref<10000x128xf32, #tpu.memory_space<hbm>> -> memref<128x128xf32, #tpu.memory_space<hbm>>
          %dma_start3A_167 = arith.constant 0 : i32
          %dma_start3A_168 = tpu.memref_slice %arg8[%add3A_81, %dma_start3A_167] : memref<10000x128xf32, #tpu.memory_space<hbm>> -> memref<128x128xf32, #tpu.memory_space<hbm>>
          %dma_start3A_169 = arith.constant 0 : i32
          %dma_start3A_170 = arith.constant 0 : i32
          %dma_start3A_171 = tpu.memref_slice %arg13[%dma_start3A_169, %dma_start3A_170] : memref<128x128xf32, #tpu.memory_space<vmem>> -> memref<128x128xf32, #tpu.memory_space<vmem>>
          tpu.enqueue_dma source(%dma_start3A_171 : memref<128x128xf32, #tpu.memory_space<vmem>>) target(%dma_start3A_168 : memref<128x128xf32, #tpu.memory_space<hbm>>) target_semaphore(%run_scoped3A : memref<!tpu.dma_semaphore, #tpu.memory_space<semaphore_mem>>)
          %dma_wait3A_172 = arith.constant 0 : i32
          %dma_wait3A_173 = arith.constant 0 : i32
          %dma_wait3A_174 = tpu.memref_slice %arg13[%dma_wait3A_172, %dma_wait3A_173] : memref<128x128xf32, #tpu.memory_space<vmem>> -> memref<128x128xf32, #tpu.memory_space<vmem>>
          %dma_wait3A_175 = arith.constant 0 : i32
          %dma_wait3A_176 = tpu.memref_slice %arg8[%add3A_81, %dma_wait3A_175] : memref<10000x128xf32, #tpu.memory_space<hbm>> -> memref<128x128xf32, #tpu.memory_space<hbm>>
          %dma_wait3A_177 = arith.constant 0 : i32
          %dma_wait3A_178 = tpu.memref_slice %arg8[%add3A_81, %dma_wait3A_177] : memref<10000x128xf32, #tpu.memory_space<hbm>> -> memref<128x128xf32, #tpu.memory_space<hbm>>
          %dma_wait3A_179 = arith.constant 0 : i32
          %dma_wait3A_180 = arith.constant 0 : i32
          %dma_wait3A_181 = tpu.memref_slice %arg13[%dma_wait3A_179, %dma_wait3A_180] : memref<128x128xf32, #tpu.memory_space<vmem>> -> memref<128x128xf32, #tpu.memory_space<vmem>>
          tpu.wait_dma2 semaphore(%run_scoped3A : memref<!tpu.dma_semaphore, #tpu.memory_space<semaphore_mem>>) src(%dma_wait3A_181 : memref<128x128xf32, #tpu.memory_space<vmem>>) dst(%dma_wait3A_178 : memref<128x128xf32, #tpu.memory_space<hbm>>)
          tpu.yield
        }) : () -> ()
      } else {
      }
      %mul3A_92 = arith.constant 1000 : i32
      %mul3A_93 = arith.muli %arg1, %mul3A_92 : i32
      %add3A_94 = arith.constant 384 : i32
      %add3A_95 = arith.addi %mul3A_93, %add3A_94 : i32
      "tpu.region"() ({
        %run_scoped3A = tpu.sem_alloc : memref<!tpu.dma_semaphore, #tpu.memory_space<semaphore_mem>>
        %dma_start3A_162 = arith.constant 0 : i32
        %dma_start3A_163 = arith.constant 0 : i32
        %dma_start3A_164 = tpu.memref_slice %arg13[%dma_start3A_162, %dma_start3A_163] : memref<128x128xf32, #tpu.memory_space<vmem>> -> memref<128x128xf32, #tpu.memory_space<vmem>>
        %dma_start3A_165 = arith.constant 0 : i32
        %dma_start3A_166 = tpu.memref_slice %arg15[%add3A_95, %dma_start3A_165] : memref<10016x128xf32, #tpu.memory_space<vmem_shared>> -> memref<128x128xf32, #tpu.memory_space<vmem_shared>>
        %dma_start3A_167 = arith.constant 0 : i32
        %dma_start3A_168 = arith.constant 0 : i32
        %dma_start3A_169 = tpu.memref_slice %arg13[%dma_start3A_167, %dma_start3A_168] : memref<128x128xf32, #tpu.memory_space<vmem>> -> memref<128x128xf32, #tpu.memory_space<vmem>>
        %dma_start3A_170 = arith.constant 0 : i32
        %dma_start3A_171 = tpu.memref_slice %arg15[%add3A_95, %dma_start3A_170] : memref<10016x128xf32, #tpu.memory_space<vmem_shared>> -> memref<128x128xf32, #tpu.memory_space<vmem_shared>>
        tpu.enqueue_dma source(%dma_start3A_171 : memref<128x128xf32, #tpu.memory_space<vmem_shared>>) target(%dma_start3A_169 : memref<128x128xf32, #tpu.memory_space<vmem>>) target_semaphore(%run_scoped3A : memref<!tpu.dma_semaphore, #tpu.memory_space<semaphore_mem>>)
        %dma_wait3A_172 = arith.constant 0 : i32
        %dma_wait3A_173 = arith.constant 0 : i32
        %dma_wait3A_174 = tpu.memref_slice %arg13[%dma_wait3A_172, %dma_wait3A_173] : memref<128x128xf32, #tpu.memory_space<vmem>> -> memref<128x128xf32, #tpu.memory_space<vmem>>
        %dma_wait3A_175 = arith.constant 0 : i32
        %dma_wait3A_176 = tpu.memref_slice %arg15[%add3A_95, %dma_wait3A_175] : memref<10016x128xf32, #tpu.memory_space<vmem_shared>> -> memref<128x128xf32, #tpu.memory_space<vmem_shared>>
        %dma_wait3A_177 = arith.constant 0 : i32
        %dma_wait3A_178 = arith.constant 0 : i32
        %dma_wait3A_179 = tpu.memref_slice %arg13[%dma_wait3A_177, %dma_wait3A_178] : memref<128x128xf32, #tpu.memory_space<vmem>> -> memref<128x128xf32, #tpu.memory_space<vmem>>
        %dma_wait3A_180 = arith.constant 0 : i32
        %dma_wait3A_181 = tpu.memref_slice %arg15[%add3A_95, %dma_wait3A_180] : memref<10016x128xf32, #tpu.memory_space<vmem_shared>> -> memref<128x128xf32, #tpu.memory_space<vmem_shared>>
        tpu.wait_dma2 semaphore(%run_scoped3A : memref<!tpu.dma_semaphore, #tpu.memory_space<semaphore_mem>>) src(%dma_wait3A_181 : memref<128x128xf32, #tpu.memory_space<vmem_shared>>) dst(%dma_wait3A_179 : memref<128x128xf32, #tpu.memory_space<vmem>>)
        tpu.yield
      }) : () -> ()
      %eq3A_96 = arith.constant 0 : i32
      %eq3A_97 = arith.cmpi eq, %arg0, %eq3A_96 : i32
      %convert_element_type3A_98 = arith.extui %eq3A_97 : i1 to i32
      %cond3A_99 = arith.constant 0 : i32
      %cond3A_100 = arith.cmpi ne, %convert_element_type3A_98, %cond3A_99 : i32
      scf.if %cond3A_100 {
        "tpu.region"() ({
          %run_scoped3A = tpu.sem_alloc : memref<!tpu.dma_semaphore, #tpu.memory_space<semaphore_mem>>
          %dma_start3A_162 = arith.constant 0 : i32
          %dma_start3A_163 = arith.constant 0 : i32
          %dma_start3A_164 = tpu.memref_slice %arg13[%dma_start3A_162, %dma_start3A_163] : memref<128x128xf32, #tpu.memory_space<vmem>> -> memref<128x128xf32, #tpu.memory_space<vmem>>
          %dma_start3A_165 = arith.constant 0 : i32
          %dma_start3A_166 = tpu.memref_slice %arg7[%add3A_95, %dma_start3A_165] : memref<10000x128xf32, #tpu.memory_space<hbm>> -> memref<128x128xf32, #tpu.memory_space<hbm>>
          %dma_start3A_167 = arith.constant 0 : i32
          %dma_start3A_168 = tpu.memref_slice %arg7[%add3A_95, %dma_start3A_167] : memref<10000x128xf32, #tpu.memory_space<hbm>> -> memref<128x128xf32, #tpu.memory_space<hbm>>
          %dma_start3A_169 = arith.constant 0 : i32
          %dma_start3A_170 = arith.constant 0 : i32
          %dma_start3A_171 = tpu.memref_slice %arg13[%dma_start3A_169, %dma_start3A_170] : memref<128x128xf32, #tpu.memory_space<vmem>> -> memref<128x128xf32, #tpu.memory_space<vmem>>
          tpu.enqueue_dma source(%dma_start3A_171 : memref<128x128xf32, #tpu.memory_space<vmem>>) target(%dma_start3A_168 : memref<128x128xf32, #tpu.memory_space<hbm>>) target_semaphore(%run_scoped3A : memref<!tpu.dma_semaphore, #tpu.memory_space<semaphore_mem>>)
          %dma_wait3A_172 = arith.constant 0 : i32
          %dma_wait3A_173 = arith.constant 0 : i32
          %dma_wait3A_174 = tpu.memref_slice %arg13[%dma_wait3A_172, %dma_wait3A_173] : memref<128x128xf32, #tpu.memory_space<vmem>> -> memref<128x128xf32, #tpu.memory_space<vmem>>
          %dma_wait3A_175 = arith.constant 0 : i32
          %dma_wait3A_176 = tpu.memref_slice %arg7[%add3A_95, %dma_wait3A_175] : memref<10000x128xf32, #tpu.memory_space<hbm>> -> memref<128x128xf32, #tpu.memory_space<hbm>>
          %dma_wait3A_177 = arith.constant 0 : i32
          %dma_wait3A_178 = tpu.memref_slice %arg7[%add3A_95, %dma_wait3A_177] : memref<10000x128xf32, #tpu.memory_space<hbm>> -> memref<128x128xf32, #tpu.memory_space<hbm>>
          %dma_wait3A_179 = arith.constant 0 : i32
          %dma_wait3A_180 = arith.constant 0 : i32
          %dma_wait3A_181 = tpu.memref_slice %arg13[%dma_wait3A_179, %dma_wait3A_180] : memref<128x128xf32, #tpu.memory_space<vmem>> -> memref<128x128xf32, #tpu.memory_space<vmem>>
          tpu.wait_dma2 semaphore(%run_scoped3A : memref<!tpu.dma_semaphore, #tpu.memory_space<semaphore_mem>>) src(%dma_wait3A_181 : memref<128x128xf32, #tpu.memory_space<vmem>>) dst(%dma_wait3A_178 : memref<128x128xf32, #tpu.memory_space<hbm>>)
          tpu.yield
        }) : () -> ()
      } else {
      }
      %eq3A_101 = arith.constant 1 : i32
      %eq3A_102 = arith.cmpi eq, %arg0, %eq3A_101 : i32
      %convert_element_type3A_103 = arith.extui %eq3A_102 : i1 to i32
      %cond3A_104 = arith.constant 0 : i32
      %cond3A_105 = arith.cmpi ne, %convert_element_type3A_103, %cond3A_104 : i32
      scf.if %cond3A_105 {
        "tpu.region"() ({
          %run_scoped3A = tpu.sem_alloc : memref<!tpu.dma_semaphore, #tpu.memory_space<semaphore_mem>>
          %dma_start3A_162 = arith.constant 0 : i32
          %dma_start3A_163 = arith.constant 0 : i32
          %dma_start3A_164 = tpu.memref_slice %arg13[%dma_start3A_162, %dma_start3A_163] : memref<128x128xf32, #tpu.memory_space<vmem>> -> memref<128x128xf32, #tpu.memory_space<vmem>>
          %dma_start3A_165 = arith.constant 0 : i32
          %dma_start3A_166 = tpu.memref_slice %arg8[%add3A_95, %dma_start3A_165] : memref<10000x128xf32, #tpu.memory_space<hbm>> -> memref<128x128xf32, #tpu.memory_space<hbm>>
          %dma_start3A_167 = arith.constant 0 : i32
          %dma_start3A_168 = tpu.memref_slice %arg8[%add3A_95, %dma_start3A_167] : memref<10000x128xf32, #tpu.memory_space<hbm>> -> memref<128x128xf32, #tpu.memory_space<hbm>>
          %dma_start3A_169 = arith.constant 0 : i32
          %dma_start3A_170 = arith.constant 0 : i32
          %dma_start3A_171 = tpu.memref_slice %arg13[%dma_start3A_169, %dma_start3A_170] : memref<128x128xf32, #tpu.memory_space<vmem>> -> memref<128x128xf32, #tpu.memory_space<vmem>>
          tpu.enqueue_dma source(%dma_start3A_171 : memref<128x128xf32, #tpu.memory_space<vmem>>) target(%dma_start3A_168 : memref<128x128xf32, #tpu.memory_space<hbm>>) target_semaphore(%run_scoped3A : memref<!tpu.dma_semaphore, #tpu.memory_space<semaphore_mem>>)
          %dma_wait3A_172 = arith.constant 0 : i32
          %dma_wait3A_173 = arith.constant 0 : i32
          %dma_wait3A_174 = tpu.memref_slice %arg13[%dma_wait3A_172, %dma_wait3A_173] : memref<128x128xf32, #tpu.memory_space<vmem>> -> memref<128x128xf32, #tpu.memory_space<vmem>>
          %dma_wait3A_175 = arith.constant 0 : i32
          %dma_wait3A_176 = tpu.memref_slice %arg8[%add3A_95, %dma_wait3A_175] : memref<10000x128xf32, #tpu.memory_space<hbm>> -> memref<128x128xf32, #tpu.memory_space<hbm>>
          %dma_wait3A_177 = arith.constant 0 : i32
          %dma_wait3A_178 = tpu.memref_slice %arg8[%add3A_95, %dma_wait3A_177] : memref<10000x128xf32, #tpu.memory_space<hbm>> -> memref<128x128xf32, #tpu.memory_space<hbm>>
          %dma_wait3A_179 = arith.constant 0 : i32
          %dma_wait3A_180 = arith.constant 0 : i32
          %dma_wait3A_181 = tpu.memref_slice %arg13[%dma_wait3A_179, %dma_wait3A_180] : memref<128x128xf32, #tpu.memory_space<vmem>> -> memref<128x128xf32, #tpu.memory_space<vmem>>
          tpu.wait_dma2 semaphore(%run_scoped3A : memref<!tpu.dma_semaphore, #tpu.memory_space<semaphore_mem>>) src(%dma_wait3A_181 : memref<128x128xf32, #tpu.memory_space<vmem>>) dst(%dma_wait3A_178 : memref<128x128xf32, #tpu.memory_space<hbm>>)
          tpu.yield
        }) : () -> ()
      } else {
      }
      %mul3A_106 = arith.constant 1000 : i32
      %mul3A_107 = arith.muli %arg1, %mul3A_106 : i32
      %add3A_108 = arith.constant 512 : i32
      %add3A_109 = arith.addi %mul3A_107, %add3A_108 : i32
      "tpu.region"() ({
        %run_scoped3A = tpu.sem_alloc : memref<!tpu.dma_semaphore, #tpu.memory_space<semaphore_mem>>
        %dma_start3A_162 = arith.constant 0 : i32
        %dma_start3A_163 = arith.constant 0 : i32
        %dma_start3A_164 = tpu.memref_slice %arg13[%dma_start3A_162, %dma_start3A_163] : memref<128x128xf32, #tpu.memory_space<vmem>> -> memref<128x128xf32, #tpu.memory_space<vmem>>
        %dma_start3A_165 = arith.constant 0 : i32
        %dma_start3A_166 = tpu.memref_slice %arg15[%add3A_109, %dma_start3A_165] : memref<10016x128xf32, #tpu.memory_space<vmem_shared>> -> memref<128x128xf32, #tpu.memory_space<vmem_shared>>
        %dma_start3A_167 = arith.constant 0 : i32
        %dma_start3A_168 = arith.constant 0 : i32
        %dma_start3A_169 = tpu.memref_slice %arg13[%dma_start3A_167, %dma_start3A_168] : memref<128x128xf32, #tpu.memory_space<vmem>> -> memref<128x128xf32, #tpu.memory_space<vmem>>
        %dma_start3A_170 = arith.constant 0 : i32
        %dma_start3A_171 = tpu.memref_slice %arg15[%add3A_109, %dma_start3A_170] : memref<10016x128xf32, #tpu.memory_space<vmem_shared>> -> memref<128x128xf32, #tpu.memory_space<vmem_shared>>
        tpu.enqueue_dma source(%dma_start3A_171 : memref<128x128xf32, #tpu.memory_space<vmem_shared>>) target(%dma_start3A_169 : memref<128x128xf32, #tpu.memory_space<vmem>>) target_semaphore(%run_scoped3A : memref<!tpu.dma_semaphore, #tpu.memory_space<semaphore_mem>>)
        %dma_wait3A_172 = arith.constant 0 : i32
        %dma_wait3A_173 = arith.constant 0 : i32
        %dma_wait3A_174 = tpu.memref_slice %arg13[%dma_wait3A_172, %dma_wait3A_173] : memref<128x128xf32, #tpu.memory_space<vmem>> -> memref<128x128xf32, #tpu.memory_space<vmem>>
        %dma_wait3A_175 = arith.constant 0 : i32
        %dma_wait3A_176 = tpu.memref_slice %arg15[%add3A_109, %dma_wait3A_175] : memref<10016x128xf32, #tpu.memory_space<vmem_shared>> -> memref<128x128xf32, #tpu.memory_space<vmem_shared>>
        %dma_wait3A_177 = arith.constant 0 : i32
        %dma_wait3A_178 = arith.constant 0 : i32
        %dma_wait3A_179 = tpu.memref_slice %arg13[%dma_wait3A_177, %dma_wait3A_178] : memref<128x128xf32, #tpu.memory_space<vmem>> -> memref<128x128xf32, #tpu.memory_space<vmem>>
        %dma_wait3A_180 = arith.constant 0 : i32
        %dma_wait3A_181 = tpu.memref_slice %arg15[%add3A_109, %dma_wait3A_180] : memref<10016x128xf32, #tpu.memory_space<vmem_shared>> -> memref<128x128xf32, #tpu.memory_space<vmem_shared>>
        tpu.wait_dma2 semaphore(%run_scoped3A : memref<!tpu.dma_semaphore, #tpu.memory_space<semaphore_mem>>) src(%dma_wait3A_181 : memref<128x128xf32, #tpu.memory_space<vmem_shared>>) dst(%dma_wait3A_179 : memref<128x128xf32, #tpu.memory_space<vmem>>)
        tpu.yield
      }) : () -> ()
      %eq3A_110 = arith.constant 0 : i32
      %eq3A_111 = arith.cmpi eq, %arg0, %eq3A_110 : i32
      %convert_element_type3A_112 = arith.extui %eq3A_111 : i1 to i32
      %cond3A_113 = arith.constant 0 : i32
      %cond3A_114 = arith.cmpi ne, %convert_element_type3A_112, %cond3A_113 : i32
      scf.if %cond3A_114 {
        "tpu.region"() ({
          %run_scoped3A = tpu.sem_alloc : memref<!tpu.dma_semaphore, #tpu.memory_space<semaphore_mem>>
          %dma_start3A_162 = arith.constant 0 : i32
          %dma_start3A_163 = arith.constant 0 : i32
          %dma_start3A_164 = tpu.memref_slice %arg13[%dma_start3A_162, %dma_start3A_163] : memref<128x128xf32, #tpu.memory_space<vmem>> -> memref<128x128xf32, #tpu.memory_space<vmem>>
          %dma_start3A_165 = arith.constant 0 : i32
          %dma_start3A_166 = tpu.memref_slice %arg7[%add3A_109, %dma_start3A_165] : memref<10000x128xf32, #tpu.memory_space<hbm>> -> memref<128x128xf32, #tpu.memory_space<hbm>>
          %dma_start3A_167 = arith.constant 0 : i32
          %dma_start3A_168 = tpu.memref_slice %arg7[%add3A_109, %dma_start3A_167] : memref<10000x128xf32, #tpu.memory_space<hbm>> -> memref<128x128xf32, #tpu.memory_space<hbm>>
          %dma_start3A_169 = arith.constant 0 : i32
          %dma_start3A_170 = arith.constant 0 : i32
          %dma_start3A_171 = tpu.memref_slice %arg13[%dma_start3A_169, %dma_start3A_170] : memref<128x128xf32, #tpu.memory_space<vmem>> -> memref<128x128xf32, #tpu.memory_space<vmem>>
          tpu.enqueue_dma source(%dma_start3A_171 : memref<128x128xf32, #tpu.memory_space<vmem>>) target(%dma_start3A_168 : memref<128x128xf32, #tpu.memory_space<hbm>>) target_semaphore(%run_scoped3A : memref<!tpu.dma_semaphore, #tpu.memory_space<semaphore_mem>>)
          %dma_wait3A_172 = arith.constant 0 : i32
          %dma_wait3A_173 = arith.constant 0 : i32
          %dma_wait3A_174 = tpu.memref_slice %arg13[%dma_wait3A_172, %dma_wait3A_173] : memref<128x128xf32, #tpu.memory_space<vmem>> -> memref<128x128xf32, #tpu.memory_space<vmem>>
          %dma_wait3A_175 = arith.constant 0 : i32
          %dma_wait3A_176 = tpu.memref_slice %arg7[%add3A_109, %dma_wait3A_175] : memref<10000x128xf32, #tpu.memory_space<hbm>> -> memref<128x128xf32, #tpu.memory_space<hbm>>
          %dma_wait3A_177 = arith.constant 0 : i32
          %dma_wait3A_178 = tpu.memref_slice %arg7[%add3A_109, %dma_wait3A_177] : memref<10000x128xf32, #tpu.memory_space<hbm>> -> memref<128x128xf32, #tpu.memory_space<hbm>>
          %dma_wait3A_179 = arith.constant 0 : i32
          %dma_wait3A_180 = arith.constant 0 : i32
          %dma_wait3A_181 = tpu.memref_slice %arg13[%dma_wait3A_179, %dma_wait3A_180] : memref<128x128xf32, #tpu.memory_space<vmem>> -> memref<128x128xf32, #tpu.memory_space<vmem>>
          tpu.wait_dma2 semaphore(%run_scoped3A : memref<!tpu.dma_semaphore, #tpu.memory_space<semaphore_mem>>) src(%dma_wait3A_181 : memref<128x128xf32, #tpu.memory_space<vmem>>) dst(%dma_wait3A_178 : memref<128x128xf32, #tpu.memory_space<hbm>>)
          tpu.yield
        }) : () -> ()
      } else {
      }
      %eq3A_115 = arith.constant 1 : i32
      %eq3A_116 = arith.cmpi eq, %arg0, %eq3A_115 : i32
      %convert_element_type3A_117 = arith.extui %eq3A_116 : i1 to i32
      %cond3A_118 = arith.constant 0 : i32
      %cond3A_119 = arith.cmpi ne, %convert_element_type3A_117, %cond3A_118 : i32
      scf.if %cond3A_119 {
        "tpu.region"() ({
          %run_scoped3A = tpu.sem_alloc : memref<!tpu.dma_semaphore, #tpu.memory_space<semaphore_mem>>
          %dma_start3A_162 = arith.constant 0 : i32
          %dma_start3A_163 = arith.constant 0 : i32
          %dma_start3A_164 = tpu.memref_slice %arg13[%dma_start3A_162, %dma_start3A_163] : memref<128x128xf32, #tpu.memory_space<vmem>> -> memref<128x128xf32, #tpu.memory_space<vmem>>
          %dma_start3A_165 = arith.constant 0 : i32
          %dma_start3A_166 = tpu.memref_slice %arg8[%add3A_109, %dma_start3A_165] : memref<10000x128xf32, #tpu.memory_space<hbm>> -> memref<128x128xf32, #tpu.memory_space<hbm>>
          %dma_start3A_167 = arith.constant 0 : i32
          %dma_start3A_168 = tpu.memref_slice %arg8[%add3A_109, %dma_start3A_167] : memref<10000x128xf32, #tpu.memory_space<hbm>> -> memref<128x128xf32, #tpu.memory_space<hbm>>
          %dma_start3A_169 = arith.constant 0 : i32
          %dma_start3A_170 = arith.constant 0 : i32
          %dma_start3A_171 = tpu.memref_slice %arg13[%dma_start3A_169, %dma_start3A_170] : memref<128x128xf32, #tpu.memory_space<vmem>> -> memref<128x128xf32, #tpu.memory_space<vmem>>
          tpu.enqueue_dma source(%dma_start3A_171 : memref<128x128xf32, #tpu.memory_space<vmem>>) target(%dma_start3A_168 : memref<128x128xf32, #tpu.memory_space<hbm>>) target_semaphore(%run_scoped3A : memref<!tpu.dma_semaphore, #tpu.memory_space<semaphore_mem>>)
          %dma_wait3A_172 = arith.constant 0 : i32
          %dma_wait3A_173 = arith.constant 0 : i32
          %dma_wait3A_174 = tpu.memref_slice %arg13[%dma_wait3A_172, %dma_wait3A_173] : memref<128x128xf32, #tpu.memory_space<vmem>> -> memref<128x128xf32, #tpu.memory_space<vmem>>
          %dma_wait3A_175 = arith.constant 0 : i32
          %dma_wait3A_176 = tpu.memref_slice %arg8[%add3A_109, %dma_wait3A_175] : memref<10000x128xf32, #tpu.memory_space<hbm>> -> memref<128x128xf32, #tpu.memory_space<hbm>>
          %dma_wait3A_177 = arith.constant 0 : i32
          %dma_wait3A_178 = tpu.memref_slice %arg8[%add3A_109, %dma_wait3A_177] : memref<10000x128xf32, #tpu.memory_space<hbm>> -> memref<128x128xf32, #tpu.memory_space<hbm>>
          %dma_wait3A_179 = arith.constant 0 : i32
          %dma_wait3A_180 = arith.constant 0 : i32
          %dma_wait3A_181 = tpu.memref_slice %arg13[%dma_wait3A_179, %dma_wait3A_180] : memref<128x128xf32, #tpu.memory_space<vmem>> -> memref<128x128xf32, #tpu.memory_space<vmem>>
          tpu.wait_dma2 semaphore(%run_scoped3A : memref<!tpu.dma_semaphore, #tpu.memory_space<semaphore_mem>>) src(%dma_wait3A_181 : memref<128x128xf32, #tpu.memory_space<vmem>>) dst(%dma_wait3A_178 : memref<128x128xf32, #tpu.memory_space<hbm>>)
          tpu.yield
        }) : () -> ()
      } else {
      }
      %mul3A_120 = arith.constant 1000 : i32
      %mul3A_121 = arith.muli %arg1, %mul3A_120 : i32
      %add3A_122 = arith.constant 640 : i32
      %add3A_123 = arith.addi %mul3A_121, %add3A_122 : i32
      "tpu.region"() ({
        %run_scoped3A = tpu.sem_alloc : memref<!tpu.dma_semaphore, #tpu.memory_space<semaphore_mem>>
        %dma_start3A_162 = arith.constant 0 : i32
        %dma_start3A_163 = arith.constant 0 : i32
        %dma_start3A_164 = tpu.memref_slice %arg13[%dma_start3A_162, %dma_start3A_163] : memref<128x128xf32, #tpu.memory_space<vmem>> -> memref<128x128xf32, #tpu.memory_space<vmem>>
        %dma_start3A_165 = arith.constant 0 : i32
        %dma_start3A_166 = tpu.memref_slice %arg15[%add3A_123, %dma_start3A_165] : memref<10016x128xf32, #tpu.memory_space<vmem_shared>> -> memref<128x128xf32, #tpu.memory_space<vmem_shared>>
        %dma_start3A_167 = arith.constant 0 : i32
        %dma_start3A_168 = arith.constant 0 : i32
        %dma_start3A_169 = tpu.memref_slice %arg13[%dma_start3A_167, %dma_start3A_168] : memref<128x128xf32, #tpu.memory_space<vmem>> -> memref<128x128xf32, #tpu.memory_space<vmem>>
        %dma_start3A_170 = arith.constant 0 : i32
        %dma_start3A_171 = tpu.memref_slice %arg15[%add3A_123, %dma_start3A_170] : memref<10016x128xf32, #tpu.memory_space<vmem_shared>> -> memref<128x128xf32, #tpu.memory_space<vmem_shared>>
        tpu.enqueue_dma source(%dma_start3A_171 : memref<128x128xf32, #tpu.memory_space<vmem_shared>>) target(%dma_start3A_169 : memref<128x128xf32, #tpu.memory_space<vmem>>) target_semaphore(%run_scoped3A : memref<!tpu.dma_semaphore, #tpu.memory_space<semaphore_mem>>)
        %dma_wait3A_172 = arith.constant 0 : i32
        %dma_wait3A_173 = arith.constant 0 : i32
        %dma_wait3A_174 = tpu.memref_slice %arg13[%dma_wait3A_172, %dma_wait3A_173] : memref<128x128xf32, #tpu.memory_space<vmem>> -> memref<128x128xf32, #tpu.memory_space<vmem>>
        %dma_wait3A_175 = arith.constant 0 : i32
        %dma_wait3A_176 = tpu.memref_slice %arg15[%add3A_123, %dma_wait3A_175] : memref<10016x128xf32, #tpu.memory_space<vmem_shared>> -> memref<128x128xf32, #tpu.memory_space<vmem_shared>>
        %dma_wait3A_177 = arith.constant 0 : i32
        %dma_wait3A_178 = arith.constant 0 : i32
        %dma_wait3A_179 = tpu.memref_slice %arg13[%dma_wait3A_177, %dma_wait3A_178] : memref<128x128xf32, #tpu.memory_space<vmem>> -> memref<128x128xf32, #tpu.memory_space<vmem>>
        %dma_wait3A_180 = arith.constant 0 : i32
        %dma_wait3A_181 = tpu.memref_slice %arg15[%add3A_123, %dma_wait3A_180] : memref<10016x128xf32, #tpu.memory_space<vmem_shared>> -> memref<128x128xf32, #tpu.memory_space<vmem_shared>>
        tpu.wait_dma2 semaphore(%run_scoped3A : memref<!tpu.dma_semaphore, #tpu.memory_space<semaphore_mem>>) src(%dma_wait3A_181 : memref<128x128xf32, #tpu.memory_space<vmem_shared>>) dst(%dma_wait3A_179 : memref<128x128xf32, #tpu.memory_space<vmem>>)
        tpu.yield
      }) : () -> ()
      %eq3A_124 = arith.constant 0 : i32
      %eq3A_125 = arith.cmpi eq, %arg0, %eq3A_124 : i32
      %convert_element_type3A_126 = arith.extui %eq3A_125 : i1 to i32
      %cond3A_127 = arith.constant 0 : i32
      %cond3A_128 = arith.cmpi ne, %convert_element_type3A_126, %cond3A_127 : i32
      scf.if %cond3A_128 {
        "tpu.region"() ({
          %run_scoped3A = tpu.sem_alloc : memref<!tpu.dma_semaphore, #tpu.memory_space<semaphore_mem>>
          %dma_start3A_162 = arith.constant 0 : i32
          %dma_start3A_163 = arith.constant 0 : i32
          %dma_start3A_164 = tpu.memref_slice %arg13[%dma_start3A_162, %dma_start3A_163] : memref<128x128xf32, #tpu.memory_space<vmem>> -> memref<128x128xf32, #tpu.memory_space<vmem>>
          %dma_start3A_165 = arith.constant 0 : i32
          %dma_start3A_166 = tpu.memref_slice %arg7[%add3A_123, %dma_start3A_165] : memref<10000x128xf32, #tpu.memory_space<hbm>> -> memref<128x128xf32, #tpu.memory_space<hbm>>
          %dma_start3A_167 = arith.constant 0 : i32
          %dma_start3A_168 = tpu.memref_slice %arg7[%add3A_123, %dma_start3A_167] : memref<10000x128xf32, #tpu.memory_space<hbm>> -> memref<128x128xf32, #tpu.memory_space<hbm>>
          %dma_start3A_169 = arith.constant 0 : i32
          %dma_start3A_170 = arith.constant 0 : i32
          %dma_start3A_171 = tpu.memref_slice %arg13[%dma_start3A_169, %dma_start3A_170] : memref<128x128xf32, #tpu.memory_space<vmem>> -> memref<128x128xf32, #tpu.memory_space<vmem>>
          tpu.enqueue_dma source(%dma_start3A_171 : memref<128x128xf32, #tpu.memory_space<vmem>>) target(%dma_start3A_168 : memref<128x128xf32, #tpu.memory_space<hbm>>) target_semaphore(%run_scoped3A : memref<!tpu.dma_semaphore, #tpu.memory_space<semaphore_mem>>)
          %dma_wait3A_172 = arith.constant 0 : i32
          %dma_wait3A_173 = arith.constant 0 : i32
          %dma_wait3A_174 = tpu.memref_slice %arg13[%dma_wait3A_172, %dma_wait3A_173] : memref<128x128xf32, #tpu.memory_space<vmem>> -> memref<128x128xf32, #tpu.memory_space<vmem>>
          %dma_wait3A_175 = arith.constant 0 : i32
          %dma_wait3A_176 = tpu.memref_slice %arg7[%add3A_123, %dma_wait3A_175] : memref<10000x128xf32, #tpu.memory_space<hbm>> -> memref<128x128xf32, #tpu.memory_space<hbm>>
          %dma_wait3A_177 = arith.constant 0 : i32
          %dma_wait3A_178 = tpu.memref_slice %arg7[%add3A_123, %dma_wait3A_177] : memref<10000x128xf32, #tpu.memory_space<hbm>> -> memref<128x128xf32, #tpu.memory_space<hbm>>
          %dma_wait3A_179 = arith.constant 0 : i32
          %dma_wait3A_180 = arith.constant 0 : i32
          %dma_wait3A_181 = tpu.memref_slice %arg13[%dma_wait3A_179, %dma_wait3A_180] : memref<128x128xf32, #tpu.memory_space<vmem>> -> memref<128x128xf32, #tpu.memory_space<vmem>>
          tpu.wait_dma2 semaphore(%run_scoped3A : memref<!tpu.dma_semaphore, #tpu.memory_space<semaphore_mem>>) src(%dma_wait3A_181 : memref<128x128xf32, #tpu.memory_space<vmem>>) dst(%dma_wait3A_178 : memref<128x128xf32, #tpu.memory_space<hbm>>)
          tpu.yield
        }) : () -> ()
      } else {
      }
      %eq3A_129 = arith.constant 1 : i32
      %eq3A_130 = arith.cmpi eq, %arg0, %eq3A_129 : i32
      %convert_element_type3A_131 = arith.extui %eq3A_130 : i1 to i32
      %cond3A_132 = arith.constant 0 : i32
      %cond3A_133 = arith.cmpi ne, %convert_element_type3A_131, %cond3A_132 : i32
      scf.if %cond3A_133 {
        "tpu.region"() ({
          %run_scoped3A = tpu.sem_alloc : memref<!tpu.dma_semaphore, #tpu.memory_space<semaphore_mem>>
          %dma_start3A_162 = arith.constant 0 : i32
          %dma_start3A_163 = arith.constant 0 : i32
          %dma_start3A_164 = tpu.memref_slice %arg13[%dma_start3A_162, %dma_start3A_163] : memref<128x128xf32, #tpu.memory_space<vmem>> -> memref<128x128xf32, #tpu.memory_space<vmem>>
          %dma_start3A_165 = arith.constant 0 : i32
          %dma_start3A_166 = tpu.memref_slice %arg8[%add3A_123, %dma_start3A_165] : memref<10000x128xf32, #tpu.memory_space<hbm>> -> memref<128x128xf32, #tpu.memory_space<hbm>>
          %dma_start3A_167 = arith.constant 0 : i32
          %dma_start3A_168 = tpu.memref_slice %arg8[%add3A_123, %dma_start3A_167] : memref<10000x128xf32, #tpu.memory_space<hbm>> -> memref<128x128xf32, #tpu.memory_space<hbm>>
          %dma_start3A_169 = arith.constant 0 : i32
          %dma_start3A_170 = arith.constant 0 : i32
          %dma_start3A_171 = tpu.memref_slice %arg13[%dma_start3A_169, %dma_start3A_170] : memref<128x128xf32, #tpu.memory_space<vmem>> -> memref<128x128xf32, #tpu.memory_space<vmem>>
          tpu.enqueue_dma source(%dma_start3A_171 : memref<128x128xf32, #tpu.memory_space<vmem>>) target(%dma_start3A_168 : memref<128x128xf32, #tpu.memory_space<hbm>>) target_semaphore(%run_scoped3A : memref<!tpu.dma_semaphore, #tpu.memory_space<semaphore_mem>>)
          %dma_wait3A_172 = arith.constant 0 : i32
          %dma_wait3A_173 = arith.constant 0 : i32
          %dma_wait3A_174 = tpu.memref_slice %arg13[%dma_wait3A_172, %dma_wait3A_173] : memref<128x128xf32, #tpu.memory_space<vmem>> -> memref<128x128xf32, #tpu.memory_space<vmem>>
          %dma_wait3A_175 = arith.constant 0 : i32
          %dma_wait3A_176 = tpu.memref_slice %arg8[%add3A_123, %dma_wait3A_175] : memref<10000x128xf32, #tpu.memory_space<hbm>> -> memref<128x128xf32, #tpu.memory_space<hbm>>
          %dma_wait3A_177 = arith.constant 0 : i32
          %dma_wait3A_178 = tpu.memref_slice %arg8[%add3A_123, %dma_wait3A_177] : memref<10000x128xf32, #tpu.memory_space<hbm>> -> memref<128x128xf32, #tpu.memory_space<hbm>>
          %dma_wait3A_179 = arith.constant 0 : i32
          %dma_wait3A_180 = arith.constant 0 : i32
          %dma_wait3A_181 = tpu.memref_slice %arg13[%dma_wait3A_179, %dma_wait3A_180] : memref<128x128xf32, #tpu.memory_space<vmem>> -> memref<128x128xf32, #tpu.memory_space<vmem>>
          tpu.wait_dma2 semaphore(%run_scoped3A : memref<!tpu.dma_semaphore, #tpu.memory_space<semaphore_mem>>) src(%dma_wait3A_181 : memref<128x128xf32, #tpu.memory_space<vmem>>) dst(%dma_wait3A_178 : memref<128x128xf32, #tpu.memory_space<hbm>>)
          tpu.yield
        }) : () -> ()
      } else {
      }
      %mul3A_134 = arith.constant 1000 : i32
      %mul3A_135 = arith.muli %arg1, %mul3A_134 : i32
      %add3A_136 = arith.constant 768 : i32
      %add3A_137 = arith.addi %mul3A_135, %add3A_136 : i32
      "tpu.region"() ({
        %run_scoped3A = tpu.sem_alloc : memref<!tpu.dma_semaphore, #tpu.memory_space<semaphore_mem>>
        %dma_start3A_162 = arith.constant 0 : i32
        %dma_start3A_163 = arith.constant 0 : i32
        %dma_start3A_164 = tpu.memref_slice %arg13[%dma_start3A_162, %dma_start3A_163] : memref<128x128xf32, #tpu.memory_space<vmem>> -> memref<128x128xf32, #tpu.memory_space<vmem>>
        %dma_start3A_165 = arith.constant 0 : i32
        %dma_start3A_166 = tpu.memref_slice %arg15[%add3A_137, %dma_start3A_165] : memref<10016x128xf32, #tpu.memory_space<vmem_shared>> -> memref<128x128xf32, #tpu.memory_space<vmem_shared>>
        %dma_start3A_167 = arith.constant 0 : i32
        %dma_start3A_168 = arith.constant 0 : i32
        %dma_start3A_169 = tpu.memref_slice %arg13[%dma_start3A_167, %dma_start3A_168] : memref<128x128xf32, #tpu.memory_space<vmem>> -> memref<128x128xf32, #tpu.memory_space<vmem>>
        %dma_start3A_170 = arith.constant 0 : i32
        %dma_start3A_171 = tpu.memref_slice %arg15[%add3A_137, %dma_start3A_170] : memref<10016x128xf32, #tpu.memory_space<vmem_shared>> -> memref<128x128xf32, #tpu.memory_space<vmem_shared>>
        tpu.enqueue_dma source(%dma_start3A_171 : memref<128x128xf32, #tpu.memory_space<vmem_shared>>) target(%dma_start3A_169 : memref<128x128xf32, #tpu.memory_space<vmem>>) target_semaphore(%run_scoped3A : memref<!tpu.dma_semaphore, #tpu.memory_space<semaphore_mem>>)
        %dma_wait3A_172 = arith.constant 0 : i32
        %dma_wait3A_173 = arith.constant 0 : i32
        %dma_wait3A_174 = tpu.memref_slice %arg13[%dma_wait3A_172, %dma_wait3A_173] : memref<128x128xf32, #tpu.memory_space<vmem>> -> memref<128x128xf32, #tpu.memory_space<vmem>>
        %dma_wait3A_175 = arith.constant 0 : i32
        %dma_wait3A_176 = tpu.memref_slice %arg15[%add3A_137, %dma_wait3A_175] : memref<10016x128xf32, #tpu.memory_space<vmem_shared>> -> memref<128x128xf32, #tpu.memory_space<vmem_shared>>
        %dma_wait3A_177 = arith.constant 0 : i32
        %dma_wait3A_178 = arith.constant 0 : i32
        %dma_wait3A_179 = tpu.memref_slice %arg13[%dma_wait3A_177, %dma_wait3A_178] : memref<128x128xf32, #tpu.memory_space<vmem>> -> memref<128x128xf32, #tpu.memory_space<vmem>>
        %dma_wait3A_180 = arith.constant 0 : i32
        %dma_wait3A_181 = tpu.memref_slice %arg15[%add3A_137, %dma_wait3A_180] : memref<10016x128xf32, #tpu.memory_space<vmem_shared>> -> memref<128x128xf32, #tpu.memory_space<vmem_shared>>
        tpu.wait_dma2 semaphore(%run_scoped3A : memref<!tpu.dma_semaphore, #tpu.memory_space<semaphore_mem>>) src(%dma_wait3A_181 : memref<128x128xf32, #tpu.memory_space<vmem_shared>>) dst(%dma_wait3A_179 : memref<128x128xf32, #tpu.memory_space<vmem>>)
        tpu.yield
      }) : () -> ()
      %eq3A_138 = arith.constant 0 : i32
      %eq3A_139 = arith.cmpi eq, %arg0, %eq3A_138 : i32
      %convert_element_type3A_140 = arith.extui %eq3A_139 : i1 to i32
      %cond3A_141 = arith.constant 0 : i32
      %cond3A_142 = arith.cmpi ne, %convert_element_type3A_140, %cond3A_141 : i32
      scf.if %cond3A_142 {
        "tpu.region"() ({
          %run_scoped3A = tpu.sem_alloc : memref<!tpu.dma_semaphore, #tpu.memory_space<semaphore_mem>>
          %dma_start3A_162 = arith.constant 0 : i32
          %dma_start3A_163 = arith.constant 0 : i32
          %dma_start3A_164 = tpu.memref_slice %arg13[%dma_start3A_162, %dma_start3A_163] : memref<128x128xf32, #tpu.memory_space<vmem>> -> memref<128x128xf32, #tpu.memory_space<vmem>>
          %dma_start3A_165 = arith.constant 0 : i32
          %dma_start3A_166 = tpu.memref_slice %arg7[%add3A_137, %dma_start3A_165] : memref<10000x128xf32, #tpu.memory_space<hbm>> -> memref<128x128xf32, #tpu.memory_space<hbm>>
          %dma_start3A_167 = arith.constant 0 : i32
          %dma_start3A_168 = tpu.memref_slice %arg7[%add3A_137, %dma_start3A_167] : memref<10000x128xf32, #tpu.memory_space<hbm>> -> memref<128x128xf32, #tpu.memory_space<hbm>>
          %dma_start3A_169 = arith.constant 0 : i32
          %dma_start3A_170 = arith.constant 0 : i32
          %dma_start3A_171 = tpu.memref_slice %arg13[%dma_start3A_169, %dma_start3A_170] : memref<128x128xf32, #tpu.memory_space<vmem>> -> memref<128x128xf32, #tpu.memory_space<vmem>>
          tpu.enqueue_dma source(%dma_start3A_171 : memref<128x128xf32, #tpu.memory_space<vmem>>) target(%dma_start3A_168 : memref<128x128xf32, #tpu.memory_space<hbm>>) target_semaphore(%run_scoped3A : memref<!tpu.dma_semaphore, #tpu.memory_space<semaphore_mem>>)
          %dma_wait3A_172 = arith.constant 0 : i32
          %dma_wait3A_173 = arith.constant 0 : i32
          %dma_wait3A_174 = tpu.memref_slice %arg13[%dma_wait3A_172, %dma_wait3A_173] : memref<128x128xf32, #tpu.memory_space<vmem>> -> memref<128x128xf32, #tpu.memory_space<vmem>>
          %dma_wait3A_175 = arith.constant 0 : i32
          %dma_wait3A_176 = tpu.memref_slice %arg7[%add3A_137, %dma_wait3A_175] : memref<10000x128xf32, #tpu.memory_space<hbm>> -> memref<128x128xf32, #tpu.memory_space<hbm>>
          %dma_wait3A_177 = arith.constant 0 : i32
          %dma_wait3A_178 = tpu.memref_slice %arg7[%add3A_137, %dma_wait3A_177] : memref<10000x128xf32, #tpu.memory_space<hbm>> -> memref<128x128xf32, #tpu.memory_space<hbm>>
          %dma_wait3A_179 = arith.constant 0 : i32
          %dma_wait3A_180 = arith.constant 0 : i32
          %dma_wait3A_181 = tpu.memref_slice %arg13[%dma_wait3A_179, %dma_wait3A_180] : memref<128x128xf32, #tpu.memory_space<vmem>> -> memref<128x128xf32, #tpu.memory_space<vmem>>
          tpu.wait_dma2 semaphore(%run_scoped3A : memref<!tpu.dma_semaphore, #tpu.memory_space<semaphore_mem>>) src(%dma_wait3A_181 : memref<128x128xf32, #tpu.memory_space<vmem>>) dst(%dma_wait3A_178 : memref<128x128xf32, #tpu.memory_space<hbm>>)
          tpu.yield
        }) : () -> ()
      } else {
      }
      %eq3A_143 = arith.constant 1 : i32
      %eq3A_144 = arith.cmpi eq, %arg0, %eq3A_143 : i32
      %convert_element_type3A_145 = arith.extui %eq3A_144 : i1 to i32
      %cond3A_146 = arith.constant 0 : i32
      %cond3A_147 = arith.cmpi ne, %convert_element_type3A_145, %cond3A_146 : i32
      scf.if %cond3A_147 {
        "tpu.region"() ({
          %run_scoped3A = tpu.sem_alloc : memref<!tpu.dma_semaphore, #tpu.memory_space<semaphore_mem>>
          %dma_start3A_162 = arith.constant 0 : i32
          %dma_start3A_163 = arith.constant 0 : i32
          %dma_start3A_164 = tpu.memref_slice %arg13[%dma_start3A_162, %dma_start3A_163] : memref<128x128xf32, #tpu.memory_space<vmem>> -> memref<128x128xf32, #tpu.memory_space<vmem>>
          %dma_start3A_165 = arith.constant 0 : i32
          %dma_start3A_166 = tpu.memref_slice %arg8[%add3A_137, %dma_start3A_165] : memref<10000x128xf32, #tpu.memory_space<hbm>> -> memref<128x128xf32, #tpu.memory_space<hbm>>
          %dma_start3A_167 = arith.constant 0 : i32
          %dma_start3A_168 = tpu.memref_slice %arg8[%add3A_137, %dma_start3A_167] : memref<10000x128xf32, #tpu.memory_space<hbm>> -> memref<128x128xf32, #tpu.memory_space<hbm>>
          %dma_start3A_169 = arith.constant 0 : i32
          %dma_start3A_170 = arith.constant 0 : i32
          %dma_start3A_171 = tpu.memref_slice %arg13[%dma_start3A_169, %dma_start3A_170] : memref<128x128xf32, #tpu.memory_space<vmem>> -> memref<128x128xf32, #tpu.memory_space<vmem>>
          tpu.enqueue_dma source(%dma_start3A_171 : memref<128x128xf32, #tpu.memory_space<vmem>>) target(%dma_start3A_168 : memref<128x128xf32, #tpu.memory_space<hbm>>) target_semaphore(%run_scoped3A : memref<!tpu.dma_semaphore, #tpu.memory_space<semaphore_mem>>)
          %dma_wait3A_172 = arith.constant 0 : i32
          %dma_wait3A_173 = arith.constant 0 : i32
          %dma_wait3A_174 = tpu.memref_slice %arg13[%dma_wait3A_172, %dma_wait3A_173] : memref<128x128xf32, #tpu.memory_space<vmem>> -> memref<128x128xf32, #tpu.memory_space<vmem>>
          %dma_wait3A_175 = arith.constant 0 : i32
          %dma_wait3A_176 = tpu.memref_slice %arg8[%add3A_137, %dma_wait3A_175] : memref<10000x128xf32, #tpu.memory_space<hbm>> -> memref<128x128xf32, #tpu.memory_space<hbm>>
          %dma_wait3A_177 = arith.constant 0 : i32
          %dma_wait3A_178 = tpu.memref_slice %arg8[%add3A_137, %dma_wait3A_177] : memref<10000x128xf32, #tpu.memory_space<hbm>> -> memref<128x128xf32, #tpu.memory_space<hbm>>
          %dma_wait3A_179 = arith.constant 0 : i32
          %dma_wait3A_180 = arith.constant 0 : i32
          %dma_wait3A_181 = tpu.memref_slice %arg13[%dma_wait3A_179, %dma_wait3A_180] : memref<128x128xf32, #tpu.memory_space<vmem>> -> memref<128x128xf32, #tpu.memory_space<vmem>>
          tpu.wait_dma2 semaphore(%run_scoped3A : memref<!tpu.dma_semaphore, #tpu.memory_space<semaphore_mem>>) src(%dma_wait3A_181 : memref<128x128xf32, #tpu.memory_space<vmem>>) dst(%dma_wait3A_178 : memref<128x128xf32, #tpu.memory_space<hbm>>)
          tpu.yield
        }) : () -> ()
      } else {
      }
      %mul3A_148 = arith.constant 1000 : i32
      %mul3A_149 = arith.muli %arg1, %mul3A_148 : i32
      %add3A_150 = arith.constant 896 : i32
      %add3A_151 = arith.addi %mul3A_149, %add3A_150 : i32
      "tpu.region"() ({
        %run_scoped3A = tpu.sem_alloc : memref<!tpu.dma_semaphore, #tpu.memory_space<semaphore_mem>>
        %dma_start3A_162 = arith.constant 0 : i32
        %dma_start3A_163 = arith.constant 0 : i32
        %dma_start3A_164 = tpu.memref_slice %arg13[%dma_start3A_162, %dma_start3A_163] : memref<128x128xf32, #tpu.memory_space<vmem>> -> memref<104x128xf32, #tpu.memory_space<vmem>>
        %dma_start3A_165 = arith.constant 0 : i32
        %dma_start3A_166 = tpu.memref_slice %arg15[%add3A_151, %dma_start3A_165] : memref<10016x128xf32, #tpu.memory_space<vmem_shared>> -> memref<104x128xf32, #tpu.memory_space<vmem_shared>>
        %dma_start3A_167 = arith.constant 0 : i32
        %dma_start3A_168 = arith.constant 0 : i32
        %dma_start3A_169 = tpu.memref_slice %arg13[%dma_start3A_167, %dma_start3A_168] : memref<128x128xf32, #tpu.memory_space<vmem>> -> memref<104x128xf32, #tpu.memory_space<vmem>>
        %dma_start3A_170 = arith.constant 0 : i32
        %dma_start3A_171 = tpu.memref_slice %arg15[%add3A_151, %dma_start3A_170] : memref<10016x128xf32, #tpu.memory_space<vmem_shared>> -> memref<104x128xf32, #tpu.memory_space<vmem_shared>>
        tpu.enqueue_dma source(%dma_start3A_171 : memref<104x128xf32, #tpu.memory_space<vmem_shared>>) target(%dma_start3A_169 : memref<104x128xf32, #tpu.memory_space<vmem>>) target_semaphore(%run_scoped3A : memref<!tpu.dma_semaphore, #tpu.memory_space<semaphore_mem>>)
        %dma_wait3A_172 = arith.constant 0 : i32
        %dma_wait3A_173 = arith.constant 0 : i32
        %dma_wait3A_174 = tpu.memref_slice %arg13[%dma_wait3A_172, %dma_wait3A_173] : memref<128x128xf32, #tpu.memory_space<vmem>> -> memref<104x128xf32, #tpu.memory_space<vmem>>
        %dma_wait3A_175 = arith.constant 0 : i32
        %dma_wait3A_176 = tpu.memref_slice %arg15[%add3A_151, %dma_wait3A_175] : memref<10016x128xf32, #tpu.memory_space<vmem_shared>> -> memref<104x128xf32, #tpu.memory_space<vmem_shared>>
        %dma_wait3A_177 = arith.constant 0 : i32
        %dma_wait3A_178 = arith.constant 0 : i32
        %dma_wait3A_179 = tpu.memref_slice %arg13[%dma_wait3A_177, %dma_wait3A_178] : memref<128x128xf32, #tpu.memory_space<vmem>> -> memref<104x128xf32, #tpu.memory_space<vmem>>
        %dma_wait3A_180 = arith.constant 0 : i32
        %dma_wait3A_181 = tpu.memref_slice %arg15[%add3A_151, %dma_wait3A_180] : memref<10016x128xf32, #tpu.memory_space<vmem_shared>> -> memref<104x128xf32, #tpu.memory_space<vmem_shared>>
        tpu.wait_dma2 semaphore(%run_scoped3A : memref<!tpu.dma_semaphore, #tpu.memory_space<semaphore_mem>>) src(%dma_wait3A_181 : memref<104x128xf32, #tpu.memory_space<vmem_shared>>) dst(%dma_wait3A_179 : memref<104x128xf32, #tpu.memory_space<vmem>>)
        tpu.yield
      }) : () -> ()
      %eq3A_152 = arith.constant 0 : i32
      %eq3A_153 = arith.cmpi eq, %arg0, %eq3A_152 : i32
      %convert_element_type3A_154 = arith.extui %eq3A_153 : i1 to i32
      %cond3A_155 = arith.constant 0 : i32
      %cond3A_156 = arith.cmpi ne, %convert_element_type3A_154, %cond3A_155 : i32
      scf.if %cond3A_156 {
        "tpu.region"() ({
          %run_scoped3A = tpu.sem_alloc : memref<!tpu.dma_semaphore, #tpu.memory_space<semaphore_mem>>
          %dma_start3A_162 = arith.constant 0 : i32
          %dma_start3A_163 = arith.constant 0 : i32
          %dma_start3A_164 = tpu.memref_slice %arg13[%dma_start3A_162, %dma_start3A_163] : memref<128x128xf32, #tpu.memory_space<vmem>> -> memref<104x128xf32, #tpu.memory_space<vmem>>
          %dma_start3A_165 = arith.constant 0 : i32
          %dma_start3A_166 = tpu.memref_slice %arg7[%add3A_151, %dma_start3A_165] : memref<10000x128xf32, #tpu.memory_space<hbm>> -> memref<104x128xf32, #tpu.memory_space<hbm>>
          %dma_start3A_167 = arith.constant 0 : i32
          %dma_start3A_168 = tpu.memref_slice %arg7[%add3A_151, %dma_start3A_167] : memref<10000x128xf32, #tpu.memory_space<hbm>> -> memref<104x128xf32, #tpu.memory_space<hbm>>
          %dma_start3A_169 = arith.constant 0 : i32
          %dma_start3A_170 = arith.constant 0 : i32
          %dma_start3A_171 = tpu.memref_slice %arg13[%dma_start3A_169, %dma_start3A_170] : memref<128x128xf32, #tpu.memory_space<vmem>> -> memref<104x128xf32, #tpu.memory_space<vmem>>
          tpu.enqueue_dma source(%dma_start3A_171 : memref<104x128xf32, #tpu.memory_space<vmem>>) target(%dma_start3A_168 : memref<104x128xf32, #tpu.memory_space<hbm>>) target_semaphore(%run_scoped3A : memref<!tpu.dma_semaphore, #tpu.memory_space<semaphore_mem>>)
          %dma_wait3A_172 = arith.constant 0 : i32
          %dma_wait3A_173 = arith.constant 0 : i32
          %dma_wait3A_174 = tpu.memref_slice %arg13[%dma_wait3A_172, %dma_wait3A_173] : memref<128x128xf32, #tpu.memory_space<vmem>> -> memref<104x128xf32, #tpu.memory_space<vmem>>
          %dma_wait3A_175 = arith.constant 0 : i32
          %dma_wait3A_176 = tpu.memref_slice %arg7[%add3A_151, %dma_wait3A_175] : memref<10000x128xf32, #tpu.memory_space<hbm>> -> memref<104x128xf32, #tpu.memory_space<hbm>>
          %dma_wait3A_177 = arith.constant 0 : i32
          %dma_wait3A_178 = tpu.memref_slice %arg7[%add3A_151, %dma_wait3A_177] : memref<10000x128xf32, #tpu.memory_space<hbm>> -> memref<104x128xf32, #tpu.memory_space<hbm>>
          %dma_wait3A_179 = arith.constant 0 : i32
          %dma_wait3A_180 = arith.constant 0 : i32
          %dma_wait3A_181 = tpu.memref_slice %arg13[%dma_wait3A_179, %dma_wait3A_180] : memref<128x128xf32, #tpu.memory_space<vmem>> -> memref<104x128xf32, #tpu.memory_space<vmem>>
          tpu.wait_dma2 semaphore(%run_scoped3A : memref<!tpu.dma_semaphore, #tpu.memory_space<semaphore_mem>>) src(%dma_wait3A_181 : memref<104x128xf32, #tpu.memory_space<vmem>>) dst(%dma_wait3A_178 : memref<104x128xf32, #tpu.memory_space<hbm>>)
          tpu.yield
        }) : () -> ()
      } else {
      }
      %eq3A_157 = arith.constant 1 : i32
      %eq3A_158 = arith.cmpi eq, %arg0, %eq3A_157 : i32
      %convert_element_type3A_159 = arith.extui %eq3A_158 : i1 to i32
      %cond3A_160 = arith.constant 0 : i32
      %cond3A_161 = arith.cmpi ne, %convert_element_type3A_159, %cond3A_160 : i32
      scf.if %cond3A_161 {
        "tpu.region"() ({
          %run_scoped3A = tpu.sem_alloc : memref<!tpu.dma_semaphore, #tpu.memory_space<semaphore_mem>>
          %dma_start3A_162 = arith.constant 0 : i32
          %dma_start3A_163 = arith.constant 0 : i32
          %dma_start3A_164 = tpu.memref_slice %arg13[%dma_start3A_162, %dma_start3A_163] : memref<128x128xf32, #tpu.memory_space<vmem>> -> memref<104x128xf32, #tpu.memory_space<vmem>>
          %dma_start3A_165 = arith.constant 0 : i32
          %dma_start3A_166 = tpu.memref_slice %arg8[%add3A_151, %dma_start3A_165] : memref<10000x128xf32, #tpu.memory_space<hbm>> -> memref<104x128xf32, #tpu.memory_space<hbm>>
          %dma_start3A_167 = arith.constant 0 : i32
          %dma_start3A_168 = tpu.memref_slice %arg8[%add3A_151, %dma_start3A_167] : memref<10000x128xf32, #tpu.memory_space<hbm>> -> memref<104x128xf32, #tpu.memory_space<hbm>>
          %dma_start3A_169 = arith.constant 0 : i32
          %dma_start3A_170 = arith.constant 0 : i32
          %dma_start3A_171 = tpu.memref_slice %arg13[%dma_start3A_169, %dma_start3A_170] : memref<128x128xf32, #tpu.memory_space<vmem>> -> memref<104x128xf32, #tpu.memory_space<vmem>>
          tpu.enqueue_dma source(%dma_start3A_171 : memref<104x128xf32, #tpu.memory_space<vmem>>) target(%dma_start3A_168 : memref<104x128xf32, #tpu.memory_space<hbm>>) target_semaphore(%run_scoped3A : memref<!tpu.dma_semaphore, #tpu.memory_space<semaphore_mem>>)
          %dma_wait3A_172 = arith.constant 0 : i32
          %dma_wait3A_173 = arith.constant 0 : i32
          %dma_wait3A_174 = tpu.memref_slice %arg13[%dma_wait3A_172, %dma_wait3A_173] : memref<128x128xf32, #tpu.memory_space<vmem>> -> memref<104x128xf32, #tpu.memory_space<vmem>>
          %dma_wait3A_175 = arith.constant 0 : i32
          %dma_wait3A_176 = tpu.memref_slice %arg8[%add3A_151, %dma_wait3A_175] : memref<10000x128xf32, #tpu.memory_space<hbm>> -> memref<104x128xf32, #tpu.memory_space<hbm>>
          %dma_wait3A_177 = arith.constant 0 : i32
          %dma_wait3A_178 = tpu.memref_slice %arg8[%add3A_151, %dma_wait3A_177] : memref<10000x128xf32, #tpu.memory_space<hbm>> -> memref<104x128xf32, #tpu.memory_space<hbm>>
          %dma_wait3A_179 = arith.constant 0 : i32
          %dma_wait3A_180 = arith.constant 0 : i32
          %dma_wait3A_181 = tpu.memref_slice %arg13[%dma_wait3A_179, %dma_wait3A_180] : memref<128x128xf32, #tpu.memory_space<vmem>> -> memref<104x128xf32, #tpu.memory_space<vmem>>
          tpu.wait_dma2 semaphore(%run_scoped3A : memref<!tpu.dma_semaphore, #tpu.memory_space<semaphore_mem>>) src(%dma_wait3A_181 : memref<104x128xf32, #tpu.memory_space<vmem>>) dst(%dma_wait3A_178 : memref<104x128xf32, #tpu.memory_space<hbm>>)
          tpu.yield
        }) : () -> ()
      } else {
      }
    } else {
    }
    return
  }
}

module attributes {stable_mosaic.version = 14 : i64} {
  func.func @_k1_body(%arg0: i32, %arg1: memref<1000x256xf32, #tpu.memory_space<vmem>>, %arg2: memref<256x256xf32, #tpu.memory_space<vmem>>, %arg3: memref<1000x16xf32, #tpu.memory_space<vmem>>, %arg4: memref<1000x16xf32, #tpu.memory_space<vmem>>, %arg5: memref<1000x128xf32, #tpu.memory_space<vmem>>, %arg6: memref<1000x128xf32, #tpu.memory_space<vmem>>, %arg7: memref<1000x1xf32, #tpu.memory_space<vmem>>) attributes {dimension_semantics = [#tpu.dimension_semantics<arbitrary>], iteration_bounds = array<i64: 10>, scalar_prefetch = 0 : i64, scratch_operands = 0 : i64, tpu.core_type = #tpu.core_type<tc>, window_params = [{transform_indices = @transform_0, window_bounds = array<i64: 1000, 256>}, {pipeline_mode = #tpu.pipeline_mode<synchronous>, transform_indices = @transform_1, window_bounds = array<i64: 256, 256>}, {transform_indices = @transform_2, window_bounds = array<i64: 1000, 16>}, {transform_indices = @transform_3, window_bounds = array<i64: 1000, 16>}, {transform_indices = @transform_4, window_bounds = array<i64: 1000, 128>}, {transform_indices = @transform_5, window_bounds = array<i64: 1000, 128>}, {transform_indices = @transform_6, window_bounds = array<i64: 1000, 1>}]} {
    %get3A = arith.constant 0 : index
    %get3A_0 = arith.constant 0 : index
    %get3A_1 = vector.load %arg3[%get3A, %get3A_0] : memref<1000x16xf32, #tpu.memory_space<vmem>>, vector<1000x1xf32>
    %get3A_2 = arith.constant 0 : index
    %get3A_3 = arith.constant 0 : index
    %get3A_4 = vector.load %arg4[%get3A_2, %get3A_3] : memref<1000x16xf32, #tpu.memory_space<vmem>>, vector<1000x1xf32>
    %add3A = arith.addf %get3A_1, %get3A_4 : vector<1000x1xf32>
    %add3A_5 = arith.constant 1.000000e+00 : f32
    %add3A_6 = vector.broadcast %add3A_5 : f32 to vector<1000x1xf32>
    %add3A_7 = arith.addf %add3A, %add3A_6 : vector<1000x1xf32>
    %rsqrt3A = math.rsqrt %add3A_7 : vector<1000x1xf32>
    %get3A_8 = arith.constant 0 : index
    %get3A_9 = arith.constant 0 : index
    %get3A_10 = vector.load %arg1[%get3A_8, %get3A_9] : memref<1000x256xf32, #tpu.memory_space<vmem>>, vector<1000x256xf32>
    %get3A_11 = arith.constant 0 : index
    %get3A_12 = arith.constant 0 : index
    %get3A_13 = vector.load %arg2[%get3A_11, %get3A_12] : memref<256x256xf32, #tpu.memory_space<vmem>>, vector<256x256xf32>
    %dot_general3A = arith.constant dense<0.000000e+00> : vector<1000x256xf32>
    %dot_general3A_14 = tpu.matmul %get3A_10, %get3A_13, %dot_general3A {dimension_numbers = #tpu.dot_dimension_numbers<[1], [0], [0], [1], [0, 0, 1, 1], [], []>, transpose_lhs_hint = false} : vector<1000x256xf32>, vector<256x256xf32>, vector<1000x256xf32> -> vector<1000x256xf32>
    %mul3A = vector.broadcast %rsqrt3A : vector<1000x1xf32> to vector<1000x256xf32>
    %mul3A_15 = arith.mulf %dot_general3A_14, %mul3A : vector<1000x256xf32>
    %slice3A = vector.extract_strided_slice %mul3A_15 {offsets = [0, 0], sizes = [1000, 128], strides = [1, 1]} : vector<1000x256xf32> to vector<1000x128xf32>
    %swap3A = arith.constant 0 : index
    %swap3A_16 = arith.constant 0 : index
    %swap3A_17 = vector.load %arg5[%swap3A, %swap3A_16] : memref<1000x128xf32, #tpu.memory_space<vmem>>, vector<1000x128xf32>
    tpu.vector_store %arg5[%swap3A, %swap3A_16], %slice3A {strides = array<i32>} : memref<1000x128xf32, #tpu.memory_space<vmem>>, vector<1000x128xf32>,
    %slice3A_18 = vector.extract_strided_slice %mul3A_15 {offsets = [0, 128], sizes = [1000, 128], strides = [1, 1]} : vector<1000x256xf32> to vector<1000x128xf32>
    %swap3A_19 = arith.constant 0 : index
    %swap3A_20 = arith.constant 0 : index
    %swap3A_21 = vector.load %arg6[%swap3A_19, %swap3A_20] : memref<1000x128xf32, #tpu.memory_space<vmem>>, vector<1000x128xf32>
    tpu.vector_store %arg6[%swap3A_19, %swap3A_20], %slice3A_18 {strides = array<i32>} : memref<1000x128xf32, #tpu.memory_space<vmem>>, vector<1000x128xf32>,
    %swap3A_22 = arith.constant 0 : index
    %swap3A_23 = arith.constant 0 : index
    %swap3A_24 = vector.load %arg7[%swap3A_22, %swap3A_23] : memref<1000x1xf32, #tpu.memory_space<vmem>>, vector<1000x1xf32>
    tpu.vector_store %arg7[%swap3A_22, %swap3A_23], %rsqrt3A {strides = array<i32>} : memref<1000x1xf32, #tpu.memory_space<vmem>>, vector<1000x1xf32>,
    return
  }
  func.func @transform_0(%arg0: i32) -> (i32, i32) {
    %c0_i32 = arith.constant 0 : i32
    %c0_i32_0 = arith.constant 0 : i32
    return %arg0, %c0_i32 : i32, i32
  }
  func.func @transform_1(%arg0: i32) -> (i32, i32) {
    %c0_i32 = arith.constant 0 : i32
    %c0_i32_0 = arith.constant 0 : i32
    %c0_i32_1 = arith.constant 0 : i32
    return %c0_i32, %c0_i32_0 : i32, i32
  }
  func.func @transform_2(%arg0: i32) -> (i32, i32) {
    %c0_i32 = arith.constant 0 : i32
    %c0_i32_0 = arith.constant 0 : i32
    return %arg0, %c0_i32 : i32, i32
  }
  func.func @transform_3(%arg0: i32) -> (i32, i32) {
    %c0_i32 = arith.constant 0 : i32
    %c0_i32_0 = arith.constant 0 : i32
    return %arg0, %c0_i32 : i32, i32
  }
  func.func @transform_4(%arg0: i32) -> (i32, i32) {
    %c0_i32 = arith.constant 0 : i32
    %c0_i32_0 = arith.constant 0 : i32
    return %arg0, %c0_i32 : i32, i32
  }
  func.func @transform_5(%arg0: i32) -> (i32, i32) {
    %c0_i32 = arith.constant 0 : i32
    %c0_i32_0 = arith.constant 0 : i32
    return %arg0, %c0_i32 : i32, i32
  }
  func.func @transform_6(%arg0: i32) -> (i32, i32) {
    %c0_i32 = arith.constant 0 : i32
    %c0_i32_0 = arith.constant 0 : i32
    return %arg0, %c0_i32 : i32, i32
  }
}

module attributes {stable_mosaic.version = 14 : i64} {
  func.func @_k23_body(%arg0: i32, %arg1: memref<1000x128xf32, #tpu.memory_space<vmem>>, %arg2: memref<1000x128xf32, #tpu.memory_space<vmem>>, %arg3: memref<1000x128xf32, #tpu.memory_space<vmem>>, %arg4: memref<1000x128xf32, #tpu.memory_space<vmem>>, %arg5: memref<1000x1xf32, #tpu.memory_space<vmem>>, %arg6: memref<1x256xf32, #tpu.memory_space<vmem>>, %arg7: memref<256x256xf32, #tpu.memory_space<vmem>>, %arg8: memref<1000x128xf32, #tpu.memory_space<vmem>>, %arg9: memref<1000x128xf32, #tpu.memory_space<vmem>>) attributes {dimension_semantics = [#tpu.dimension_semantics<arbitrary>], iteration_bounds = array<i64: 10>, scalar_prefetch = 0 : i64, scratch_operands = 0 : i64, tpu.core_type = #tpu.core_type<tc>, window_params = [{transform_indices = @transform_0, window_bounds = array<i64: 1000, 128>}, {transform_indices = @transform_1, window_bounds = array<i64: 1000, 128>}, {transform_indices = @transform_2, window_bounds = array<i64: 1000, 128>}, {transform_indices = @transform_3, window_bounds = array<i64: 1000, 128>}, {transform_indices = @transform_4, window_bounds = array<i64: 1000, 1>}, {pipeline_mode = #tpu.pipeline_mode<synchronous>, transform_indices = @transform_5, window_bounds = array<i64: 1, 256>}, {pipeline_mode = #tpu.pipeline_mode<synchronous>, transform_indices = @transform_6, window_bounds = array<i64: 256, 256>}, {transform_indices = @transform_7, window_bounds = array<i64: 1000, 128>}, {transform_indices = @transform_8, window_bounds = array<i64: 1000, 128>}]} {
    %get3A = arith.constant 0 : index
    %get3A_0 = arith.constant 0 : index
    %get3A_1 = vector.load %arg5[%get3A, %get3A_0] : memref<1000x1xf32, #tpu.memory_space<vmem>>, vector<1000x1xf32>
    %get3A_2 = arith.constant 0 : index
    %get3A_3 = arith.constant 0 : index
    %get3A_4 = vector.load %arg6[%get3A_2, %get3A_3] : memref<1x256xf32, #tpu.memory_space<vmem>>, vector<1x256xf32>
    %get3A_5 = arith.constant 0 : index
    %get3A_6 = arith.constant 0 : index
    %get3A_7 = vector.load %arg1[%get3A_5, %get3A_6] : memref<1000x128xf32, #tpu.memory_space<vmem>>, vector<1000x128xf32>
    %get3A_8 = arith.constant 0 : index
    %get3A_9 = arith.constant 0 : index
    %get3A_10 = vector.load %arg3[%get3A_8, %get3A_9] : memref<1000x128xf32, #tpu.memory_space<vmem>>, vector<1000x128xf32>
    %add3A = arith.addf %get3A_7, %get3A_10 : vector<1000x128xf32>
    %mul3A = vector.broadcast %get3A_1 : vector<1000x1xf32> to vector<1000x128xf32>
    %mul3A_11 = arith.mulf %mul3A, %add3A : vector<1000x128xf32>
    %slice3A = vector.extract_strided_slice %get3A_4 {offsets = [0, 0], sizes = [1, 128], strides = [1, 1]} : vector<1x256xf32> to vector<1x128xf32>
    %add3A_12 = vector.broadcast %slice3A : vector<1x128xf32> to vector<1000x128xf32>
    %add3A_13 = arith.addf %mul3A_11, %add3A_12 : vector<1000x128xf32>
    %max3A = arith.constant 0.000000e+00 : f32
    %max3A_14 = vector.broadcast %max3A : f32 to vector<1000x128xf32>
    %max3A_15 = arith.maximumf %add3A_13, %max3A_14 : vector<1000x128xf32>
    %get3A_16 = arith.constant 0 : index
    %get3A_17 = arith.constant 0 : index
    %get3A_18 = vector.load %arg2[%get3A_16, %get3A_17] : memref<1000x128xf32, #tpu.memory_space<vmem>>, vector<1000x128xf32>
    %get3A_19 = arith.constant 0 : index
    %get3A_20 = arith.constant 0 : index
    %get3A_21 = vector.load %arg4[%get3A_19, %get3A_20] : memref<1000x128xf32, #tpu.memory_space<vmem>>, vector<1000x128xf32>
    %add3A_22 = arith.addf %get3A_18, %get3A_21 : vector<1000x128xf32>
    %mul3A_23 = vector.broadcast %get3A_1 : vector<1000x1xf32> to vector<1000x128xf32>
    %mul3A_24 = arith.mulf %mul3A_23, %add3A_22 : vector<1000x128xf32>
    %slice3A_25 = vector.extract_strided_slice %get3A_4 {offsets = [0, 128], sizes = [1, 128], strides = [1, 1]} : vector<1x256xf32> to vector<1x128xf32>
    %add3A_26 = vector.broadcast %slice3A_25 : vector<1x128xf32> to vector<1000x128xf32>
    %add3A_27 = arith.addf %mul3A_24, %add3A_26 : vector<1000x128xf32>
    %max3A_28 = arith.constant 0.000000e+00 : f32
    %max3A_29 = vector.broadcast %max3A_28 : f32 to vector<1000x128xf32>
    %max3A_30 = arith.maximumf %add3A_27, %max3A_29 : vector<1000x128xf32>
    %concatenate3A = tpu.concatenate %max3A_15, %max3A_30 in 1 : vector<1000x128xf32>, vector<1000x128xf32> -> vector<1000x256xf32>
    %get3A_31 = arith.constant 0 : index
    %get3A_32 = arith.constant 0 : index
    %get3A_33 = vector.load %arg7[%get3A_31, %get3A_32] : memref<256x256xf32, #tpu.memory_space<vmem>>, vector<256x256xf32>
    %dot_general3A = arith.constant dense<0.000000e+00> : vector<1000x256xf32>
    %dot_general3A_34 = tpu.matmul %concatenate3A, %get3A_33, %dot_general3A {dimension_numbers = #tpu.dot_dimension_numbers<[1], [0], [0], [1], [0, 0, 1, 1], [], []>, transpose_lhs_hint = false} : vector<1000x256xf32>, vector<256x256xf32>, vector<1000x256xf32> -> vector<1000x256xf32>
    %mul3A_35 = vector.broadcast %get3A_1 : vector<1000x1xf32> to vector<1000x256xf32>
    %mul3A_36 = arith.mulf %dot_general3A_34, %mul3A_35 : vector<1000x256xf32>
    %slice3A_37 = vector.extract_strided_slice %mul3A_36 {offsets = [0, 0], sizes = [1000, 128], strides = [1, 1]} : vector<1000x256xf32> to vector<1000x128xf32>
    %swap3A = arith.constant 0 : index
    %swap3A_38 = arith.constant 0 : index
    %swap3A_39 = vector.load %arg8[%swap3A, %swap3A_38] : memref<1000x128xf32, #tpu.memory_space<vmem>>, vector<1000x128xf32>
    tpu.vector_store %arg8[%swap3A, %swap3A_38], %slice3A_37 {strides = array<i32>} : memref<1000x128xf32, #tpu.memory_space<vmem>>, vector<1000x128xf32>,
    %slice3A_40 = vector.extract_strided_slice %mul3A_36 {offsets = [0, 128], sizes = [1000, 128], strides = [1, 1]} : vector<1000x256xf32> to vector<1000x128xf32>
    %swap3A_41 = arith.constant 0 : index
    %swap3A_42 = arith.constant 0 : index
    %swap3A_43 = vector.load %arg9[%swap3A_41, %swap3A_42] : memref<1000x128xf32, #tpu.memory_space<vmem>>, vector<1000x128xf32>
    tpu.vector_store %arg9[%swap3A_41, %swap3A_42], %slice3A_40 {strides = array<i32>} : memref<1000x128xf32, #tpu.memory_space<vmem>>, vector<1000x128xf32>,
    return
  }
  func.func @transform_0(%arg0: i32) -> (i32, i32) {
    %c0_i32 = arith.constant 0 : i32
    %c0_i32_0 = arith.constant 0 : i32
    return %arg0, %c0_i32 : i32, i32
  }
  func.func @transform_1(%arg0: i32) -> (i32, i32) {
    %c0_i32 = arith.constant 0 : i32
    %c0_i32_0 = arith.constant 0 : i32
    return %arg0, %c0_i32 : i32, i32
  }
  func.func @transform_2(%arg0: i32) -> (i32, i32) {
    %c0_i32 = arith.constant 0 : i32
    %c0_i32_0 = arith.constant 0 : i32
    return %arg0, %c0_i32 : i32, i32
  }
  func.func @transform_3(%arg0: i32) -> (i32, i32) {
    %c0_i32 = arith.constant 0 : i32
    %c0_i32_0 = arith.constant 0 : i32
    return %arg0, %c0_i32 : i32, i32
  }
  func.func @transform_4(%arg0: i32) -> (i32, i32) {
    %c0_i32 = arith.constant 0 : i32
    %c0_i32_0 = arith.constant 0 : i32
    return %arg0, %c0_i32 : i32, i32
  }
  func.func @transform_5(%arg0: i32) -> (i32, i32) {
    %c0_i32 = arith.constant 0 : i32
    %c0_i32_0 = arith.constant 0 : i32
    %c0_i32_1 = arith.constant 0 : i32
    return %c0_i32, %c0_i32_0 : i32, i32
  }
  func.func @transform_6(%arg0: i32) -> (i32, i32) {
    %c0_i32 = arith.constant 0 : i32
    %c0_i32_0 = arith.constant 0 : i32
    %c0_i32_1 = arith.constant 0 : i32
    return %c0_i32, %c0_i32_0 : i32, i32
  }
  func.func @transform_7(%arg0: i32) -> (i32, i32) {
    %c0_i32 = arith.constant 0 : i32
    %c0_i32_0 = arith.constant 0 : i32
    return %arg0, %c0_i32 : i32, i32
  }
  func.func @transform_8(%arg0: i32) -> (i32, i32) {
    %c0_i32 = arith.constant 0 : i32
    %c0_i32_0 = arith.constant 0 : i32
    return %arg0, %c0_i32 : i32, i32
  }
}

module attributes {stable_mosaic.version = 14 : i64} {
  func.func @_kobs_body(%arg0: memref<1600x2xf32, #tpu.memory_space<vmem>>, %arg1: memref<2x256xf32, #tpu.memory_space<vmem>>, %arg2: memref<1x256xf32, #tpu.memory_space<vmem>>, %arg3: memref<256x256xf32, #tpu.memory_space<vmem>>, %arg4: memref<1x256xf32, #tpu.memory_space<vmem>>, %arg5: memref<256x256xf32, #tpu.memory_space<vmem>>, %arg6: memref<1x256xf32, #tpu.memory_space<vmem>>, %arg7: memref<32x256xf32, #tpu.memory_space<vmem>>) attributes {dimension_semantics = [], scalar_prefetch = 0 : i64, scratch_operands = 0 : i64, tpu.core_type = #tpu.core_type<tc>} {
    %get3A = arith.constant 0 : index
    %get3A_0 = arith.constant 0 : index
    %get3A_1 = vector.load %arg0[%get3A, %get3A_0] : memref<1600x2xf32, #tpu.memory_space<vmem>>, vector<1600x2xf32>
    %get3A_2 = arith.constant 0 : index
    %get3A_3 = arith.constant 0 : index
    %get3A_4 = vector.load %arg1[%get3A_2, %get3A_3] : memref<2x256xf32, #tpu.memory_space<vmem>>, vector<2x256xf32>
    %dot_general3A = arith.constant dense<0.000000e+00> : vector<1600x256xf32>
    %dot_general3A_5 = tpu.matmul %get3A_1, %get3A_4, %dot_general3A {dimension_numbers = #tpu.dot_dimension_numbers<[1], [0], [0], [1], [0, 0, 1, 1], [], []>, transpose_lhs_hint = false} : vector<1600x2xf32>, vector<2x256xf32>, vector<1600x256xf32> -> vector<1600x256xf32>
    %get3A_6 = arith.constant 0 : index
    %get3A_7 = arith.constant 0 : index
    %get3A_8 = vector.load %arg2[%get3A_6, %get3A_7] : memref<1x256xf32, #tpu.memory_space<vmem>>, vector<1x256xf32>
    %add3A = vector.broadcast %get3A_8 : vector<1x256xf32> to vector<1600x256xf32>
    %add3A_9 = arith.addf %dot_general3A_5, %add3A : vector<1600x256xf32>
    %max3A = arith.constant 0.000000e+00 : f32
    %max3A_10 = vector.broadcast %max3A : f32 to vector<1600x256xf32>
    %max3A_11 = arith.maximumf %add3A_9, %max3A_10 : vector<1600x256xf32>
    %get3A_12 = arith.constant 0 : index
    %get3A_13 = arith.constant 0 : index
    %get3A_14 = vector.load %arg3[%get3A_12, %get3A_13] : memref<256x256xf32, #tpu.memory_space<vmem>>, vector<256x256xf32>
    %dot_general3A_15 = arith.constant dense<0.000000e+00> : vector<1600x256xf32>
    %dot_general3A_16 = tpu.matmul %max3A_11, %get3A_14, %dot_general3A_15 {dimension_numbers = #tpu.dot_dimension_numbers<[1], [0], [0], [1], [0, 0, 1, 1], [], []>, transpose_lhs_hint = false} : vector<1600x256xf32>, vector<256x256xf32>, vector<1600x256xf32> -> vector<1600x256xf32>
    %get3A_17 = arith.constant 0 : index
    %get3A_18 = arith.constant 0 : index
    %get3A_19 = vector.load %arg4[%get3A_17, %get3A_18] : memref<1x256xf32, #tpu.memory_space<vmem>>, vector<1x256xf32>
    %add3A_20 = vector.broadcast %get3A_19 : vector<1x256xf32> to vector<1600x256xf32>
    %add3A_21 = arith.addf %dot_general3A_16, %add3A_20 : vector<1600x256xf32>
    %max3A_22 = arith.constant 0.000000e+00 : f32
    %max3A_23 = vector.broadcast %max3A_22 : f32 to vector<1600x256xf32>
    %max3A_24 = arith.maximumf %add3A_21, %max3A_23 : vector<1600x256xf32>
    %get3A_25 = arith.constant 0 : index
    %get3A_26 = arith.constant 0 : index
    %get3A_27 = vector.load %arg5[%get3A_25, %get3A_26] : memref<256x256xf32, #tpu.memory_space<vmem>>, vector<256x256xf32>
    %dot_general3A_28 = arith.constant dense<0.000000e+00> : vector<1600x256xf32>
    %dot_general3A_29 = tpu.matmul %max3A_24, %get3A_27, %dot_general3A_28 {dimension_numbers = #tpu.dot_dimension_numbers<[1], [0], [0], [1], [0, 0, 1, 1], [], []>, transpose_lhs_hint = false} : vector<1600x256xf32>, vector<256x256xf32>, vector<1600x256xf32> -> vector<1600x256xf32>
    %get3A_30 = arith.constant 0 : index
    %get3A_31 = arith.constant 0 : index
    %get3A_32 = vector.load %arg6[%get3A_30, %get3A_31] : memref<1x256xf32, #tpu.memory_space<vmem>>, vector<1x256xf32>
    %add3A_33 = vector.broadcast %get3A_32 : vector<1x256xf32> to vector<1600x256xf32>
    %add3A_34 = arith.addf %dot_general3A_29, %add3A_33 : vector<1600x256xf32>
    %slice3A = vector.extract_strided_slice %get3A_1 {offsets = [0, 0], sizes = [1600, 1], strides = [1, 1]} : vector<1600x2xf32> to vector<1600x1xf32>
    %ge3A = arith.constant 0.000000e+00 : f32
    %ge3A_35 = vector.broadcast %ge3A : f32 to vector<1600x1xf32>
    %ge3A_36 = arith.cmpf oge, %slice3A, %ge3A_35 : vector<1600x1xf32>
    %convert_element_type3A = arith.extui %ge3A_36 : vector<1600x1xi1> to vector<1600x1xi32>
    %convert_element_type3A_37 = arith.sitofp %convert_element_type3A : vector<1600x1xi32> to vector<1600x1xf32>
    %iota3A = tpu.iota {dimensions = array<i32: 0>} : vector<1600x32xi32>
    %jit3A = arith.constant 50 : i32
    %div3A = vector.broadcast %jit3A : i32 to vector<1600x32xi32>
    %div3A_38 = arith.divsi %iota3A, %div3A : vector<1600x32xi32>
    %sign3A = arith.constant 0 : i32
    %sign3A_39 = vector.broadcast %sign3A : i32 to vector<1600x32xi32>
    %sign3A_40 = arith.cmpi sgt, %iota3A, %sign3A_39 : vector<1600x32xi32>
    %sign3A_41 = arith.extui %sign3A_40 : vector<1600x32xi1> to vector<1600x32xi32>
    %sign3A_42 = arith.constant 0 : i32
    %sign3A_43 = vector.broadcast %sign3A_42 : i32 to vector<1600x32xi32>
    %sign3A_44 = arith.cmpi slt, %iota3A, %sign3A_43 : vector<1600x32xi32>
    %sign3A_45 = arith.extui %sign3A_44 : vector<1600x32xi1> to vector<1600x32xi32>
    %sign3A_46 = arith.subi %sign3A_41, %sign3A_45 : vector<1600x32xi32>
    %sign3A_47 = arith.constant 0 : i32
    %sign3A_48 = arith.cmpi sgt, %jit3A, %sign3A_47 : i32
    %sign3A_49 = arith.extui %sign3A_48 : i1 to i32
    %sign3A_50 = arith.constant 0 : i32
    %sign3A_51 = arith.cmpi slt, %jit3A, %sign3A_50 : i32
    %sign3A_52 = arith.extui %sign3A_51 : i1 to i32
    %sign3A_53 = arith.subi %sign3A_49, %sign3A_52 : i32
    %ne3A = vector.broadcast %sign3A_53 : i32 to vector<1600x32xi32>
    %ne3A_54 = arith.cmpi ne, %sign3A_46, %ne3A : vector<1600x32xi32>
    %rem3A = vector.broadcast %jit3A : i32 to vector<1600x32xi32>
    %rem3A_55 = arith.remsi %iota3A, %rem3A : vector<1600x32xi32>
    %ne3A_56 = arith.constant 0 : i32
    %ne3A_57 = vector.broadcast %ne3A_56 : i32 to vector<1600x32xi32>
    %ne3A_58 = arith.cmpi ne, %rem3A_55, %ne3A_57 : vector<1600x32xi32>
    %and3A = arith.andi %ne3A_54, %ne3A_58 : vector<1600x32xi1>
    %sub3A = arith.constant 1 : i32
    %sub3A_59 = vector.broadcast %sub3A : i32 to vector<1600x32xi32>
    %sub3A_60 = arith.subi %div3A_38, %sub3A_59 : vector<1600x32xi32>
    %select_n3A = arith.select %and3A, %sub3A_60, %div3A_38 : vector<1600x32xi1>, vector<1600x32xi32>
    %iota3A_61 = tpu.iota {dimensions = array<i32: 1>} : vector<1600x32xi32>
    %eq3A = arith.cmpi eq, %select_n3A, %iota3A_61 : vector<1600x32xi32>
    %convert_element_type3A_62 = arith.extui %eq3A : vector<1600x32xi1> to vector<1600x32xi32>
    %convert_element_type3A_63 = arith.sitofp %convert_element_type3A_62 : vector<1600x32xi32> to vector<1600x32xf32>
    %dot_general3A_64 = arith.constant dense<0.000000e+00> : vector<32x1xf32>
    %dot_general3A_65 = tpu.matmul %convert_element_type3A_63, %convert_element_type3A_37, %dot_general3A_64 {dimension_numbers = #tpu.dot_dimension_numbers<[0], [0], [1], [1], [0, 1, 1, 1], [], []>, transpose_lhs_hint = false} : vector<1600x32xf32>, vector<1600x1xf32>, vector<32x1xf32> -> vector<32x1xf32>
    %mul3A = vector.broadcast %convert_element_type3A_37 : vector<1600x1xf32> to vector<1600x256xf32>
    %mul3A_66 = arith.mulf %add3A_34, %mul3A : vector<1600x256xf32>
    %dot_general3A_67 = arith.constant dense<0.000000e+00> : vector<32x256xf32>
    %dot_general3A_68 = tpu.matmul %convert_element_type3A_63, %mul3A_66, %dot_general3A_67 {dimension_numbers = #tpu.dot_dimension_numbers<[0], [0], [1], [1], [0, 1, 1, 1], [], []>, transpose_lhs_hint = false} : vector<1600x32xf32>, vector<1600x256xf32>, vector<32x256xf32> -> vector<32x256xf32>
    %add3A_69 = arith.constant 9.99999971E-10 : f32
    %add3A_70 = vector.broadcast %add3A_69 : f32 to vector<32x1xf32>
    %add3A_71 = arith.addf %dot_general3A_65, %add3A_70 : vector<32x1xf32>
    %div3A_72 = vector.broadcast %add3A_71 : vector<32x1xf32> to vector<32x256xf32>
    %div3A_73 = arith.divf %dot_general3A_68, %div3A_72 : vector<32x256xf32>
    %swap3A = arith.constant 0 : index
    %swap3A_74 = arith.constant 0 : index
    %swap3A_75 = vector.load %arg7[%swap3A, %swap3A_74] : memref<32x256xf32, #tpu.memory_space<vmem>>, vector<32x256xf32>
    tpu.vector_store %arg7[%swap3A, %swap3A_74], %div3A_73 {strides = array<i32>} : memref<32x256xf32, #tpu.memory_space<vmem>>, vector<32x256xf32>,
    return
  }
}

module attributes {stable_mosaic.version = 14 : i64} {
  func.func @_k4_body(%arg0: i32, %arg1: memref<1000x128xf32, #tpu.memory_space<vmem>>, %arg2: memref<1000x128xf32, #tpu.memory_space<vmem>>, %arg3: memref<1000x128xf32, #tpu.memory_space<vmem>>, %arg4: memref<1000x128xf32, #tpu.memory_space<vmem>>, %arg5: memref<1000x1xf32, #tpu.memory_space<vmem>>, %arg6: memref<1x256xf32, #tpu.memory_space<vmem>>, %arg7: memref<1000x1xi32, #tpu.memory_space<vmem>>, %arg8: memref<32x256xf32, #tpu.memory_space<vmem>>, %arg9: memref<256x256xf32, #tpu.memory_space<vmem>>, %arg10: memref<1x256xf32, #tpu.memory_space<vmem>>, %arg11: memref<256x128xf32, #tpu.memory_space<vmem>>, %arg12: memref<1x1xf32, #tpu.memory_space<vmem>>, %arg13: memref<32x1xf32, #tpu.memory_space<vmem>>, %arg14: memref<32x256xf32, #tpu.memory_space<vmem>>) attributes {dimension_semantics = [#tpu.dimension_semantics<arbitrary>], iteration_bounds = array<i64: 10>, scalar_prefetch = 0 : i64, scratch_operands = 1 : i64, tpu.core_type = #tpu.core_type<tc>, window_params = [{transform_indices = @transform_0, window_bounds = array<i64: 1000, 128>}, {transform_indices = @transform_1, window_bounds = array<i64: 1000, 128>}, {transform_indices = @transform_2, window_bounds = array<i64: 1000, 128>}, {transform_indices = @transform_3, window_bounds = array<i64: 1000, 128>}, {transform_indices = @transform_4, window_bounds = array<i64: 1000, 1>}, {pipeline_mode = #tpu.pipeline_mode<synchronous>, transform_indices = @transform_5, window_bounds = array<i64: 1, 256>}, {transform_indices = @transform_6, window_bounds = array<i64: 1000, 1>}, {pipeline_mode = #tpu.pipeline_mode<synchronous>, transform_indices = @transform_7, window_bounds = array<i64: 32, 256>}, {pipeline_mode = #tpu.pipeline_mode<synchronous>, transform_indices = @transform_8, window_bounds = array<i64: 256, 256>}, {pipeline_mode = #tpu.pipeline_mode<synchronous>, transform_indices = @transform_9, window_bounds = array<i64: 1, 256>}, {pipeline_mode = #tpu.pipeline_mode<synchronous>, transform_indices = @transform_10, window_bounds = array<i64: 256, 128>}, {pipeline_mode = #tpu.pipeline_mode<synchronous>, transform_indices = @transform_11, window_bounds = array<i64: 1, 1>}, {pipeline_mode = #tpu.pipeline_mode<synchronous>, transform_indices = @transform_12, window_bounds = array<i64: 32, 1>}]} {
    %get3A = arith.constant 0 : index
    %get3A_0 = arith.constant 0 : index
    %get3A_1 = vector.load %arg5[%get3A, %get3A_0] : memref<1000x1xf32, #tpu.memory_space<vmem>>, vector<1000x1xf32>
    %get3A_2 = arith.constant 0 : index
    %get3A_3 = arith.constant 0 : index
    %get3A_4 = vector.load %arg6[%get3A_2, %get3A_3] : memref<1x256xf32, #tpu.memory_space<vmem>>, vector<1x256xf32>
    %get3A_5 = arith.constant 0 : index
    %get3A_6 = arith.constant 0 : index
    %get3A_7 = vector.load %arg1[%get3A_5, %get3A_6] : memref<1000x128xf32, #tpu.memory_space<vmem>>, vector<1000x128xf32>
    %get3A_8 = arith.constant 0 : index
    %get3A_9 = arith.constant 0 : index
    %get3A_10 = vector.load %arg3[%get3A_8, %get3A_9] : memref<1000x128xf32, #tpu.memory_space<vmem>>, vector<1000x128xf32>
    %add3A = arith.addf %get3A_7, %get3A_10 : vector<1000x128xf32>
    %mul3A = vector.broadcast %get3A_1 : vector<1000x1xf32> to vector<1000x128xf32>
    %mul3A_11 = arith.mulf %mul3A, %add3A : vector<1000x128xf32>
    %slice3A = vector.extract_strided_slice %get3A_4 {offsets = [0, 0], sizes = [1, 128], strides = [1, 1]} : vector<1x256xf32> to vector<1x128xf32>
    %add3A_12 = vector.broadcast %slice3A : vector<1x128xf32> to vector<1000x128xf32>
    %add3A_13 = arith.addf %mul3A_11, %add3A_12 : vector<1000x128xf32>
    %get3A_14 = arith.constant 0 : index
    %get3A_15 = arith.constant 0 : index
    %get3A_16 = vector.load %arg2[%get3A_14, %get3A_15] : memref<1000x128xf32, #tpu.memory_space<vmem>>, vector<1000x128xf32>
    %get3A_17 = arith.constant 0 : index
    %get3A_18 = arith.constant 0 : index
    %get3A_19 = vector.load %arg4[%get3A_17, %get3A_18] : memref<1000x128xf32, #tpu.memory_space<vmem>>, vector<1000x128xf32>
    %add3A_20 = arith.addf %get3A_16, %get3A_19 : vector<1000x128xf32>
    %mul3A_21 = vector.broadcast %get3A_1 : vector<1000x1xf32> to vector<1000x128xf32>
    %mul3A_22 = arith.mulf %mul3A_21, %add3A_20 : vector<1000x128xf32>
    %slice3A_23 = vector.extract_strided_slice %get3A_4 {offsets = [0, 128], sizes = [1, 128], strides = [1, 1]} : vector<1x256xf32> to vector<1x128xf32>
    %add3A_24 = vector.broadcast %slice3A_23 : vector<1x128xf32> to vector<1000x128xf32>
    %add3A_25 = arith.addf %mul3A_22, %add3A_24 : vector<1000x128xf32>
    %concatenate3A = tpu.concatenate %add3A_13, %add3A_25 in 1 : vector<1000x128xf32>, vector<1000x128xf32> -> vector<1000x256xf32>
    %get3A_26 = arith.constant 0 : index
    %get3A_27 = arith.constant 0 : index
    %get3A_28 = vector.load %arg7[%get3A_26, %get3A_27] : memref<1000x1xi32, #tpu.memory_space<vmem>>, vector<1000x1xi32>
    %iota3A = tpu.iota {dimensions = array<i32: 1>} : vector<1000x32xi32>
    %eq3A = vector.broadcast %get3A_28 : vector<1000x1xi32> to vector<1000x32xi32>
    %eq3A_29 = arith.cmpi eq, %eq3A, %iota3A : vector<1000x32xi32>
    %convert_element_type3A = arith.extui %eq3A_29 : vector<1000x32xi1> to vector<1000x32xi32>
    %convert_element_type3A_30 = arith.sitofp %convert_element_type3A : vector<1000x32xi32> to vector<1000x32xf32>
    %dot_general3A = arith.constant dense<0.000000e+00> : vector<32x256xf32>
    %dot_general3A_31 = tpu.matmul %convert_element_type3A_30, %concatenate3A, %dot_general3A {dimension_numbers = #tpu.dot_dimension_numbers<[0], [0], [1], [1], [0, 1, 1, 1], [], []>, transpose_lhs_hint = false} : vector<1000x32xf32>, vector<1000x256xf32>, vector<32x256xf32> -> vector<32x256xf32>
    %eq3A_32 = arith.constant 0 : i32
    %eq3A_33 = arith.cmpi eq, %arg0, %eq3A_32 : i32
    %convert_element_type3A_34 = arith.extui %eq3A_33 : i1 to i32
    %cond3A = arith.constant 0 : i32
    %cond3A_35 = arith.cmpi ne, %convert_element_type3A_34, %cond3A : i32
    scf.if %cond3A_35 {
      %swap3A = arith.constant 0 : index
      %swap3A_45 = arith.constant 0 : index
      %swap3A_46 = vector.load %arg14[%swap3A, %swap3A_45] : memref<32x256xf32, #tpu.memory_space<vmem>>, vector<32x256xf32>
      tpu.vector_store %arg14[%swap3A, %swap3A_45], %dot_general3A_31 {strides = array<i32>} : memref<32x256xf32, #tpu.memory_space<vmem>>, vector<32x256xf32>,
    } else {
    }
    %gt3A = arith.constant 0 : i32
    %gt3A_36 = arith.cmpi sgt, %arg0, %gt3A : i32
    %convert_element_type3A_37 = arith.extui %gt3A_36 : i1 to i32
    %cond3A_38 = arith.constant 0 : i32
    %cond3A_39 = arith.cmpi ne, %convert_element_type3A_37, %cond3A_38 : i32
    scf.if %cond3A_39 {
      %get3A_45 = arith.constant 0 : index
      %get3A_46 = arith.constant 0 : index
      %get3A_47 = vector.load %arg14[%get3A_45, %get3A_46] : memref<32x256xf32, #tpu.memory_space<vmem>>, vector<32x256xf32>
      %add3A_48 = arith.addf %get3A_47, %dot_general3A_31 : vector<32x256xf32>
      %swap3A = arith.constant 0 : index
      %swap3A_49 = arith.constant 0 : index
      %swap3A_50 = vector.load %arg14[%swap3A, %swap3A_49] : memref<32x256xf32, #tpu.memory_space<vmem>>, vector<32x256xf32>
      tpu.vector_store %arg14[%swap3A, %swap3A_49], %add3A_48 {strides = array<i32>} : memref<32x256xf32, #tpu.memory_space<vmem>>, vector<32x256xf32>,
    } else {
    }
    %eq3A_40 = arith.constant 9 : i32
    %eq3A_41 = arith.cmpi eq, %arg0, %eq3A_40 : i32
    %convert_element_type3A_42 = arith.extui %eq3A_41 : i1 to i32
    %cond3A_43 = arith.constant 0 : i32
    %cond3A_44 = arith.cmpi ne, %convert_element_type3A_42, %cond3A_43 : i32
    scf.if %cond3A_44 {
      %get3A_45 = arith.constant 0 : index
      %get3A_46 = arith.constant 0 : index
      %get3A_47 = vector.load %arg14[%get3A_45, %get3A_46] : memref<32x256xf32, #tpu.memory_space<vmem>>, vector<32x256xf32>
      %get3A_48 = arith.constant 0 : index
      %get3A_49 = arith.constant 0 : index
      %get3A_50 = vector.load %arg8[%get3A_48, %get3A_49] : memref<32x256xf32, #tpu.memory_space<vmem>>, vector<32x256xf32>
      %add3A_51 = arith.addf %get3A_47, %get3A_50 : vector<32x256xf32>
      %get3A_52 = arith.constant 0 : index
      %get3A_53 = arith.constant 0 : index
      %get3A_54 = vector.load %arg9[%get3A_52, %get3A_53] : memref<256x256xf32, #tpu.memory_space<vmem>>, vector<256x256xf32>
      %dot_general3A_55 = arith.constant dense<0.000000e+00> : vector<32x256xf32>
      %dot_general3A_56 = tpu.matmul %add3A_51, %get3A_54, %dot_general3A_55 {dimension_numbers = #tpu.dot_dimension_numbers<[1], [0], [0], [1], [0, 0, 1, 1], [], []>, transpose_lhs_hint = false} : vector<32x256xf32>, vector<256x256xf32>, vector<32x256xf32> -> vector<32x256xf32>
      %get3A_57 = arith.constant 0 : index
      %get3A_58 = arith.constant 0 : index
      %get3A_59 = vector.load %arg10[%get3A_57, %get3A_58] : memref<1x256xf32, #tpu.memory_space<vmem>>, vector<1x256xf32>
      %add3A_60 = vector.broadcast %get3A_59 : vector<1x256xf32> to vector<32x256xf32>
      %add3A_61 = arith.addf %dot_general3A_56, %add3A_60 : vector<32x256xf32>
      %max3A = arith.constant 0.000000e+00 : f32
      %max3A_62 = vector.broadcast %max3A : f32 to vector<32x256xf32>
      %max3A_63 = arith.maximumf %add3A_61, %max3A_62 : vector<32x256xf32>
      %get3A_64 = arith.constant 0 : index
      %get3A_65 = arith.constant 0 : index
      %get3A_66 = vector.load %arg11[%get3A_64, %get3A_65] : memref<256x128xf32, #tpu.memory_space<vmem>>, vector<256x128xf32>
      %dot_general3A_67 = arith.constant dense<0.000000e+00> : vector<32x128xf32>
      %dot_general3A_68 = tpu.matmul %max3A_63, %get3A_66, %dot_general3A_67 {dimension_numbers = #tpu.dot_dimension_numbers<[1], [0], [0], [1], [0, 0, 1, 1], [], []>, transpose_lhs_hint = false} : vector<32x256xf32>, vector<256x128xf32>, vector<32x128xf32> -> vector<32x128xf32>
      %slice3A_69 = vector.extract_strided_slice %dot_general3A_68 {offsets = [0, 0], sizes = [32, 1], strides = [1, 1]} : vector<32x128xf32> to vector<32x1xf32>
      %get3A_70 = arith.constant 0 : index
      %get3A_71 = arith.constant 0 : index
      %get3A_72 = vector.load %arg12[%get3A_70, %get3A_71] : memref<1x1xf32, #tpu.memory_space<vmem>>, vector<1x1xf32>
      %add3A_73 = vector.broadcast %get3A_72 : vector<1x1xf32> to vector<32x1xf32>
      %add3A_74 = arith.addf %slice3A_69, %add3A_73 : vector<32x1xf32>
      %neg3A = arith.constant 0.000000e+00 : f32
      %neg3A_75 = vector.broadcast %neg3A : f32 to vector<32x1xf32>
      %neg3A_76 = arith.subf %neg3A_75, %add3A_74 : vector<32x1xf32>
      %exp3A = math.exp %neg3A_76 : vector<32x1xf32>
      %add3A_77 = arith.constant 1.000000e+00 : f32
      %add3A_78 = vector.broadcast %add3A_77 : f32 to vector<32x1xf32>
      %add3A_79 = arith.addf %add3A_78, %exp3A : vector<32x1xf32>
      %div3A = arith.constant 1.000000e+00 : f32
      %div3A_80 = vector.broadcast %div3A : f32 to vector<32x1xf32>
      %div3A_81 = arith.divf %div3A_80, %add3A_79 : vector<32x1xf32>
      %swap3A = arith.constant 0 : index
      %swap3A_82 = arith.constant 0 : index
      %swap3A_83 = vector.load %arg13[%swap3A, %swap3A_82] : memref<32x1xf32, #tpu.memory_space<vmem>>, vector<32x1xf32>
      tpu.vector_store %arg13[%swap3A, %swap3A_82], %div3A_81 {strides = array<i32>} : memref<32x1xf32, #tpu.memory_space<vmem>>, vector<32x1xf32>,
    } else {
    }
    return
  }
  func.func @transform_0(%arg0: i32) -> (i32, i32) {
    %c0_i32 = arith.constant 0 : i32
    %c0_i32_0 = arith.constant 0 : i32
    return %arg0, %c0_i32 : i32, i32
  }
  func.func @transform_1(%arg0: i32) -> (i32, i32) {
    %c0_i32 = arith.constant 0 : i32
    %c0_i32_0 = arith.constant 0 : i32
    return %arg0, %c0_i32 : i32, i32
  }
  func.func @transform_2(%arg0: i32) -> (i32, i32) {
    %c0_i32 = arith.constant 0 : i32
    %c0_i32_0 = arith.constant 0 : i32
    return %arg0, %c0_i32 : i32, i32
  }
  func.func @transform_3(%arg0: i32) -> (i32, i32) {
    %c0_i32 = arith.constant 0 : i32
    %c0_i32_0 = arith.constant 0 : i32
    return %arg0, %c0_i32 : i32, i32
  }
  func.func @transform_4(%arg0: i32) -> (i32, i32) {
    %c0_i32 = arith.constant 0 : i32
    %c0_i32_0 = arith.constant 0 : i32
    return %arg0, %c0_i32 : i32, i32
  }
  func.func @transform_5(%arg0: i32) -> (i32, i32) {
    %c0_i32 = arith.constant 0 : i32
    %c0_i32_0 = arith.constant 0 : i32
    %c0_i32_1 = arith.constant 0 : i32
    return %c0_i32, %c0_i32_0 : i32, i32
  }
  func.func @transform_6(%arg0: i32) -> (i32, i32) {
    %c0_i32 = arith.constant 0 : i32
    %c0_i32_0 = arith.constant 0 : i32
    return %arg0, %c0_i32 : i32, i32
  }
  func.func @transform_7(%arg0: i32) -> (i32, i32) {
    %c0_i32 = arith.constant 0 : i32
    %c0_i32_0 = arith.constant 0 : i32
    %c0_i32_1 = arith.constant 0 : i32
    return %c0_i32, %c0_i32_0 : i32, i32
  }
  func.func @transform_8(%arg0: i32) -> (i32, i32) {
    %c0_i32 = arith.constant 0 : i32
    %c0_i32_0 = arith.constant 0 : i32
    %c0_i32_1 = arith.constant 0 : i32
    return %c0_i32, %c0_i32_0 : i32, i32
  }
  func.func @transform_9(%arg0: i32) -> (i32, i32) {
    %c0_i32 = arith.constant 0 : i32
    %c0_i32_0 = arith.constant 0 : i32
    %c0_i32_1 = arith.constant 0 : i32
    return %c0_i32, %c0_i32_0 : i32, i32
  }
  func.func @transform_10(%arg0: i32) -> (i32, i32) {
    %c0_i32 = arith.constant 0 : i32
    %c0_i32_0 = arith.constant 0 : i32
    %c0_i32_1 = arith.constant 0 : i32
    return %c0_i32, %c0_i32_0 : i32, i32
  }
  func.func @transform_11(%arg0: i32) -> (i32, i32) {
    %c0_i32 = arith.constant 0 : i32
    %c0_i32_0 = arith.constant 0 : i32
    %c0_i32_1 = arith.constant 0 : i32
    return %c0_i32, %c0_i32_0 : i32, i32
  }
  func.func @transform_12(%arg0: i32) -> (i32, i32) {
    %c0_i32 = arith.constant 0 : i32
    %c0_i32_0 = arith.constant 0 : i32
    %c0_i32_1 = arith.constant 0 : i32
    return %c0_i32, %c0_i32_0 : i32, i32
  }
}

</mosaic_0001>

<sc_bundles>
// kernel: kernel.11.cloned.1.call-start
scs
__scs_entry_jumppad:
0x0: {  	(pc) =	sbr.rel $0x88, $3  }
0x1: {  	(tag) =	ssettag $0x0;
	lr =	simm.s32 $0x1  }
0x2: {  	[smem:$0x3F8D] =	sst lr;
	_ =	strace $0xD0000000  }
0x3: {  	_ = 	snop  }
0x4: {  	_ = 	snop  }
0x5: {  	_ = 	snop  }
0x6: {  	_ = 	snop  }
0x7: {  	_ = 	snop  }
__scs_overlays_trampoline_lowered:
0x8: {  	[smem:$0x3F9C] =	sst s0  }
0x9: {  	[smem:$0x3F9D] =	sst s1  }
0xa: {  	[smem:$0x3F9E] =	sst s2  }
0xb: {  	[smem:$0x3F9F] =	sst s3  }
0xc: {  	[smem:$0x3FA0] =	sst s4  }
0xd: {  	[smem:$0x3FA1] =	sst s5  }
0xe: {  	[smem:$0x3FA2] =	sst s6  }
0xf: {  	[smem:$0x3FA3] =	sst s7  }
0x10: {  	[smem:$0x3FA4] =	sst s8  }
0x11: {  	[smem:$0x3FA5] =	sst s9;
	s0 =	simm.s32 @!p0 $0x0  }
0x12: {  	s1 =	sld [smem:$0x3F8B];
	s0 =	simm.s32 @p0 $0x1  }
0x13: {  	[smem:$0x3FA6] =	sst s0;
	s0 =	simm.s32 @!p1 $0x0  }
0x14: {  	s2 =	sld [smem:$0x3F8A];
	s0 =	simm.s32 @p1 $0x1  }
0x15: {  	[smem:$0x3FA7] =	sst s0;
	s0 =	simm.s32 @!p2 $0x0  }
0x16: {  	s3 =	sld [smem:$0x3FDB];
	s0 =	simm.s32 @p2 $0x1  }
0x17: {  	s4 =	simm.s32 $0x1BF5;
	[smem:$0x3FA9] =	sst s0  }
0x18: {  	s0 =	sld [smem:$0x3F8C];
	_ =	swait.ge [sflag:s4], $0x0  }
0x19: {  	s7 =	sld [smem:$0x3F8D]  }
0x1a: {  	s8 =	sadd.s32 $0xFFFFE003, lr  }
0x1b: {  	s9 =	sadd.s32 $0xFFFFFEF7, lr;
	s5 =	simm.s32 $0xFFFFFFFF;
	p2 =	slt.u32 s8, $0xFFFFF086  }
0x1c: {  	p1 =	slt.u32 s9, $0xF7A;
	s5 =	simm.s32 @!p2 $0x0  }
0x1d: {  	s5 =	simm.s32 @p1 $0x1;
	p0 =	seq.s32 s7, s2  }
0x1e: {  	s7 =	smul.u32 @!p0 $0xF7A, s2;
	p2 =	seq.s32 @!p0 s5, $0x0  }
0x1f: {  	s9 =	smul.u32 $0xF7A, s1;
	s8 =	simm.s32 @!p0 $0x1BF5;
	p2 =	por !p2, p0  }
0x20: {  	[sflag:s8] =	ssyncset.s32 @!p0 $0xFFFFF086;
	s6 =	sadd.s32 @!p0 s3, s7;
	s7 =	simm.s32 @!p0 $0x108  }
0x21: {  	s3 =	sadd.s32 s3, s9;
	s6 =	sadd.s32 @!p0 $0x88, s6;
	s7 =	simm.s32 @p2 $0x1082  }
0x22: {  	[simem:s7], [sflag:s8] =	dma.local @!p0 [hbm:s6], $0xF7A  }
0x23: {  	s9 =	sor.u32 $0xD0000000, s2;
	s6 =	simm.s32 $0x108;
	_ =	swait.ge @!p0 [sflag:s8], $0x0  }
0x24: {  	s3 =	sadd.s32 $0x88, s3;
	s6 =	simm.s32 @!p1 $0x1082;
	[sflag:s4] =	ssyncset.s32 $0xFFFFF086  }
0x25: {  	[simem:s6], [sflag:s4] =	dma.local [hbm:s3], $0xF7A  }
0x26: {  	[smem:$0x3F8D] =	sst s1;
	(tag) =	ssettag s2;
	_ =	strace s9  }
0x27: {  	s1 =	sld [smem:$0x3F9D]  }
0x28: {  	s2 =	sld [smem:$0x3F9E]  }
0x29: {  	s4 =	sld [smem:$0x3FA0]  }
0x2a: {  	p0 =	seq.s32 s5, $0x0;
	s5 =	sld [smem:$0x3FA1]  }
0x2b: {  	s6 =	sld [smem:$0x3FA2]  }
0x2c: {  	s7 =	sld [smem:$0x3FA3]  }
0x2d: {  	s3 =	simm.s32 $0x108;
	s8 =	sld [smem:$0x3FA4]  }
0x2e: {  	s3 =	simm.s32 @!p0 $0x1082;
	s9 =	sld [smem:$0x3FA5]  }
0x2f: {  	lr =	sadd.s32 s0, s3;
	s0 =	sld [smem:$0x3F9C]  }
0x30: {  	s3 =	sld [smem:$0x3F9F]  }
0x31: {  	[smem:$0x3FA8] =	sst s10  }
0x32: {  	s10 =	sld [smem:$0x3FA6];
	_ =	sdelay $0x3  }
0x33: {  	p0 =	seq.s32 s10, $0x1;
	s10 =	sld [smem:$0x3FA8];
	_ =	sdelay $0x3  }
0x34: {  	[smem:$0x3FA8] =	sst s10  }
0x35: {  	s10 =	sld [smem:$0x3FA7];
	_ =	sdelay $0x3  }
0x36: {  	p1 =	seq.s32 s10, $0x1;
	s10 =	sld [smem:$0x3FA8];
	_ =	sdelay $0x3  }
0x37: {  	[smem:$0x3FA8] =	sst s10  }
0x38: {  	s10 =	sld [smem:$0x3FA9]  }
0x39: {  	_ = 	snop;
	(pc) =	sbr.ind lr, $3  }
0x3a: {  	_ = 	snop  }
0x3b: {  	_ = 	snop  }
0x3c: {  	p2 =	seq.s32 s10, $0x1;
	s10 =	sld [smem:$0x3FA8]  }
0x3d: {  	_ =	shalt  }
0x3e: {  	_ =	shalt  }
0x3f: {  	_ =	shalt  }
0x40: {  	_ =	shalt  }
0x41: {  	_ =	shalt  }
0x42: {  	_ =	shalt  }
0x43: {  	_ =	shalt  }
0x44: {  	_ =	shalt  }
0x45: {  	_ =	shalt  }
0x46: {  	_ =	shalt  }
0x47: {  	_ =	shalt  }
0x48: {  	_ =	shalt  }
0x49: {  	_ =	shalt  }
0x4a: {  	_ =	shalt  }
0x4b: {  	_ =	shalt  }
0x4c: {  	_ =	shalt  }
0x4d: {  	_ =	shalt  }
0x4e: {  	_ =	shalt  }
0x4f: {  	_ =	shalt  }
0x50: {  	_ =	shalt  }
0x51: {  	_ =	shalt  }
0x52: {  	_ =	shalt  }
0x53: {  	_ =	shalt  }
0x54: {  	_ =	shalt  }
0x55: {  	_ =	shalt  }
0x56: {  	_ =	shalt  }
0x57: {  	_ =	shalt  }
0x58: {  	_ =	shalt  }
0x59: {  	_ =	shalt  }
0x5a: {  	_ =	shalt  }
0x5b: {  	_ =	shalt  }
0x5c: {  	_ =	shalt  }
0x5d: {  	_ =	shalt  }
0x5e: {  	_ =	shalt  }
0x5f: {  	_ =	shalt  }
0x60: {  	_ =	shalt  }
0x61: {  	_ =	shalt  }
0x62: {  	_ =	shalt  }
0x63: {  	_ =	shalt  }
0x64: {  	_ =	shalt  }
0x65: {  	_ =	shalt  }
0x66: {  	_ =	shalt  }
0x67: {  	_ =	shalt  }
0x68: {  	_ =	shalt  }
0x69: {  	_ =	shalt  }
0x6a: {  	_ =	shalt  }
0x6b: {  	_ =	shalt  }
0x6c: {  	_ =	shalt  }
0x6d: {  	_ =	shalt  }
0x6e: {  	_ =	shalt  }
0x6f: {  	_ =	shalt  }
0x70: {  	_ =	shalt  }
0x71: {  	_ =	shalt  }
0x72: {  	_ =	shalt  }
0x73: {  	_ =	shalt  }
0x74: {  	_ =	shalt  }
0x75: {  	_ =	shalt  }
0x76: {  	_ =	shalt  }
0x77: {  	_ =	shalt  }
0x78: {  	_ =	shalt  }
0x79: {  	_ =	shalt  }
0x7a: {  	_ =	shalt  }
0x7b: {  	_ =	shalt  }
0x7c: {  	_ =	shalt  }
0x7d: {  	_ =	shalt  }
0x7e: {  	_ =	shalt  }
0x7f: {  	_ =	shalt  }
0x80: {  	_ =	shalt  }
0x81: {  	_ =	shalt  }
0x82: {  	_ =	shalt  }
0x83: {  	_ =	shalt  }
0x84: {  	_ =	shalt  }
0x85: {  	_ =	shalt  }
0x86: {  	_ =	shalt  }
0x87: {  	_ =	shalt  }
.Lfunc_end0:
.L_simem_size_0:
called_computation_lowered:
.L_overlay_start_0:
0x88: {  	s2 =	sld [smem:$0x3FD9]  }
0x89: {  	s3 =	sld [smem:$0x3FFE];
	_ =	sdelay $0x1  }
0x8a: {  	s1 =	srdreg.scid  }
0x8b: {  	s0 =	sand.u32 $0x1, s1  }
0x8c: {  	s16 =	sshll.u32 s0, $0xA;
	s2 =	sadd.s32 s3, s2  }
0x8d: {  	s2 =	sadd.s32 s2, s16  }
0x8e: {  	[smem:$0x3FB4] =	sst s2  }
0x8f: {  	_ = 	snop  }
0x90: {  	(tm) =	ssettm $0x1  }
0x91: {  	s17 =	sld [smem:$0x3FFB];
	_ =	sdelay $0x3  }
0x92: {  	_ =	strace s17  }
0x93: {  	s2 =	sld [smem:$0x3FFC];
	_ =	sdelay $0x3  }
0x94: {  	_ =	strace s2  }
0x95: {  	s2 =	sld [smem:$0x3FFD];
	_ =	sdelay $0x3  }
0x96: {  	_ =	strace s2  }
0x97: {  	_ =	strace $0x8FFFFFFF  }
0x98: {  	s18 =	sld [smem:$0x3FDB];
	_ =	sdelay $0x1  }
0x99: {  	s19 =	simm.s32 $_scs_section_size  }
0x9a: {  	s4 =	simm.s32 $_size__tile_overlayer_lowered;
	s5 =	simm.s32 $_tile_overlayer_lowered  }
0x9b: {  	s22 =	simm.s32 $0x1BFF;
	s21 =	sshll.u32 s5, $0x1;
	s2 =	sadd.s32 s19, s18  }
0x9c: {  	s6 =	simm.s32 $0x0;
	s20 =	sshll.u32 s4, $0x1;
	s4 =	sadd.s32 s21, s2  }
0x9d: {  	[timem:s6], [sflag:s22] =	dma.local [hbm:s4], s20  }
0x9e: {  	_ =	swait.ge [sflag:s22], s20  }
0x9f: {  	s3 =	ssub.s32 $0x0, s20;
	[sflag:s22] =	ssyncset.done $0x0  }
0xa0: {  	[sflag:s22] =	ssyncadd.s32 s3;
	_ =	sdelay $0x1  }
0xa1: {  	s23 =	simm.s32 $0x1B8B  }
0xa2: {  	_ =	swait.ge [sflag:s23], $0x1  }
0xa3: {  	[sflag:s23] =	ssyncset.done $0x0  }
0xa4: {  	s25 =	simm.s32 $0x1B8E;
	s24 =	sld [smem:$0x3FFE];
	[sflag:s23] =	ssyncadd.s32 $0xFFFFFFFF  }
0xa5: {  	s26 =	simm.s32 $execute0_lowered;
	[smem:$0x3FD2] =	sst s25  }
0xa6: {  	s4 =	sshll.u32 s26, $0x1;
	_ =	strace $0x80000046;
	[dreg:$0x1] =	wrdreg $0xFFFFFFFF  }
0xa7: {  	s28 =	simm.s32 $_size_execute0_lowered;
	s2 =	sadd.s32 s2, s4;
	[dreg:$0x0] =	wrdreg $0x0  }
0xa8: {  	s4 =	sshll.u32 s28, $0x1;
	[dreg:$0x2] =	wrdreg s2  }
0xa9: {  	[dreg:$0x3] =	wrdreg s4  }
0xaa: {  	[dreg:$0x4] =	wrdreg $0xC0  }
0xab: {  	_ =	task [dreg:s6], $0x5FFFF  }
0xac: {  	[dreg:$0x1] =	wrdreg $0xFFFFFFFF  }
0xad: {  	[dreg:$0x0] =	wrdreg $0x60  }
0xae: {  	[dreg:$0x2] =	wrdreg s24  }
0xaf: {  	[dreg:$0x3] =	wrdreg $0xA4800  }
0xb0: {  	[dreg:$0x4] =	wrdreg $0x9  }
0xb1: {  	_ =	task.clear_ibuf [dreg:s6], $0x5FFFF;
	_ =	strace $0x90000046  }
0xb2: {  	s29 =	simm.s32 $0x9;
	_ =	strace $0x80000048  }
0xb3: {  	_ =	swait.ge [sflag:s29], $0x1  }
0xb4: {  	[sflag:s29] =	ssyncadd.s32 $0xFFFFFFFF  }
0xb5: {  	_ =	strace $0x90000048  }
0xb6: {  	_ =	sfence  }
0xb7: {  	s30 =	sld [smem:$0x0];
	_ =	sdelay $0x2  }
0xb8: {  	s31 =	sshll.u32 s1, $0xD;
	s1 =	sshrl.u32 s1, $0x2  }
0xb9: {  	s3 =	sand.u32 $0x4000, s31;
	s1 =	sadd.s32 s1, s30  }
0xba: {  	s0 =	sor.u32 s3, s0;
	s1 =	sshll.u32 s1, $0x11  }
0xbb: {  	s0 =	sor.u32 s1, s0  }
0xbc: {  	s0 =	sadd.s32 $0x8F2B, s0  }
0xbd: {  	[sflag:s0] =	ssyncadd.remote.s32 $0x1  }
0xbe: {  	_ =	sfence.sel $0xFFFF  }
0xbf: {  	[dreg:$0x0] =	wrdreg $0xFFFFFFFF;
	(pc) =	sbr.abs _section_cstart, $3  }
0xc0: {  	[dreg:$0x1] =	wrdreg $0xFFFFFFFF  }
0xc1: {  	_ =	task.clear_ibuf [dreg:s6], $0x2FFFF;
	_ =	strace $0x9FFFFFFF  }
0xc2: {  	(tm) =	ssettm $0x7FFFFFFF  }
0xc3: {  	_ =	shalt  }
tec
execute0_lowered:
.L_overlay_start_1:
0x0: {  	(tag) =	ssettag $0x1  }
0x1: {  	s0 =	srdreg.scid  }
0x2: {  	s21 =	sand.u32 $0x1, s0  }
0x3: {  	s11 =	rddreg [dreg:$0x0];
	s3 =	smul.u32 $0x2800, s21  }
0x4: {  	s1 =	rddreg [dreg:$0x1];
	s2 =	simm.s32 $0x0  }
0x5: {  	s0 =	rddreg [dreg:$0x2];
	s15 =	sadd.s32 s3, s11;
	s3 =	stileid.u32  }
0x6: {  	[smem:$0x7FF] =	sst s2;
	s7 =	smul.u32 $0x50000, s3  }
0x7: {  	s4 =	sadd.s32 $0xBC00, s11;
	s6 =	ssub.s32 $0x2, s21;
	s9 =	smul.u32 $0x7D000, s3  }
0x8: {  	s5 =	sadd.s32 $0xE400, s11;
	s8 =	sshrl.u32 s6, $0x1;
	s12 =	smul.u32 $0x3E8, s3  }
0x9: {  	_ =	strace $0x80000047;
	s6 =	ssub.s32 s6, s8;
	s13 =	smul.u32 $0x3E80, s3  }
0xa: {  	p0 =	seq.s32 s21, $0x0;
	s6 =	smax.u32 s6, $0x1;
	s23 =	smul.u32 $0x280, s3  }
0xb: {  	s31 =	sshll.u32 s3, $0x6;
	s7 =	sshrl.u32 s7, $0x2;
	s24 =	sshrl.u32 s9, $0x2  }
0xc: {  	s25 =	sadd.s32 $0xC8, s12;
	s10 =	sadd.s32 $0x190, s12;
	s16 =	sadd.s32 $0x258, s12  }
0xd: {  	s12 =	sadd.s32 $0x320, s12;
	s30 =	sadd.s32 s23, s15;
	s22 =	sadd.s32 s7, s1  }
0xe: {  	s7 =	sadd.s32 s24, s1;
	s26 =	sshll.u32 s25, $0x7;
	s14 =	sshll.u32 s10, $0x7  }
0xf: {  	s17 =	sshll.u32 s25, $0x4;
	s28 =	sshll.u32 s16, $0x7;
	s18 =	sshll.u32 s10, $0x4  }
0x10: {  	s16 =	sshll.u32 s16, $0x4;
	s19 =	sshll.u32 s12, $0x7;
	s29 =	sshll.u32 s12, $0x4  }
0x11: {  	s8 =	sadd.s32 s26, s1;
	s9 =	sadd.s32 s14, s1;
	s14 =	simm.s32 $0xEC00  }
0x12: {  	s10 =	sadd.s32 s28, s1;
	s14 =	simm.s32 @!p0 $0x35E00;
	p0 =	sgt.u32 s3, $0x9  }
0x13: {  	s20 =	sadd.s32 s14, s11;
	s11 =	sadd.s32 s19, s1;
	s19 =	simm.s32 $0x1  }
0x14: {  	p1 =	seq.s32 @!p0 s21, $0x0;
	s21 =	sshrl.u32 s22, $0x3;
	s22 =	simm.s32 $0x0  }
0x15: {  	s12 =	sadd.s32 s20, s13;
	s13 =	sadd.s32 s20, s17;
	s14 =	sadd.s32 s20, s18  }
0x16: {  	s15 =	sadd.s32 s20, s16;
	s16 =	sadd.s32 s20, s29;
	s17 =	sadd.s32 $0x6C00, s30  }
0x17: {  	s18 =	simm.s32 $0x80;
	s20 =	sor.u32 $0x1C01, s31;
	p1 =	por !p1, p0  }
.LBB2_1:
0x18: {  	[tilespmem:s18], [sflag:$0x1] =	stream.linear.gather [hbm4b:s5+s2], $0x4000, $0x38;
	[tilespmem:$0xCBA0] =	vst v63  }
0x19: {  	_ =	swait.ge [sflag:s19], $0x4000  }
0x1a: {  	[sflag:s19] =	ssyncset.done $0x0  }
0x1b: {  	[sflag:s19] =	ssyncadd.s32 $0xFFFFC000  }
0x1c: {  	[spmem:s21], [sflag:s20] =	dma.local [hbm:s4], $0x2800  }
0x1d: {  	_ =	swait.ge [sflag:s19], $0x2800  }
0x1e: {  	[sflag:s19] =	ssyncset.done $0x0  }
0x1f: {  	[sflag:s19] =	ssyncadd.s32 $0xFFFFD800  }
0x20: {  	s23 =	sadd.s32 $0x0, s17;
	[bflag:$0x0] =	sbarrier.arrive $0xFFFF  }
0x21: {  	[tilespmem:s2], [sflag:$0x1] =	stream.linear.gather [hbm4b:s23+s2], $0x80, $0x38;
	[tilespmem:$0xCBA0] =	vst v63  }
0x22: {  	_ =	swait.ge [sflag:s19], $0x80  }
0x23: {  	[sflag:s19] =	ssyncset.done $0x0  }
0x24: {  	[sflag:s19] =	ssyncadd.s32 $0xFFFFFF80  }
0x25: {  	[spmem:s1] =	stream.indirect.scatter.add.f32 [tilespmem:s18], [sflag:$0x1], $0x10, s2, s18, $0xb8;
	[tilespmem:$0xCBA0] =	vst v63  }
0x26: {  	_ =	swait.ge [sflag:s19], $0x800  }
0x27: {  	s24 =	simm.s32 $0x20;
	s23 =	simm.s32 $0x10;
	[sflag:s19] =	ssyncset.done $0x0  }
.LBB2_2:
0x28: {  	s25 =	sadd.s32 s23, s17  }
0x29: {  	[sflag:s19] =	ssyncadd.s32 $0xFFFFF800;
	s23 =	smov.u32 s24;
	s26 =	sadd.s32 $0x10, s24  }
0x2a: {  	[tilespmem:s2], [sflag:$0x1] =	stream.linear.gather [hbm4b:s25+s2], $0x80, $0x38;
	[tilespmem:$0xCBA0] =	vst v63  }
0x2b: {  	p2 =	sne.s32 s24, $0x270;
	_ =	swait.ge [sflag:s19], $0x80  }
.Ltmp0:
0x2c: {  	[sflag:s19] =	ssyncset.done $0x0;
	(pc) =	sbr.rel @p2 .LBB2_2-.Ltmp0, $4  }
0x2d: {  	[sflag:s19] =	ssyncadd.s32 $0xFFFFFF80  }
0x2e: {  	[spmem:s1] =	stream.indirect.scatter.add.f32 [tilespmem:s18], [sflag:$0x1], $0x10, s2, s18, $0xb8;
	[tilespmem:$0xCBA0] =	vst v63  }
0x2f: {  	_ =	swait.ge [sflag:s19], $0x800  }
0x30: {  	s24 =	smov.u32 s26;
	[sflag:s19] =	ssyncset.done $0x0  }
0x31: {  	s23 =	sadd.s32 s23, s17;
	[sflag:s19] =	ssyncadd.s32 $0xFFFFF800  }
0x32: {  	[tilespmem:s2], [sflag:$0x1] =	stream.linear.gather [hbm4b:s23+s2], $0x80, $0x38;
	[tilespmem:$0xCBA0] =	vst v63  }
0x33: {  	_ =	swait.ge [sflag:s19], $0x80  }
0x34: {  	[sflag:s19] =	ssyncset.done $0x0  }
0x35: {  	[sflag:s19] =	ssyncadd.s32 $0xFFFFFF80  }
0x36: {  	[spmem:s1] =	stream.indirect.scatter.add.f32 [tilespmem:s18], [sflag:$0x1], $0x10, s2, s18, $0xb8;
	[tilespmem:$0xCBA0] =	vst v63  }
0x37: {  	_ =	swait.ge [sflag:s19], $0x800  }
0x38: {  	[sflag:s19] =	ssyncset.done $0x0  }
0x39: {  	[sflag:s19] =	ssyncadd.s32 $0xFFFFF800  }
0x3a: {  	s24 =	simm.s32 @!p0 $0x2;
	s23 =	simm.s32 @!p0 $0x4080;
	[bflag:$0x0] =	sbarrier.arrive $0xFFFF  }
0x3b: {  	[tilespmem:s23], [sflag:$0x2] =	stream.linear.gather @!p0 [spmem:s7], $0x6400, $0x38;
	[tilespmem:$0xCBA0] =	vst v63  }
0x3c: {  	_ =	swait.ge @!p0 [sflag:s24], $0x6400  }
0x3d: {  	s25 =	simm.s32 @!p0 $0x2;
	[sflag:s24] =	ssyncset.done @!p0 $0x0  }
0x3e: {  	s26 =	simm.s32 @!p0 $0x0;
	s25 =	simm.s32 @p1 $0x1;
	[sflag:s24] =	ssyncadd.s32 @!p0 $0xFFFF9C00  }
0x3f: {  	[hbm4b:s12+s26] =	stream.linear.scatter @!p0 [tilespmem:s23], [sflag:s25], $0x6400, $0x38;
	[tilespmem:$0xCBA0] =	vst v63  }
0x40: {  	_ =	swait.ge @!p0 [sflag:s25], $0x6400  }
0x41: {  	[sflag:s25] =	ssyncset.done @!p0 $0x0  }
0x42: {  	[sflag:s25] =	ssyncadd.s32 @!p0 $0xFFFF9C00  }
0x43: {  	[tilespmem:s23], [sflag:$0x2] =	stream.linear.gather @!p0 [spmem:s8], $0x6400, $0x38;
	[tilespmem:$0xCBA0] =	vst v63  }
0x44: {  	_ =	swait.ge @!p0 [sflag:s24], $0x6400  }
0x45: {  	[sflag:s24] =	ssyncset.done @!p0 $0x0  }
0x46: {  	[sflag:s24] =	ssyncadd.s32 @!p0 $0xFFFF9C00  }
0x47: {  	[hbm4b:s13+s26] =	stream.linear.scatter @!p0 [tilespmem:s23], [sflag:s25], $0x6400, $0x38;
	[tilespmem:$0xCBA0] =	vst v63  }
0x48: {  	_ =	swait.ge @!p0 [sflag:s25], $0x6400  }
0x49: {  	[sflag:s25] =	ssyncset.done @!p0 $0x0  }
0x4a: {  	[sflag:s25] =	ssyncadd.s32 @!p0 $0xFFFF9C00  }
0x4b: {  	[tilespmem:s23], [sflag:$0x2] =	stream.linear.gather @!p0 [spmem:s9], $0x6400, $0x38;
	[tilespmem:$0xCBA0] =	vst v63  }
0x4c: {  	_ =	swait.ge @!p0 [sflag:s24], $0x6400  }
0x4d: {  	[sflag:s24] =	ssyncset.done @!p0 $0x0  }
0x4e: {  	[sflag:s24] =	ssyncadd.s32 @!p0 $0xFFFF9C00  }
0x4f: {  	[hbm4b:s14+s26] =	stream.linear.scatter @!p0 [tilespmem:s23], [sflag:s25], $0x6400, $0x38;
	[tilespmem:$0xCBA0] =	vst v63  }
0x50: {  	_ =	swait.ge @!p0 [sflag:s25], $0x6400  }
0x51: {  	[sflag:s25] =	ssyncset.done @!p0 $0x0  }
0x52: {  	[sflag:s25] =	ssyncadd.s32 @!p0 $0xFFFF9C00  }
0x53: {  	[tilespmem:s23], [sflag:$0x2] =	stream.linear.gather @!p0 [spmem:s10], $0x6400, $0x38;
	[tilespmem:$0xCBA0] =	vst v63  }
0x54: {  	_ =	swait.ge @!p0 [sflag:s24], $0x6400  }
0x55: {  	[sflag:s24] =	ssyncset.done @!p0 $0x0  }
0x56: {  	[sflag:s24] =	ssyncadd.s32 @!p0 $0xFFFF9C00  }
0x57: {  	[hbm4b:s15+s26] =	stream.linear.scatter @!p0 [tilespmem:s23], [sflag:s25], $0x6400, $0x38;
	[tilespmem:$0xCBA0] =	vst v63  }
0x58: {  	_ =	swait.ge @!p0 [sflag:s25], $0x6400  }
0x59: {  	[sflag:s25] =	ssyncset.done @!p0 $0x0  }
0x5a: {  	[sflag:s25] =	ssyncadd.s32 @!p0 $0xFFFF9C00  }
0x5b: {  	[tilespmem:s23], [sflag:$0x2] =	stream.linear.gather @!p0 [spmem:s11], $0x6400, $0x38;
	[tilespmem:$0xCBA0] =	vst v63  }
0x5c: {  	s22 =	sadd.s32 $0x1, s22;
	_ =	swait.ge @!p0 [sflag:s24], $0x6400  }
0x5d: {  	p2 =	sne.s32 s22, s6;
	[sflag:s24] =	ssyncset.done @!p0 $0x0  }
.Ltmp1:
0x5e: {  	[sflag:s24] =	ssyncadd.s32 @!p0 $0xFFFF9C00;
	(pc) =	sbr.rel @p2 .LBB2_1-.Ltmp1, $4  }
0x5f: {  	[hbm4b:s16+s26] =	stream.linear.scatter @!p0 [tilespmem:s23], [sflag:s25], $0x6400, $0x38;
	[tilespmem:$0xCBA0] =	vst v63  }
0x60: {  	_ =	swait.ge @!p0 [sflag:s25], $0x6400  }
0x61: {  	[sflag:s25] =	ssyncset.done @!p0 $0x0  }
0x62: {  	[sflag:s25] =	ssyncadd.s32 @!p0 $0xFFFF9C00  }
0x63: {  	_ =	sfence.sel $0x180000  }
0x64: {  	[bflag:$0x0] =	sbarrier.arrive $0xFFFF  }
0x65: {  	p0 =	sne.s32 s3, $0x0;
	_ =	strace $0x90000047  }
0x66: {  	s0 =	sadd.s32 @!p0 $0x100000, s0;
	[bflag:$0x2] =	sbarrier.arrive $0xFFFF  }
0x67: {  	[sflag:s0] =	ssyncadd.tile.s32 @!p0 $0x1;
	_ =	shalt  }
.Lfunc_end2:
_tile_overlayer_lowered:
.L_overlay_start_2:
0x68: {  	(tag) =	ssettag $0x2  }
0x69: {  	s0 =	rddreg [dreg:$0x0];
	s2 =	stileid.u32  }
0x6a: {  	s1 =	rddreg [dreg:$0x1];
	p0 =	sne.s32 s2, $0x0  }
0x6b: {  	s3 =	rddreg [dreg:$0x2];
	[bflag:$0x3] =	sbarrier.arrive $0xFFFF;
	s2 =	simm.s32 @!p0 $0x1C01  }
0x6c: {  	[timem:s3], [sflag:s2] =	dma.local @!p0 [hbm:s0], s1  }
0x6d: {  	s0 =	simm.s32 @!p0 $0x1  }
0x6e: {  	_ =	swait.ge @!p0 [sflag:s0], s1  }
0x6f: {  	s1 =	ssub.s32 @!p0 $0x0, s1;
	[sflag:s0] =	ssyncset.done @!p0 $0x0  }
0x70: {  	[sflag:s0] =	ssyncadd.s32 @!p0 s1  }
0x71: {  	[bflag:$0x3] =	sbarrier.arrive $0xFFFF  }
0x72: {  	_ =	shalt  }

// kernel: kernel.14.cloned.1.call-start
scs
__scs_entry_jumppad:
0x0: {  	(pc) =	sbr.rel $0x88, $3  }
0x1: {  	(tag) =	ssettag $0x0;
	lr =	simm.s32 $0x1  }
0x2: {  	[smem:$0x3F8D] =	sst lr;
	_ =	strace $0xD0000000  }
0x3: {  	_ = 	snop  }
0x4: {  	_ = 	snop  }
0x5: {  	_ = 	snop  }
0x6: {  	_ = 	snop  }
0x7: {  	_ = 	snop  }
__scs_overlays_trampoline_lowered:
0x8: {  	[smem:$0x3F9C] =	sst s0  }
0x9: {  	[smem:$0x3F9D] =	sst s1  }
0xa: {  	[smem:$0x3F9E] =	sst s2  }
0xb: {  	[smem:$0x3F9F] =	sst s3  }
0xc: {  	[smem:$0x3FA0] =	sst s4  }
0xd: {  	[smem:$0x3FA1] =	sst s5  }
0xe: {  	[smem:$0x3FA2] =	sst s6  }
0xf: {  	[smem:$0x3FA3] =	sst s7  }
0x10: {  	[smem:$0x3FA4] =	sst s8  }
0x11: {  	[smem:$0x3FA5] =	sst s9;
	s0 =	simm.s32 @!p0 $0x0  }
0x12: {  	s1 =	sld [smem:$0x3F8B];
	s0 =	simm.s32 @p0 $0x1  }
0x13: {  	[smem:$0x3FA6] =	sst s0;
	s0 =	simm.s32 @!p1 $0x0  }
0x14: {  	s2 =	sld [smem:$0x3F8A];
	s0 =	simm.s32 @p1 $0x1  }
0x15: {  	[smem:$0x3FA7] =	sst s0;
	s0 =	simm.s32 @!p2 $0x0  }
0x16: {  	s3 =	sld [smem:$0x3FDB];
	s0 =	simm.s32 @p2 $0x1  }
0x17: {  	s4 =	simm.s32 $0x1BF5;
	[smem:$0x3FA9] =	sst s0  }
0x18: {  	s0 =	sld [smem:$0x3F8C];
	_ =	swait.ge [sflag:s4], $0x0  }
0x19: {  	s7 =	sld [smem:$0x3F8D]  }
0x1a: {  	s8 =	sadd.s32 $0xFFFFE003, lr  }
0x1b: {  	s9 =	sadd.s32 $0xFFFFFEF7, lr;
	s5 =	simm.s32 $0xFFFFFFFF;
	p2 =	slt.u32 s8, $0xFFFFF086  }
0x1c: {  	p1 =	slt.u32 s9, $0xF7A;
	s5 =	simm.s32 @!p2 $0x0  }
0x1d: {  	s5 =	simm.s32 @p1 $0x1;
	p0 =	seq.s32 s7, s2  }
0x1e: {  	s7 =	smul.u32 @!p0 $0xF7A, s2;
	p2 =	seq.s32 @!p0 s5, $0x0  }
0x1f: {  	s9 =	smul.u32 $0xF7A, s1;
	s8 =	simm.s32 @!p0 $0x1BF5;
	p2 =	por !p2, p0  }
0x20: {  	[sflag:s8] =	ssyncset.s32 @!p0 $0xFFFFF086;
	s6 =	sadd.s32 @!p0 s3, s7;
	s7 =	simm.s32 @!p0 $0x108  }
0x21: {  	s3 =	sadd.s32 s3, s9;
	s6 =	sadd.s32 @!p0 $0x88, s6;
	s7 =	simm.s32 @p2 $0x1082  }
0x22: {  	[simem:s7], [sflag:s8] =	dma.local @!p0 [hbm:s6], $0xF7A  }
0x23: {  	s9 =	sor.u32 $0xD0000000, s2;
	s6 =	simm.s32 $0x108;
	_ =	swait.ge @!p0 [sflag:s8], $0x0  }
0x24: {  	s3 =	sadd.s32 $0x88, s3;
	s6 =	simm.s32 @!p1 $0x1082;
	[sflag:s4] =	ssyncset.s32 $0xFFFFF086  }
0x25: {  	[simem:s6], [sflag:s4] =	dma.local [hbm:s3], $0xF7A  }
0x26: {  	[smem:$0x3F8D] =	sst s1;
	(tag) =	ssettag s2;
	_ =	strace s9  }
0x27: {  	s1 =	sld [smem:$0x3F9D]  }
0x28: {  	s2 =	sld [smem:$0x3F9E]  }
0x29: {  	s4 =	sld [smem:$0x3FA0]  }
0x2a: {  	p0 =	seq.s32 s5, $0x0;
	s5 =	sld [smem:$0x3FA1]  }
0x2b: {  	s6 =	sld [smem:$0x3FA2]  }
0x2c: {  	s7 =	sld [smem:$0x3FA3]  }
0x2d: {  	s3 =	simm.s32 $0x108;
	s8 =	sld [smem:$0x3FA4]  }
0x2e: {  	s3 =	simm.s32 @!p0 $0x1082;
	s9 =	sld [smem:$0x3FA5]  }
0x2f: {  	lr =	sadd.s32 s0, s3;
	s0 =	sld [smem:$0x3F9C]  }
0x30: {  	s3 =	sld [smem:$0x3F9F]  }
0x31: {  	[smem:$0x3FA8] =	sst s10  }
0x32: {  	s10 =	sld [smem:$0x3FA6];
	_ =	sdelay $0x3  }
0x33: {  	p0 =	seq.s32 s10, $0x1;
	s10 =	sld [smem:$0x3FA8];
	_ =	sdelay $0x3  }
0x34: {  	[smem:$0x3FA8] =	sst s10  }
0x35: {  	s10 =	sld [smem:$0x3FA7];
	_ =	sdelay $0x3  }
0x36: {  	p1 =	seq.s32 s10, $0x1;
	s10 =	sld [smem:$0x3FA8];
	_ =	sdelay $0x3  }
0x37: {  	[smem:$0x3FA8] =	sst s10  }
0x38: {  	s10 =	sld [smem:$0x3FA9]  }
0x39: {  	_ = 	snop;
	(pc) =	sbr.ind lr, $3  }
0x3a: {  	_ = 	snop  }
0x3b: {  	_ = 	snop  }
0x3c: {  	p2 =	seq.s32 s10, $0x1;
	s10 =	sld [smem:$0x3FA8]  }
0x3d: {  	_ =	shalt  }
0x3e: {  	_ =	shalt  }
0x3f: {  	_ =	shalt  }
0x40: {  	_ =	shalt  }
0x41: {  	_ =	shalt  }
0x42: {  	_ =	shalt  }
0x43: {  	_ =	shalt  }
0x44: {  	_ =	shalt  }
0x45: {  	_ =	shalt  }
0x46: {  	_ =	shalt  }
0x47: {  	_ =	shalt  }
0x48: {  	_ =	shalt  }
0x49: {  	_ =	shalt  }
0x4a: {  	_ =	shalt  }
0x4b: {  	_ =	shalt  }
0x4c: {  	_ =	shalt  }
0x4d: {  	_ =	shalt  }
0x4e: {  	_ =	shalt  }
0x4f: {  	_ =	shalt  }
0x50: {  	_ =	shalt  }
0x51: {  	_ =	shalt  }
0x52: {  	_ =	shalt  }
0x53: {  	_ =	shalt  }
0x54: {  	_ =	shalt  }
0x55: {  	_ =	shalt  }
0x56: {  	_ =	shalt  }
0x57: {  	_ =	shalt  }
0x58: {  	_ =	shalt  }
0x59: {  	_ =	shalt  }
0x5a: {  	_ =	shalt  }
0x5b: {  	_ =	shalt  }
0x5c: {  	_ =	shalt  }
0x5d: {  	_ =	shalt  }
0x5e: {  	_ =	shalt  }
0x5f: {  	_ =	shalt  }
0x60: {  	_ =	shalt  }
0x61: {  	_ =	shalt  }
0x62: {  	_ =	shalt  }
0x63: {  	_ =	shalt  }
0x64: {  	_ =	shalt  }
0x65: {  	_ =	shalt  }
0x66: {  	_ =	shalt  }
0x67: {  	_ =	shalt  }
0x68: {  	_ =	shalt  }
0x69: {  	_ =	shalt  }
0x6a: {  	_ =	shalt  }
0x6b: {  	_ =	shalt  }
0x6c: {  	_ =	shalt  }
0x6d: {  	_ =	shalt  }
0x6e: {  	_ =	shalt  }
0x6f: {  	_ =	shalt  }
0x70: {  	_ =	shalt  }
0x71: {  	_ =	shalt  }
0x72: {  	_ =	shalt  }
0x73: {  	_ =	shalt  }
0x74: {  	_ =	shalt  }
0x75: {  	_ =	shalt  }
0x76: {  	_ =	shalt  }
0x77: {  	_ =	shalt  }
0x78: {  	_ =	shalt  }
0x79: {  	_ =	shalt  }
0x7a: {  	_ =	shalt  }
0x7b: {  	_ =	shalt  }
0x7c: {  	_ =	shalt  }
0x7d: {  	_ =	shalt  }
0x7e: {  	_ =	shalt  }
0x7f: {  	_ =	shalt  }
0x80: {  	_ =	shalt  }
0x81: {  	_ =	shalt  }
0x82: {  	_ =	shalt  }
0x83: {  	_ =	shalt  }
0x84: {  	_ =	shalt  }
0x85: {  	_ =	shalt  }
0x86: {  	_ =	shalt  }
0x87: {  	_ =	shalt  }
.Lfunc_end0:
.L_simem_size_0:
called_computation.1_lowered:
.L_overlay_start_0:
0x88: {  	s2 =	sld [smem:$0x3FD9]  }
0x89: {  	s3 =	sld [smem:$0x3FFE];
	_ =	sdelay $0x1  }
0x8a: {  	s1 =	srdreg.scid  }
0x8b: {  	s0 =	sand.u32 $0x1, s1  }
0x8c: {  	s16 =	sshll.u32 s0, $0xA;
	s2 =	sadd.s32 s3, s2  }
0x8d: {  	s2 =	sadd.s32 s2, s16  }
0x8e: {  	[smem:$0x3FB4] =	sst s2  }
0x8f: {  	_ = 	snop  }
0x90: {  	(tm) =	ssettm $0x1  }
0x91: {  	s17 =	sld [smem:$0x3FFB];
	_ =	sdelay $0x3  }
0x92: {  	_ =	strace s17  }
0x93: {  	s2 =	sld [smem:$0x3FFC];
	_ =	sdelay $0x3  }
0x94: {  	_ =	strace s2  }
0x95: {  	s2 =	sld [smem:$0x3FFD];
	_ =	sdelay $0x3  }
0x96: {  	_ =	strace s2  }
0x97: {  	_ =	strace $0x8FFFFFFF  }
0x98: {  	s18 =	sld [smem:$0x3FDB];
	_ =	sdelay $0x1  }
0x99: {  	s19 =	simm.s32 $_scs_section_size  }
0x9a: {  	s4 =	simm.s32 $_size__tile_overlayer_lowered;
	s5 =	simm.s32 $_tile_overlayer_lowered  }
0x9b: {  	s22 =	simm.s32 $0x1BFF;
	s21 =	sshll.u32 s5, $0x1;
	s2 =	sadd.s32 s19, s18  }
0x9c: {  	s6 =	simm.s32 $0x0;
	s20 =	sshll.u32 s4, $0x1;
	s4 =	sadd.s32 s21, s2  }
0x9d: {  	[timem:s6], [sflag:s22] =	dma.local [hbm:s4], s20  }
0x9e: {  	_ =	swait.ge [sflag:s22], s20  }
0x9f: {  	s3 =	ssub.s32 $0x0, s20;
	[sflag:s22] =	ssyncset.done $0x0  }
0xa0: {  	[sflag:s22] =	ssyncadd.s32 s3;
	_ =	sdelay $0x1  }
0xa1: {  	s23 =	simm.s32 $0x1B8B  }
0xa2: {  	_ =	swait.ge [sflag:s23], $0x1  }
0xa3: {  	[sflag:s23] =	ssyncset.done $0x0  }
0xa4: {  	s25 =	simm.s32 $0x1B8E;
	s24 =	sld [smem:$0x3FFE];
	[sflag:s23] =	ssyncadd.s32 $0xFFFFFFFF  }
0xa5: {  	s26 =	simm.s32 $execute0_lowered;
	[smem:$0x3FD2] =	sst s25  }
0xa6: {  	s4 =	sshll.u32 s26, $0x1;
	_ =	strace $0x80000049;
	[dreg:$0x1] =	wrdreg $0xFFFFFFFF  }
0xa7: {  	s28 =	simm.s32 $_size_execute0_lowered;
	s2 =	sadd.s32 s2, s4;
	[dreg:$0x0] =	wrdreg $0x0  }
0xa8: {  	s4 =	sshll.u32 s28, $0x1;
	[dreg:$0x2] =	wrdreg s2  }
0xa9: {  	[dreg:$0x3] =	wrdreg s4  }
0xaa: {  	[dreg:$0x4] =	wrdreg $0xC0  }
0xab: {  	_ =	task [dreg:s6], $0x5FFFF  }
0xac: {  	[dreg:$0x1] =	wrdreg $0xFFFFFFFF  }
0xad: {  	[dreg:$0x0] =	wrdreg $0x60  }
0xae: {  	[dreg:$0x2] =	wrdreg s24  }
0xaf: {  	[dreg:$0x3] =	wrdreg $0x82000  }
0xb0: {  	[dreg:$0x4] =	wrdreg $0x9  }
0xb1: {  	_ =	task.clear_ibuf [dreg:s6], $0x5FFFF;
	_ =	strace $0x90000049  }
0xb2: {  	s29 =	simm.s32 $0x9;
	_ =	strace $0x8000004B  }
0xb3: {  	_ =	swait.ge [sflag:s29], $0x1  }
0xb4: {  	[sflag:s29] =	ssyncadd.s32 $0xFFFFFFFF  }
0xb5: {  	_ =	strace $0x9000004B  }
0xb6: {  	_ =	sfence  }
0xb7: {  	s30 =	sld [smem:$0x0];
	_ =	sdelay $0x2  }
0xb8: {  	s31 =	sshll.u32 s1, $0xD;
	s1 =	sshrl.u32 s1, $0x2  }
0xb9: {  	s3 =	sand.u32 $0x4000, s31;
	s1 =	sadd.s32 s1, s30  }
0xba: {  	s0 =	sor.u32 s3, s0;
	s1 =	sshll.u32 s1, $0x11  }
0xbb: {  	s0 =	sor.u32 s1, s0  }
0xbc: {  	s0 =	sadd.s32 $0x8F2B, s0  }
0xbd: {  	[sflag:s0] =	ssyncadd.remote.s32 $0x1  }
0xbe: {  	_ =	sfence.sel $0xFFFF  }
0xbf: {  	[dreg:$0x0] =	wrdreg $0xFFFFFFFF;
	(pc) =	sbr.abs _section_cstart, $3  }
0xc0: {  	[dreg:$0x1] =	wrdreg $0xFFFFFFFF  }
0xc1: {  	_ =	task.clear_ibuf [dreg:s6], $0x2FFFF;
	_ =	strace $0x9FFFFFFF  }
0xc2: {  	(tm) =	ssettm $0x7FFFFFFF  }
0xc3: {  	_ =	shalt  }
tec
execute0_lowered:
.L_overlay_start_1:
0x0: {  	(tag) =	ssettag $0x1  }
0x1: {  	s4 =	rddreg [dreg:$0x0];
	s0 =	simm.s32 $0x0;
	s1 =	srdreg.scid  }
0x2: {  	s20 =	stileid.u32;
	[smem:$0x7FF] =	sst s0;
	s5 =	sadd.s32 $0x5D000, s4  }
0x3: {  	s6 =	sadd.s32 $0x6C00, s4;
	s7 =	sadd.s32 $0xBC00, s4;
	s3 =	smul.u32 $0x2800, s20  }
0x4: {  	s8 =	sand.u32 $0x1, s1;
	s2 =	sadd.s32 $0x32E00, s4;
	s12 =	smul.u32 $0x3E8, s20  }
0x5: {  	s9 =	sadd.s32 $0x89200, s4;
	s10 =	sadd.s32 $0xB0400, s4;
	s28 =	smul.u32 $0x50000, s20  }
0x6: {  	s18 =	smul.u32 $0x3E80, s20;
	p1 =	sgt.u32 s20, $0x9;
	s1 =	ssub.s32 $0x2, s8  }
0x7: {  	p0 =	seq.s32 s8, $0x0;
	s11 =	sshrl.u32 s1, $0x1;
	s21 =	sadd.s32 $0x80, s12  }
0x8: {  	s22 =	sadd.s32 $0x100, s12;
	s23 =	sadd.s32 $0x180, s12;
	s24 =	sadd.s32 $0x200, s12  }
0x9: {  	s25 =	sadd.s32 $0x280, s12;
	s26 =	sadd.s32 $0x300, s12;
	s10 =	smov.u32 @p0 s9  }
0xa: {  	s12 =	sadd.s32 $0x380, s12;
	s2 =	smov.u32 @p0 s7;
	p0 =	seq.s32 s20, $0xF  }
0xb: {  	s1 =	ssub.s32 s1, s11;
	s11 =	sshrl.u32 s3, $0x3;
	s13 =	sshll.u32 s21, $0x4  }
0xc: {  	s14 =	sshll.u32 s22, $0x4;
	s15 =	sshll.u32 s23, $0x4;
	s8 =	sadd.s32 s10, s18  }
0xd: {  	s16 =	sshll.u32 s24, $0x4;
	[dreg:$0x3] =	wrdreg s8;
	s13 =	sadd.s32 s10, s13  }
0xe: {  	s17 =	sshll.u32 s25, $0x4;
	s14 =	sadd.s32 s10, s14;
	[dreg:$0x4] =	wrdreg s13  }
0xf: {  	s19 =	sshll.u32 s26, $0x4;
	s15 =	sadd.s32 s10, s15;
	[dreg:$0x5] =	wrdreg s14  }
0x10: {  	s7 =	sshll.u32 s12, $0x4;
	s16 =	sadd.s32 s10, s16;
	[dreg:$0x6] =	wrdreg s15  }
0x11: {  	s3 =	sadd.s32 s5, s11;
	s18 =	sadd.s32 s10, s17;
	[dreg:$0x7] =	wrdreg s16  }
0x12: {  	s19 =	sadd.s32 s10, s19;
	s7 =	sadd.s32 s10, s7;
	[dreg:$0x8] =	wrdreg s18  }
0x13: {  	s9 =	sor.u32 $0x10, s11;
	s10 =	smul.u32 $0x500, s20;
	[dreg:$0x9] =	wrdreg s19  }
0x14: {  	s29 =	smax.u32 s1, $0x1;
	s1 =	simm.s32 $0x4;
	[dreg:$0xa] =	wrdreg s7  }
0x15: {  	s13 =	sadd.s32 s6, s11;
	s14 =	rddreg [dreg:$0x1];
	s15 =	sadd.s32 s5, s9  }
0x16: {  	s16 =	sadd.s32 s6, s9;
	s11 =	smul.u32 $0x7D000, s20;
	s19 =	sadd.s32 $0x5A000, s4  }
0x17: {  	s9 =	sshll.u32 s21, $0x7;
	s7 =	simm.s32 $0x200;
	s20 =	simm.s32 $0x0  }
0x18: {  	s17 =	sadd.s32 s10, s6;
	s18 =	sadd.s32 s10, s5;
	_ =	strace $0x8000004A  }
0x19: {  	s6 =	sshrl.u32 s28, $0x2;
	s10 =	sshll.u32 s22, $0x7;
	s22 =	sshll.u32 s24, $0x7  }
0x1a: {  	s24 =	sshll.u32 s26, $0x7;
	s8 =	sshrl.u32 s11, $0x2;
	s4 =	sadd.s32 s6, s14  }
0x1b: {  	s11 =	sshll.u32 s23, $0x7;
	s23 =	sshll.u32 s25, $0x7;
	s26 =	sadd.s32 s24, s14  }
0x1c: {  	s25 =	sshll.u32 s12, $0x7;
	s12 =	simm.s32 $0x100;
	s6 =	simm.s32 $0x1  }
0x1d: {  	s5 =	sadd.s32 s8, s14;
	s21 =	sadd.s32 s11, s14;
	s28 =	sadd.s32 s25, s14  }
0x1e: {  	s31 =	sshrl.u32 @!p0 s4, $0x3;
	s25 =	stileid.u32;
	[dreg:$0xb] =	wrdreg s5  }
0x1f: {  	s4 =	simm.s32 $0x80;
	s5 =	sadd.s32 s9, s14;
	[dreg:$0xe] =	wrdreg s21  }
.Ltmp0:
0x20: {  	[dreg:$0xc] =	wrdreg s5;
	s5 =	sadd.s32 s10, s14;
	(pc) =	sbr.rel .LBB2_1-.Ltmp0, $4  }
0x21: {  	s8 =	simm.s32 $0x2;
	[dreg:$0xd] =	wrdreg s5;
	s5 =	sadd.s32 s22, s14  }
0x22: {  	s11 =	simm.s32 $0x5;
	[dreg:$0xf] =	wrdreg s5;
	s5 =	sadd.s32 s23, s14  }
0x23: {  	s9 =	simm.s32 $0x4200;
	[dreg:$0x10] =	wrdreg s5;
	s5 =	sadd.s32 $0x12C000, s14  }
0x24: {  	s10 =	simm.s32 $0x3;
	s30 =	sshrl.u32 @p0 s5, $0x3;
	s5 =	simm.s32 $0x180  }
.LBB2_6:
0x25: {  	s20 =	sadd.s32 $0x1, s20  }
0x26: {  	p2 =	sne.s32 s20, s29  }
.Ltmp1:
0x27: {  	_ = 	snop;
	(pc) =	sbr.rel @!p2 .LBB2_7-.Ltmp1, $1  }
0x28: {  	_ =	sdelay $0x3  }
.LBB2_1:
0x29: {  	s21 =	simm.s32 @p0 $0x1FC5  }
0x2a: {  	[spmem:s30], [sflag:s21] =	dma.local @p0 [hbm:s19], $0x1A00  }
0x2b: {  	s21 =	simm.s32 @p0 $0x5  }
0x2c: {  	_ =	swait.ge @p0 [sflag:s21], $0x1A00  }
0x2d: {  	s22 =	sshll.u32 @!p0 s25, $0x6;
	[sflag:s21] =	ssyncset.done @p0 $0x0  }
0x2e: {  	[sflag:s21] =	ssyncadd.s32 @p0 $0xFFFFE600;
	s21 =	sor.u32 @!p0 $0x1C05, s22  }
0x2f: {  	[spmem:s31], [sflag:s21] =	dma.local @!p0 [hbm:s19], $0x2800  }
0x30: {  	s21 =	simm.s32 @!p0 $0x5  }
0x31: {  	_ =	swait.ge @!p0 [sflag:s21], $0x2800  }
0x32: {  	[sflag:s21] =	ssyncset.done @!p0 $0x0  }
0x33: {  	[sflag:s21] =	ssyncadd.s32 @!p0 $0xFFFFD800  }
0x34: {  	[bflag:$0x0] =	sbarrier.arrive $0xFFFF  }
0x35: {  	[tilespmem:s0], [sflag:$0x1] =	stream.linear.gather [hbm4b:s3+s0], $0x80, $0x38;
	[tilespmem:$0x1BB00] =	vst v63  }
0x36: {  	_ = 	snop  }
0x37: {  	[tilespmem:s12], [sflag:$0x1] =	stream.linear.gather [hbm4b:s13+s0], $0x80, $0x38;
	[tilespmem:$0x1BB00] =	vst v63  }
0x38: {  	_ = 	snop  }
0x39: {  	[tilespmem:s4], [sflag:$0x2] =	stream.linear.gather [hbm4b:s15+s0], $0x80, $0x38;
	[tilespmem:$0x1BB00] =	vst v63  }
0x3a: {  	_ = 	snop  }
0x3b: {  	[tilespmem:s5], [sflag:$0x2] =	stream.linear.gather [hbm4b:s16+s0], $0x80, $0x38;
	[tilespmem:$0x1BB00] =	vst v63  }
0x3c: {  	_ =	swait.ge [sflag:s6], $0x80  }
0x3d: {  	[sflag:s6] =	ssyncset.done $0x0  }
0x3e: {  	[sflag:s6] =	ssyncadd.s32 $0xFFFFFF80  }
0x3f: {  	_ =	swait.ge [sflag:s6], $0x80  }
0x40: {  	[sflag:s6] =	ssyncset.done $0x0  }
0x41: {  	s21 =	simm.s32 $0xFFFFFB20;
	[sflag:s6] =	ssyncadd.s32 $0xFFFFFF80  }
0x42: {  	[tilespmem:s7], [sflag:$0x3] =	stream.indirect.gather [hbm4b:s2+s4], $0x80, s0, s4, $0xb8;
	[tilespmem:$0x1BB00] =	vst v63  }
.LBB2_2:
0x43: {  	_ =	swait.ge [sflag:s8], $0x80  }
0x44: {  	[sflag:s8] =	ssyncset.done $0x0  }
0x45: {  	[sflag:s8] =	ssyncadd.s32 $0xFFFFFF80  }
0x46: {  	_ =	swait.ge [sflag:s8], $0x80  }
0x47: {  	[sflag:s8] =	ssyncset.done $0x0  }
0x48: {  	[sflag:s8] =	ssyncadd.s32 $0xFFFFFF80  }
0x49: {  	[tilespmem:s9], [sflag:$0x4] =	stream.indirect.gather [hbm4b:s2+s4], $0x80, s4, s4, $0xb8;
	[tilespmem:$0x1BB00] =	vst v63  }
0x4a: {  	_ =	swait.ge [sflag:s10], $0x4000  }
0x4b: {  	p2 =	seq.s32 s21, $0x0;
	[sflag:s10] =	ssyncset.done $0x0  }
.Ltmp2:
0x4c: {  	[sflag:s10] =	ssyncadd.s32 $0xFFFFC000;
	(pc) =	sbr.rel @p2 .LBB2_4-.Ltmp2, $4  }
0x4d: {  	[spmem:s14] =	stream.indirect.scatter.add.f32 [tilespmem:s7], [sflag:$0x5], $0x80, s12, s4, $0xb8;
	[tilespmem:$0x1BB00] =	vst v63  }
0x4e: {  	_ =	swait.ge [sflag:s11], $0x4000  }
0x4f: {  	[sflag:s11] =	ssyncset.done $0x0  }
0x50: {  	[sflag:s11] =	ssyncadd.s32 $0xFFFFC000  }
0x51: {  	s22 =	sadd.s32 s21, s18  }
0x52: {  	s23 =	sadd.s32 $0x500, s22  }
0x53: {  	[tilespmem:s0], [sflag:$0x1] =	stream.linear.gather [hbm4b:s23+s0], $0x80, $0x38;
	[tilespmem:$0x1BB00] =	vst v63  }
0x54: {  	s23 =	sadd.s32 s21, s17  }
0x55: {  	s24 =	sadd.s32 $0x500, s23  }
0x56: {  	[tilespmem:s12], [sflag:$0x1] =	stream.linear.gather [hbm4b:s24+s0], $0x80, $0x38;
	[tilespmem:$0x1BB00] =	vst v63  }
0x57: {  	_ =	swait.ge [sflag:s6], $0x80  }
0x58: {  	[sflag:s6] =	ssyncset.done $0x0  }
0x59: {  	[sflag:s6] =	ssyncadd.s32 $0xFFFFFF80  }
0x5a: {  	_ =	swait.ge [sflag:s6], $0x80  }
0x5b: {  	[sflag:s6] =	ssyncset.done $0x0  }
0x5c: {  	[sflag:s6] =	ssyncadd.s32 $0xFFFFFF80  }
0x5d: {  	[tilespmem:s7], [sflag:$0x3] =	stream.indirect.gather [hbm4b:s2+s4], $0x80, s0, s4, $0xb8;
	[tilespmem:$0x1BB00] =	vst v63  }
0x5e: {  	_ =	swait.ge [sflag:s1], $0x4000  }
0x5f: {  	[sflag:s1] =	ssyncset.done $0x0  }
0x60: {  	[sflag:s1] =	ssyncadd.s32 $0xFFFFC000  }
0x61: {  	[spmem:s14] =	stream.indirect.scatter.add.f32 [tilespmem:s9], [sflag:$0x5], $0x80, s5, s4, $0xb8;
	[tilespmem:$0x1BB00] =	vst v63  }
0x62: {  	_ =	swait.ge [sflag:s11], $0x4000  }
.Ltmp3:
0x63: {  	[sflag:s11] =	ssyncset.done $0x0;
	(pc) =	sbr.rel .LBB2_2-.Ltmp3, $4  }
0x64: {  	s22 =	sadd.s32 $0x510, s22;
	[sflag:s11] =	ssyncadd.s32 $0xFFFFC000  }
0x65: {  	[tilespmem:s4], [sflag:$0x2] =	stream.linear.gather [hbm4b:s22+s0], $0x80, $0x38;
	[tilespmem:$0x1BB00] =	vst v63  }
0x66: {  	s21 =	sadd.s32 $0x20, s21;
	s24 =	sadd.s32 $0x510, s23  }
0x67: {  	[tilespmem:s5], [sflag:$0x2] =	stream.linear.gather [hbm4b:s24+s0], $0x80, $0x38;
	[tilespmem:$0x1BB00] =	vst v63  }
.LBB2_4:
0x68: {  	_ =	swait.ge [sflag:s1], $0x4000  }
0x69: {  	[sflag:s1] =	ssyncset.done $0x0  }
0x6a: {  	[sflag:s1] =	ssyncadd.s32 $0xFFFFC000  }
0x6b: {  	[spmem:s14] =	stream.indirect.scatter.add.f32 [tilespmem:s9], [sflag:$0x5], $0x80, s5, s4, $0xb8;
	[tilespmem:$0x1BB00] =	vst v63  }
.Ltmp4:
0x6c: {  	_ =	swait.ge [sflag:s11], $0x4000;
	(pc) =	sbr.rel @p1 .LBB2_6-.Ltmp4, $3  }
0x6d: {  	[sflag:s11] =	ssyncset.done $0x0  }
0x6e: {  	[sflag:s11] =	ssyncadd.s32 $0xFFFFC000  }
0x6f: {  	[bflag:$0x0] =	sbarrier.arrive $0xFFFF;
	_ =	sdelay $0x1  }
0x70: {  	s21 =	rddreg [dreg:$0xb]  }
0x71: {  	[tilespmem:s7], [sflag:$0x5] =	stream.linear.gather [spmem:s21], $0x4000, $0x38;
	[tilespmem:$0x1BB00] =	vst v63  }
0x72: {  	_ =	swait.ge [sflag:s11], $0x4000  }
0x73: {  	[sflag:s11] =	ssyncset.done $0x0  }
0x74: {  	s24 =	rddreg [dreg:$0x3];
	[sflag:s11] =	ssyncadd.s32 $0xFFFFC000  }
0x75: {  	[hbm4b:s24+s0] =	stream.linear.scatter [tilespmem:s7], [sflag:$0x5], $0x4000, $0x38;
	[tilespmem:$0x1BB00] =	vst v63  }
0x76: {  	_ =	swait.ge [sflag:s11], $0x4000  }
0x77: {  	[sflag:s11] =	ssyncset.done $0x0  }
0x78: {  	s22 =	rddreg [dreg:$0xc];
	[sflag:s11] =	ssyncadd.s32 $0xFFFFC000  }
0x79: {  	[tilespmem:s7], [sflag:$0x5] =	stream.linear.gather [spmem:s22], $0x4000, $0x38;
	[tilespmem:$0x1BB00] =	vst v63  }
0x7a: {  	_ =	swait.ge [sflag:s11], $0x4000  }
0x7b: {  	[sflag:s11] =	ssyncset.done $0x0  }
0x7c: {  	s23 =	rddreg [dreg:$0x4];
	[sflag:s11] =	ssyncadd.s32 $0xFFFFC000  }
0x7d: {  	[hbm4b:s23+s0] =	stream.linear.scatter [tilespmem:s7], [sflag:$0x5], $0x4000, $0x38;
	[tilespmem:$0x1BB00] =	vst v63  }
0x7e: {  	_ =	swait.ge [sflag:s11], $0x4000  }
0x7f: {  	[sflag:s11] =	ssyncset.done $0x0  }
0x80: {  	s24 =	rddreg [dreg:$0xd];
	[sflag:s11] =	ssyncadd.s32 $0xFFFFC000  }
0x81: {  	[tilespmem:s7], [sflag:$0x5] =	stream.linear.gather [spmem:s24], $0x4000, $0x38;
	[tilespmem:$0x1BB00] =	vst v63  }
0x82: {  	_ =	swait.ge [sflag:s11], $0x4000  }
0x83: {  	[sflag:s11] =	ssyncset.done $0x0  }
0x84: {  	s22 =	rddreg [dreg:$0x5];
	[sflag:s11] =	ssyncadd.s32 $0xFFFFC000  }
0x85: {  	[hbm4b:s22+s0] =	stream.linear.scatter [tilespmem:s7], [sflag:$0x5], $0x4000, $0x38;
	[tilespmem:$0x1BB00] =	vst v63  }
0x86: {  	_ =	swait.ge [sflag:s11], $0x4000  }
0x87: {  	[sflag:s11] =	ssyncset.done $0x0  }
0x88: {  	s23 =	rddreg [dreg:$0xe];
	[sflag:s11] =	ssyncadd.s32 $0xFFFFC000  }
0x89: {  	[tilespmem:s7], [sflag:$0x5] =	stream.linear.gather [spmem:s23], $0x4000, $0x38;
	[tilespmem:$0x1BB00] =	vst v63  }
0x8a: {  	_ =	swait.ge [sflag:s11], $0x4000  }
0x8b: {  	[sflag:s11] =	ssyncset.done $0x0  }
0x8c: {  	s24 =	rddreg [dreg:$0x6];
	[sflag:s11] =	ssyncadd.s32 $0xFFFFC000  }
0x8d: {  	[hbm4b:s24+s0] =	stream.linear.scatter [tilespmem:s7], [sflag:$0x5], $0x4000, $0x38;
	[tilespmem:$0x1BB00] =	vst v63  }
0x8e: {  	_ =	swait.ge [sflag:s11], $0x4000  }
0x8f: {  	[sflag:s11] =	ssyncset.done $0x0  }
0x90: {  	s22 =	rddreg [dreg:$0xf];
	[sflag:s11] =	ssyncadd.s32 $0xFFFFC000  }
0x91: {  	[tilespmem:s7], [sflag:$0x5] =	stream.linear.gather [spmem:s22], $0x4000, $0x38;
	[tilespmem:$0x1BB00] =	vst v63  }
0x92: {  	_ =	swait.ge [sflag:s11], $0x4000  }
0x93: {  	[sflag:s11] =	ssyncset.done $0x0  }
0x94: {  	s23 =	rddreg [dreg:$0x7];
	[sflag:s11] =	ssyncadd.s32 $0xFFFFC000  }
0x95: {  	[hbm4b:s23+s0] =	stream.linear.scatter [tilespmem:s7], [sflag:$0x5], $0x4000, $0x38;
	[tilespmem:$0x1BB00] =	vst v63  }
0x96: {  	_ =	swait.ge [sflag:s11], $0x4000  }
0x97: {  	[sflag:s11] =	ssyncset.done $0x0  }
0x98: {  	s24 =	rddreg [dreg:$0x10];
	[sflag:s11] =	ssyncadd.s32 $0xFFFFC000  }
0x99: {  	[tilespmem:s7], [sflag:$0x5] =	stream.linear.gather [spmem:s24], $0x4000, $0x38;
	[tilespmem:$0x1BB00] =	vst v63  }
0x9a: {  	_ =	swait.ge [sflag:s11], $0x4000  }
0x9b: {  	[sflag:s11] =	ssyncset.done $0x0  }
0x9c: {  	s22 =	rddreg [dreg:$0x8];
	[sflag:s11] =	ssyncadd.s32 $0xFFFFC000  }
0x9d: {  	[hbm4b:s22+s0] =	stream.linear.scatter [tilespmem:s7], [sflag:$0x5], $0x4000, $0x38;
	[tilespmem:$0x1BB00] =	vst v63  }
0x9e: {  	_ =	swait.ge [sflag:s11], $0x4000  }
0x9f: {  	[sflag:s11] =	ssyncset.done $0x0  }
0xa0: {  	[sflag:s11] =	ssyncadd.s32 $0xFFFFC000  }
0xa1: {  	[tilespmem:s7], [sflag:$0x5] =	stream.linear.gather [spmem:s26], $0x4000, $0x38;
	[tilespmem:$0x1BB00] =	vst v63  }
0xa2: {  	_ =	swait.ge [sflag:s11], $0x4000  }
0xa3: {  	[sflag:s11] =	ssyncset.done $0x0  }
0xa4: {  	s23 =	rddreg [dreg:$0x9];
	[sflag:s11] =	ssyncadd.s32 $0xFFFFC000  }
0xa5: {  	[hbm4b:s23+s0] =	stream.linear.scatter [tilespmem:s7], [sflag:$0x5], $0x4000, $0x38;
	[tilespmem:$0x1BB00] =	vst v63  }
0xa6: {  	_ =	swait.ge [sflag:s11], $0x4000  }
0xa7: {  	[sflag:s11] =	ssyncset.done $0x0  }
0xa8: {  	[sflag:s11] =	ssyncadd.s32 $0xFFFFC000  }
0xa9: {  	[tilespmem:s7], [sflag:$0x5] =	stream.linear.gather [spmem:s28], $0x3400, $0x38;
	[tilespmem:$0x1BB00] =	vst v63  }
0xaa: {  	_ =	swait.ge [sflag:s11], $0x3400  }
0xab: {  	[sflag:s11] =	ssyncset.done $0x0  }
.Ltmp5:
0xac: {  	s24 =	rddreg [dreg:$0xa];
	[sflag:s11] =	ssyncadd.s32 $0xFFFFCC00;
	(pc) =	sbr.rel .LBB2_6-.Ltmp5, $4  }
0xad: {  	[hbm4b:s24+s0] =	stream.linear.scatter [tilespmem:s7], [sflag:$0x5], $0x3400, $0x38;
	[tilespmem:$0x1BB00] =	vst v63  }
0xae: {  	_ =	swait.ge [sflag:s11], $0x3400  }
0xaf: {  	[sflag:s11] =	ssyncset.done $0x0  }
0xb0: {  	[sflag:s11] =	ssyncadd.s32 $0xFFFFCC00  }
.LBB2_7:
0xb1: {  	_ =	sfence.sel $0x180000  }
0xb2: {  	[bflag:$0x0] =	sbarrier.arrive $0xFFFF  }
0xb3: {  	_ =	strace $0x9000004A  }
0xb4: {  	[bflag:$0x2] =	sbarrier.arrive $0xFFFF  }
0xb5: {  	p0 =	sne.s32 s25, $0x0;
	s0 =	rddreg [dreg:$0x2]  }
0xb6: {  	s0 =	sadd.s32 @!p0 $0x100000, s0  }
0xb7: {  	[sflag:s0] =	ssyncadd.tile.s32 @!p0 $0x1;
	_ =	shalt  }
.Lfunc_end2:
_tile_overlayer_lowered:
.L_overlay_start_2:
0xb8: {  	(tag) =	ssettag $0x2  }
0xb9: {  	s0 =	rddreg [dreg:$0x0];
	s2 =	stileid.u32  }
0xba: {  	s1 =	rddreg [dreg:$0x1];
	p0 =	sne.s32 s2, $0x0  }
0xbb: {  	s3 =	rddreg [dreg:$0x2];
	[bflag:$0x3] =	sbarrier.arrive $0xFFFF;
	s2 =	simm.s32 @!p0 $0x1C05  }
0xbc: {  	[timem:s3], [sflag:s2] =	dma.local @!p0 [hbm:s0], s1  }
0xbd: {  	s0 =	simm.s32 @!p0 $0x5  }
0xbe: {  	_ =	swait.ge @!p0 [sflag:s0], s1  }
0xbf: {  	s1 =	ssub.s32 @!p0 $0x0, s1;
	[sflag:s0] =	ssyncset.done @!p0 $0x0  }
0xc0: {  	[sflag:s0] =	ssyncadd.s32 @!p0 s1  }
0xc1: {  	[bflag:$0x3] =	sbarrier.arrive $0xFFFF  }
0xc2: {  	_ =	shalt  }

// kernel: kernel.17.cloned.1.call-start
scs
__scs_entry_jumppad:
0x0: {  	(pc) =	sbr.rel $0x88, $3  }
0x1: {  	(tag) =	ssettag $0x0;
	lr =	simm.s32 $0x1  }
0x2: {  	[smem:$0x3F8D] =	sst lr;
	_ =	strace $0xD0000000  }
0x3: {  	_ = 	snop  }
0x4: {  	_ = 	snop  }
0x5: {  	_ = 	snop  }
0x6: {  	_ = 	snop  }
0x7: {  	_ = 	snop  }
__scs_overlays_trampoline_lowered:
0x8: {  	[smem:$0x3F9C] =	sst s0  }
0x9: {  	[smem:$0x3F9D] =	sst s1  }
0xa: {  	[smem:$0x3F9E] =	sst s2  }
0xb: {  	[smem:$0x3F9F] =	sst s3  }
0xc: {  	[smem:$0x3FA0] =	sst s4  }
0xd: {  	[smem:$0x3FA1] =	sst s5  }
0xe: {  	[smem:$0x3FA2] =	sst s6  }
0xf: {  	[smem:$0x3FA3] =	sst s7  }
0x10: {  	[smem:$0x3FA4] =	sst s8  }
0x11: {  	[smem:$0x3FA5] =	sst s9;
	s0 =	simm.s32 @!p0 $0x0  }
0x12: {  	s1 =	sld [smem:$0x3F8B];
	s0 =	simm.s32 @p0 $0x1  }
0x13: {  	[smem:$0x3FA6] =	sst s0;
	s0 =	simm.s32 @!p1 $0x0  }
0x14: {  	s2 =	sld [smem:$0x3F8A];
	s0 =	simm.s32 @p1 $0x1  }
0x15: {  	[smem:$0x3FA7] =	sst s0;
	s0 =	simm.s32 @!p2 $0x0  }
0x16: {  	s3 =	sld [smem:$0x3FDB];
	s0 =	simm.s32 @p2 $0x1  }
0x17: {  	s4 =	simm.s32 $0x1BF5;
	[smem:$0x3FA9] =	sst s0  }
0x18: {  	s0 =	sld [smem:$0x3F8C];
	_ =	swait.ge [sflag:s4], $0x0  }
0x19: {  	s7 =	sld [smem:$0x3F8D]  }
0x1a: {  	s8 =	sadd.s32 $0xFFFFE003, lr  }
0x1b: {  	s9 =	sadd.s32 $0xFFFFFEF7, lr;
	s5 =	simm.s32 $0xFFFFFFFF;
	p2 =	slt.u32 s8, $0xFFFFF086  }
0x1c: {  	p1 =	slt.u32 s9, $0xF7A;
	s5 =	simm.s32 @!p2 $0x0  }
0x1d: {  	s5 =	simm.s32 @p1 $0x1;
	p0 =	seq.s32 s7, s2  }
0x1e: {  	s7 =	smul.u32 @!p0 $0xF7A, s2;
	p2 =	seq.s32 @!p0 s5, $0x0  }
0x1f: {  	s9 =	smul.u32 $0xF7A, s1;
	s8 =	simm.s32 @!p0 $0x1BF5;
	p2 =	por !p2, p0  }
0x20: {  	[sflag:s8] =	ssyncset.s32 @!p0 $0xFFFFF086;
	s6 =	sadd.s32 @!p0 s3, s7;
	s7 =	simm.s32 @!p0 $0x108  }
0x21: {  	s3 =	sadd.s32 s3, s9;
	s6 =	sadd.s32 @!p0 $0x88, s6;
	s7 =	simm.s32 @p2 $0x1082  }
0x22: {  	[simem:s7], [sflag:s8] =	dma.local @!p0 [hbm:s6], $0xF7A  }
0x23: {  	s9 =	sor.u32 $0xD0000000, s2;
	s6 =	simm.s32 $0x108;
	_ =	swait.ge @!p0 [sflag:s8], $0x0  }
0x24: {  	s3 =	sadd.s32 $0x88, s3;
	s6 =	simm.s32 @!p1 $0x1082;
	[sflag:s4] =	ssyncset.s32 $0xFFFFF086  }
0x25: {  	[simem:s6], [sflag:s4] =	dma.local [hbm:s3], $0xF7A  }
0x26: {  	[smem:$0x3F8D] =	sst s1;
	(tag) =	ssettag s2;
	_ =	strace s9  }
0x27: {  	s1 =	sld [smem:$0x3F9D]  }
0x28: {  	s2 =	sld [smem:$0x3F9E]  }
0x29: {  	s4 =	sld [smem:$0x3FA0]  }
0x2a: {  	p0 =	seq.s32 s5, $0x0;
	s5 =	sld [smem:$0x3FA1]  }
0x2b: {  	s6 =	sld [smem:$0x3FA2]  }
0x2c: {  	s7 =	sld [smem:$0x3FA3]  }
0x2d: {  	s3 =	simm.s32 $0x108;
	s8 =	sld [smem:$0x3FA4]  }
0x2e: {  	s3 =	simm.s32 @!p0 $0x1082;
	s9 =	sld [smem:$0x3FA5]  }
0x2f: {  	lr =	sadd.s32 s0, s3;
	s0 =	sld [smem:$0x3F9C]  }
0x30: {  	s3 =	sld [smem:$0x3F9F]  }
0x31: {  	[smem:$0x3FA8] =	sst s10  }
0x32: {  	s10 =	sld [smem:$0x3FA6];
	_ =	sdelay $0x3  }
0x33: {  	p0 =	seq.s32 s10, $0x1;
	s10 =	sld [smem:$0x3FA8];
	_ =	sdelay $0x3  }
0x34: {  	[smem:$0x3FA8] =	sst s10  }
0x35: {  	s10 =	sld [smem:$0x3FA7];
	_ =	sdelay $0x3  }
0x36: {  	p1 =	seq.s32 s10, $0x1;
	s10 =	sld [smem:$0x3FA8];
	_ =	sdelay $0x3  }
0x37: {  	[smem:$0x3FA8] =	sst s10  }
0x38: {  	s10 =	sld [smem:$0x3FA9]  }
0x39: {  	_ = 	snop;
	(pc) =	sbr.ind lr, $3  }
0x3a: {  	_ = 	snop  }
0x3b: {  	_ = 	snop  }
0x3c: {  	p2 =	seq.s32 s10, $0x1;
	s10 =	sld [smem:$0x3FA8]  }
0x3d: {  	_ =	shalt  }
0x3e: {  	_ =	shalt  }
0x3f: {  	_ =	shalt  }
0x40: {  	_ =	shalt  }
0x41: {  	_ =	shalt  }
0x42: {  	_ =	shalt  }
0x43: {  	_ =	shalt  }
0x44: {  	_ =	shalt  }
0x45: {  	_ =	shalt  }
0x46: {  	_ =	shalt  }
0x47: {  	_ =	shalt  }
0x48: {  	_ =	shalt  }
0x49: {  	_ =	shalt  }
0x4a: {  	_ =	shalt  }
0x4b: {  	_ =	shalt  }
0x4c: {  	_ =	shalt  }
0x4d: {  	_ =	shalt  }
0x4e: {  	_ =	shalt  }
0x4f: {  	_ =	shalt  }
0x50: {  	_ =	shalt  }
0x51: {  	_ =	shalt  }
0x52: {  	_ =	shalt  }
0x53: {  	_ =	shalt  }
0x54: {  	_ =	shalt  }
0x55: {  	_ =	shalt  }
0x56: {  	_ =	shalt  }
0x57: {  	_ =	shalt  }
0x58: {  	_ =	shalt  }
0x59: {  	_ =	shalt  }
0x5a: {  	_ =	shalt  }
0x5b: {  	_ =	shalt  }
0x5c: {  	_ =	shalt  }
0x5d: {  	_ =	shalt  }
0x5e: {  	_ =	shalt  }
0x5f: {  	_ =	shalt  }
0x60: {  	_ =	shalt  }
0x61: {  	_ =	shalt  }
0x62: {  	_ =	shalt  }
0x63: {  	_ =	shalt  }
0x64: {  	_ =	shalt  }
0x65: {  	_ =	shalt  }
0x66: {  	_ =	shalt  }
0x67: {  	_ =	shalt  }
0x68: {  	_ =	shalt  }
0x69: {  	_ =	shalt  }
0x6a: {  	_ =	shalt  }
0x6b: {  	_ =	shalt  }
0x6c: {  	_ =	shalt  }
0x6d: {  	_ =	shalt  }
0x6e: {  	_ =	shalt  }
0x6f: {  	_ =	shalt  }
0x70: {  	_ =	shalt  }
0x71: {  	_ =	shalt  }
0x72: {  	_ =	shalt  }
0x73: {  	_ =	shalt  }
0x74: {  	_ =	shalt  }
0x75: {  	_ =	shalt  }
0x76: {  	_ =	shalt  }
0x77: {  	_ =	shalt  }
0x78: {  	_ =	shalt  }
0x79: {  	_ =	shalt  }
0x7a: {  	_ =	shalt  }
0x7b: {  	_ =	shalt  }
0x7c: {  	_ =	shalt  }
0x7d: {  	_ =	shalt  }
0x7e: {  	_ =	shalt  }
0x7f: {  	_ =	shalt  }
0x80: {  	_ =	shalt  }
0x81: {  	_ =	shalt  }
0x82: {  	_ =	shalt  }
0x83: {  	_ =	shalt  }
0x84: {  	_ =	shalt  }
0x85: {  	_ =	shalt  }
0x86: {  	_ =	shalt  }
0x87: {  	_ =	shalt  }
.Lfunc_end0:
.L_simem_size_0:
called_computation.2_lowered:
.L_overlay_start_0:
0x88: {  	s2 =	sld [smem:$0x3FD9]  }
0x89: {  	s3 =	sld [smem:$0x3FFE];
	_ =	sdelay $0x1  }
0x8a: {  	s1 =	srdreg.scid  }
0x8b: {  	s0 =	sand.u32 $0x1, s1  }
0x8c: {  	s16 =	sshll.u32 s0, $0xA;
	s2 =	sadd.s32 s3, s2  }
0x8d: {  	s2 =	sadd.s32 s2, s16  }
0x8e: {  	[smem:$0x3FB4] =	sst s2  }
0x8f: {  	_ = 	snop  }
0x90: {  	(tm) =	ssettm $0x1  }
0x91: {  	s17 =	sld [smem:$0x3FFB];
	_ =	sdelay $0x3  }
0x92: {  	_ =	strace s17  }
0x93: {  	s2 =	sld [smem:$0x3FFC];
	_ =	sdelay $0x3  }
0x94: {  	_ =	strace s2  }
0x95: {  	s2 =	sld [smem:$0x3FFD];
	_ =	sdelay $0x3  }
0x96: {  	_ =	strace s2  }
0x97: {  	_ =	strace $0x8FFFFFFF  }
0x98: {  	s18 =	sld [smem:$0x3FDB];
	_ =	sdelay $0x1  }
0x99: {  	s19 =	simm.s32 $_scs_section_size  }
0x9a: {  	s4 =	simm.s32 $_size__tile_overlayer_lowered;
	s5 =	simm.s32 $_tile_overlayer_lowered  }
0x9b: {  	s22 =	simm.s32 $0x1BFF;
	s21 =	sshll.u32 s5, $0x1;
	s2 =	sadd.s32 s19, s18  }
0x9c: {  	s6 =	simm.s32 $0x0;
	s20 =	sshll.u32 s4, $0x1;
	s4 =	sadd.s32 s21, s2  }
0x9d: {  	[timem:s6], [sflag:s22] =	dma.local [hbm:s4], s20  }
0x9e: {  	_ =	swait.ge [sflag:s22], s20  }
0x9f: {  	s3 =	ssub.s32 $0x0, s20;
	[sflag:s22] =	ssyncset.done $0x0  }
0xa0: {  	[sflag:s22] =	ssyncadd.s32 s3;
	_ =	sdelay $0x1  }
0xa1: {  	s23 =	simm.s32 $0x1B8B  }
0xa2: {  	_ =	swait.ge [sflag:s23], $0x1  }
0xa3: {  	[sflag:s23] =	ssyncset.done $0x0  }
0xa4: {  	s25 =	simm.s32 $0x1B8E;
	s24 =	sld [smem:$0x3FFE];
	[sflag:s23] =	ssyncadd.s32 $0xFFFFFFFF  }
0xa5: {  	s26 =	simm.s32 $execute0_lowered;
	[smem:$0x3FD2] =	sst s25  }
0xa6: {  	s4 =	sshll.u32 s26, $0x1;
	_ =	strace $0x8000004C;
	[dreg:$0x1] =	wrdreg $0xFFFFFFFF  }
0xa7: {  	s28 =	simm.s32 $_size_execute0_lowered;
	s2 =	sadd.s32 s2, s4;
	[dreg:$0x0] =	wrdreg $0x0  }
0xa8: {  	s4 =	sshll.u32 s28, $0x1;
	[dreg:$0x2] =	wrdreg s2  }
0xa9: {  	[dreg:$0x3] =	wrdreg s4  }
0xaa: {  	[dreg:$0x4] =	wrdreg $0xC0  }
0xab: {  	_ =	task [dreg:s6], $0x5FFFF  }
0xac: {  	[dreg:$0x1] =	wrdreg $0xFFFFFFFF  }
0xad: {  	[dreg:$0x0] =	wrdreg $0x60  }
0xae: {  	[dreg:$0x2] =	wrdreg s24  }
0xaf: {  	[dreg:$0x3] =	wrdreg $0x82000  }
0xb0: {  	[dreg:$0x4] =	wrdreg $0x9  }
0xb1: {  	_ =	task.clear_ibuf [dreg:s6], $0x5FFFF;
	_ =	strace $0x9000004C  }
0xb2: {  	s29 =	simm.s32 $0x9;
	_ =	strace $0x8000004E  }
0xb3: {  	_ =	swait.ge [sflag:s29], $0x1  }
0xb4: {  	[sflag:s29] =	ssyncadd.s32 $0xFFFFFFFF  }
0xb5: {  	_ =	strace $0x9000004E  }
0xb6: {  	_ =	sfence  }
0xb7: {  	s30 =	sld [smem:$0x0];
	_ =	sdelay $0x2  }
0xb8: {  	s31 =	sshll.u32 s1, $0xD;
	s1 =	sshrl.u32 s1, $0x2  }
0xb9: {  	s3 =	sand.u32 $0x4000, s31;
	s1 =	sadd.s32 s1, s30  }
0xba: {  	s0 =	sor.u32 s3, s0;
	s1 =	sshll.u32 s1, $0x11  }
0xbb: {  	s0 =	sor.u32 s1, s0  }
0xbc: {  	s0 =	sadd.s32 $0x8F2B, s0  }
0xbd: {  	[sflag:s0] =	ssyncadd.remote.s32 $0x1  }
0xbe: {  	_ =	sfence.sel $0xFFFF  }
0xbf: {  	[dreg:$0x0] =	wrdreg $0xFFFFFFFF;
	(pc) =	sbr.abs _section_cstart, $3  }
0xc0: {  	[dreg:$0x1] =	wrdreg $0xFFFFFFFF  }
0xc1: {  	_ =	task.clear_ibuf [dreg:s6], $0x2FFFF;
	_ =	strace $0x9FFFFFFF  }
0xc2: {  	(tm) =	ssettm $0x7FFFFFFF  }
0xc3: {  	_ =	shalt  }
tec
execute0_lowered:
.L_overlay_start_1:
0x0: {  	(tag) =	ssettag $0x1  }
0x1: {  	s4 =	rddreg [dreg:$0x0];
	s0 =	simm.s32 $0x0;
	s1 =	srdreg.scid  }
0x2: {  	s20 =	stileid.u32;
	[smem:$0x7FF] =	sst s0;
	s5 =	sadd.s32 $0x5D000, s4  }
0x3: {  	s6 =	sadd.s32 $0x6C00, s4;
	s7 =	sadd.s32 $0xBC00, s4;
	s3 =	smul.u32 $0x2800, s20  }
0x4: {  	s8 =	sand.u32 $0x1, s1;
	s2 =	sadd.s32 $0x32E00, s4;
	s12 =	smul.u32 $0x3E8, s20  }
0x5: {  	s9 =	sadd.s32 $0x89200, s4;
	s10 =	sadd.s32 $0xB0400, s4;
	s28 =	smul.u32 $0x50000, s20  }
0x6: {  	s18 =	smul.u32 $0x3E80, s20;
	p1 =	sgt.u32 s20, $0x9;
	s1 =	ssub.s32 $0x2, s8  }
0x7: {  	p0 =	seq.s32 s8, $0x0;
	s11 =	sshrl.u32 s1, $0x1;
	s21 =	sadd.s32 $0x80, s12  }
0x8: {  	s22 =	sadd.s32 $0x100, s12;
	s23 =	sadd.s32 $0x180, s12;
	s24 =	sadd.s32 $0x200, s12  }
0x9: {  	s25 =	sadd.s32 $0x280, s12;
	s26 =	sadd.s32 $0x300, s12;
	s10 =	smov.u32 @p0 s9  }
0xa: {  	s12 =	sadd.s32 $0x380, s12;
	s2 =	smov.u32 @p0 s7;
	p0 =	seq.s32 s20, $0xF  }
0xb: {  	s1 =	ssub.s32 s1, s11;
	s11 =	sshrl.u32 s3, $0x3;
	s13 =	sshll.u32 s21, $0x4  }
0xc: {  	s14 =	sshll.u32 s22, $0x4;
	s15 =	sshll.u32 s23, $0x4;
	s8 =	sadd.s32 s10, s18  }
0xd: {  	s16 =	sshll.u32 s24, $0x4;
	[dreg:$0x3] =	wrdreg s8;
	s13 =	sadd.s32 s10, s13  }
0xe: {  	s17 =	sshll.u32 s25, $0x4;
	s14 =	sadd.s32 s10, s14;
	[dreg:$0x4] =	wrdreg s13  }
0xf: {  	s19 =	sshll.u32 s26, $0x4;
	s15 =	sadd.s32 s10, s15;
	[dreg:$0x5] =	wrdreg s14  }
0x10: {  	s7 =	sshll.u32 s12, $0x4;
	s16 =	sadd.s32 s10, s16;
	[dreg:$0x6] =	wrdreg s15  }
0x11: {  	s3 =	sadd.s32 s5, s11;
	s18 =	sadd.s32 s10, s17;
	[dreg:$0x7] =	wrdreg s16  }
0x12: {  	s19 =	sadd.s32 s10, s19;
	s7 =	sadd.s32 s10, s7;
	[dreg:$0x8] =	wrdreg s18  }
0x13: {  	s9 =	sor.u32 $0x10, s11;
	s10 =	smul.u32 $0x500, s20;
	[dreg:$0x9] =	wrdreg s19  }
0x14: {  	s29 =	smax.u32 s1, $0x1;
	s1 =	simm.s32 $0x4;
	[dreg:$0xa] =	wrdreg s7  }
0x15: {  	s13 =	sadd.s32 s6, s11;
	s14 =	rddreg [dreg:$0x1];
	s15 =	sadd.s32 s5, s9  }
0x16: {  	s16 =	sadd.s32 s6, s9;
	s11 =	smul.u32 $0x7D000, s20;
	s19 =	sadd.s32 $0x5A000, s4  }
0x17: {  	s9 =	sshll.u32 s21, $0x7;
	s7 =	simm.s32 $0x200;
	s20 =	simm.s32 $0x0  }
0x18: {  	s17 =	sadd.s32 s10, s6;
	s18 =	sadd.s32 s10, s5;
	_ =	strace $0x8000004D  }
0x19: {  	s6 =	sshrl.u32 s28, $0x2;
	s10 =	sshll.u32 s22, $0x7;
	s22 =	sshll.u32 s24, $0x7  }
0x1a: {  	s24 =	sshll.u32 s26, $0x7;
	s8 =	sshrl.u32 s11, $0x2;
	s4 =	sadd.s32 s6, s14  }
0x1b: {  	s11 =	sshll.u32 s23, $0x7;
	s23 =	sshll.u32 s25, $0x7;
	s26 =	sadd.s32 s24, s14  }
0x1c: {  	s25 =	sshll.u32 s12, $0x7;
	s12 =	simm.s32 $0x100;
	s6 =	simm.s32 $0x1  }
0x1d: {  	s5 =	sadd.s32 s8, s14;
	s21 =	sadd.s32 s11, s14;
	s28 =	sadd.s32 s25, s14  }
0x1e: {  	s31 =	sshrl.u32 @!p0 s4, $0x3;
	s25 =	stileid.u32;
	[dreg:$0xb] =	wrdreg s5  }
0x1f: {  	s4 =	simm.s32 $0x80;
	s5 =	sadd.s32 s9, s14;
	[dreg:$0xe] =	wrdreg s21  }
.Ltmp0:
0x20: {  	[dreg:$0xc] =	wrdreg s5;
	s5 =	sadd.s32 s10, s14;
	(pc) =	sbr.rel .LBB2_1-.Ltmp0, $4  }
0x21: {  	s8 =	simm.s32 $0x2;
	[dreg:$0xd] =	wrdreg s5;
	s5 =	sadd.s32 s22, s14  }
0x22: {  	s11 =	simm.s32 $0x5;
	[dreg:$0xf] =	wrdreg s5;
	s5 =	sadd.s32 s23, s14  }
0x23: {  	s9 =	simm.s32 $0x4200;
	[dreg:$0x10] =	wrdreg s5;
	s5 =	sadd.s32 $0x12C000, s14  }
0x24: {  	s10 =	simm.s32 $0x3;
	s30 =	sshrl.u32 @p0 s5, $0x3;
	s5 =	simm.s32 $0x180  }
.LBB2_6:
0x25: {  	s20 =	sadd.s32 $0x1, s20  }
0x26: {  	p2 =	sne.s32 s20, s29  }
.Ltmp1:
0x27: {  	_ = 	snop;
	(pc) =	sbr.rel @!p2 .LBB2_7-.Ltmp1, $1  }
0x28: {  	_ =	sdelay $0x3  }
.LBB2_1:
0x29: {  	s21 =	simm.s32 @p0 $0x1FC5  }
0x2a: {  	[spmem:s30], [sflag:s21] =	dma.local @p0 [hbm:s19], $0x1A00  }
0x2b: {  	s21 =	simm.s32 @p0 $0x5  }
0x2c: {  	_ =	swait.ge @p0 [sflag:s21], $0x1A00  }
0x2d: {  	s22 =	sshll.u32 @!p0 s25, $0x6;
	[sflag:s21] =	ssyncset.done @p0 $0x0  }
0x2e: {  	[sflag:s21] =	ssyncadd.s32 @p0 $0xFFFFE600;
	s21 =	sor.u32 @!p0 $0x1C05, s22  }
0x2f: {  	[spmem:s31], [sflag:s21] =	dma.local @!p0 [hbm:s19], $0x2800  }
0x30: {  	s21 =	simm.s32 @!p0 $0x5  }
0x31: {  	_ =	swait.ge @!p0 [sflag:s21], $0x2800  }
0x32: {  	[sflag:s21] =	ssyncset.done @!p0 $0x0  }
0x33: {  	[sflag:s21] =	ssyncadd.s32 @!p0 $0xFFFFD800  }
0x34: {  	[bflag:$0x0] =	sbarrier.arrive $0xFFFF  }
0x35: {  	[tilespmem:s0], [sflag:$0x1] =	stream.linear.gather [hbm4b:s3+s0], $0x80, $0x38;
	[tilespmem:$0x1BB00] =	vst v63  }
0x36: {  	_ = 	snop  }
0x37: {  	[tilespmem:s12], [sflag:$0x1] =	stream.linear.gather [hbm4b:s13+s0], $0x80, $0x38;
	[tilespmem:$0x1BB00] =	vst v63  }
0x38: {  	_ = 	snop  }
0x39: {  	[tilespmem:s4], [sflag:$0x2] =	stream.linear.gather [hbm4b:s15+s0], $0x80, $0x38;
	[tilespmem:$0x1BB00] =	vst v63  }
0x3a: {  	_ = 	snop  }
0x3b: {  	[tilespmem:s5], [sflag:$0x2] =	stream.linear.gather [hbm4b:s16+s0], $0x80, $0x38;
	[tilespmem:$0x1BB00] =	vst v63  }
0x3c: {  	_ =	swait.ge [sflag:s6], $0x80  }
0x3d: {  	[sflag:s6] =	ssyncset.done $0x0  }
0x3e: {  	[sflag:s6] =	ssyncadd.s32 $0xFFFFFF80  }
0x3f: {  	_ =	swait.ge [sflag:s6], $0x80  }
0x40: {  	[sflag:s6] =	ssyncset.done $0x0  }
0x41: {  	s21 =	simm.s32 $0xFFFFFB20;
	[sflag:s6] =	ssyncadd.s32 $0xFFFFFF80  }
0x42: {  	[tilespmem:s7], [sflag:$0x3] =	stream.indirect.gather [hbm4b:s2+s4], $0x80, s0, s4, $0xb8;
	[tilespmem:$0x1BB00] =	vst v63  }
.LBB2_2:
0x43: {  	_ =	swait.ge [sflag:s8], $0x80  }
0x44: {  	[sflag:s8] =	ssyncset.done $0x0  }
0x45: {  	[sflag:s8] =	ssyncadd.s32 $0xFFFFFF80  }
0x46: {  	_ =	swait.ge [sflag:s8], $0x80  }
0x47: {  	[sflag:s8] =	ssyncset.done $0x0  }
0x48: {  	[sflag:s8] =	ssyncadd.s32 $0xFFFFFF80  }
0x49: {  	[tilespmem:s9], [sflag:$0x4] =	stream.indirect.gather [hbm4b:s2+s4], $0x80, s4, s4, $0xb8;
	[tilespmem:$0x1BB00] =	vst v63  }
0x4a: {  	_ =	swait.ge [sflag:s10], $0x4000  }
0x4b: {  	p2 =	seq.s32 s21, $0x0;
	[sflag:s10] =	ssyncset.done $0x0  }
.Ltmp2:
0x4c: {  	[sflag:s10] =	ssyncadd.s32 $0xFFFFC000;
	(pc) =	sbr.rel @p2 .LBB2_4-.Ltmp2, $4  }
0x4d: {  	[spmem:s14] =	stream.indirect.scatter.add.f32 [tilespmem:s7], [sflag:$0x5], $0x80, s12, s4, $0xb8;
	[tilespmem:$0x1BB00] =	vst v63  }
0x4e: {  	_ =	swait.ge [sflag:s11], $0x4000  }
0x4f: {  	[sflag:s11] =	ssyncset.done $0x0  }
0x50: {  	[sflag:s11] =	ssyncadd.s32 $0xFFFFC000  }
0x51: {  	s22 =	sadd.s32 s21, s18  }
0x52: {  	s23 =	sadd.s32 $0x500, s22  }
0x53: {  	[tilespmem:s0], [sflag:$0x1] =	stream.linear.gather [hbm4b:s23+s0], $0x80, $0x38;
	[tilespmem:$0x1BB00] =	vst v63  }
0x54: {  	s23 =	sadd.s32 s21, s17  }
0x55: {  	s24 =	sadd.s32 $0x500, s23  }
0x56: {  	[tilespmem:s12], [sflag:$0x1] =	stream.linear.gather [hbm4b:s24+s0], $0x80, $0x38;
	[tilespmem:$0x1BB00] =	vst v63  }
0x57: {  	_ =	swait.ge [sflag:s6], $0x80  }
0x58: {  	[sflag:s6] =	ssyncset.done $0x0  }
0x59: {  	[sflag:s6] =	ssyncadd.s32 $0xFFFFFF80  }
0x5a: {  	_ =	swait.ge [sflag:s6], $0x80  }
0x5b: {  	[sflag:s6] =	ssyncset.done $0x0  }
0x5c: {  	[sflag:s6] =	ssyncadd.s32 $0xFFFFFF80  }
0x5d: {  	[tilespmem:s7], [sflag:$0x3] =	stream.indirect.gather [hbm4b:s2+s4], $0x80, s0, s4, $0xb8;
	[tilespmem:$0x1BB00] =	vst v63  }
0x5e: {  	_ =	swait.ge [sflag:s1], $0x4000  }
0x5f: {  	[sflag:s1] =	ssyncset.done $0x0  }
0x60: {  	[sflag:s1] =	ssyncadd.s32 $0xFFFFC000  }
0x61: {  	[spmem:s14] =	stream.indirect.scatter.add.f32 [tilespmem:s9], [sflag:$0x5], $0x80, s5, s4, $0xb8;
	[tilespmem:$0x1BB00] =	vst v63  }
0x62: {  	_ =	swait.ge [sflag:s11], $0x4000  }
.Ltmp3:
0x63: {  	[sflag:s11] =	ssyncset.done $0x0;
	(pc) =	sbr.rel .LBB2_2-.Ltmp3, $4  }
0x64: {  	s22 =	sadd.s32 $0x510, s22;
	[sflag:s11] =	ssyncadd.s32 $0xFFFFC000  }
0x65: {  	[tilespmem:s4], [sflag:$0x2] =	stream.linear.gather [hbm4b:s22+s0], $0x80, $0x38;
	[tilespmem:$0x1BB00] =	vst v63  }
0x66: {  	s21 =	sadd.s32 $0x20, s21;
	s24 =	sadd.s32 $0x510, s23  }
0x67: {  	[tilespmem:s5], [sflag:$0x2] =	stream.linear.gather [hbm4b:s24+s0], $0x80, $0x38;
	[tilespmem:$0x1BB00] =	vst v63  }
.LBB2_4:
0x68: {  	_ =	swait.ge [sflag:s1], $0x4000  }
0x69: {  	[sflag:s1] =	ssyncset.done $0x0  }
0x6a: {  	[sflag:s1] =	ssyncadd.s32 $0xFFFFC000  }
0x6b: {  	[spmem:s14] =	stream.indirect.scatter.add.f32 [tilespmem:s9], [sflag:$0x5], $0x80, s5, s4, $0xb8;
	[tilespmem:$0x1BB00] =	vst v63  }
.Ltmp4:
0x6c: {  	_ =	swait.ge [sflag:s11], $0x4000;
	(pc) =	sbr.rel @p1 .LBB2_6-.Ltmp4, $3  }
0x6d: {  	[sflag:s11] =	ssyncset.done $0x0  }
0x6e: {  	[sflag:s11] =	ssyncadd.s32 $0xFFFFC000  }
0x6f: {  	[bflag:$0x0] =	sbarrier.arrive $0xFFFF;
	_ =	sdelay $0x1  }
0x70: {  	s21 =	rddreg [dreg:$0xb]  }
0x71: {  	[tilespmem:s7], [sflag:$0x5] =	stream.linear.gather [spmem:s21], $0x4000, $0x38;
	[tilespmem:$0x1BB00] =	vst v63  }
0x72: {  	_ =	swait.ge [sflag:s11], $0x4000  }
0x73: {  	[sflag:s11] =	ssyncset.done $0x0  }
0x74: {  	s24 =	rddreg [dreg:$0x3];
	[sflag:s11] =	ssyncadd.s32 $0xFFFFC000  }
0x75: {  	[hbm4b:s24+s0] =	stream.linear.scatter [tilespmem:s7], [sflag:$0x5], $0x4000, $0x38;
	[tilespmem:$0x1BB00] =	vst v63  }
0x76: {  	_ =	swait.ge [sflag:s11], $0x4000  }
0x77: {  	[sflag:s11] =	ssyncset.done $0x0  }
0x78: {  	s22 =	rddreg [dreg:$0xc];
	[sflag:s11] =	ssyncadd.s32 $0xFFFFC000  }
0x79: {  	[tilespmem:s7], [sflag:$0x5] =	stream.linear.gather [spmem:s22], $0x4000, $0x38;
	[tilespmem:$0x1BB00] =	vst v63  }
0x7a: {  	_ =	swait.ge [sflag:s11], $0x4000  }
0x7b: {  	[sflag:s11] =	ssyncset.done $0x0  }
0x7c: {  	s23 =	rddreg [dreg:$0x4];
	[sflag:s11] =	ssyncadd.s32 $0xFFFFC000  }
0x7d: {  	[hbm4b:s23+s0] =	stream.linear.scatter [tilespmem:s7], [sflag:$0x5], $0x4000, $0x38;
	[tilespmem:$0x1BB00] =	vst v63  }
0x7e: {  	_ =	swait.ge [sflag:s11], $0x4000  }
0x7f: {  	[sflag:s11] =	ssyncset.done $0x0  }
0x80: {  	s24 =	rddreg [dreg:$0xd];
	[sflag:s11] =	ssyncadd.s32 $0xFFFFC000  }
0x81: {  	[tilespmem:s7], [sflag:$0x5] =	stream.linear.gather [spmem:s24], $0x4000, $0x38;
	[tilespmem:$0x1BB00] =	vst v63  }
0x82: {  	_ =	swait.ge [sflag:s11], $0x4000  }
0x83: {  	[sflag:s11] =	ssyncset.done $0x0  }
0x84: {  	s22 =	rddreg [dreg:$0x5];
	[sflag:s11] =	ssyncadd.s32 $0xFFFFC000  }
0x85: {  	[hbm4b:s22+s0] =	stream.linear.scatter [tilespmem:s7], [sflag:$0x5], $0x4000, $0x38;
	[tilespmem:$0x1BB00] =	vst v63  }
0x86: {  	_ =	swait.ge [sflag:s11], $0x4000  }
0x87: {  	[sflag:s11] =	ssyncset.done $0x0  }
0x88: {  	s23 =	rddreg [dreg:$0xe];
	[sflag:s11] =	ssyncadd.s32 $0xFFFFC000  }
0x89: {  	[tilespmem:s7], [sflag:$0x5] =	stream.linear.gather [spmem:s23], $0x4000, $0x38;
	[tilespmem:$0x1BB00] =	vst v63  }
0x8a: {  	_ =	swait.ge [sflag:s11], $0x4000  }
0x8b: {  	[sflag:s11] =	ssyncset.done $0x0  }
0x8c: {  	s24 =	rddreg [dreg:$0x6];
	[sflag:s11] =	ssyncadd.s32 $0xFFFFC000  }
0x8d: {  	[hbm4b:s24+s0] =	stream.linear.scatter [tilespmem:s7], [sflag:$0x5], $0x4000, $0x38;
	[tilespmem:$0x1BB00] =	vst v63  }
0x8e: {  	_ =	swait.ge [sflag:s11], $0x4000  }
0x8f: {  	[sflag:s11] =	ssyncset.done $0x0  }
0x90: {  	s22 =	rddreg [dreg:$0xf];
	[sflag:s11] =	ssyncadd.s32 $0xFFFFC000  }
0x91: {  	[tilespmem:s7], [sflag:$0x5] =	stream.linear.gather [spmem:s22], $0x4000, $0x38;
	[tilespmem:$0x1BB00] =	vst v63  }
0x92: {  	_ =	swait.ge [sflag:s11], $0x4000  }
0x93: {  	[sflag:s11] =	ssyncset.done $0x0  }
0x94: {  	s23 =	rddreg [dreg:$0x7];
	[sflag:s11] =	ssyncadd.s32 $0xFFFFC000  }
0x95: {  	[hbm4b:s23+s0] =	stream.linear.scatter [tilespmem:s7], [sflag:$0x5], $0x4000, $0x38;
	[tilespmem:$0x1BB00] =	vst v63  }
0x96: {  	_ =	swait.ge [sflag:s11], $0x4000  }
0x97: {  	[sflag:s11] =	ssyncset.done $0x0  }
0x98: {  	s24 =	rddreg [dreg:$0x10];
	[sflag:s11] =	ssyncadd.s32 $0xFFFFC000  }
0x99: {  	[tilespmem:s7], [sflag:$0x5] =	stream.linear.gather [spmem:s24], $0x4000, $0x38;
	[tilespmem:$0x1BB00] =	vst v63  }
0x9a: {  	_ =	swait.ge [sflag:s11], $0x4000  }
0x9b: {  	[sflag:s11] =	ssyncset.done $0x0  }
0x9c: {  	s22 =	rddreg [dreg:$0x8];
	[sflag:s11] =	ssyncadd.s32 $0xFFFFC000  }
0x9d: {  	[hbm4b:s22+s0] =	stream.linear.scatter [tilespmem:s7], [sflag:$0x5], $0x4000, $0x38;
	[tilespmem:$0x1BB00] =	vst v63  }
0x9e: {  	_ =	swait.ge [sflag:s11], $0x4000  }
0x9f: {  	[sflag:s11] =	ssyncset.done $0x0  }
0xa0: {  	[sflag:s11] =	ssyncadd.s32 $0xFFFFC000  }
0xa1: {  	[tilespmem:s7], [sflag:$0x5] =	stream.linear.gather [spmem:s26], $0x4000, $0x38;
	[tilespmem:$0x1BB00] =	vst v63  }
0xa2: {  	_ =	swait.ge [sflag:s11], $0x4000  }
0xa3: {  	[sflag:s11] =	ssyncset.done $0x0  }
0xa4: {  	s23 =	rddreg [dreg:$0x9];
	[sflag:s11] =	ssyncadd.s32 $0xFFFFC000  }
0xa5: {  	[hbm4b:s23+s0] =	stream.linear.scatter [tilespmem:s7], [sflag:$0x5], $0x4000, $0x38;
	[tilespmem:$0x1BB00] =	vst v63  }
0xa6: {  	_ =	swait.ge [sflag:s11], $0x4000  }
0xa7: {  	[sflag:s11] =	ssyncset.done $0x0  }
0xa8: {  	[sflag:s11] =	ssyncadd.s32 $0xFFFFC000  }
0xa9: {  	[tilespmem:s7], [sflag:$0x5] =	stream.linear.gather [spmem:s28], $0x3400, $0x38;
	[tilespmem:$0x1BB00] =	vst v63  }
0xaa: {  	_ =	swait.ge [sflag:s11], $0x3400  }
0xab: {  	[sflag:s11] =	ssyncset.done $0x0  }
.Ltmp5:
0xac: {  	s24 =	rddreg [dreg:$0xa];
	[sflag:s11] =	ssyncadd.s32 $0xFFFFCC00;
	(pc) =	sbr.rel .LBB2_6-.Ltmp5, $4  }
0xad: {  	[hbm4b:s24+s0] =	stream.linear.scatter [tilespmem:s7], [sflag:$0x5], $0x3400, $0x38;
	[tilespmem:$0x1BB00] =	vst v63  }
0xae: {  	_ =	swait.ge [sflag:s11], $0x3400  }
0xaf: {  	[sflag:s11] =	ssyncset.done $0x0  }
0xb0: {  	[sflag:s11] =	ssyncadd.s32 $0xFFFFCC00  }
.LBB2_7:
0xb1: {  	_ =	sfence.sel $0x180000  }
0xb2: {  	[bflag:$0x0] =	sbarrier.arrive $0xFFFF  }
0xb3: {  	_ =	strace $0x9000004D  }
0xb4: {  	[bflag:$0x2] =	sbarrier.arrive $0xFFFF  }
0xb5: {  	p0 =	sne.s32 s25, $0x0;
	s0 =	rddreg [dreg:$0x2]  }
0xb6: {  	s0 =	sadd.s32 @!p0 $0x100000, s0  }
0xb7: {  	[sflag:s0] =	ssyncadd.tile.s32 @!p0 $0x1;
	_ =	shalt  }
.Lfunc_end2:
_tile_overlayer_lowered:
.L_overlay_start_2:
0xb8: {  	(tag) =	ssettag $0x2  }
0xb9: {  	s0 =	rddreg [dreg:$0x0];
	s2 =	stileid.u32  }
0xba: {  	s1 =	rddreg [dreg:$0x1];
	p0 =	sne.s32 s2, $0x0  }
0xbb: {  	s3 =	rddreg [dreg:$0x2];
	[bflag:$0x3] =	sbarrier.arrive $0xFFFF;
	s2 =	simm.s32 @!p0 $0x1C05  }
0xbc: {  	[timem:s3], [sflag:s2] =	dma.local @!p0 [hbm:s0], s1  }
0xbd: {  	s0 =	simm.s32 @!p0 $0x5  }
0xbe: {  	_ =	swait.ge @!p0 [sflag:s0], s1  }
0xbf: {  	s1 =	ssub.s32 @!p0 $0x0, s1;
	[sflag:s0] =	ssyncset.done @!p0 $0x0  }
0xc0: {  	[sflag:s0] =	ssyncadd.s32 @!p0 s1  }
0xc1: {  	[bflag:$0x3] =	sbarrier.arrive $0xFFFF  }
0xc2: {  	_ =	shalt  }

// kernel: kernel.20.cloned.1.call-start
scs
__scs_entry_jumppad:
0x0: {  	(pc) =	sbr.rel $0x88, $3  }
0x1: {  	(tag) =	ssettag $0x0;
	lr =	simm.s32 $0x1  }
0x2: {  	[smem:$0x3F8D] =	sst lr;
	_ =	strace $0xD0000000  }
0x3: {  	_ = 	snop  }
0x4: {  	_ = 	snop  }
0x5: {  	_ = 	snop  }
0x6: {  	_ = 	snop  }
0x7: {  	_ = 	snop  }
__scs_overlays_trampoline_lowered:
0x8: {  	[smem:$0x3F9C] =	sst s0  }
0x9: {  	[smem:$0x3F9D] =	sst s1  }
0xa: {  	[smem:$0x3F9E] =	sst s2  }
0xb: {  	[smem:$0x3F9F] =	sst s3  }
0xc: {  	[smem:$0x3FA0] =	sst s4  }
0xd: {  	[smem:$0x3FA1] =	sst s5  }
0xe: {  	[smem:$0x3FA2] =	sst s6  }
0xf: {  	[smem:$0x3FA3] =	sst s7  }
0x10: {  	[smem:$0x3FA4] =	sst s8  }
0x11: {  	[smem:$0x3FA5] =	sst s9;
	s0 =	simm.s32 @!p0 $0x0  }
0x12: {  	s1 =	sld [smem:$0x3F8B];
	s0 =	simm.s32 @p0 $0x1  }
0x13: {  	[smem:$0x3FA6] =	sst s0;
	s0 =	simm.s32 @!p1 $0x0  }
0x14: {  	s2 =	sld [smem:$0x3F8A];
	s0 =	simm.s32 @p1 $0x1  }
0x15: {  	[smem:$0x3FA7] =	sst s0;
	s0 =	simm.s32 @!p2 $0x0  }
0x16: {  	s3 =	sld [smem:$0x3FDB];
	s0 =	simm.s32 @p2 $0x1  }
0x17: {  	s4 =	simm.s32 $0x1BF5;
	[smem:$0x3FA9] =	sst s0  }
0x18: {  	s0 =	sld [smem:$0x3F8C];
	_ =	swait.ge [sflag:s4], $0x0  }
0x19: {  	s7 =	sld [smem:$0x3F8D]  }
0x1a: {  	s8 =	sadd.s32 $0xFFFFE003, lr  }
0x1b: {  	s9 =	sadd.s32 $0xFFFFFEF7, lr;
	s5 =	simm.s32 $0xFFFFFFFF;
	p2 =	slt.u32 s8, $0xFFFFF086  }
0x1c: {  	p1 =	slt.u32 s9, $0xF7A;
	s5 =	simm.s32 @!p2 $0x0  }
0x1d: {  	s5 =	simm.s32 @p1 $0x1;
	p0 =	seq.s32 s7, s2  }
0x1e: {  	s7 =	smul.u32 @!p0 $0xF7A, s2;
	p2 =	seq.s32 @!p0 s5, $0x0  }
0x1f: {  	s9 =	smul.u32 $0xF7A, s1;
	s8 =	simm.s32 @!p0 $0x1BF5;
	p2 =	por !p2, p0  }
0x20: {  	[sflag:s8] =	ssyncset.s32 @!p0 $0xFFFFF086;
	s6 =	sadd.s32 @!p0 s3, s7;
	s7 =	simm.s32 @!p0 $0x108  }
0x21: {  	s3 =	sadd.s32 s3, s9;
	s6 =	sadd.s32 @!p0 $0x88, s6;
	s7 =	simm.s32 @p2 $0x1082  }
0x22: {  	[simem:s7], [sflag:s8] =	dma.local @!p0 [hbm:s6], $0xF7A  }
0x23: {  	s9 =	sor.u32 $0xD0000000, s2;
	s6 =	simm.s32 $0x108;
	_ =	swait.ge @!p0 [sflag:s8], $0x0  }
0x24: {  	s3 =	sadd.s32 $0x88, s3;
	s6 =	simm.s32 @!p1 $0x1082;
	[sflag:s4] =	ssyncset.s32 $0xFFFFF086  }
0x25: {  	[simem:s6], [sflag:s4] =	dma.local [hbm:s3], $0xF7A  }
0x26: {  	[smem:$0x3F8D] =	sst s1;
	(tag) =	ssettag s2;
	_ =	strace s9  }
0x27: {  	s1 =	sld [smem:$0x3F9D]  }
0x28: {  	s2 =	sld [smem:$0x3F9E]  }
0x29: {  	s4 =	sld [smem:$0x3FA0]  }
0x2a: {  	p0 =	seq.s32 s5, $0x0;
	s5 =	sld [smem:$0x3FA1]  }
0x2b: {  	s6 =	sld [smem:$0x3FA2]  }
0x2c: {  	s7 =	sld [smem:$0x3FA3]  }
0x2d: {  	s3 =	simm.s32 $0x108;
	s8 =	sld [smem:$0x3FA4]  }
0x2e: {  	s3 =	simm.s32 @!p0 $0x1082;
	s9 =	sld [smem:$0x3FA5]  }
0x2f: {  	lr =	sadd.s32 s0, s3;
	s0 =	sld [smem:$0x3F9C]  }
0x30: {  	s3 =	sld [smem:$0x3F9F]  }
0x31: {  	[smem:$0x3FA8] =	sst s10  }
0x32: {  	s10 =	sld [smem:$0x3FA6];
	_ =	sdelay $0x3  }
0x33: {  	p0 =	seq.s32 s10, $0x1;
	s10 =	sld [smem:$0x3FA8];
	_ =	sdelay $0x3  }
0x34: {  	[smem:$0x3FA8] =	sst s10  }
0x35: {  	s10 =	sld [smem:$0x3FA7];
	_ =	sdelay $0x3  }
0x36: {  	p1 =	seq.s32 s10, $0x1;
	s10 =	sld [smem:$0x3FA8];
	_ =	sdelay $0x3  }
0x37: {  	[smem:$0x3FA8] =	sst s10  }
0x38: {  	s10 =	sld [smem:$0x3FA9]  }
0x39: {  	_ = 	snop;
	(pc) =	sbr.ind lr, $3  }
0x3a: {  	_ = 	snop  }
0x3b: {  	_ = 	snop  }
0x3c: {  	p2 =	seq.s32 s10, $0x1;
	s10 =	sld [smem:$0x3FA8]  }
0x3d: {  	_ =	shalt  }
0x3e: {  	_ =	shalt  }
0x3f: {  	_ =	shalt  }
0x40: {  	_ =	shalt  }
0x41: {  	_ =	shalt  }
0x42: {  	_ =	shalt  }
0x43: {  	_ =	shalt  }
0x44: {  	_ =	shalt  }
0x45: {  	_ =	shalt  }
0x46: {  	_ =	shalt  }
0x47: {  	_ =	shalt  }
0x48: {  	_ =	shalt  }
0x49: {  	_ =	shalt  }
0x4a: {  	_ =	shalt  }
0x4b: {  	_ =	shalt  }
0x4c: {  	_ =	shalt  }
0x4d: {  	_ =	shalt  }
0x4e: {  	_ =	shalt  }
0x4f: {  	_ =	shalt  }
0x50: {  	_ =	shalt  }
0x51: {  	_ =	shalt  }
0x52: {  	_ =	shalt  }
0x53: {  	_ =	shalt  }
0x54: {  	_ =	shalt  }
0x55: {  	_ =	shalt  }
0x56: {  	_ =	shalt  }
0x57: {  	_ =	shalt  }
0x58: {  	_ =	shalt  }
0x59: {  	_ =	shalt  }
0x5a: {  	_ =	shalt  }
0x5b: {  	_ =	shalt  }
0x5c: {  	_ =	shalt  }
0x5d: {  	_ =	shalt  }
0x5e: {  	_ =	shalt  }
0x5f: {  	_ =	shalt  }
0x60: {  	_ =	shalt  }
0x61: {  	_ =	shalt  }
0x62: {  	_ =	shalt  }
0x63: {  	_ =	shalt  }
0x64: {  	_ =	shalt  }
0x65: {  	_ =	shalt  }
0x66: {  	_ =	shalt  }
0x67: {  	_ =	shalt  }
0x68: {  	_ =	shalt  }
0x69: {  	_ =	shalt  }
0x6a: {  	_ =	shalt  }
0x6b: {  	_ =	shalt  }
0x6c: {  	_ =	shalt  }
0x6d: {  	_ =	shalt  }
0x6e: {  	_ =	shalt  }
0x6f: {  	_ =	shalt  }
0x70: {  	_ =	shalt  }
0x71: {  	_ =	shalt  }
0x72: {  	_ =	shalt  }
0x73: {  	_ =	shalt  }
0x74: {  	_ =	shalt  }
0x75: {  	_ =	shalt  }
0x76: {  	_ =	shalt  }
0x77: {  	_ =	shalt  }
0x78: {  	_ =	shalt  }
0x79: {  	_ =	shalt  }
0x7a: {  	_ =	shalt  }
0x7b: {  	_ =	shalt  }
0x7c: {  	_ =	shalt  }
0x7d: {  	_ =	shalt  }
0x7e: {  	_ =	shalt  }
0x7f: {  	_ =	shalt  }
0x80: {  	_ =	shalt  }
0x81: {  	_ =	shalt  }
0x82: {  	_ =	shalt  }
0x83: {  	_ =	shalt  }
0x84: {  	_ =	shalt  }
0x85: {  	_ =	shalt  }
0x86: {  	_ =	shalt  }
0x87: {  	_ =	shalt  }
.Lfunc_end0:
.L_simem_size_0:
called_computation.3_lowered:
.L_overlay_start_0:
0x88: {  	s2 =	sld [smem:$0x3FD9]  }
0x89: {  	s3 =	sld [smem:$0x3FFE];
	_ =	sdelay $0x1  }
0x8a: {  	s1 =	srdreg.scid  }
0x8b: {  	s0 =	sand.u32 $0x1, s1  }
0x8c: {  	s16 =	sshll.u32 s0, $0xA;
	s2 =	sadd.s32 s3, s2  }
0x8d: {  	s2 =	sadd.s32 s2, s16  }
0x8e: {  	[smem:$0x3FB4] =	sst s2  }
0x8f: {  	_ = 	snop  }
0x90: {  	(tm) =	ssettm $0x1  }
0x91: {  	s17 =	sld [smem:$0x3FFB];
	_ =	sdelay $0x3  }
0x92: {  	_ =	strace s17  }
0x93: {  	s2 =	sld [smem:$0x3FFC];
	_ =	sdelay $0x3  }
0x94: {  	_ =	strace s2  }
0x95: {  	s2 =	sld [smem:$0x3FFD];
	_ =	sdelay $0x3  }
0x96: {  	_ =	strace s2  }
0x97: {  	_ =	strace $0x8FFFFFFF  }
0x98: {  	s18 =	sld [smem:$0x3FDB];
	_ =	sdelay $0x1  }
0x99: {  	s19 =	simm.s32 $_scs_section_size  }
0x9a: {  	s4 =	simm.s32 $_size__tile_overlayer_lowered;
	s5 =	simm.s32 $_tile_overlayer_lowered  }
0x9b: {  	s22 =	simm.s32 $0x1BFF;
	s21 =	sshll.u32 s5, $0x1;
	s2 =	sadd.s32 s19, s18  }
0x9c: {  	s6 =	simm.s32 $0x0;
	s20 =	sshll.u32 s4, $0x1;
	s4 =	sadd.s32 s21, s2  }
0x9d: {  	[timem:s6], [sflag:s22] =	dma.local [hbm:s4], s20  }
0x9e: {  	_ =	swait.ge [sflag:s22], s20  }
0x9f: {  	s3 =	ssub.s32 $0x0, s20;
	[sflag:s22] =	ssyncset.done $0x0  }
0xa0: {  	[sflag:s22] =	ssyncadd.s32 s3;
	_ =	sdelay $0x1  }
0xa1: {  	s23 =	simm.s32 $0x1B8B  }
0xa2: {  	_ =	swait.ge [sflag:s23], $0x1  }
0xa3: {  	[sflag:s23] =	ssyncset.done $0x0  }
0xa4: {  	s25 =	simm.s32 $0x1B8E;
	s24 =	sld [smem:$0x3FFE];
	[sflag:s23] =	ssyncadd.s32 $0xFFFFFFFF  }
0xa5: {  	s26 =	simm.s32 $execute0_lowered;
	[smem:$0x3FD2] =	sst s25  }
0xa6: {  	s4 =	sshll.u32 s26, $0x1;
	_ =	strace $0x8000004F;
	[dreg:$0x1] =	wrdreg $0xFFFFFFFF  }
0xa7: {  	s28 =	simm.s32 $_size_execute0_lowered;
	s2 =	sadd.s32 s2, s4;
	[dreg:$0x0] =	wrdreg $0x0  }
0xa8: {  	s4 =	sshll.u32 s28, $0x1;
	[dreg:$0x2] =	wrdreg s2  }
0xa9: {  	[dreg:$0x3] =	wrdreg s4  }
0xaa: {  	[dreg:$0x4] =	wrdreg $0xC0  }
0xab: {  	_ =	task [dreg:s6], $0x5FFFF  }
0xac: {  	[dreg:$0x1] =	wrdreg $0xFFFFFFFF  }
0xad: {  	[dreg:$0x0] =	wrdreg $0x60  }
0xae: {  	[dreg:$0x2] =	wrdreg s24  }
0xaf: {  	[dreg:$0x3] =	wrdreg $0x82000  }
0xb0: {  	[dreg:$0x4] =	wrdreg $0x9  }
0xb1: {  	_ =	task.clear_ibuf [dreg:s6], $0x5FFFF;
	_ =	strace $0x9000004F  }
0xb2: {  	s29 =	simm.s32 $0x9;
	_ =	strace $0x80000051  }
0xb3: {  	_ =	swait.ge [sflag:s29], $0x1  }
0xb4: {  	[sflag:s29] =	ssyncadd.s32 $0xFFFFFFFF  }
0xb5: {  	_ =	strace $0x90000051  }
0xb6: {  	_ =	sfence  }
0xb7: {  	s30 =	sld [smem:$0x0];
	_ =	sdelay $0x2  }
0xb8: {  	s31 =	sshll.u32 s1, $0xD;
	s1 =	sshrl.u32 s1, $0x2  }
0xb9: {  	s3 =	sand.u32 $0x4000, s31;
	s1 =	sadd.s32 s1, s30  }
0xba: {  	s0 =	sor.u32 s3, s0;
	s1 =	sshll.u32 s1, $0x11  }
0xbb: {  	s0 =	sor.u32 s1, s0  }
0xbc: {  	s0 =	sadd.s32 $0x8F2B, s0  }
0xbd: {  	[sflag:s0] =	ssyncadd.remote.s32 $0x1  }
0xbe: {  	_ =	sfence.sel $0xFFFF  }
0xbf: {  	[dreg:$0x0] =	wrdreg $0xFFFFFFFF;
	(pc) =	sbr.abs _section_cstart, $3  }
0xc0: {  	[dreg:$0x1] =	wrdreg $0xFFFFFFFF  }
0xc1: {  	_ =	task.clear_ibuf [dreg:s6], $0x2FFFF;
	_ =	strace $0x9FFFFFFF  }
0xc2: {  	(tm) =	ssettm $0x7FFFFFFF  }
0xc3: {  	_ =	shalt  }
tec
execute0_lowered:
.L_overlay_start_1:
0x0: {  	(tag) =	ssettag $0x1  }
0x1: {  	s4 =	rddreg [dreg:$0x0];
	s0 =	simm.s32 $0x0;
	s1 =	srdreg.scid  }
0x2: {  	s20 =	stileid.u32;
	[smem:$0x7FF] =	sst s0;
	s5 =	sadd.s32 $0x5D000, s4  }
0x3: {  	s6 =	sadd.s32 $0x6C00, s4;
	s7 =	sadd.s32 $0xBC00, s4;
	s3 =	smul.u32 $0x2800, s20  }
0x4: {  	s8 =	sand.u32 $0x1, s1;
	s2 =	sadd.s32 $0x32E00, s4;
	s12 =	smul.u32 $0x3E8, s20  }
0x5: {  	s9 =	sadd.s32 $0x89200, s4;
	s10 =	sadd.s32 $0xB0400, s4;
	s28 =	smul.u32 $0x50000, s20  }
0x6: {  	s18 =	smul.u32 $0x3E80, s20;
	p1 =	sgt.u32 s20, $0x9;
	s1 =	ssub.s32 $0x2, s8  }
0x7: {  	p0 =	seq.s32 s8, $0x0;
	s11 =	sshrl.u32 s1, $0x1;
	s21 =	sadd.s32 $0x80, s12  }
0x8: {  	s22 =	sadd.s32 $0x100, s12;
	s23 =	sadd.s32 $0x180, s12;
	s24 =	sadd.s32 $0x200, s12  }
0x9: {  	s25 =	sadd.s32 $0x280, s12;
	s26 =	sadd.s32 $0x300, s12;
	s10 =	smov.u32 @p0 s9  }
0xa: {  	s12 =	sadd.s32 $0x380, s12;
	s2 =	smov.u32 @p0 s7;
	p0 =	seq.s32 s20, $0xF  }
0xb: {  	s1 =	ssub.s32 s1, s11;
	s11 =	sshrl.u32 s3, $0x3;
	s13 =	sshll.u32 s21, $0x4  }
0xc: {  	s14 =	sshll.u32 s22, $0x4;
	s15 =	sshll.u32 s23, $0x4;
	s8 =	sadd.s32 s10, s18  }
0xd: {  	s16 =	sshll.u32 s24, $0x4;
	[dreg:$0x3] =	wrdreg s8;
	s13 =	sadd.s32 s10, s13  }
0xe: {  	s17 =	sshll.u32 s25, $0x4;
	s14 =	sadd.s32 s10, s14;
	[dreg:$0x4] =	wrdreg s13  }
0xf: {  	s19 =	sshll.u32 s26, $0x4;
	s15 =	sadd.s32 s10, s15;
	[dreg:$0x5] =	wrdreg s14  }
0x10: {  	s7 =	sshll.u32 s12, $0x4;
	s16 =	sadd.s32 s10, s16;
	[dreg:$0x6] =	wrdreg s15  }
0x11: {  	s3 =	sadd.s32 s5, s11;
	s18 =	sadd.s32 s10, s17;
	[dreg:$0x7] =	wrdreg s16  }
0x12: {  	s19 =	sadd.s32 s10, s19;
	s7 =	sadd.s32 s10, s7;
	[dreg:$0x8] =	wrdreg s18  }
0x13: {  	s9 =	sor.u32 $0x10, s11;
	s10 =	smul.u32 $0x500, s20;
	[dreg:$0x9] =	wrdreg s19  }
0x14: {  	s29 =	smax.u32 s1, $0x1;
	s1 =	simm.s32 $0x4;
	[dreg:$0xa] =	wrdreg s7  }
0x15: {  	s13 =	sadd.s32 s6, s11;
	s14 =	rddreg [dreg:$0x1];
	s15 =	sadd.s32 s5, s9  }
0x16: {  	s16 =	sadd.s32 s6, s9;
	s11 =	smul.u32 $0x7D000, s20;
	s19 =	sadd.s32 $0x5A000, s4  }
0x17: {  	s9 =	sshll.u32 s21, $0x7;
	s7 =	simm.s32 $0x200;
	s20 =	simm.s32 $0x0  }
0x18: {  	s17 =	sadd.s32 s10, s6;
	s18 =	sadd.s32 s10, s5;
	_ =	strace $0x80000050  }
0x19: {  	s6 =	sshrl.u32 s28, $0x2;
	s10 =	sshll.u32 s22, $0x7;
	s22 =	sshll.u32 s24, $0x7  }
0x1a: {  	s24 =	sshll.u32 s26, $0x7;
	s8 =	sshrl.u32 s11, $0x2;
	s4 =	sadd.s32 s6, s14  }
0x1b: {  	s11 =	sshll.u32 s23, $0x7;
	s23 =	sshll.u32 s25, $0x7;
	s26 =	sadd.s32 s24, s14  }
0x1c: {  	s25 =	sshll.u32 s12, $0x7;
	s12 =	simm.s32 $0x100;
	s6 =	simm.s32 $0x1  }
0x1d: {  	s5 =	sadd.s32 s8, s14;
	s21 =	sadd.s32 s11, s14;
	s28 =	sadd.s32 s25, s14  }
0x1e: {  	s31 =	sshrl.u32 @!p0 s4, $0x3;
	s25 =	stileid.u32;
	[dreg:$0xb] =	wrdreg s5  }
0x1f: {  	s4 =	simm.s32 $0x80;
	s5 =	sadd.s32 s9, s14;
	[dreg:$0xe] =	wrdreg s21  }
.Ltmp0:
0x20: {  	[dreg:$0xc] =	wrdreg s5;
	s5 =	sadd.s32 s10, s14;
	(pc) =	sbr.rel .LBB2_1-.Ltmp0, $4  }
0x21: {  	s8 =	simm.s32 $0x2;
	[dreg:$0xd] =	wrdreg s5;
	s5 =	sadd.s32 s22, s14  }
0x22: {  	s11 =	simm.s32 $0x5;
	[dreg:$0xf] =	wrdreg s5;
	s5 =	sadd.s32 s23, s14  }
0x23: {  	s9 =	simm.s32 $0x4200;
	[dreg:$0x10] =	wrdreg s5;
	s5 =	sadd.s32 $0x12C000, s14  }
0x24: {  	s10 =	simm.s32 $0x3;
	s30 =	sshrl.u32 @p0 s5, $0x3;
	s5 =	simm.s32 $0x180  }
.LBB2_6:
0x25: {  	s20 =	sadd.s32 $0x1, s20  }
0x26: {  	p2 =	sne.s32 s20, s29  }
.Ltmp1:
0x27: {  	_ = 	snop;
	(pc) =	sbr.rel @!p2 .LBB2_7-.Ltmp1, $1  }
0x28: {  	_ =	sdelay $0x3  }
.LBB2_1:
0x29: {  	s21 =	simm.s32 @p0 $0x1FC5  }
0x2a: {  	[spmem:s30], [sflag:s21] =	dma.local @p0 [hbm:s19], $0x1A00  }
0x2b: {  	s21 =	simm.s32 @p0 $0x5  }
0x2c: {  	_ =	swait.ge @p0 [sflag:s21], $0x1A00  }
0x2d: {  	s22 =	sshll.u32 @!p0 s25, $0x6;
	[sflag:s21] =	ssyncset.done @p0 $0x0  }
0x2e: {  	[sflag:s21] =	ssyncadd.s32 @p0 $0xFFFFE600;
	s21 =	sor.u32 @!p0 $0x1C05, s22  }
0x2f: {  	[spmem:s31], [sflag:s21] =	dma.local @!p0 [hbm:s19], $0x2800  }
0x30: {  	s21 =	simm.s32 @!p0 $0x5  }
0x31: {  	_ =	swait.ge @!p0 [sflag:s21], $0x2800  }
0x32: {  	[sflag:s21] =	ssyncset.done @!p0 $0x0  }
0x33: {  	[sflag:s21] =	ssyncadd.s32 @!p0 $0xFFFFD800  }
0x34: {  	[bflag:$0x0] =	sbarrier.arrive $0xFFFF  }
0x35: {  	[tilespmem:s0], [sflag:$0x1] =	stream.linear.gather [hbm4b:s3+s0], $0x80, $0x38;
	[tilespmem:$0x1BB00] =	vst v63  }
0x36: {  	_ = 	snop  }
0x37: {  	[tilespmem:s12], [sflag:$0x1] =	stream.linear.gather [hbm4b:s13+s0], $0x80, $0x38;
	[tilespmem:$0x1BB00] =	vst v63  }
0x38: {  	_ = 	snop  }
0x39: {  	[tilespmem:s4], [sflag:$0x2] =	stream.linear.gather [hbm4b:s15+s0], $0x80, $0x38;
	[tilespmem:$0x1BB00] =	vst v63  }
0x3a: {  	_ = 	snop  }
0x3b: {  	[tilespmem:s5], [sflag:$0x2] =	stream.linear.gather [hbm4b:s16+s0], $0x80, $0x38;
	[tilespmem:$0x1BB00] =	vst v63  }
0x3c: {  	_ =	swait.ge [sflag:s6], $0x80  }
0x3d: {  	[sflag:s6] =	ssyncset.done $0x0  }
0x3e: {  	[sflag:s6] =	ssyncadd.s32 $0xFFFFFF80  }
0x3f: {  	_ =	swait.ge [sflag:s6], $0x80  }
0x40: {  	[sflag:s6] =	ssyncset.done $0x0  }
0x41: {  	s21 =	simm.s32 $0xFFFFFB20;
	[sflag:s6] =	ssyncadd.s32 $0xFFFFFF80  }
0x42: {  	[tilespmem:s7], [sflag:$0x3] =	stream.indirect.gather [hbm4b:s2+s4], $0x80, s0, s4, $0xb8;
	[tilespmem:$0x1BB00] =	vst v63  }
.LBB2_2:
0x43: {  	_ =	swait.ge [sflag:s8], $0x80  }
0x44: {  	[sflag:s8] =	ssyncset.done $0x0  }
0x45: {  	[sflag:s8] =	ssyncadd.s32 $0xFFFFFF80  }
0x46: {  	_ =	swait.ge [sflag:s8], $0x80  }
0x47: {  	[sflag:s8] =	ssyncset.done $0x0  }
0x48: {  	[sflag:s8] =	ssyncadd.s32 $0xFFFFFF80  }
0x49: {  	[tilespmem:s9], [sflag:$0x4] =	stream.indirect.gather [hbm4b:s2+s4], $0x80, s4, s4, $0xb8;
	[tilespmem:$0x1BB00] =	vst v63  }
0x4a: {  	_ =	swait.ge [sflag:s10], $0x4000  }
0x4b: {  	p2 =	seq.s32 s21, $0x0;
	[sflag:s10] =	ssyncset.done $0x0  }
.Ltmp2:
0x4c: {  	[sflag:s10] =	ssyncadd.s32 $0xFFFFC000;
	(pc) =	sbr.rel @p2 .LBB2_4-.Ltmp2, $4  }
0x4d: {  	[spmem:s14] =	stream.indirect.scatter.add.f32 [tilespmem:s7], [sflag:$0x5], $0x80, s12, s4, $0xb8;
	[tilespmem:$0x1BB00] =	vst v63  }
0x4e: {  	_ =	swait.ge [sflag:s11], $0x4000  }
0x4f: {  	[sflag:s11] =	ssyncset.done $0x0  }
0x50: {  	[sflag:s11] =	ssyncadd.s32 $0xFFFFC000  }
0x51: {  	s22 =	sadd.s32 s21, s18  }
0x52: {  	s23 =	sadd.s32 $0x500, s22  }
0x53: {  	[tilespmem:s0], [sflag:$0x1] =	stream.linear.gather [hbm4b:s23+s0], $0x80, $0x38;
	[tilespmem:$0x1BB00] =	vst v63  }
0x54: {  	s23 =	sadd.s32 s21, s17  }
0x55: {  	s24 =	sadd.s32 $0x500, s23  }
0x56: {  	[tilespmem:s12], [sflag:$0x1] =	stream.linear.gather [hbm4b:s24+s0], $0x80, $0x38;
	[tilespmem:$0x1BB00] =	vst v63  }
0x57: {  	_ =	swait.ge [sflag:s6], $0x80  }
0x58: {  	[sflag:s6] =	ssyncset.done $0x0  }
0x59: {  	[sflag:s6] =	ssyncadd.s32 $0xFFFFFF80  }
0x5a: {  	_ =	swait.ge [sflag:s6], $0x80  }
0x5b: {  	[sflag:s6] =	ssyncset.done $0x0  }
0x5c: {  	[sflag:s6] =	ssyncadd.s32 $0xFFFFFF80  }
0x5d: {  	[tilespmem:s7], [sflag:$0x3] =	stream.indirect.gather [hbm4b:s2+s4], $0x80, s0, s4, $0xb8;
	[tilespmem:$0x1BB00] =	vst v63  }
0x5e: {  	_ =	swait.ge [sflag:s1], $0x4000  }
0x5f: {  	[sflag:s1] =	ssyncset.done $0x0  }
0x60: {  	[sflag:s1] =	ssyncadd.s32 $0xFFFFC000  }
0x61: {  	[spmem:s14] =	stream.indirect.scatter.add.f32 [tilespmem:s9], [sflag:$0x5], $0x80, s5, s4, $0xb8;
	[tilespmem:$0x1BB00] =	vst v63  }
0x62: {  	_ =	swait.ge [sflag:s11], $0x4000  }
.Ltmp3:
0x63: {  	[sflag:s11] =	ssyncset.done $0x0;
	(pc) =	sbr.rel .LBB2_2-.Ltmp3, $4  }
0x64: {  	s22 =	sadd.s32 $0x510, s22;
	[sflag:s11] =	ssyncadd.s32 $0xFFFFC000  }
0x65: {  	[tilespmem:s4], [sflag:$0x2] =	stream.linear.gather [hbm4b:s22+s0], $0x80, $0x38;
	[tilespmem:$0x1BB00] =	vst v63  }
0x66: {  	s21 =	sadd.s32 $0x20, s21;
	s24 =	sadd.s32 $0x510, s23  }
0x67: {  	[tilespmem:s5], [sflag:$0x2] =	stream.linear.gather [hbm4b:s24+s0], $0x80, $0x38;
	[tilespmem:$0x1BB00] =	vst v63  }
.LBB2_4:
0x68: {  	_ =	swait.ge [sflag:s1], $0x4000  }
0x69: {  	[sflag:s1] =	ssyncset.done $0x0  }
0x6a: {  	[sflag:s1] =	ssyncadd.s32 $0xFFFFC000  }
0x6b: {  	[spmem:s14] =	stream.indirect.scatter.add.f32 [tilespmem:s9], [sflag:$0x5], $0x80, s5, s4, $0xb8;
	[tilespmem:$0x1BB00] =	vst v63  }
.Ltmp4:
0x6c: {  	_ =	swait.ge [sflag:s11], $0x4000;
	(pc) =	sbr.rel @p1 .LBB2_6-.Ltmp4, $3  }
0x6d: {  	[sflag:s11] =	ssyncset.done $0x0  }
0x6e: {  	[sflag:s11] =	ssyncadd.s32 $0xFFFFC000  }
0x6f: {  	[bflag:$0x0] =	sbarrier.arrive $0xFFFF;
	_ =	sdelay $0x1  }
0x70: {  	s21 =	rddreg [dreg:$0xb]  }
0x71: {  	[tilespmem:s7], [sflag:$0x5] =	stream.linear.gather [spmem:s21], $0x4000, $0x38;
	[tilespmem:$0x1BB00] =	vst v63  }
0x72: {  	_ =	swait.ge [sflag:s11], $0x4000  }
0x73: {  	[sflag:s11] =	ssyncset.done $0x0  }
0x74: {  	s24 =	rddreg [dreg:$0x3];
	[sflag:s11] =	ssyncadd.s32 $0xFFFFC000  }
0x75: {  	[hbm4b:s24+s0] =	stream.linear.scatter [tilespmem:s7], [sflag:$0x5], $0x4000, $0x38;
	[tilespmem:$0x1BB00] =	vst v63  }
0x76: {  	_ =	swait.ge [sflag:s11], $0x4000  }
0x77: {  	[sflag:s11] =	ssyncset.done $0x0  }
0x78: {  	s22 =	rddreg [dreg:$0xc];
	[sflag:s11] =	ssyncadd.s32 $0xFFFFC000  }
0x79: {  	[tilespmem:s7], [sflag:$0x5] =	stream.linear.gather [spmem:s22], $0x4000, $0x38;
	[tilespmem:$0x1BB00] =	vst v63  }
0x7a: {  	_ =	swait.ge [sflag:s11], $0x4000  }
0x7b: {  	[sflag:s11] =	ssyncset.done $0x0  }
0x7c: {  	s23 =	rddreg [dreg:$0x4];
	[sflag:s11] =	ssyncadd.s32 $0xFFFFC000  }
0x7d: {  	[hbm4b:s23+s0] =	stream.linear.scatter [tilespmem:s7], [sflag:$0x5], $0x4000, $0x38;
	[tilespmem:$0x1BB00] =	vst v63  }
0x7e: {  	_ =	swait.ge [sflag:s11], $0x4000  }
0x7f: {  	[sflag:s11] =	ssyncset.done $0x0  }
0x80: {  	s24 =	rddreg [dreg:$0xd];
	[sflag:s11] =	ssyncadd.s32 $0xFFFFC000  }
0x81: {  	[tilespmem:s7], [sflag:$0x5] =	stream.linear.gather [spmem:s24], $0x4000, $0x38;
	[tilespmem:$0x1BB00] =	vst v63  }
0x82: {  	_ =	swait.ge [sflag:s11], $0x4000  }
0x83: {  	[sflag:s11] =	ssyncset.done $0x0  }
0x84: {  	s22 =	rddreg [dreg:$0x5];
	[sflag:s11] =	ssyncadd.s32 $0xFFFFC000  }
0x85: {  	[hbm4b:s22+s0] =	stream.linear.scatter [tilespmem:s7], [sflag:$0x5], $0x4000, $0x38;
	[tilespmem:$0x1BB00] =	vst v63  }
0x86: {  	_ =	swait.ge [sflag:s11], $0x4000  }
0x87: {  	[sflag:s11] =	ssyncset.done $0x0  }
0x88: {  	s23 =	rddreg [dreg:$0xe];
	[sflag:s11] =	ssyncadd.s32 $0xFFFFC000  }
0x89: {  	[tilespmem:s7], [sflag:$0x5] =	stream.linear.gather [spmem:s23], $0x4000, $0x38;
	[tilespmem:$0x1BB00] =	vst v63  }
0x8a: {  	_ =	swait.ge [sflag:s11], $0x4000  }
0x8b: {  	[sflag:s11] =	ssyncset.done $0x0  }
0x8c: {  	s24 =	rddreg [dreg:$0x6];
	[sflag:s11] =	ssyncadd.s32 $0xFFFFC000  }
0x8d: {  	[hbm4b:s24+s0] =	stream.linear.scatter [tilespmem:s7], [sflag:$0x5], $0x4000, $0x38;
	[tilespmem:$0x1BB00] =	vst v63  }
0x8e: {  	_ =	swait.ge [sflag:s11], $0x4000  }
0x8f: {  	[sflag:s11] =	ssyncset.done $0x0  }
0x90: {  	s22 =	rddreg [dreg:$0xf];
	[sflag:s11] =	ssyncadd.s32 $0xFFFFC000  }
0x91: {  	[tilespmem:s7], [sflag:$0x5] =	stream.linear.gather [spmem:s22], $0x4000, $0x38;
	[tilespmem:$0x1BB00] =	vst v63  }
0x92: {  	_ =	swait.ge [sflag:s11], $0x4000  }
0x93: {  	[sflag:s11] =	ssyncset.done $0x0  }
0x94: {  	s23 =	rddreg [dreg:$0x7];
	[sflag:s11] =	ssyncadd.s32 $0xFFFFC000  }
0x95: {  	[hbm4b:s23+s0] =	stream.linear.scatter [tilespmem:s7], [sflag:$0x5], $0x4000, $0x38;
	[tilespmem:$0x1BB00] =	vst v63  }
0x96: {  	_ =	swait.ge [sflag:s11], $0x4000  }
0x97: {  	[sflag:s11] =	ssyncset.done $0x0  }
0x98: {  	s24 =	rddreg [dreg:$0x10];
	[sflag:s11] =	ssyncadd.s32 $0xFFFFC000  }
0x99: {  	[tilespmem:s7], [sflag:$0x5] =	stream.linear.gather [spmem:s24], $0x4000, $0x38;
	[tilespmem:$0x1BB00] =	vst v63  }
0x9a: {  	_ =	swait.ge [sflag:s11], $0x4000  }
0x9b: {  	[sflag:s11] =	ssyncset.done $0x0  }
0x9c: {  	s22 =	rddreg [dreg:$0x8];
	[sflag:s11] =	ssyncadd.s32 $0xFFFFC000  }
0x9d: {  	[hbm4b:s22+s0] =	stream.linear.scatter [tilespmem:s7], [sflag:$0x5], $0x4000, $0x38;
	[tilespmem:$0x1BB00] =	vst v63  }
0x9e: {  	_ =	swait.ge [sflag:s11], $0x4000  }
0x9f: {  	[sflag:s11] =	ssyncset.done $0x0  }
0xa0: {  	[sflag:s11] =	ssyncadd.s32 $0xFFFFC000  }
0xa1: {  	[tilespmem:s7], [sflag:$0x5] =	stream.linear.gather [spmem:s26], $0x4000, $0x38;
	[tilespmem:$0x1BB00] =	vst v63  }
0xa2: {  	_ =	swait.ge [sflag:s11], $0x4000  }
0xa3: {  	[sflag:s11] =	ssyncset.done $0x0  }
0xa4: {  	s23 =	rddreg [dreg:$0x9];
	[sflag:s11] =	ssyncadd.s32 $0xFFFFC000  }
0xa5: {  	[hbm4b:s23+s0] =	stream.linear.scatter [tilespmem:s7], [sflag:$0x5], $0x4000, $0x38;
	[tilespmem:$0x1BB00] =	vst v63  }
0xa6: {  	_ =	swait.ge [sflag:s11], $0x4000  }
0xa7: {  	[sflag:s11] =	ssyncset.done $0x0  }
0xa8: {  	[sflag:s11] =	ssyncadd.s32 $0xFFFFC000  }
0xa9: {  	[tilespmem:s7], [sflag:$0x5] =	stream.linear.gather [spmem:s28], $0x3400, $0x38;
	[tilespmem:$0x1BB00] =	vst v63  }
0xaa: {  	_ =	swait.ge [sflag:s11], $0x3400  }
0xab: {  	[sflag:s11] =	ssyncset.done $0x0  }
.Ltmp5:
0xac: {  	s24 =	rddreg [dreg:$0xa];
	[sflag:s11] =	ssyncadd.s32 $0xFFFFCC00;
	(pc) =	sbr.rel .LBB2_6-.Ltmp5, $4  }
0xad: {  	[hbm4b:s24+s0] =	stream.linear.scatter [tilespmem:s7], [sflag:$0x5], $0x3400, $0x38;
	[tilespmem:$0x1BB00] =	vst v63  }
0xae: {  	_ =	swait.ge [sflag:s11], $0x3400  }
0xaf: {  	[sflag:s11] =	ssyncset.done $0x0  }
0xb0: {  	[sflag:s11] =	ssyncadd.s32 $0xFFFFCC00  }
.LBB2_7:
0xb1: {  	_ =	sfence.sel $0x180000  }
0xb2: {  	[bflag:$0x0] =	sbarrier.arrive $0xFFFF  }
0xb3: {  	_ =	strace $0x90000050  }
0xb4: {  	[bflag:$0x2] =	sbarrier.arrive $0xFFFF  }
0xb5: {  	p0 =	sne.s32 s25, $0x0;
	s0 =	rddreg [dreg:$0x2]  }
0xb6: {  	s0 =	sadd.s32 @!p0 $0x100000, s0  }
0xb7: {  	[sflag:s0] =	ssyncadd.tile.s32 @!p0 $0x1;
	_ =	shalt  }
.Lfunc_end2:
_tile_overlayer_lowered:
.L_overlay_start_2:
0xb8: {  	(tag) =	ssettag $0x2  }
0xb9: {  	s0 =	rddreg [dreg:$0x0];
	s2 =	stileid.u32  }
0xba: {  	s1 =	rddreg [dreg:$0x1];
	p0 =	sne.s32 s2, $0x0  }
0xbb: {  	s3 =	rddreg [dreg:$0x2];
	[bflag:$0x3] =	sbarrier.arrive $0xFFFF;
	s2 =	simm.s32 @!p0 $0x1C05  }
0xbc: {  	[timem:s3], [sflag:s2] =	dma.local @!p0 [hbm:s0], s1  }
0xbd: {  	s0 =	simm.s32 @!p0 $0x5  }
0xbe: {  	_ =	swait.ge @!p0 [sflag:s0], s1  }
0xbf: {  	s1 =	ssub.s32 @!p0 $0x0, s1;
	[sflag:s0] =	ssyncset.done @!p0 $0x0  }
0xc0: {  	[sflag:s0] =	ssyncadd.s32 @!p0 s1  }
0xc1: {  	[bflag:$0x3] =	sbarrier.arrive $0xFFFF  }
0xc2: {  	_ =	shalt  }

</sc_bundles>
